<compile_context>
chip_gen: v7x
topology: tpu7x:2x2x1
jax: 0.10.2.dev20260603
libtpu: 0.0.44.dev20260713+nightly
codegen_flags: <defaults>
</compile_context>

<pallas_src>
import functools
import jax
import jax.numpy as jnp
from jax import lax
from jax.experimental import pallas as pl
from jax.experimental.pallas import tpu as pltpu
from jax.experimental.pallas import tpu_sc as plsc

DIM = 128
NREG = DIM // 16
NC = 2
NS = 16
NW = NC * NS
LCHUNK = 100
UNROLL = 1
NBUF = 3

_GATHER_DN = lax.GatherDimensionNumbers(
    offset_dims=(), collapsed_slice_dims=(0,), start_index_map=(0,)
)


def _permute(x, idx):
    return lax.gather(
        x, idx[:, None], _GATHER_DN, (1,),
        mode=lax.GatherScatterMode.PROMISE_IN_BOUNDS,
    )


def _rsqrt(x):
    i = lax.bitcast_convert_type(x, jnp.int32)
    i = jnp.int32(0x5F3759DF) - lax.shift_right_arithmetic(i, 1)
    y = lax.bitcast_convert_type(i, jnp.float32)
    for _ in range(1):
        y = y * (1.5 - 0.5 * x * y * y)
    return y


def _make_kernel(B, L, eps):
    rows_per_w = B // NW
    nchunk = L // LCHUNK
    mesh = plsc.VectorSubcoreMesh(core_axis_name="c", subcore_axis_name="s")

    nloop = (rows_per_w // NBUF) * NBUF
    ntail = rows_per_w - nloop

    @functools.partial(
        pl.kernel,
        mesh=mesh,
        out_type=jax.ShapeDtypeStruct((B, L, DIM), jnp.float32),
        scratch_types=[
            pltpu.VMEM((rows_per_w, nchunk, LCHUNK), jnp.int32),
            pltpu.VMEM((NBUF, L, DIM), jnp.float32),
            pltpu.VMEM((L, DIM), jnp.float32),
            pltpu.VMEM((2, DIM), jnp.float32),
        ]
        + [pltpu.SemaphoreType.DMA] * (2 * NBUF),
    )
    def k(x_hbm, word_hbm, pos_hbm, gamma_hbm, beta_hbm, out_hbm,
          idx_v, bufs_v, pos_v, gb_v, *sems):
        sem_g = sems[:NBUF]
        sem_w = sems[NBUF:]
        wid = lax.axis_index("s") * NC + lax.axis_index("c")
        base = wid * rows_per_w
        pltpu.sync_copy(x_hbm.at[wid], idx_v)
        pltpu.sync_copy(pos_hbm.at[pl.ds(0, L)], pos_v)
        pltpu.sync_copy(gamma_hbm, gb_v.at[0])
        pltpu.sync_copy(beta_hbm, gb_v.at[1])
        gamma_r = [gb_v[0, pl.ds(kk * 16, 16)] for kk in range(NREG)]
        beta_r = [gb_v[1, pl.ds(kk * 16, 16)] for kk in range(NREG)]
        lanes = lax.iota(jnp.int32, 16)
        rot8 = (lanes + 8) & 15
        halfmask = lanes < 8
        half_rot = [(lanes & 8) | ((lanes + w) & 7) for w in (4, 2, 1)]
        idx_lo = lanes & 0
        idx_hi = idx_lo | 8

        def gather_copies(i, s):
            return [
                pltpu.make_async_copy(
                    word_hbm.at[idx_v.at[i, j]],
                    bufs_v.at[s, pl.ds(j * LCHUNK, LCHUNK)],
                    sem_g[s],
                )
                for j in range(nchunk)
            ]

        def fire_gather(i, s):
            for c in gather_copies(i, s):
                c.start()

        def wait_gather(i, s):
            for c in gather_copies(i, s):
                c.wait()

        def write_copy(i, s):
            return pltpu.make_async_copy(
                bufs_v.at[s], out_hbm.at[base + i], sem_w[s]
            )

        def ln_token(buf, t):
            e = [
                buf[t, pl.ds(kk * 16, 16)] + pos_v[t, pl.ds(kk * 16, 16)]
                for kk in range(NREG)
            ]
            s1 = e[0]
            s2 = e[0] * e[0]
            for kk in range(1, NREG):
                s1 = s1 + e[kk]
                s2 = s2 + e[kk] * e[kk]
            u = jnp.where(
                halfmask, s1 + _permute(s1, rot8), s2 + _permute(s2, rot8)
            )
            for idx in half_rot:
                u = u + _permute(u, idx)
            us = u * (1.0 / DIM)
            mean = _permute(us, idx_lo)
            ex2 = _permute(us, idx_hi)
            var = ex2 - mean * mean
            inv = _rsqrt(var + eps)
            d = [ek - mean for ek in e]
            g2 = [gk * inv for gk in gamma_r]
            for kk in range(NREG):
                buf[t, pl.ds(kk * 16, 16)] = d[kk] * g2[kk] + beta_r[kk]

        def compute_row(s):
            buf = bufs_v.at[s]

            @plsc.parallel_loop(0, L, unroll=UNROLL)
            def tok_body(t):
                ln_token(buf, t)

        def process_row(i, s, first, last):
            wait_gather(i, s)
            s_next = (s + 1) % NBUF
            if not first:
                write_copy(i, s_next).wait()
            if not last:
                fire_gather(i + 1, s_next)
            compute_row(s)
            write_copy(i, s).start()

        fire_gather(0, 0)

        def round_body(g, carry):
            for s in range(NBUF):
                i = g * NBUF + s
                wait_gather(i, s)
                s_next = (s + 1) % NBUF
                if s == NBUF - 1:
                    write_copy(i, s_next).wait()
                else:

                    @pl.when(g > 0)
                    def _():
                        write_copy(i, s_next).wait()

                fire_gather(i + 1, s_next)
                compute_row(s)
                write_copy(i, s).start()
            return carry

        lax.fori_loop(0, nloop // NBUF, round_body, 0)
        for u in range(ntail):
            i = nloop + u
            process_row(i, i % NBUF, first=False, last=(u == ntail - 1))
        write_copy(rows_per_w - 2, (rows_per_w - 2) % NBUF).wait()
        write_copy(rows_per_w - 1, (rows_per_w - 1) % NBUF).wait()

    return k


def kernel(x, word_emb, pos_emb, gamma, beta):
    B, L = x.shape
    x4 = x.reshape(NW, B // NW, L // LCHUNK, LCHUNK)
    k = _make_kernel(B, L, 1e-12)
    return k(x4, word_emb, pos_emb, gamma, beta)

# --- scband reference (transcript-rebuilt; emitter-appended) ---
"""Pipeline reference for scband-decoder-embeddings-52647709114663 (READ-ONLY COPY).

The authoritative reference and input builder live on the scoring server;
editing this copy changes nothing except your own understanding.
"""

import jax, jax.numpy as jnp
import numpy as np

VOCAB = 100000
DIM = 128
MAX_POS = 512
B = 1024
L = 200
EPS = 1e-12
PAD = 0

def setup_inputs(seed: int = 0) -> dict:
    key = jax.random.key(seed)
    k1, k2, k3 = jax.random.split(key, 3)
    x = jax.random.randint(k1, (B, L), 0, VOCAB, dtype=jnp.int32)
    word_emb = jax.random.normal(k2, (VOCAB, DIM), dtype=jnp.float32) * 0.02
    word_emb = word_emb.at[PAD].set(0.0)  # padding_idx row is zero-initialized
    pos_emb = jax.random.normal(k3, (MAX_POS, DIM), dtype=jnp.float32) * 0.02
    gamma = jnp.ones((DIM,), dtype=jnp.float32)
    beta = jnp.zeros((DIM,), dtype=jnp.float32)
    return {"x": x, "word_emb": word_emb, "pos_emb": pos_emb, "gamma": gamma, "beta": beta}

def reference(x, word_emb, pos_emb, gamma, beta):
    seq_length = x.shape[1]
    position_ids = jnp.arange(seq_length, dtype=jnp.int32)
    position_ids = jnp.broadcast_to(position_ids[None, :], x.shape)
    input_embeds = jnp.take(word_emb, x, axis=0)
    position_embeds = jnp.take(pos_emb, position_ids, axis=0)
    embeddings = input_embeds + position_embeds
    mean = jnp.mean(embeddings, axis=-1, keepdims=True)
    var = jnp.mean(jnp.square(embeddings - mean), axis=-1, keepdims=True)
    normed = (embeddings - mean) / jnp.sqrt(var + EPS)
    out = normed * gamma + beta
    # dropout is identity in eval mode
    return out

if __name__ == "__main__":
    import jax
    _d = setup_inputs()
    print(jax.jit(kernel)(*tuple(_d.values())))

</pallas_src>

<mosaic_0001>
#map = affine_map<(d0, d1) -> (0, 0, 0, 0)>
#map1 = affine_map<(d0, d1) -> (0, 0)>
#map2 = affine_map<(d0, d1) -> (0)>
#map3 = affine_map<(d0, d1) -> (0, 0, 0)>
module attributes {stable_mosaic.version = 14 : i64} {
  func.func @k(%arg0: i32, %arg1: i32, %arg2: memref<32x32x2x100xi32, #tpu.memory_space<hbm>>, %arg3: memref<100000x128xf32, #tpu.memory_space<hbm>>, %arg4: memref<512x128xf32, #tpu.memory_space<hbm>>, %arg5: memref<128xf32, #tpu.memory_space<hbm>>, %arg6: memref<128xf32, #tpu.memory_space<hbm>>, %arg7: memref<1024x200x128xf32, #tpu.memory_space<hbm>>, %arg8: memref<32x2x100xi32, #tpu.memory_space<vmem>>, %arg9: memref<3x200x128xf32, #tpu.memory_space<vmem>>, %arg10: memref<200x128xf32, #tpu.memory_space<vmem>>, %arg11: memref<2x128xf32, #tpu.memory_space<vmem>>, %arg12: memref<!tpu.dma_semaphore, #tpu.memory_space<semaphore_mem>>, %arg13: memref<!tpu.dma_semaphore, #tpu.memory_space<semaphore_mem>>, %arg14: memref<!tpu.dma_semaphore, #tpu.memory_space<semaphore_mem>>, %arg15: memref<!tpu.dma_semaphore, #tpu.memory_space<semaphore_mem>>, %arg16: memref<!tpu.dma_semaphore, #tpu.memory_space<semaphore_mem>>, %arg17: memref<!tpu.dma_semaphore, #tpu.memory_space<semaphore_mem>>) attributes {dimension_semantics = [#tpu.dimension_semantics<core_parallel>, #tpu.dimension_semantics<subcore_parallel>], iteration_bounds = array<i64: 2, 16>, scalar_prefetch = 0 : i64, scratch_operands = 10 : i64, tpu.core_type = #tpu.core_type<sc_vector_subcore>, window_params = [{transform_indices = #map}, {transform_indices = #map1}, {transform_indices = #map1}, {transform_indices = #map2}, {transform_indices = #map2}, {transform_indices = #map3}]} {
    %mul3A = arith.constant 2 : i32
    %mul3A_0 = arith.muli %arg1, %mul3A : i32
    %add3A = arith.addi %mul3A_0, %arg0 : i32
    %mul3A_1 = arith.constant 32 : i32
    %mul3A_2 = arith.muli %add3A, %mul3A_1 : i32
    "tpu.region"() ({
      %run_scoped3A_353 = tpu.sem_alloc : memref<!tpu.dma_semaphore, #tpu.memory_space<semaphore_mem>>
      %dma_start3A_354 = arith.constant 0 : i32
      %dma_start3A_355 = arith.constant 0 : i32
      %dma_start3A_356 = arith.constant 0 : i32
      %dma_start3A_357 = tpu.memref_slice %arg2[%add3A, %dma_start3A_354, %dma_start3A_355, %dma_start3A_356] : memref<32x32x2x100xi32, #tpu.memory_space<hbm>> -> memref<1x32x2x100xi32, #tpu.memory_space<hbm>>
      %dma_start3A_358 = tpu.memref_squeeze %dma_start3A_357 : memref<1x32x2x100xi32, #tpu.memory_space<hbm>> -> memref<32x2x100xi32, #tpu.memory_space<hbm>>
      %dma_start3A_359 = arith.constant 0 : i32
      %dma_start3A_360 = arith.constant 0 : i32
      %dma_start3A_361 = arith.constant 0 : i32
      %dma_start3A_362 = tpu.memref_slice %arg2[%add3A, %dma_start3A_359, %dma_start3A_360, %dma_start3A_361] : memref<32x32x2x100xi32, #tpu.memory_space<hbm>> -> memref<1x32x2x100xi32, #tpu.memory_space<hbm>>
      %dma_start3A_363 = tpu.memref_squeeze %dma_start3A_362 : memref<1x32x2x100xi32, #tpu.memory_space<hbm>> -> memref<32x2x100xi32, #tpu.memory_space<hbm>>
      tpu.enqueue_dma source(%dma_start3A_363 : memref<32x2x100xi32, #tpu.memory_space<hbm>>) target(%arg8 : memref<32x2x100xi32, #tpu.memory_space<vmem>>) target_semaphore(%run_scoped3A_353 : memref<!tpu.dma_semaphore, #tpu.memory_space<semaphore_mem>>)
      %dma_wait3A_364 = arith.constant 0 : i32
      %dma_wait3A_365 = arith.constant 0 : i32
      %dma_wait3A_366 = arith.constant 0 : i32
      %dma_wait3A_367 = tpu.memref_slice %arg2[%add3A, %dma_wait3A_364, %dma_wait3A_365, %dma_wait3A_366] : memref<32x32x2x100xi32, #tpu.memory_space<hbm>> -> memref<1x32x2x100xi32, #tpu.memory_space<hbm>>
      %dma_wait3A_368 = tpu.memref_squeeze %dma_wait3A_367 : memref<1x32x2x100xi32, #tpu.memory_space<hbm>> -> memref<32x2x100xi32, #tpu.memory_space<hbm>>
      %dma_wait3A_369 = arith.constant 0 : i32
      %dma_wait3A_370 = arith.constant 0 : i32
      %dma_wait3A_371 = arith.constant 0 : i32
      %dma_wait3A_372 = tpu.memref_slice %arg2[%add3A, %dma_wait3A_369, %dma_wait3A_370, %dma_wait3A_371] : memref<32x32x2x100xi32, #tpu.memory_space<hbm>> -> memref<1x32x2x100xi32, #tpu.memory_space<hbm>>
      %dma_wait3A_373 = tpu.memref_squeeze %dma_wait3A_372 : memref<1x32x2x100xi32, #tpu.memory_space<hbm>> -> memref<32x2x100xi32, #tpu.memory_space<hbm>>
      tpu.wait_dma2 semaphore(%run_scoped3A_353 : memref<!tpu.dma_semaphore, #tpu.memory_space<semaphore_mem>>) src(%dma_wait3A_373 : memref<32x2x100xi32, #tpu.memory_space<hbm>>) dst(%arg8 : memref<32x2x100xi32, #tpu.memory_space<vmem>>)
      tpu.yield
    }) : () -> ()
    "tpu.region"() ({
      %run_scoped3A_353 = tpu.sem_alloc : memref<!tpu.dma_semaphore, #tpu.memory_space<semaphore_mem>>
      %dma_start3A_354 = arith.constant 0 : i32
      %dma_start3A_355 = arith.constant 0 : i32
      %dma_start3A_356 = tpu.memref_slice %arg4[%dma_start3A_354, %dma_start3A_355] : memref<512x128xf32, #tpu.memory_space<hbm>> -> memref<200x128xf32, #tpu.memory_space<hbm>>
      %dma_start3A_357 = arith.constant 0 : i32
      %dma_start3A_358 = arith.constant 0 : i32
      %dma_start3A_359 = tpu.memref_slice %arg4[%dma_start3A_357, %dma_start3A_358] : memref<512x128xf32, #tpu.memory_space<hbm>> -> memref<200x128xf32, #tpu.memory_space<hbm>>
      tpu.enqueue_dma source(%dma_start3A_359 : memref<200x128xf32, #tpu.memory_space<hbm>>) target(%arg10 : memref<200x128xf32, #tpu.memory_space<vmem>>) target_semaphore(%run_scoped3A_353 : memref<!tpu.dma_semaphore, #tpu.memory_space<semaphore_mem>>)
      %dma_wait3A_360 = arith.constant 0 : i32
      %dma_wait3A_361 = arith.constant 0 : i32
      %dma_wait3A_362 = tpu.memref_slice %arg4[%dma_wait3A_360, %dma_wait3A_361] : memref<512x128xf32, #tpu.memory_space<hbm>> -> memref<200x128xf32, #tpu.memory_space<hbm>>
      %dma_wait3A_363 = arith.constant 0 : i32
      %dma_wait3A_364 = arith.constant 0 : i32
      %dma_wait3A_365 = tpu.memref_slice %arg4[%dma_wait3A_363, %dma_wait3A_364] : memref<512x128xf32, #tpu.memory_space<hbm>> -> memref<200x128xf32, #tpu.memory_space<hbm>>
      tpu.wait_dma2 semaphore(%run_scoped3A_353 : memref<!tpu.dma_semaphore, #tpu.memory_space<semaphore_mem>>) src(%dma_wait3A_365 : memref<200x128xf32, #tpu.memory_space<hbm>>) dst(%arg10 : memref<200x128xf32, #tpu.memory_space<vmem>>)
      tpu.yield
    }) : () -> ()
    %run_scoped3A = arith.constant 0 : i32
    "tpu.region"() ({
      %run_scoped3A_353 = tpu.sem_alloc : memref<!tpu.dma_semaphore, #tpu.memory_space<semaphore_mem>>
      %dma_start3A_354 = arith.constant 0 : i32
      %dma_start3A_355 = tpu.memref_slice %arg11[%run_scoped3A, %dma_start3A_354] : memref<2x128xf32, #tpu.memory_space<vmem>> -> memref<1x128xf32, #tpu.memory_space<vmem>>
      %dma_start3A_356 = tpu.memref_squeeze %dma_start3A_355 : memref<1x128xf32, #tpu.memory_space<vmem>> -> memref<128xf32, #tpu.memory_space<vmem>>
      %dma_start3A_357 = arith.constant 0 : i32
      %dma_start3A_358 = tpu.memref_slice %arg11[%run_scoped3A, %dma_start3A_357] : memref<2x128xf32, #tpu.memory_space<vmem>> -> memref<1x128xf32, #tpu.memory_space<vmem>>
      %dma_start3A_359 = tpu.memref_squeeze %dma_start3A_358 : memref<1x128xf32, #tpu.memory_space<vmem>> -> memref<128xf32, #tpu.memory_space<vmem>>
      tpu.enqueue_dma source(%arg5 : memref<128xf32, #tpu.memory_space<hbm>>) target(%dma_start3A_359 : memref<128xf32, #tpu.memory_space<vmem>>) target_semaphore(%run_scoped3A_353 : memref<!tpu.dma_semaphore, #tpu.memory_space<semaphore_mem>>)
      %dma_wait3A_360 = arith.constant 0 : i32
      %dma_wait3A_361 = tpu.memref_slice %arg11[%run_scoped3A, %dma_wait3A_360] : memref<2x128xf32, #tpu.memory_space<vmem>> -> memref<1x128xf32, #tpu.memory_space<vmem>>
      %dma_wait3A_362 = tpu.memref_squeeze %dma_wait3A_361 : memref<1x128xf32, #tpu.memory_space<vmem>> -> memref<128xf32, #tpu.memory_space<vmem>>
      %dma_wait3A_363 = arith.constant 0 : i32
      %dma_wait3A_364 = tpu.memref_slice %arg11[%run_scoped3A, %dma_wait3A_363] : memref<2x128xf32, #tpu.memory_space<vmem>> -> memref<1x128xf32, #tpu.memory_space<vmem>>
      %dma_wait3A_365 = tpu.memref_squeeze %dma_wait3A_364 : memref<1x128xf32, #tpu.memory_space<vmem>> -> memref<128xf32, #tpu.memory_space<vmem>>
      tpu.wait_dma2 semaphore(%run_scoped3A_353 : memref<!tpu.dma_semaphore, #tpu.memory_space<semaphore_mem>>) src(%arg5 : memref<128xf32, #tpu.memory_space<hbm>>) dst(%dma_wait3A_365 : memref<128xf32, #tpu.memory_space<vmem>>)
      tpu.yield
    }) : () -> ()
    %run_scoped3A_3 = arith.constant 1 : i32
    "tpu.region"() ({
      %run_scoped3A_353 = tpu.sem_alloc : memref<!tpu.dma_semaphore, #tpu.memory_space<semaphore_mem>>
      %dma_start3A_354 = arith.constant 0 : i32
      %dma_start3A_355 = tpu.memref_slice %arg11[%run_scoped3A_3, %dma_start3A_354] : memref<2x128xf32, #tpu.memory_space<vmem>> -> memref<1x128xf32, #tpu.memory_space<vmem>>
      %dma_start3A_356 = tpu.memref_squeeze %dma_start3A_355 : memref<1x128xf32, #tpu.memory_space<vmem>> -> memref<128xf32, #tpu.memory_space<vmem>>
      %dma_start3A_357 = arith.constant 0 : i32
      %dma_start3A_358 = tpu.memref_slice %arg11[%run_scoped3A_3, %dma_start3A_357] : memref<2x128xf32, #tpu.memory_space<vmem>> -> memref<1x128xf32, #tpu.memory_space<vmem>>
      %dma_start3A_359 = tpu.memref_squeeze %dma_start3A_358 : memref<1x128xf32, #tpu.memory_space<vmem>> -> memref<128xf32, #tpu.memory_space<vmem>>
      tpu.enqueue_dma source(%arg6 : memref<128xf32, #tpu.memory_space<hbm>>) target(%dma_start3A_359 : memref<128xf32, #tpu.memory_space<vmem>>) target_semaphore(%run_scoped3A_353 : memref<!tpu.dma_semaphore, #tpu.memory_space<semaphore_mem>>)
      %dma_wait3A_360 = arith.constant 0 : i32
      %dma_wait3A_361 = tpu.memref_slice %arg11[%run_scoped3A_3, %dma_wait3A_360] : memref<2x128xf32, #tpu.memory_space<vmem>> -> memref<1x128xf32, #tpu.memory_space<vmem>>
      %dma_wait3A_362 = tpu.memref_squeeze %dma_wait3A_361 : memref<1x128xf32, #tpu.memory_space<vmem>> -> memref<128xf32, #tpu.memory_space<vmem>>
      %dma_wait3A_363 = arith.constant 0 : i32
      %dma_wait3A_364 = tpu.memref_slice %arg11[%run_scoped3A_3, %dma_wait3A_363] : memref<2x128xf32, #tpu.memory_space<vmem>> -> memref<1x128xf32, #tpu.memory_space<vmem>>
      %dma_wait3A_365 = tpu.memref_squeeze %dma_wait3A_364 : memref<1x128xf32, #tpu.memory_space<vmem>> -> memref<128xf32, #tpu.memory_space<vmem>>
      tpu.wait_dma2 semaphore(%run_scoped3A_353 : memref<!tpu.dma_semaphore, #tpu.memory_space<semaphore_mem>>) src(%arg6 : memref<128xf32, #tpu.memory_space<hbm>>) dst(%dma_wait3A_365 : memref<128xf32, #tpu.memory_space<vmem>>)
      tpu.yield
    }) : () -> ()
    %get3A = arith.constant 0 : i32
    %get3A_4 = arith.index_cast %get3A : i32 to index
    %get3A_5 = arith.constant 0 : index
    %get3A_6 = tpu.vector_load %arg11[%get3A_4, %get3A_5] {strides = array<i32>} : memref<2x128xf32, #tpu.memory_space<vmem>>, vector<1x16xf32>,
    %get3A_7 = vector.shape_cast %get3A_6 : vector<1x16xf32> to vector<16xf32>
    %get3A_8 = arith.constant 0 : i32
    %get3A_9 = arith.index_cast %get3A_8 : i32 to index
    %get3A_10 = arith.constant 16 : index
    %get3A_11 = tpu.vector_load %arg11[%get3A_9, %get3A_10] {strides = array<i32>} : memref<2x128xf32, #tpu.memory_space<vmem>>, vector<1x16xf32>,
    %get3A_12 = vector.shape_cast %get3A_11 : vector<1x16xf32> to vector<16xf32>
    %get3A_13 = arith.constant 0 : i32
    %get3A_14 = arith.index_cast %get3A_13 : i32 to index
    %get3A_15 = arith.constant 32 : index
    %get3A_16 = tpu.vector_load %arg11[%get3A_14, %get3A_15] {strides = array<i32>} : memref<2x128xf32, #tpu.memory_space<vmem>>, vector<1x16xf32>,
    %get3A_17 = vector.shape_cast %get3A_16 : vector<1x16xf32> to vector<16xf32>
    %get3A_18 = arith.constant 0 : i32
    %get3A_19 = arith.index_cast %get3A_18 : i32 to index
    %get3A_20 = arith.constant 48 : index
    %get3A_21 = tpu.vector_load %arg11[%get3A_19, %get3A_20] {strides = array<i32>} : memref<2x128xf32, #tpu.memory_space<vmem>>, vector<1x16xf32>,
    %get3A_22 = vector.shape_cast %get3A_21 : vector<1x16xf32> to vector<16xf32>
    %get3A_23 = arith.constant 0 : i32
    %get3A_24 = arith.index_cast %get3A_23 : i32 to index
    %get3A_25 = arith.constant 64 : index
    %get3A_26 = tpu.vector_load %arg11[%get3A_24, %get3A_25] {strides = array<i32>} : memref<2x128xf32, #tpu.memory_space<vmem>>, vector<1x16xf32>,
    %get3A_27 = vector.shape_cast %get3A_26 : vector<1x16xf32> to vector<16xf32>
    %get3A_28 = arith.constant 0 : i32
    %get3A_29 = arith.index_cast %get3A_28 : i32 to index
    %get3A_30 = arith.constant 80 : index
    %get3A_31 = tpu.vector_load %arg11[%get3A_29, %get3A_30] {strides = array<i32>} : memref<2x128xf32, #tpu.memory_space<vmem>>, vector<1x16xf32>,
    %get3A_32 = vector.shape_cast %get3A_31 : vector<1x16xf32> to vector<16xf32>
    %get3A_33 = arith.constant 0 : i32
    %get3A_34 = arith.index_cast %get3A_33 : i32 to index
    %get3A_35 = arith.constant 96 : index
    %get3A_36 = tpu.vector_load %arg11[%get3A_34, %get3A_35] {strides = array<i32>} : memref<2x128xf32, #tpu.memory_space<vmem>>, vector<1x16xf32>,
    %get3A_37 = vector.shape_cast %get3A_36 : vector<1x16xf32> to vector<16xf32>
    %get3A_38 = arith.constant 0 : i32
    %get3A_39 = arith.index_cast %get3A_38 : i32 to index
    %get3A_40 = arith.constant 112 : index
    %get3A_41 = tpu.vector_load %arg11[%get3A_39, %get3A_40] {strides = array<i32>} : memref<2x128xf32, #tpu.memory_space<vmem>>, vector<1x16xf32>,
    %get3A_42 = vector.shape_cast %get3A_41 : vector<1x16xf32> to vector<16xf32>
    %get3A_43 = arith.constant 1 : i32
    %get3A_44 = arith.index_cast %get3A_43 : i32 to index
    %get3A_45 = arith.constant 0 : index
    %get3A_46 = tpu.vector_load %arg11[%get3A_44, %get3A_45] {strides = array<i32>} : memref<2x128xf32, #tpu.memory_space<vmem>>, vector<1x16xf32>,
    %get3A_47 = vector.shape_cast %get3A_46 : vector<1x16xf32> to vector<16xf32>
    %get3A_48 = arith.constant 1 : i32
    %get3A_49 = arith.index_cast %get3A_48 : i32 to index
    %get3A_50 = arith.constant 16 : index
    %get3A_51 = tpu.vector_load %arg11[%get3A_49, %get3A_50] {strides = array<i32>} : memref<2x128xf32, #tpu.memory_space<vmem>>, vector<1x16xf32>,
    %get3A_52 = vector.shape_cast %get3A_51 : vector<1x16xf32> to vector<16xf32>
    %get3A_53 = arith.constant 1 : i32
    %get3A_54 = arith.index_cast %get3A_53 : i32 to index
    %get3A_55 = arith.constant 32 : index
    %get3A_56 = tpu.vector_load %arg11[%get3A_54, %get3A_55] {strides = array<i32>} : memref<2x128xf32, #tpu.memory_space<vmem>>, vector<1x16xf32>,
    %get3A_57 = vector.shape_cast %get3A_56 : vector<1x16xf32> to vector<16xf32>
    %get3A_58 = arith.constant 1 : i32
    %get3A_59 = arith.index_cast %get3A_58 : i32 to index
    %get3A_60 = arith.constant 48 : index
    %get3A_61 = tpu.vector_load %arg11[%get3A_59, %get3A_60] {strides = array<i32>} : memref<2x128xf32, #tpu.memory_space<vmem>>, vector<1x16xf32>,
    %get3A_62 = vector.shape_cast %get3A_61 : vector<1x16xf32> to vector<16xf32>
    %get3A_63 = arith.constant 1 : i32
    %get3A_64 = arith.index_cast %get3A_63 : i32 to index
    %get3A_65 = arith.constant 64 : index
    %get3A_66 = tpu.vector_load %arg11[%get3A_64, %get3A_65] {strides = array<i32>} : memref<2x128xf32, #tpu.memory_space<vmem>>, vector<1x16xf32>,
    %get3A_67 = vector.shape_cast %get3A_66 : vector<1x16xf32> to vector<16xf32>
    %get3A_68 = arith.constant 1 : i32
    %get3A_69 = arith.index_cast %get3A_68 : i32 to index
    %get3A_70 = arith.constant 80 : index
    %get3A_71 = tpu.vector_load %arg11[%get3A_69, %get3A_70] {strides = array<i32>} : memref<2x128xf32, #tpu.memory_space<vmem>>, vector<1x16xf32>,
    %get3A_72 = vector.shape_cast %get3A_71 : vector<1x16xf32> to vector<16xf32>
    %get3A_73 = arith.constant 1 : i32
    %get3A_74 = arith.index_cast %get3A_73 : i32 to index
    %get3A_75 = arith.constant 96 : index
    %get3A_76 = tpu.vector_load %arg11[%get3A_74, %get3A_75] {strides = array<i32>} : memref<2x128xf32, #tpu.memory_space<vmem>>, vector<1x16xf32>,
    %get3A_77 = vector.shape_cast %get3A_76 : vector<1x16xf32> to vector<16xf32>
    %get3A_78 = arith.constant 1 : i32
    %get3A_79 = arith.index_cast %get3A_78 : i32 to index
    %get3A_80 = arith.constant 112 : index
    %get3A_81 = tpu.vector_load %arg11[%get3A_79, %get3A_80] {strides = array<i32>} : memref<2x128xf32, #tpu.memory_space<vmem>>, vector<1x16xf32>,
    %get3A_82 = vector.shape_cast %get3A_81 : vector<1x16xf32> to vector<16xf32>
    %iota3A = tpu.iota {dimensions = array<i32: 0>} : vector<16xi32>
    %add3A_83 = arith.constant 8 : i32
    %add3A_84 = vector.broadcast %add3A_83 : i32 to vector<16xi32>
    %add3A_85 = arith.addi %iota3A, %add3A_84 : vector<16xi32>
    %and3A = arith.constant 15 : i32
    %and3A_86 = vector.broadcast %and3A : i32 to vector<16xi32>
    %and3A_87 = arith.andi %add3A_85, %and3A_86 : vector<16xi32>
    %lt3A = arith.constant 8 : i32
    %lt3A_88 = vector.broadcast %lt3A : i32 to vector<16xi32>
    %lt3A_89 = arith.cmpi slt, %iota3A, %lt3A_88 : vector<16xi32>
    %and3A_90 = arith.constant 8 : i32
    %and3A_91 = vector.broadcast %and3A_90 : i32 to vector<16xi32>
    %and3A_92 = arith.andi %iota3A, %and3A_91 : vector<16xi32>
    %add3A_93 = arith.constant 4 : i32
    %add3A_94 = vector.broadcast %add3A_93 : i32 to vector<16xi32>
    %add3A_95 = arith.addi %iota3A, %add3A_94 : vector<16xi32>
    %and3A_96 = arith.constant 7 : i32
    %and3A_97 = vector.broadcast %and3A_96 : i32 to vector<16xi32>
    %and3A_98 = arith.andi %add3A_95, %and3A_97 : vector<16xi32>
    %or3A = arith.ori %and3A_92, %and3A_98 : vector<16xi32>
    %and3A_99 = arith.constant 8 : i32
    %and3A_100 = vector.broadcast %and3A_99 : i32 to vector<16xi32>
    %and3A_101 = arith.andi %iota3A, %and3A_100 : vector<16xi32>
    %add3A_102 = arith.constant 2 : i32
    %add3A_103 = vector.broadcast %add3A_102 : i32 to vector<16xi32>
    %add3A_104 = arith.addi %iota3A, %add3A_103 : vector<16xi32>
    %and3A_105 = arith.constant 7 : i32
    %and3A_106 = vector.broadcast %and3A_105 : i32 to vector<16xi32>
    %and3A_107 = arith.andi %add3A_104, %and3A_106 : vector<16xi32>
    %or3A_108 = arith.ori %and3A_101, %and3A_107 : vector<16xi32>
    %and3A_109 = arith.constant 8 : i32
    %and3A_110 = vector.broadcast %and3A_109 : i32 to vector<16xi32>
    %and3A_111 = arith.andi %iota3A, %and3A_110 : vector<16xi32>
    %add3A_112 = arith.constant 1 : i32
    %add3A_113 = vector.broadcast %add3A_112 : i32 to vector<16xi32>
    %add3A_114 = arith.addi %iota3A, %add3A_113 : vector<16xi32>
    %and3A_115 = arith.constant 7 : i32
    %and3A_116 = vector.broadcast %and3A_115 : i32 to vector<16xi32>
    %and3A_117 = arith.andi %add3A_114, %and3A_116 : vector<16xi32>
    %or3A_118 = arith.ori %and3A_111, %and3A_117 : vector<16xi32>
    %and3A_119 = arith.constant 0 : i32
    %and3A_120 = vector.broadcast %and3A_119 : i32 to vector<16xi32>
    %and3A_121 = arith.andi %iota3A, %and3A_120 : vector<16xi32>
    %or3A_122 = arith.constant 8 : i32
    %or3A_123 = vector.broadcast %or3A_122 : i32 to vector<16xi32>
    %or3A_124 = arith.ori %and3A_121, %or3A_123 : vector<16xi32>
    %dma_start3A = arith.constant 0 : i32
    %dma_start3A_125 = arith.constant 0 : i32
    %dma_start3A_126 = arith.constant 0 : i32
    %dma_start3A_127 = arith.constant 0 : i32
    %dma_start3A_128 = arith.constant 0 : i32
    %dma_start3A_129 = tpu.memref_slice %arg9[%dma_start3A_126, %dma_start3A_127, %dma_start3A_128] : memref<3x200x128xf32, #tpu.memory_space<vmem>> -> memref<1x100x128xf32, #tpu.memory_space<vmem>>
    %dma_start3A_130 = tpu.memref_squeeze %dma_start3A_129 : memref<1x100x128xf32, #tpu.memory_space<vmem>> -> memref<100x128xf32, #tpu.memory_space<vmem>>
    %dma_start3A_131 = arith.constant 0 : i32
    %dma_start3A_132 = tpu.memref_slice %arg8[%dma_start3A, %dma_start3A_125, %dma_start3A_131] : memref<32x2x100xi32, #tpu.memory_space<vmem>> -> memref<1x1x100xi32, #tpu.memory_space<vmem>>
    %dma_start3A_133 = tpu.memref_squeeze %dma_start3A_132 : memref<1x1x100xi32, #tpu.memory_space<vmem>> -> memref<100xi32, #tpu.memory_space<vmem>>
    %dma_start3A_134 = arith.constant 0 : i32
    %dma_start3A_135 = arith.constant 0 : i32
    %dma_start3A_136 = tpu.memref_slice %arg3[%dma_start3A_134, %dma_start3A_135] : memref<100000x128xf32, #tpu.memory_space<hbm>> -> memref<100000x128xf32, #tpu.memory_space<hbm>>
    tpu.enqueue_indirect_dma source(%dma_start3A_136 : memref<100000x128xf32, #tpu.memory_space<hbm>>) target(%dma_start3A_130 : memref<100x128xf32, #tpu.memory_space<vmem>>) offsets(%dma_start3A_133 : memref<100xi32, #tpu.memory_space<vmem>>) semaphore(%arg12 : memref<!tpu.dma_semaphore, #tpu.memory_space<semaphore_mem>>)
    %dma_start3A_137 = arith.constant 0 : i32
    %dma_start3A_138 = arith.constant 1 : i32
    %dma_start3A_139 = arith.constant 0 : i32
    %dma_start3A_140 = arith.constant 100 : i32
    %dma_start3A_141 = arith.constant 0 : i32
    %dma_start3A_142 = tpu.memref_slice %arg9[%dma_start3A_139, %dma_start3A_140, %dma_start3A_141] : memref<3x200x128xf32, #tpu.memory_space<vmem>> -> memref<1x100x128xf32, #tpu.memory_space<vmem>>
    %dma_start3A_143 = tpu.memref_squeeze %dma_start3A_142 : memref<1x100x128xf32, #tpu.memory_space<vmem>> -> memref<100x128xf32, #tpu.memory_space<vmem>>
    %dma_start3A_144 = arith.constant 0 : i32
    %dma_start3A_145 = tpu.memref_slice %arg8[%dma_start3A_137, %dma_start3A_138, %dma_start3A_144] : memref<32x2x100xi32, #tpu.memory_space<vmem>> -> memref<1x1x100xi32, #tpu.memory_space<vmem>>
    %dma_start3A_146 = tpu.memref_squeeze %dma_start3A_145 : memref<1x1x100xi32, #tpu.memory_space<vmem>> -> memref<100xi32, #tpu.memory_space<vmem>>
    %dma_start3A_147 = arith.constant 0 : i32
    %dma_start3A_148 = arith.constant 0 : i32
    %dma_start3A_149 = tpu.memref_slice %arg3[%dma_start3A_147, %dma_start3A_148] : memref<100000x128xf32, #tpu.memory_space<hbm>> -> memref<100000x128xf32, #tpu.memory_space<hbm>>
    tpu.enqueue_indirect_dma source(%dma_start3A_149 : memref<100000x128xf32, #tpu.memory_space<hbm>>) target(%dma_start3A_143 : memref<100x128xf32, #tpu.memory_space<vmem>>) offsets(%dma_start3A_146 : memref<100xi32, #tpu.memory_space<vmem>>) semaphore(%arg12 : memref<!tpu.dma_semaphore, #tpu.memory_space<semaphore_mem>>)
    %scan3A = arith.constant 0 : i32
    %scan3A_150 = arith.constant 0 : i32
    %scan3A_151 = arith.constant 10 : i32
    %scan3A_152 = arith.addi %scan3A_150, %scan3A_151 : i32
    %scan3A_153 = arith.constant 1 : i32
    scf.for %scan3A_353 = %scan3A_150 to %scan3A_152 step %scan3A_153  : i32 {
      %mul3A_354 = arith.constant 3 : i32
      %mul3A_355 = arith.muli %scan3A_353, %mul3A_354 : i32
      %add3A_356 = arith.constant 0 : i32
      %add3A_357 = arith.addi %mul3A_355, %add3A_356 : i32
      %dma_wait3A_358 = arith.constant 0 : i32
      %dma_wait3A_359 = arith.constant 0 : i32
      %dma_wait3A_360 = arith.constant 0 : i32
      %dma_wait3A_361 = arith.constant 0 : i32
      %dma_wait3A_362 = tpu.memref_slice %arg9[%dma_wait3A_359, %dma_wait3A_360, %dma_wait3A_361] : memref<3x200x128xf32, #tpu.memory_space<vmem>> -> memref<1x100x128xf32, #tpu.memory_space<vmem>>
      %dma_wait3A_363 = tpu.memref_squeeze %dma_wait3A_362 : memref<1x100x128xf32, #tpu.memory_space<vmem>> -> memref<100x128xf32, #tpu.memory_space<vmem>>
      %dma_wait3A_364 = arith.constant 0 : i32
      %dma_wait3A_365 = tpu.memref_slice %arg8[%add3A_357, %dma_wait3A_358, %dma_wait3A_364] : memref<32x2x100xi32, #tpu.memory_space<vmem>> -> memref<1x1x100xi32, #tpu.memory_space<vmem>>
      %dma_wait3A_366 = tpu.memref_squeeze %dma_wait3A_365 : memref<1x1x100xi32, #tpu.memory_space<vmem>> -> memref<100xi32, #tpu.memory_space<vmem>>
      %dma_wait3A_367 = arith.constant 0 : i32
      %dma_wait3A_368 = arith.constant 0 : i32
      %dma_wait3A_369 = tpu.memref_slice %arg3[%dma_wait3A_367, %dma_wait3A_368] : memref<100000x128xf32, #tpu.memory_space<hbm>> -> memref<100000x128xf32, #tpu.memory_space<hbm>>
      tpu.wait_indirect_dma semaphore(%arg12 : memref<!tpu.dma_semaphore, #tpu.memory_space<semaphore_mem>>) src(%dma_wait3A_369 : memref<100000x128xf32, #tpu.memory_space<hbm>>) dst(%dma_wait3A_363 : memref<100x128xf32, #tpu.memory_space<vmem>>)
      %dma_wait3A_370 = arith.constant 1 : i32
      %dma_wait3A_371 = arith.constant 0 : i32
      %dma_wait3A_372 = arith.constant 100 : i32
      %dma_wait3A_373 = arith.constant 0 : i32
      %dma_wait3A_374 = tpu.memref_slice %arg9[%dma_wait3A_371, %dma_wait3A_372, %dma_wait3A_373] : memref<3x200x128xf32, #tpu.memory_space<vmem>> -> memref<1x100x128xf32, #tpu.memory_space<vmem>>
      %dma_wait3A_375 = tpu.memref_squeeze %dma_wait3A_374 : memref<1x100x128xf32, #tpu.memory_space<vmem>> -> memref<100x128xf32, #tpu.memory_space<vmem>>
      %dma_wait3A_376 = arith.constant 0 : i32
      %dma_wait3A_377 = tpu.memref_slice %arg8[%add3A_357, %dma_wait3A_370, %dma_wait3A_376] : memref<32x2x100xi32, #tpu.memory_space<vmem>> -> memref<1x1x100xi32, #tpu.memory_space<vmem>>
      %dma_wait3A_378 = tpu.memref_squeeze %dma_wait3A_377 : memref<1x1x100xi32, #tpu.memory_space<vmem>> -> memref<100xi32, #tpu.memory_space<vmem>>
      %dma_wait3A_379 = arith.constant 0 : i32
      %dma_wait3A_380 = arith.constant 0 : i32
      %dma_wait3A_381 = tpu.memref_slice %arg3[%dma_wait3A_379, %dma_wait3A_380] : memref<100000x128xf32, #tpu.memory_space<hbm>> -> memref<100000x128xf32, #tpu.memory_space<hbm>>
      tpu.wait_indirect_dma semaphore(%arg12 : memref<!tpu.dma_semaphore, #tpu.memory_space<semaphore_mem>>) src(%dma_wait3A_381 : memref<100000x128xf32, #tpu.memory_space<hbm>>) dst(%dma_wait3A_375 : memref<100x128xf32, #tpu.memory_space<vmem>>)
      %gt3A = arith.constant 0 : i32
      %gt3A_382 = arith.cmpi sgt, %scan3A_353, %gt3A : i32
      %convert_element_type3A = arith.extui %gt3A_382 : i1 to i32
      %cond3A = arith.constant 0 : i32
      %cond3A_383 = arith.cmpi ne, %convert_element_type3A, %cond3A : i32
      scf.if %cond3A_383 {
        %add3A_607 = arith.addi %mul3A_2, %add3A_357 : i32
        %dma_wait3A_608 = arith.constant 1 : i32
        %dma_wait3A_609 = arith.constant 0 : i32
        %dma_wait3A_610 = arith.constant 0 : i32
        %dma_wait3A_611 = tpu.memref_slice %arg9[%dma_wait3A_608, %dma_wait3A_609, %dma_wait3A_610] : memref<3x200x128xf32, #tpu.memory_space<vmem>> -> memref<1x200x128xf32, #tpu.memory_space<vmem>>
        %dma_wait3A_612 = tpu.memref_squeeze %dma_wait3A_611 : memref<1x200x128xf32, #tpu.memory_space<vmem>> -> memref<200x128xf32, #tpu.memory_space<vmem>>
        %dma_wait3A_613 = arith.constant 0 : i32
        %dma_wait3A_614 = arith.constant 0 : i32
        %dma_wait3A_615 = tpu.memref_slice %arg7[%add3A_607, %dma_wait3A_613, %dma_wait3A_614] : memref<1024x200x128xf32, #tpu.memory_space<hbm>> -> memref<1x200x128xf32, #tpu.memory_space<hbm>>
        %dma_wait3A_616 = tpu.memref_squeeze %dma_wait3A_615 : memref<1x200x128xf32, #tpu.memory_space<hbm>> -> memref<200x128xf32, #tpu.memory_space<hbm>>
        %dma_wait3A_617 = arith.constant 0 : i32
        %dma_wait3A_618 = arith.constant 0 : i32
        %dma_wait3A_619 = tpu.memref_slice %arg7[%add3A_607, %dma_wait3A_617, %dma_wait3A_618] : memref<1024x200x128xf32, #tpu.memory_space<hbm>> -> memref<1x200x128xf32, #tpu.memory_space<hbm>>
        %dma_wait3A_620 = tpu.memref_squeeze %dma_wait3A_619 : memref<1x200x128xf32, #tpu.memory_space<hbm>> -> memref<200x128xf32, #tpu.memory_space<hbm>>
        %dma_wait3A_621 = arith.constant 0 : i32
        %dma_wait3A_622 = arith.constant 0 : i32
        %dma_wait3A_623 = tpu.memref_slice %arg9[%dma_wait3A_608, %dma_wait3A_621, %dma_wait3A_622] : memref<3x200x128xf32, #tpu.memory_space<vmem>> -> memref<1x200x128xf32, #tpu.memory_space<vmem>>
        %dma_wait3A_624 = tpu.memref_squeeze %dma_wait3A_623 : memref<1x200x128xf32, #tpu.memory_space<vmem>> -> memref<200x128xf32, #tpu.memory_space<vmem>>
        tpu.wait_dma2 semaphore(%arg16 : memref<!tpu.dma_semaphore, #tpu.memory_space<semaphore_mem>>) src(%dma_wait3A_624 : memref<200x128xf32, #tpu.memory_space<vmem>>) dst(%dma_wait3A_620 : memref<200x128xf32, #tpu.memory_space<hbm>>)
      } else {
      }
      %add3A_384 = arith.constant 1 : i32
      %add3A_385 = arith.addi %add3A_357, %add3A_384 : i32
      %dma_start3A_386 = arith.constant 0 : i32
      %dma_start3A_387 = arith.constant 1 : i32
      %dma_start3A_388 = arith.constant 0 : i32
      %dma_start3A_389 = arith.constant 0 : i32
      %dma_start3A_390 = tpu.memref_slice %arg9[%dma_start3A_387, %dma_start3A_388, %dma_start3A_389] : memref<3x200x128xf32, #tpu.memory_space<vmem>> -> memref<1x100x128xf32, #tpu.memory_space<vmem>>
      %dma_start3A_391 = tpu.memref_squeeze %dma_start3A_390 : memref<1x100x128xf32, #tpu.memory_space<vmem>> -> memref<100x128xf32, #tpu.memory_space<vmem>>
      %dma_start3A_392 = arith.constant 0 : i32
      %dma_start3A_393 = tpu.memref_slice %arg8[%add3A_385, %dma_start3A_386, %dma_start3A_392] : memref<32x2x100xi32, #tpu.memory_space<vmem>> -> memref<1x1x100xi32, #tpu.memory_space<vmem>>
      %dma_start3A_394 = tpu.memref_squeeze %dma_start3A_393 : memref<1x1x100xi32, #tpu.memory_space<vmem>> -> memref<100xi32, #tpu.memory_space<vmem>>
      %dma_start3A_395 = arith.constant 0 : i32
      %dma_start3A_396 = arith.constant 0 : i32
      %dma_start3A_397 = tpu.memref_slice %arg3[%dma_start3A_395, %dma_start3A_396] : memref<100000x128xf32, #tpu.memory_space<hbm>> -> memref<100000x128xf32, #tpu.memory_space<hbm>>
      tpu.enqueue_indirect_dma source(%dma_start3A_397 : memref<100000x128xf32, #tpu.memory_space<hbm>>) target(%dma_start3A_391 : memref<100x128xf32, #tpu.memory_space<vmem>>) offsets(%dma_start3A_394 : memref<100xi32, #tpu.memory_space<vmem>>) semaphore(%arg13 : memref<!tpu.dma_semaphore, #tpu.memory_space<semaphore_mem>>)
      %dma_start3A_398 = arith.constant 1 : i32
      %dma_start3A_399 = arith.constant 1 : i32
      %dma_start3A_400 = arith.constant 100 : i32
      %dma_start3A_401 = arith.constant 0 : i32
      %dma_start3A_402 = tpu.memref_slice %arg9[%dma_start3A_399, %dma_start3A_400, %dma_start3A_401] : memref<3x200x128xf32, #tpu.memory_space<vmem>> -> memref<1x100x128xf32, #tpu.memory_space<vmem>>
      %dma_start3A_403 = tpu.memref_squeeze %dma_start3A_402 : memref<1x100x128xf32, #tpu.memory_space<vmem>> -> memref<100x128xf32, #tpu.memory_space<vmem>>
      %dma_start3A_404 = arith.constant 0 : i32
      %dma_start3A_405 = tpu.memref_slice %arg8[%add3A_385, %dma_start3A_398, %dma_start3A_404] : memref<32x2x100xi32, #tpu.memory_space<vmem>> -> memref<1x1x100xi32, #tpu.memory_space<vmem>>
      %dma_start3A_406 = tpu.memref_squeeze %dma_start3A_405 : memref<1x1x100xi32, #tpu.memory_space<vmem>> -> memref<100xi32, #tpu.memory_space<vmem>>
      %dma_start3A_407 = arith.constant 0 : i32
      %dma_start3A_408 = arith.constant 0 : i32
      %dma_start3A_409 = tpu.memref_slice %arg3[%dma_start3A_407, %dma_start3A_408] : memref<100000x128xf32, #tpu.memory_space<hbm>> -> memref<100000x128xf32, #tpu.memory_space<hbm>>
      tpu.enqueue_indirect_dma source(%dma_start3A_409 : memref<100000x128xf32, #tpu.memory_space<hbm>>) target(%dma_start3A_403 : memref<100x128xf32, #tpu.memory_space<vmem>>) offsets(%dma_start3A_406 : memref<100xi32, #tpu.memory_space<vmem>>) semaphore(%arg13 : memref<!tpu.dma_semaphore, #tpu.memory_space<semaphore_mem>>)
      %parallel_loop3A_410 = arith.constant 0 : i32
      %parallel_loop3A_411 = arith.constant 200 : i32
      %parallel_loop3A_412 = arith.constant 1 : i32
      %parallel_loop3A_413 = arith.constant 0 : i32
      scf.for %parallel_loop3A_607 = %parallel_loop3A_410 to %parallel_loop3A_411 step %parallel_loop3A_412  : i32 {
        %parallel_loop3A_608 = arith.constant 0 : i32
        %parallel_loop3A_609 = arith.constant 0 : i32
        %parallel_loop3A_610 = tpu.memref_slice %arg9[%parallel_loop3A_413, %parallel_loop3A_608, %parallel_loop3A_609] : memref<3x200x128xf32, #tpu.memory_space<vmem>> -> memref<1x200x128xf32, #tpu.memory_space<vmem>>
        %parallel_loop3A_611 = tpu.memref_squeeze %parallel_loop3A_610 : memref<1x200x128xf32, #tpu.memory_space<vmem>> -> memref<200x128xf32, #tpu.memory_space<vmem>>
        %parallel_loop3A_612 = arith.index_cast %parallel_loop3A_607 : i32 to index
        %parallel_loop3A_613 = arith.constant 0 : index
        %parallel_loop3A_614 = tpu.vector_load %parallel_loop3A_611[%parallel_loop3A_612, %parallel_loop3A_613] {strides = array<i32>} : memref<200x128xf32, #tpu.memory_space<vmem>>, vector<1x16xf32>,
        %parallel_loop3A_615 = vector.shape_cast %parallel_loop3A_614 : vector<1x16xf32> to vector<16xf32>
        %parallel_loop3A_616 = arith.index_cast %parallel_loop3A_607 : i32 to index
        %parallel_loop3A_617 = arith.constant 0 : index
        %parallel_loop3A_618 = tpu.vector_load %arg10[%parallel_loop3A_616, %parallel_loop3A_617] {strides = array<i32>} : memref<200x128xf32, #tpu.memory_space<vmem>>, vector<1x16xf32>,
        %parallel_loop3A_619 = vector.shape_cast %parallel_loop3A_618 : vector<1x16xf32> to vector<16xf32>
        %parallel_loop3A_620 = arith.addf %parallel_loop3A_615, %parallel_loop3A_619 : vector<16xf32>
        %parallel_loop3A_621 = arith.constant 0 : i32
        %parallel_loop3A_622 = arith.constant 0 : i32
        %parallel_loop3A_623 = tpu.memref_slice %arg9[%parallel_loop3A_413, %parallel_loop3A_621, %parallel_loop3A_622] : memref<3x200x128xf32, #tpu.memory_space<vmem>> -> memref<1x200x128xf32, #tpu.memory_space<vmem>>
        %parallel_loop3A_624 = tpu.memref_squeeze %parallel_loop3A_623 : memref<1x200x128xf32, #tpu.memory_space<vmem>> -> memref<200x128xf32, #tpu.memory_space<vmem>>
        %parallel_loop3A_625 = arith.index_cast %parallel_loop3A_607 : i32 to index
        %parallel_loop3A_626 = arith.constant 16 : index
        %parallel_loop3A_627 = tpu.vector_load %parallel_loop3A_624[%parallel_loop3A_625, %parallel_loop3A_626] {strides = array<i32>} : memref<200x128xf32, #tpu.memory_space<vmem>>, vector<1x16xf32>,
        %parallel_loop3A_628 = vector.shape_cast %parallel_loop3A_627 : vector<1x16xf32> to vector<16xf32>
        %parallel_loop3A_629 = arith.index_cast %parallel_loop3A_607 : i32 to index
        %parallel_loop3A_630 = arith.constant 16 : index
        %parallel_loop3A_631 = tpu.vector_load %arg10[%parallel_loop3A_629, %parallel_loop3A_630] {strides = array<i32>} : memref<200x128xf32, #tpu.memory_space<vmem>>, vector<1x16xf32>,
        %parallel_loop3A_632 = vector.shape_cast %parallel_loop3A_631 : vector<1x16xf32> to vector<16xf32>
        %parallel_loop3A_633 = arith.addf %parallel_loop3A_628, %parallel_loop3A_632 : vector<16xf32>
        %parallel_loop3A_634 = arith.constant 0 : i32
        %parallel_loop3A_635 = arith.constant 0 : i32
        %parallel_loop3A_636 = tpu.memref_slice %arg9[%parallel_loop3A_413, %parallel_loop3A_634, %parallel_loop3A_635] : memref<3x200x128xf32, #tpu.memory_space<vmem>> -> memref<1x200x128xf32, #tpu.memory_space<vmem>>
        %parallel_loop3A_637 = tpu.memref_squeeze %parallel_loop3A_636 : memref<1x200x128xf32, #tpu.memory_space<vmem>> -> memref<200x128xf32, #tpu.memory_space<vmem>>
        %parallel_loop3A_638 = arith.index_cast %parallel_loop3A_607 : i32 to index
        %parallel_loop3A_639 = arith.constant 32 : index
        %parallel_loop3A_640 = tpu.vector_load %parallel_loop3A_637[%parallel_loop3A_638, %parallel_loop3A_639] {strides = array<i32>} : memref<200x128xf32, #tpu.memory_space<vmem>>, vector<1x16xf32>,
        %parallel_loop3A_641 = vector.shape_cast %parallel_loop3A_640 : vector<1x16xf32> to vector<16xf32>
        %parallel_loop3A_642 = arith.index_cast %parallel_loop3A_607 : i32 to index
        %parallel_loop3A_643 = arith.constant 32 : index
        %parallel_loop3A_644 = tpu.vector_load %arg10[%parallel_loop3A_642, %parallel_loop3A_643] {strides = array<i32>} : memref<200x128xf32, #tpu.memory_space<vmem>>, vector<1x16xf32>,
        %parallel_loop3A_645 = vector.shape_cast %parallel_loop3A_644 : vector<1x16xf32> to vector<16xf32>
        %parallel_loop3A_646 = arith.addf %parallel_loop3A_641, %parallel_loop3A_645 : vector<16xf32>
        %parallel_loop3A_647 = arith.constant 0 : i32
        %parallel_loop3A_648 = arith.constant 0 : i32
        %parallel_loop3A_649 = tpu.memref_slice %arg9[%parallel_loop3A_413, %parallel_loop3A_647, %parallel_loop3A_648] : memref<3x200x128xf32, #tpu.memory_space<vmem>> -> memref<1x200x128xf32, #tpu.memory_space<vmem>>
        %parallel_loop3A_650 = tpu.memref_squeeze %parallel_loop3A_649 : memref<1x200x128xf32, #tpu.memory_space<vmem>> -> memref<200x128xf32, #tpu.memory_space<vmem>>
        %parallel_loop3A_651 = arith.index_cast %parallel_loop3A_607 : i32 to index
        %parallel_loop3A_652 = arith.constant 48 : index
        %parallel_loop3A_653 = tpu.vector_load %parallel_loop3A_650[%parallel_loop3A_651, %parallel_loop3A_652] {strides = array<i32>} : memref<200x128xf32, #tpu.memory_space<vmem>>, vector<1x16xf32>,
        %parallel_loop3A_654 = vector.shape_cast %parallel_loop3A_653 : vector<1x16xf32> to vector<16xf32>
        %parallel_loop3A_655 = arith.index_cast %parallel_loop3A_607 : i32 to index
        %parallel_loop3A_656 = arith.constant 48 : index
        %parallel_loop3A_657 = tpu.vector_load %arg10[%parallel_loop3A_655, %parallel_loop3A_656] {strides = array<i32>} : memref<200x128xf32, #tpu.memory_space<vmem>>, vector<1x16xf32>,
        %parallel_loop3A_658 = vector.shape_cast %parallel_loop3A_657 : vector<1x16xf32> to vector<16xf32>
        %parallel_loop3A_659 = arith.addf %parallel_loop3A_654, %parallel_loop3A_658 : vector<16xf32>
        %parallel_loop3A_660 = arith.constant 0 : i32
        %parallel_loop3A_661 = arith.constant 0 : i32
        %parallel_loop3A_662 = tpu.memref_slice %arg9[%parallel_loop3A_413, %parallel_loop3A_660, %parallel_loop3A_661] : memref<3x200x128xf32, #tpu.memory_space<vmem>> -> memref<1x200x128xf32, #tpu.memory_space<vmem>>
        %parallel_loop3A_663 = tpu.memref_squeeze %parallel_loop3A_662 : memref<1x200x128xf32, #tpu.memory_space<vmem>> -> memref<200x128xf32, #tpu.memory_space<vmem>>
        %parallel_loop3A_664 = arith.index_cast %parallel_loop3A_607 : i32 to index
        %parallel_loop3A_665 = arith.constant 64 : index
        %parallel_loop3A_666 = tpu.vector_load %parallel_loop3A_663[%parallel_loop3A_664, %parallel_loop3A_665] {strides = array<i32>} : memref<200x128xf32, #tpu.memory_space<vmem>>, vector<1x16xf32>,
        %parallel_loop3A_667 = vector.shape_cast %parallel_loop3A_666 : vector<1x16xf32> to vector<16xf32>
        %parallel_loop3A_668 = arith.index_cast %parallel_loop3A_607 : i32 to index
        %parallel_loop3A_669 = arith.constant 64 : index
        %parallel_loop3A_670 = tpu.vector_load %arg10[%parallel_loop3A_668, %parallel_loop3A_669] {strides = array<i32>} : memref<200x128xf32, #tpu.memory_space<vmem>>, vector<1x16xf32>,
        %parallel_loop3A_671 = vector.shape_cast %parallel_loop3A_670 : vector<1x16xf32> to vector<16xf32>
        %parallel_loop3A_672 = arith.addf %parallel_loop3A_667, %parallel_loop3A_671 : vector<16xf32>
        %parallel_loop3A_673 = arith.constant 0 : i32
        %parallel_loop3A_674 = arith.constant 0 : i32
        %parallel_loop3A_675 = tpu.memref_slice %arg9[%parallel_loop3A_413, %parallel_loop3A_673, %parallel_loop3A_674] : memref<3x200x128xf32, #tpu.memory_space<vmem>> -> memref<1x200x128xf32, #tpu.memory_space<vmem>>
        %parallel_loop3A_676 = tpu.memref_squeeze %parallel_loop3A_675 : memref<1x200x128xf32, #tpu.memory_space<vmem>> -> memref<200x128xf32, #tpu.memory_space<vmem>>
        %parallel_loop3A_677 = arith.index_cast %parallel_loop3A_607 : i32 to index
        %parallel_loop3A_678 = arith.constant 80 : index
        %parallel_loop3A_679 = tpu.vector_load %parallel_loop3A_676[%parallel_loop3A_677, %parallel_loop3A_678] {strides = array<i32>} : memref<200x128xf32, #tpu.memory_space<vmem>>, vector<1x16xf32>,
        %parallel_loop3A_680 = vector.shape_cast %parallel_loop3A_679 : vector<1x16xf32> to vector<16xf32>
        %parallel_loop3A_681 = arith.index_cast %parallel_loop3A_607 : i32 to index
        %parallel_loop3A_682 = arith.constant 80 : index
        %parallel_loop3A_683 = tpu.vector_load %arg10[%parallel_loop3A_681, %parallel_loop3A_682] {strides = array<i32>} : memref<200x128xf32, #tpu.memory_space<vmem>>, vector<1x16xf32>,
        %parallel_loop3A_684 = vector.shape_cast %parallel_loop3A_683 : vector<1x16xf32> to vector<16xf32>
        %parallel_loop3A_685 = arith.addf %parallel_loop3A_680, %parallel_loop3A_684 : vector<16xf32>
        %parallel_loop3A_686 = arith.constant 0 : i32
        %parallel_loop3A_687 = arith.constant 0 : i32
        %parallel_loop3A_688 = tpu.memref_slice %arg9[%parallel_loop3A_413, %parallel_loop3A_686, %parallel_loop3A_687] : memref<3x200x128xf32, #tpu.memory_space<vmem>> -> memref<1x200x128xf32, #tpu.memory_space<vmem>>
        %parallel_loop3A_689 = tpu.memref_squeeze %parallel_loop3A_688 : memref<1x200x128xf32, #tpu.memory_space<vmem>> -> memref<200x128xf32, #tpu.memory_space<vmem>>
        %parallel_loop3A_690 = arith.index_cast %parallel_loop3A_607 : i32 to index
        %parallel_loop3A_691 = arith.constant 96 : index
        %parallel_loop3A_692 = tpu.vector_load %parallel_loop3A_689[%parallel_loop3A_690, %parallel_loop3A_691] {strides = array<i32>} : memref<200x128xf32, #tpu.memory_space<vmem>>, vector<1x16xf32>,
        %parallel_loop3A_693 = vector.shape_cast %parallel_loop3A_692 : vector<1x16xf32> to vector<16xf32>
        %parallel_loop3A_694 = arith.index_cast %parallel_loop3A_607 : i32 to index
        %parallel_loop3A_695 = arith.constant 96 : index
        %parallel_loop3A_696 = tpu.vector_load %arg10[%parallel_loop3A_694, %parallel_loop3A_695] {strides = array<i32>} : memref<200x128xf32, #tpu.memory_space<vmem>>, vector<1x16xf32>,
        %parallel_loop3A_697 = vector.shape_cast %parallel_loop3A_696 : vector<1x16xf32> to vector<16xf32>
        %parallel_loop3A_698 = arith.addf %parallel_loop3A_693, %parallel_loop3A_697 : vector<16xf32>
        %parallel_loop3A_699 = arith.constant 0 : i32
        %parallel_loop3A_700 = arith.constant 0 : i32
        %parallel_loop3A_701 = tpu.memref_slice %arg9[%parallel_loop3A_413, %parallel_loop3A_699, %parallel_loop3A_700] : memref<3x200x128xf32, #tpu.memory_space<vmem>> -> memref<1x200x128xf32, #tpu.memory_space<vmem>>
        %parallel_loop3A_702 = tpu.memref_squeeze %parallel_loop3A_701 : memref<1x200x128xf32, #tpu.memory_space<vmem>> -> memref<200x128xf32, #tpu.memory_space<vmem>>
        %parallel_loop3A_703 = arith.index_cast %parallel_loop3A_607 : i32 to index
        %parallel_loop3A_704 = arith.constant 112 : index
        %parallel_loop3A_705 = tpu.vector_load %parallel_loop3A_702[%parallel_loop3A_703, %parallel_loop3A_704] {strides = array<i32>} : memref<200x128xf32, #tpu.memory_space<vmem>>, vector<1x16xf32>,
        %parallel_loop3A_706 = vector.shape_cast %parallel_loop3A_705 : vector<1x16xf32> to vector<16xf32>
        %parallel_loop3A_707 = arith.index_cast %parallel_loop3A_607 : i32 to index
        %parallel_loop3A_708 = arith.constant 112 : index
        %parallel_loop3A_709 = tpu.vector_load %arg10[%parallel_loop3A_707, %parallel_loop3A_708] {strides = array<i32>} : memref<200x128xf32, #tpu.memory_space<vmem>>, vector<1x16xf32>,
        %parallel_loop3A_710 = vector.shape_cast %parallel_loop3A_709 : vector<1x16xf32> to vector<16xf32>
        %parallel_loop3A_711 = arith.addf %parallel_loop3A_706, %parallel_loop3A_710 : vector<16xf32>
        %parallel_loop3A_712 = arith.mulf %parallel_loop3A_620, %parallel_loop3A_620 : vector<16xf32>
        %parallel_loop3A_713 = arith.addf %parallel_loop3A_620, %parallel_loop3A_633 : vector<16xf32>
        %parallel_loop3A_714 = arith.mulf %parallel_loop3A_633, %parallel_loop3A_633 : vector<16xf32>
        %parallel_loop3A_715 = arith.addf %parallel_loop3A_712, %parallel_loop3A_714 : vector<16xf32>
        %parallel_loop3A_716 = arith.addf %parallel_loop3A_713, %parallel_loop3A_646 : vector<16xf32>
        %parallel_loop3A_717 = arith.mulf %parallel_loop3A_646, %parallel_loop3A_646 : vector<16xf32>
        %parallel_loop3A_718 = arith.addf %parallel_loop3A_715, %parallel_loop3A_717 : vector<16xf32>
        %parallel_loop3A_719 = arith.addf %parallel_loop3A_716, %parallel_loop3A_659 : vector<16xf32>
        %parallel_loop3A_720 = arith.mulf %parallel_loop3A_659, %parallel_loop3A_659 : vector<16xf32>
        %parallel_loop3A_721 = arith.addf %parallel_loop3A_718, %parallel_loop3A_720 : vector<16xf32>
        %parallel_loop3A_722 = arith.addf %parallel_loop3A_719, %parallel_loop3A_672 : vector<16xf32>
        %parallel_loop3A_723 = arith.mulf %parallel_loop3A_672, %parallel_loop3A_672 : vector<16xf32>
        %parallel_loop3A_724 = arith.addf %parallel_loop3A_721, %parallel_loop3A_723 : vector<16xf32>
        %parallel_loop3A_725 = arith.addf %parallel_loop3A_722, %parallel_loop3A_685 : vector<16xf32>
        %parallel_loop3A_726 = arith.mulf %parallel_loop3A_685, %parallel_loop3A_685 : vector<16xf32>
        %parallel_loop3A_727 = arith.addf %parallel_loop3A_724, %parallel_loop3A_726 : vector<16xf32>
        %parallel_loop3A_728 = arith.addf %parallel_loop3A_725, %parallel_loop3A_698 : vector<16xf32>
        %parallel_loop3A_729 = arith.mulf %parallel_loop3A_698, %parallel_loop3A_698 : vector<16xf32>
        %parallel_loop3A_730 = arith.addf %parallel_loop3A_727, %parallel_loop3A_729 : vector<16xf32>
        %parallel_loop3A_731 = arith.addf %parallel_loop3A_728, %parallel_loop3A_711 : vector<16xf32>
        %parallel_loop3A_732 = arith.mulf %parallel_loop3A_711, %parallel_loop3A_711 : vector<16xf32>
        %parallel_loop3A_733 = arith.addf %parallel_loop3A_730, %parallel_loop3A_732 : vector<16xf32>
        %parallel_loop3A_734 = vector.shape_cast %and3A_87 : vector<16xi32> to vector<16x1xi32>
        %parallel_loop3A_735 = vector.shape_cast %parallel_loop3A_734 : vector<16x1xi32> to vector<16xi32>
        %parallel_loop3A_736 = tpu.dynamic_gather %parallel_loop3A_731[%parallel_loop3A_735] in [0] : vector<16xf32>, vector<16xi32> -> vector<16xf32>
        %parallel_loop3A_737 = arith.addf %parallel_loop3A_731, %parallel_loop3A_736 : vector<16xf32>
        %parallel_loop3A_738 = vector.shape_cast %and3A_87 : vector<16xi32> to vector<16x1xi32>
        %parallel_loop3A_739 = vector.shape_cast %parallel_loop3A_738 : vector<16x1xi32> to vector<16xi32>
        %parallel_loop3A_740 = tpu.dynamic_gather %parallel_loop3A_733[%parallel_loop3A_739] in [0] : vector<16xf32>, vector<16xi32> -> vector<16xf32>
        %parallel_loop3A_741 = arith.addf %parallel_loop3A_733, %parallel_loop3A_740 : vector<16xf32>
        %parallel_loop3A_742 = arith.select %lt3A_89, %parallel_loop3A_737, %parallel_loop3A_741 : vector<16xi1>, vector<16xf32>
        %parallel_loop3A_743 = vector.shape_cast %or3A : vector<16xi32> to vector<16x1xi32>
        %parallel_loop3A_744 = vector.shape_cast %parallel_loop3A_743 : vector<16x1xi32> to vector<16xi32>
        %parallel_loop3A_745 = tpu.dynamic_gather %parallel_loop3A_742[%parallel_loop3A_744] in [0] : vector<16xf32>, vector<16xi32> -> vector<16xf32>
        %parallel_loop3A_746 = arith.addf %parallel_loop3A_742, %parallel_loop3A_745 : vector<16xf32>
        %parallel_loop3A_747 = vector.shape_cast %or3A_108 : vector<16xi32> to vector<16x1xi32>
        %parallel_loop3A_748 = vector.shape_cast %parallel_loop3A_747 : vector<16x1xi32> to vector<16xi32>
        %parallel_loop3A_749 = tpu.dynamic_gather %parallel_loop3A_746[%parallel_loop3A_748] in [0] : vector<16xf32>, vector<16xi32> -> vector<16xf32>
        %parallel_loop3A_750 = arith.addf %parallel_loop3A_746, %parallel_loop3A_749 : vector<16xf32>
        %parallel_loop3A_751 = vector.shape_cast %or3A_118 : vector<16xi32> to vector<16x1xi32>
        %parallel_loop3A_752 = vector.shape_cast %parallel_loop3A_751 : vector<16x1xi32> to vector<16xi32>
        %parallel_loop3A_753 = tpu.dynamic_gather %parallel_loop3A_750[%parallel_loop3A_752] in [0] : vector<16xf32>, vector<16xi32> -> vector<16xf32>
        %parallel_loop3A_754 = arith.addf %parallel_loop3A_750, %parallel_loop3A_753 : vector<16xf32>
        %parallel_loop3A_755 = arith.constant 7.812500e-03 : f32
        %parallel_loop3A_756 = vector.broadcast %parallel_loop3A_755 : f32 to vector<16xf32>
        %parallel_loop3A_757 = arith.mulf %parallel_loop3A_754, %parallel_loop3A_756 : vector<16xf32>
        %parallel_loop3A_758 = vector.shape_cast %and3A_121 : vector<16xi32> to vector<16x1xi32>
        %parallel_loop3A_759 = vector.shape_cast %parallel_loop3A_758 : vector<16x1xi32> to vector<16xi32>
        %parallel_loop3A_760 = tpu.dynamic_gather %parallel_loop3A_757[%parallel_loop3A_759] in [0] : vector<16xf32>, vector<16xi32> -> vector<16xf32>
        %parallel_loop3A_761 = vector.shape_cast %or3A_124 : vector<16xi32> to vector<16x1xi32>
        %parallel_loop3A_762 = vector.shape_cast %parallel_loop3A_761 : vector<16x1xi32> to vector<16xi32>
        %parallel_loop3A_763 = tpu.dynamic_gather %parallel_loop3A_757[%parallel_loop3A_762] in [0] : vector<16xf32>, vector<16xi32> -> vector<16xf32>
        %parallel_loop3A_764 = arith.mulf %parallel_loop3A_760, %parallel_loop3A_760 : vector<16xf32>
        %parallel_loop3A_765 = arith.subf %parallel_loop3A_763, %parallel_loop3A_764 : vector<16xf32>
        %parallel_loop3A_766 = arith.constant 9.99999996E-13 : f32
        %parallel_loop3A_767 = vector.broadcast %parallel_loop3A_766 : f32 to vector<16xf32>
        %parallel_loop3A_768 = arith.addf %parallel_loop3A_765, %parallel_loop3A_767 : vector<16xf32>
        %parallel_loop3A_769 = tpu.bitcast %parallel_loop3A_768 : vector<16xf32> -> vector<16xi32>
        %parallel_loop3A_770 = arith.constant 1 : i32
        %parallel_loop3A_771 = vector.broadcast %parallel_loop3A_770 : i32 to vector<16xi32>
        %parallel_loop3A_772 = arith.shrsi %parallel_loop3A_769, %parallel_loop3A_771 : vector<16xi32>
        %parallel_loop3A_773 = arith.constant 1597463007 : i32
        %parallel_loop3A_774 = vector.broadcast %parallel_loop3A_773 : i32 to vector<16xi32>
        %parallel_loop3A_775 = arith.subi %parallel_loop3A_774, %parallel_loop3A_772 : vector<16xi32>
        %parallel_loop3A_776 = tpu.bitcast %parallel_loop3A_775 : vector<16xi32> -> vector<16xf32>
        %parallel_loop3A_777 = arith.constant 5.000000e-01 : f32
        %parallel_loop3A_778 = vector.broadcast %parallel_loop3A_777 : f32 to vector<16xf32>
        %parallel_loop3A_779 = arith.mulf %parallel_loop3A_778, %parallel_loop3A_768 : vector<16xf32>
        %parallel_loop3A_780 = arith.mulf %parallel_loop3A_779, %parallel_loop3A_776 : vector<16xf32>
        %parallel_loop3A_781 = arith.mulf %parallel_loop3A_780, %parallel_loop3A_776 : vector<16xf32>
        %parallel_loop3A_782 = arith.constant 1.500000e+00 : f32
        %parallel_loop3A_783 = vector.broadcast %parallel_loop3A_782 : f32 to vector<16xf32>
        %parallel_loop3A_784 = arith.subf %parallel_loop3A_783, %parallel_loop3A_781 : vector<16xf32>
        %parallel_loop3A_785 = arith.mulf %parallel_loop3A_776, %parallel_loop3A_784 : vector<16xf32>
        %parallel_loop3A_786 = arith.subf %parallel_loop3A_620, %parallel_loop3A_760 : vector<16xf32>
        %parallel_loop3A_787 = arith.subf %parallel_loop3A_633, %parallel_loop3A_760 : vector<16xf32>
        %parallel_loop3A_788 = arith.subf %parallel_loop3A_646, %parallel_loop3A_760 : vector<16xf32>
        %parallel_loop3A_789 = arith.subf %parallel_loop3A_659, %parallel_loop3A_760 : vector<16xf32>
        %parallel_loop3A_790 = arith.subf %parallel_loop3A_672, %parallel_loop3A_760 : vector<16xf32>
        %parallel_loop3A_791 = arith.subf %parallel_loop3A_685, %parallel_loop3A_760 : vector<16xf32>
        %parallel_loop3A_792 = arith.subf %parallel_loop3A_698, %parallel_loop3A_760 : vector<16xf32>
        %parallel_loop3A_793 = arith.subf %parallel_loop3A_711, %parallel_loop3A_760 : vector<16xf32>
        %parallel_loop3A_794 = arith.mulf %get3A_7, %parallel_loop3A_785 : vector<16xf32>
        %parallel_loop3A_795 = arith.mulf %get3A_12, %parallel_loop3A_785 : vector<16xf32>
        %parallel_loop3A_796 = arith.mulf %get3A_17, %parallel_loop3A_785 : vector<16xf32>
        %parallel_loop3A_797 = arith.mulf %get3A_22, %parallel_loop3A_785 : vector<16xf32>
        %parallel_loop3A_798 = arith.mulf %get3A_27, %parallel_loop3A_785 : vector<16xf32>
        %parallel_loop3A_799 = arith.mulf %get3A_32, %parallel_loop3A_785 : vector<16xf32>
        %parallel_loop3A_800 = arith.mulf %get3A_37, %parallel_loop3A_785 : vector<16xf32>
        %parallel_loop3A_801 = arith.mulf %get3A_42, %parallel_loop3A_785 : vector<16xf32>
        %parallel_loop3A_802 = arith.mulf %parallel_loop3A_786, %parallel_loop3A_794 : vector<16xf32>
        %parallel_loop3A_803 = arith.addf %parallel_loop3A_802, %get3A_47 : vector<16xf32>
        %parallel_loop3A_804 = arith.constant 0 : i32
        %parallel_loop3A_805 = arith.constant 0 : i32
        %parallel_loop3A_806 = tpu.memref_slice %arg9[%parallel_loop3A_413, %parallel_loop3A_804, %parallel_loop3A_805] : memref<3x200x128xf32, #tpu.memory_space<vmem>> -> memref<1x200x128xf32, #tpu.memory_space<vmem>>
        %parallel_loop3A_807 = tpu.memref_squeeze %parallel_loop3A_806 : memref<1x200x128xf32, #tpu.memory_space<vmem>> -> memref<200x128xf32, #tpu.memory_space<vmem>>
        %parallel_loop3A_808 = arith.index_cast %parallel_loop3A_607 : i32 to index
        %parallel_loop3A_809 = arith.constant 0 : index
        %parallel_loop3A_810 = tpu.vector_load %parallel_loop3A_807[%parallel_loop3A_808, %parallel_loop3A_809] {strides = array<i32>} : memref<200x128xf32, #tpu.memory_space<vmem>>, vector<1x16xf32>,
        %parallel_loop3A_811 = vector.shape_cast %parallel_loop3A_810 : vector<1x16xf32> to vector<16xf32>
        %parallel_loop3A_812 = vector.shape_cast %parallel_loop3A_803 : vector<16xf32> to vector<1x16xf32>
        tpu.vector_store %parallel_loop3A_807[%parallel_loop3A_808, %parallel_loop3A_809], %parallel_loop3A_812 {strides = array<i32>} : memref<200x128xf32, #tpu.memory_space<vmem>>, vector<1x16xf32>,
        %parallel_loop3A_813 = arith.mulf %parallel_loop3A_787, %parallel_loop3A_795 : vector<16xf32>
        %parallel_loop3A_814 = arith.addf %parallel_loop3A_813, %get3A_52 : vector<16xf32>
        %parallel_loop3A_815 = arith.constant 0 : i32
        %parallel_loop3A_816 = arith.constant 0 : i32
        %parallel_loop3A_817 = tpu.memref_slice %arg9[%parallel_loop3A_413, %parallel_loop3A_815, %parallel_loop3A_816] : memref<3x200x128xf32, #tpu.memory_space<vmem>> -> memref<1x200x128xf32, #tpu.memory_space<vmem>>
        %parallel_loop3A_818 = tpu.memref_squeeze %parallel_loop3A_817 : memref<1x200x128xf32, #tpu.memory_space<vmem>> -> memref<200x128xf32, #tpu.memory_space<vmem>>
        %parallel_loop3A_819 = arith.index_cast %parallel_loop3A_607 : i32 to index
        %parallel_loop3A_820 = arith.constant 16 : index
        %parallel_loop3A_821 = tpu.vector_load %parallel_loop3A_818[%parallel_loop3A_819, %parallel_loop3A_820] {strides = array<i32>} : memref<200x128xf32, #tpu.memory_space<vmem>>, vector<1x16xf32>,
        %parallel_loop3A_822 = vector.shape_cast %parallel_loop3A_821 : vector<1x16xf32> to vector<16xf32>
        %parallel_loop3A_823 = vector.shape_cast %parallel_loop3A_814 : vector<16xf32> to vector<1x16xf32>
        tpu.vector_store %parallel_loop3A_818[%parallel_loop3A_819, %parallel_loop3A_820], %parallel_loop3A_823 {strides = array<i32>} : memref<200x128xf32, #tpu.memory_space<vmem>>, vector<1x16xf32>,
        %parallel_loop3A_824 = arith.mulf %parallel_loop3A_788, %parallel_loop3A_796 : vector<16xf32>
        %parallel_loop3A_825 = arith.addf %parallel_loop3A_824, %get3A_57 : vector<16xf32>
        %parallel_loop3A_826 = arith.constant 0 : i32
        %parallel_loop3A_827 = arith.constant 0 : i32
        %parallel_loop3A_828 = tpu.memref_slice %arg9[%parallel_loop3A_413, %parallel_loop3A_826, %parallel_loop3A_827] : memref<3x200x128xf32, #tpu.memory_space<vmem>> -> memref<1x200x128xf32, #tpu.memory_space<vmem>>
        %parallel_loop3A_829 = tpu.memref_squeeze %parallel_loop3A_828 : memref<1x200x128xf32, #tpu.memory_space<vmem>> -> memref<200x128xf32, #tpu.memory_space<vmem>>
        %parallel_loop3A_830 = arith.index_cast %parallel_loop3A_607 : i32 to index
        %parallel_loop3A_831 = arith.constant 32 : index
        %parallel_loop3A_832 = tpu.vector_load %parallel_loop3A_829[%parallel_loop3A_830, %parallel_loop3A_831] {strides = array<i32>} : memref<200x128xf32, #tpu.memory_space<vmem>>, vector<1x16xf32>,
        %parallel_loop3A_833 = vector.shape_cast %parallel_loop3A_832 : vector<1x16xf32> to vector<16xf32>
        %parallel_loop3A_834 = vector.shape_cast %parallel_loop3A_825 : vector<16xf32> to vector<1x16xf32>
        tpu.vector_store %parallel_loop3A_829[%parallel_loop3A_830, %parallel_loop3A_831], %parallel_loop3A_834 {strides = array<i32>} : memref<200x128xf32, #tpu.memory_space<vmem>>, vector<1x16xf32>,
        %parallel_loop3A_835 = arith.mulf %parallel_loop3A_789, %parallel_loop3A_797 : vector<16xf32>
        %parallel_loop3A_836 = arith.addf %parallel_loop3A_835, %get3A_62 : vector<16xf32>
        %parallel_loop3A_837 = arith.constant 0 : i32
        %parallel_loop3A_838 = arith.constant 0 : i32
        %parallel_loop3A_839 = tpu.memref_slice %arg9[%parallel_loop3A_413, %parallel_loop3A_837, %parallel_loop3A_838] : memref<3x200x128xf32, #tpu.memory_space<vmem>> -> memref<1x200x128xf32, #tpu.memory_space<vmem>>
        %parallel_loop3A_840 = tpu.memref_squeeze %parallel_loop3A_839 : memref<1x200x128xf32, #tpu.memory_space<vmem>> -> memref<200x128xf32, #tpu.memory_space<vmem>>
        %parallel_loop3A_841 = arith.index_cast %parallel_loop3A_607 : i32 to index
        %parallel_loop3A_842 = arith.constant 48 : index
        %parallel_loop3A_843 = tpu.vector_load %parallel_loop3A_840[%parallel_loop3A_841, %parallel_loop3A_842] {strides = array<i32>} : memref<200x128xf32, #tpu.memory_space<vmem>>, vector<1x16xf32>,
        %parallel_loop3A_844 = vector.shape_cast %parallel_loop3A_843 : vector<1x16xf32> to vector<16xf32>
        %parallel_loop3A_845 = vector.shape_cast %parallel_loop3A_836 : vector<16xf32> to vector<1x16xf32>
        tpu.vector_store %parallel_loop3A_840[%parallel_loop3A_841, %parallel_loop3A_842], %parallel_loop3A_845 {strides = array<i32>} : memref<200x128xf32, #tpu.memory_space<vmem>>, vector<1x16xf32>,
        %parallel_loop3A_846 = arith.mulf %parallel_loop3A_790, %parallel_loop3A_798 : vector<16xf32>
        %parallel_loop3A_847 = arith.addf %parallel_loop3A_846, %get3A_67 : vector<16xf32>
        %parallel_loop3A_848 = arith.constant 0 : i32
        %parallel_loop3A_849 = arith.constant 0 : i32
        %parallel_loop3A_850 = tpu.memref_slice %arg9[%parallel_loop3A_413, %parallel_loop3A_848, %parallel_loop3A_849] : memref<3x200x128xf32, #tpu.memory_space<vmem>> -> memref<1x200x128xf32, #tpu.memory_space<vmem>>
        %parallel_loop3A_851 = tpu.memref_squeeze %parallel_loop3A_850 : memref<1x200x128xf32, #tpu.memory_space<vmem>> -> memref<200x128xf32, #tpu.memory_space<vmem>>
        %parallel_loop3A_852 = arith.index_cast %parallel_loop3A_607 : i32 to index
        %parallel_loop3A_853 = arith.constant 64 : index
        %parallel_loop3A_854 = tpu.vector_load %parallel_loop3A_851[%parallel_loop3A_852, %parallel_loop3A_853] {strides = array<i32>} : memref<200x128xf32, #tpu.memory_space<vmem>>, vector<1x16xf32>,
        %parallel_loop3A_855 = vector.shape_cast %parallel_loop3A_854 : vector<1x16xf32> to vector<16xf32>
        %parallel_loop3A_856 = vector.shape_cast %parallel_loop3A_847 : vector<16xf32> to vector<1x16xf32>
        tpu.vector_store %parallel_loop3A_851[%parallel_loop3A_852, %parallel_loop3A_853], %parallel_loop3A_856 {strides = array<i32>} : memref<200x128xf32, #tpu.memory_space<vmem>>, vector<1x16xf32>,
        %parallel_loop3A_857 = arith.mulf %parallel_loop3A_791, %parallel_loop3A_799 : vector<16xf32>
        %parallel_loop3A_858 = arith.addf %parallel_loop3A_857, %get3A_72 : vector<16xf32>
        %parallel_loop3A_859 = arith.constant 0 : i32
        %parallel_loop3A_860 = arith.constant 0 : i32
        %parallel_loop3A_861 = tpu.memref_slice %arg9[%parallel_loop3A_413, %parallel_loop3A_859, %parallel_loop3A_860] : memref<3x200x128xf32, #tpu.memory_space<vmem>> -> memref<1x200x128xf32, #tpu.memory_space<vmem>>
        %parallel_loop3A_862 = tpu.memref_squeeze %parallel_loop3A_861 : memref<1x200x128xf32, #tpu.memory_space<vmem>> -> memref<200x128xf32, #tpu.memory_space<vmem>>
        %parallel_loop3A_863 = arith.index_cast %parallel_loop3A_607 : i32 to index
        %parallel_loop3A_864 = arith.constant 80 : index
        %parallel_loop3A_865 = tpu.vector_load %parallel_loop3A_862[%parallel_loop3A_863, %parallel_loop3A_864] {strides = array<i32>} : memref<200x128xf32, #tpu.memory_space<vmem>>, vector<1x16xf32>,
        %parallel_loop3A_866 = vector.shape_cast %parallel_loop3A_865 : vector<1x16xf32> to vector<16xf32>
        %parallel_loop3A_867 = vector.shape_cast %parallel_loop3A_858 : vector<16xf32> to vector<1x16xf32>
        tpu.vector_store %parallel_loop3A_862[%parallel_loop3A_863, %parallel_loop3A_864], %parallel_loop3A_867 {strides = array<i32>} : memref<200x128xf32, #tpu.memory_space<vmem>>, vector<1x16xf32>,
        %parallel_loop3A_868 = arith.mulf %parallel_loop3A_792, %parallel_loop3A_800 : vector<16xf32>
        %parallel_loop3A_869 = arith.addf %parallel_loop3A_868, %get3A_77 : vector<16xf32>
        %parallel_loop3A_870 = arith.constant 0 : i32
        %parallel_loop3A_871 = arith.constant 0 : i32
        %parallel_loop3A_872 = tpu.memref_slice %arg9[%parallel_loop3A_413, %parallel_loop3A_870, %parallel_loop3A_871] : memref<3x200x128xf32, #tpu.memory_space<vmem>> -> memref<1x200x128xf32, #tpu.memory_space<vmem>>
        %parallel_loop3A_873 = tpu.memref_squeeze %parallel_loop3A_872 : memref<1x200x128xf32, #tpu.memory_space<vmem>> -> memref<200x128xf32, #tpu.memory_space<vmem>>
        %parallel_loop3A_874 = arith.index_cast %parallel_loop3A_607 : i32 to index
        %parallel_loop3A_875 = arith.constant 96 : index
        %parallel_loop3A_876 = tpu.vector_load %parallel_loop3A_873[%parallel_loop3A_874, %parallel_loop3A_875] {strides = array<i32>} : memref<200x128xf32, #tpu.memory_space<vmem>>, vector<1x16xf32>,
        %parallel_loop3A_877 = vector.shape_cast %parallel_loop3A_876 : vector<1x16xf32> to vector<16xf32>
        %parallel_loop3A_878 = vector.shape_cast %parallel_loop3A_869 : vector<16xf32> to vector<1x16xf32>
        tpu.vector_store %parallel_loop3A_873[%parallel_loop3A_874, %parallel_loop3A_875], %parallel_loop3A_878 {strides = array<i32>} : memref<200x128xf32, #tpu.memory_space<vmem>>, vector<1x16xf32>,
        %parallel_loop3A_879 = arith.mulf %parallel_loop3A_793, %parallel_loop3A_801 : vector<16xf32>
        %parallel_loop3A_880 = arith.addf %parallel_loop3A_879, %get3A_82 : vector<16xf32>
        %parallel_loop3A_881 = arith.constant 0 : i32
        %parallel_loop3A_882 = arith.constant 0 : i32
        %parallel_loop3A_883 = tpu.memref_slice %arg9[%parallel_loop3A_413, %parallel_loop3A_881, %parallel_loop3A_882] : memref<3x200x128xf32, #tpu.memory_space<vmem>> -> memref<1x200x128xf32, #tpu.memory_space<vmem>>
        %parallel_loop3A_884 = tpu.memref_squeeze %parallel_loop3A_883 : memref<1x200x128xf32, #tpu.memory_space<vmem>> -> memref<200x128xf32, #tpu.memory_space<vmem>>
        %parallel_loop3A_885 = arith.index_cast %parallel_loop3A_607 : i32 to index
        %parallel_loop3A_886 = arith.constant 112 : index
        %parallel_loop3A_887 = tpu.vector_load %parallel_loop3A_884[%parallel_loop3A_885, %parallel_loop3A_886] {strides = array<i32>} : memref<200x128xf32, #tpu.memory_space<vmem>>, vector<1x16xf32>,
        %parallel_loop3A_888 = vector.shape_cast %parallel_loop3A_887 : vector<1x16xf32> to vector<16xf32>
        %parallel_loop3A_889 = vector.shape_cast %parallel_loop3A_880 : vector<16xf32> to vector<1x16xf32>
        tpu.vector_store %parallel_loop3A_884[%parallel_loop3A_885, %parallel_loop3A_886], %parallel_loop3A_889 {strides = array<i32>} : memref<200x128xf32, #tpu.memory_space<vmem>>, vector<1x16xf32>,
      } {sc.loop_unroll_factor = 1 : i64, sc.parallel_access}
      %add3A_414 = arith.addi %mul3A_2, %add3A_357 : i32
      %dma_start3A_415 = arith.constant 0 : i32
      %dma_start3A_416 = arith.constant 0 : i32
      %dma_start3A_417 = arith.constant 0 : i32
      %dma_start3A_418 = tpu.memref_slice %arg9[%dma_start3A_415, %dma_start3A_416, %dma_start3A_417] : memref<3x200x128xf32, #tpu.memory_space<vmem>> -> memref<1x200x128xf32, #tpu.memory_space<vmem>>
      %dma_start3A_419 = tpu.memref_squeeze %dma_start3A_418 : memref<1x200x128xf32, #tpu.memory_space<vmem>> -> memref<200x128xf32, #tpu.memory_space<vmem>>
      %dma_start3A_420 = arith.constant 0 : i32
      %dma_start3A_421 = arith.constant 0 : i32
      %dma_start3A_422 = tpu.memref_slice %arg7[%add3A_414, %dma_start3A_420, %dma_start3A_421] : memref<1024x200x128xf32, #tpu.memory_space<hbm>> -> memref<1x200x128xf32, #tpu.memory_space<hbm>>
      %dma_start3A_423 = tpu.memref_squeeze %dma_start3A_422 : memref<1x200x128xf32, #tpu.memory_space<hbm>> -> memref<200x128xf32, #tpu.memory_space<hbm>>
      %dma_start3A_424 = arith.constant 0 : i32
      %dma_start3A_425 = arith.constant 0 : i32
      %dma_start3A_426 = tpu.memref_slice %arg7[%add3A_414, %dma_start3A_424, %dma_start3A_425] : memref<1024x200x128xf32, #tpu.memory_space<hbm>> -> memref<1x200x128xf32, #tpu.memory_space<hbm>>
      %dma_start3A_427 = tpu.memref_squeeze %dma_start3A_426 : memref<1x200x128xf32, #tpu.memory_space<hbm>> -> memref<200x128xf32, #tpu.memory_space<hbm>>
      %dma_start3A_428 = arith.constant 0 : i32
      %dma_start3A_429 = arith.constant 0 : i32
      %dma_start3A_430 = tpu.memref_slice %arg9[%dma_start3A_415, %dma_start3A_428, %dma_start3A_429] : memref<3x200x128xf32, #tpu.memory_space<vmem>> -> memref<1x200x128xf32, #tpu.memory_space<vmem>>
      %dma_start3A_431 = tpu.memref_squeeze %dma_start3A_430 : memref<1x200x128xf32, #tpu.memory_space<vmem>> -> memref<200x128xf32, #tpu.memory_space<vmem>>
      tpu.enqueue_dma source(%dma_start3A_431 : memref<200x128xf32, #tpu.memory_space<vmem>>) target(%dma_start3A_427 : memref<200x128xf32, #tpu.memory_space<hbm>>) target_semaphore(%arg15 : memref<!tpu.dma_semaphore, #tpu.memory_space<semaphore_mem>>)
      %mul3A_432 = arith.constant 3 : i32
      %mul3A_433 = arith.muli %scan3A_353, %mul3A_432 : i32
      %add3A_434 = arith.constant 1 : i32
      %add3A_435 = arith.addi %mul3A_433, %add3A_434 : i32
      %dma_wait3A_436 = arith.constant 0 : i32
      %dma_wait3A_437 = arith.constant 1 : i32
      %dma_wait3A_438 = arith.constant 0 : i32
      %dma_wait3A_439 = arith.constant 0 : i32
      %dma_wait3A_440 = tpu.memref_slice %arg9[%dma_wait3A_437, %dma_wait3A_438, %dma_wait3A_439] : memref<3x200x128xf32, #tpu.memory_space<vmem>> -> memref<1x100x128xf32, #tpu.memory_space<vmem>>
      %dma_wait3A_441 = tpu.memref_squeeze %dma_wait3A_440 : memref<1x100x128xf32, #tpu.memory_space<vmem>> -> memref<100x128xf32, #tpu.memory_space<vmem>>
      %dma_wait3A_442 = arith.constant 0 : i32
      %dma_wait3A_443 = tpu.memref_slice %arg8[%add3A_435, %dma_wait3A_436, %dma_wait3A_442] : memref<32x2x100xi32, #tpu.memory_space<vmem>> -> memref<1x1x100xi32, #tpu.memory_space<vmem>>
      %dma_wait3A_444 = tpu.memref_squeeze %dma_wait3A_443 : memref<1x1x100xi32, #tpu.memory_space<vmem>> -> memref<100xi32, #tpu.memory_space<vmem>>
      %dma_wait3A_445 = arith.constant 0 : i32
      %dma_wait3A_446 = arith.constant 0 : i32
      %dma_wait3A_447 = tpu.memref_slice %arg3[%dma_wait3A_445, %dma_wait3A_446] : memref<100000x128xf32, #tpu.memory_space<hbm>> -> memref<100000x128xf32, #tpu.memory_space<hbm>>
      tpu.wait_indirect_dma semaphore(%arg13 : memref<!tpu.dma_semaphore, #tpu.memory_space<semaphore_mem>>) src(%dma_wait3A_447 : memref<100000x128xf32, #tpu.memory_space<hbm>>) dst(%dma_wait3A_441 : memref<100x128xf32, #tpu.memory_space<vmem>>)
      %dma_wait3A_448 = arith.constant 1 : i32
      %dma_wait3A_449 = arith.constant 1 : i32
      %dma_wait3A_450 = arith.constant 100 : i32
      %dma_wait3A_451 = arith.constant 0 : i32
      %dma_wait3A_452 = tpu.memref_slice %arg9[%dma_wait3A_449, %dma_wait3A_450, %dma_wait3A_451] : memref<3x200x128xf32, #tpu.memory_space<vmem>> -> memref<1x100x128xf32, #tpu.memory_space<vmem>>
      %dma_wait3A_453 = tpu.memref_squeeze %dma_wait3A_452 : memref<1x100x128xf32, #tpu.memory_space<vmem>> -> memref<100x128xf32, #tpu.memory_space<vmem>>
      %dma_wait3A_454 = arith.constant 0 : i32
      %dma_wait3A_455 = tpu.memref_slice %arg8[%add3A_435, %dma_wait3A_448, %dma_wait3A_454] : memref<32x2x100xi32, #tpu.memory_space<vmem>> -> memref<1x1x100xi32, #tpu.memory_space<vmem>>
      %dma_wait3A_456 = tpu.memref_squeeze %dma_wait3A_455 : memref<1x1x100xi32, #tpu.memory_space<vmem>> -> memref<100xi32, #tpu.memory_space<vmem>>
      %dma_wait3A_457 = arith.constant 0 : i32
      %dma_wait3A_458 = arith.constant 0 : i32
      %dma_wait3A_459 = tpu.memref_slice %arg3[%dma_wait3A_457, %dma_wait3A_458] : memref<100000x128xf32, #tpu.memory_space<hbm>> -> memref<100000x128xf32, #tpu.memory_space<hbm>>
      tpu.wait_indirect_dma semaphore(%arg13 : memref<!tpu.dma_semaphore, #tpu.memory_space<semaphore_mem>>) src(%dma_wait3A_459 : memref<100000x128xf32, #tpu.memory_space<hbm>>) dst(%dma_wait3A_453 : memref<100x128xf32, #tpu.memory_space<vmem>>)
      %gt3A_460 = arith.constant 0 : i32
      %gt3A_461 = arith.cmpi sgt, %scan3A_353, %gt3A_460 : i32
      %convert_element_type3A_462 = arith.extui %gt3A_461 : i1 to i32
      %cond3A_463 = arith.constant 0 : i32
      %cond3A_464 = arith.cmpi ne, %convert_element_type3A_462, %cond3A_463 : i32
      scf.if %cond3A_464 {
        %add3A_607 = arith.addi %mul3A_2, %add3A_435 : i32
        %dma_wait3A_608 = arith.constant 2 : i32
        %dma_wait3A_609 = arith.constant 0 : i32
        %dma_wait3A_610 = arith.constant 0 : i32
        %dma_wait3A_611 = tpu.memref_slice %arg9[%dma_wait3A_608, %dma_wait3A_609, %dma_wait3A_610] : memref<3x200x128xf32, #tpu.memory_space<vmem>> -> memref<1x200x128xf32, #tpu.memory_space<vmem>>
        %dma_wait3A_612 = tpu.memref_squeeze %dma_wait3A_611 : memref<1x200x128xf32, #tpu.memory_space<vmem>> -> memref<200x128xf32, #tpu.memory_space<vmem>>
        %dma_wait3A_613 = arith.constant 0 : i32
        %dma_wait3A_614 = arith.constant 0 : i32
        %dma_wait3A_615 = tpu.memref_slice %arg7[%add3A_607, %dma_wait3A_613, %dma_wait3A_614] : memref<1024x200x128xf32, #tpu.memory_space<hbm>> -> memref<1x200x128xf32, #tpu.memory_space<hbm>>
        %dma_wait3A_616 = tpu.memref_squeeze %dma_wait3A_615 : memref<1x200x128xf32, #tpu.memory_space<hbm>> -> memref<200x128xf32, #tpu.memory_space<hbm>>
        %dma_wait3A_617 = arith.constant 0 : i32
        %dma_wait3A_618 = arith.constant 0 : i32
        %dma_wait3A_619 = tpu.memref_slice %arg7[%add3A_607, %dma_wait3A_617, %dma_wait3A_618] : memref<1024x200x128xf32, #tpu.memory_space<hbm>> -> memref<1x200x128xf32, #tpu.memory_space<hbm>>
        %dma_wait3A_620 = tpu.memref_squeeze %dma_wait3A_619 : memref<1x200x128xf32, #tpu.memory_space<hbm>> -> memref<200x128xf32, #tpu.memory_space<hbm>>
        %dma_wait3A_621 = arith.constant 0 : i32
        %dma_wait3A_622 = arith.constant 0 : i32
        %dma_wait3A_623 = tpu.memref_slice %arg9[%dma_wait3A_608, %dma_wait3A_621, %dma_wait3A_622] : memref<3x200x128xf32, #tpu.memory_space<vmem>> -> memref<1x200x128xf32, #tpu.memory_space<vmem>>
        %dma_wait3A_624 = tpu.memref_squeeze %dma_wait3A_623 : memref<1x200x128xf32, #tpu.memory_space<vmem>> -> memref<200x128xf32, #tpu.memory_space<vmem>>
        tpu.wait_dma2 semaphore(%arg17 : memref<!tpu.dma_semaphore, #tpu.memory_space<semaphore_mem>>) src(%dma_wait3A_624 : memref<200x128xf32, #tpu.memory_space<vmem>>) dst(%dma_wait3A_620 : memref<200x128xf32, #tpu.memory_space<hbm>>)
      } else {
      }
      %add3A_465 = arith.constant 1 : i32
      %add3A_466 = arith.addi %add3A_435, %add3A_465 : i32
      %dma_start3A_467 = arith.constant 0 : i32
      %dma_start3A_468 = arith.constant 2 : i32
      %dma_start3A_469 = arith.constant 0 : i32
      %dma_start3A_470 = arith.constant 0 : i32
      %dma_start3A_471 = tpu.memref_slice %arg9[%dma_start3A_468, %dma_start3A_469, %dma_start3A_470] : memref<3x200x128xf32, #tpu.memory_space<vmem>> -> memref<1x100x128xf32, #tpu.memory_space<vmem>>
      %dma_start3A_472 = tpu.memref_squeeze %dma_start3A_471 : memref<1x100x128xf32, #tpu.memory_space<vmem>> -> memref<100x128xf32, #tpu.memory_space<vmem>>
      %dma_start3A_473 = arith.constant 0 : i32
      %dma_start3A_474 = tpu.memref_slice %arg8[%add3A_466, %dma_start3A_467, %dma_start3A_473] : memref<32x2x100xi32, #tpu.memory_space<vmem>> -> memref<1x1x100xi32, #tpu.memory_space<vmem>>
      %dma_start3A_475 = tpu.memref_squeeze %dma_start3A_474 : memref<1x1x100xi32, #tpu.memory_space<vmem>> -> memref<100xi32, #tpu.memory_space<vmem>>
      %dma_start3A_476 = arith.constant 0 : i32
      %dma_start3A_477 = arith.constant 0 : i32
      %dma_start3A_478 = tpu.memref_slice %arg3[%dma_start3A_476, %dma_start3A_477] : memref<100000x128xf32, #tpu.memory_space<hbm>> -> memref<100000x128xf32, #tpu.memory_space<hbm>>
      tpu.enqueue_indirect_dma source(%dma_start3A_478 : memref<100000x128xf32, #tpu.memory_space<hbm>>) target(%dma_start3A_472 : memref<100x128xf32, #tpu.memory_space<vmem>>) offsets(%dma_start3A_475 : memref<100xi32, #tpu.memory_space<vmem>>) semaphore(%arg14 : memref<!tpu.dma_semaphore, #tpu.memory_space<semaphore_mem>>)
      %dma_start3A_479 = arith.constant 1 : i32
      %dma_start3A_480 = arith.constant 2 : i32
      %dma_start3A_481 = arith.constant 100 : i32
      %dma_start3A_482 = arith.constant 0 : i32
      %dma_start3A_483 = tpu.memref_slice %arg9[%dma_start3A_480, %dma_start3A_481, %dma_start3A_482] : memref<3x200x128xf32, #tpu.memory_space<vmem>> -> memref<1x100x128xf32, #tpu.memory_space<vmem>>
      %dma_start3A_484 = tpu.memref_squeeze %dma_start3A_483 : memref<1x100x128xf32, #tpu.memory_space<vmem>> -> memref<100x128xf32, #tpu.memory_space<vmem>>
      %dma_start3A_485 = arith.constant 0 : i32
      %dma_start3A_486 = tpu.memref_slice %arg8[%add3A_466, %dma_start3A_479, %dma_start3A_485] : memref<32x2x100xi32, #tpu.memory_space<vmem>> -> memref<1x1x100xi32, #tpu.memory_space<vmem>>
      %dma_start3A_487 = tpu.memref_squeeze %dma_start3A_486 : memref<1x1x100xi32, #tpu.memory_space<vmem>> -> memref<100xi32, #tpu.memory_space<vmem>>
      %dma_start3A_488 = arith.constant 0 : i32
      %dma_start3A_489 = arith.constant 0 : i32
      %dma_start3A_490 = tpu.memref_slice %arg3[%dma_start3A_488, %dma_start3A_489] : memref<100000x128xf32, #tpu.memory_space<hbm>> -> memref<100000x128xf32, #tpu.memory_space<hbm>>
      tpu.enqueue_indirect_dma source(%dma_start3A_490 : memref<100000x128xf32, #tpu.memory_space<hbm>>) target(%dma_start3A_484 : memref<100x128xf32, #tpu.memory_space<vmem>>) offsets(%dma_start3A_487 : memref<100xi32, #tpu.memory_space<vmem>>) semaphore(%arg14 : memref<!tpu.dma_semaphore, #tpu.memory_space<semaphore_mem>>)
      %parallel_loop3A_491 = arith.constant 0 : i32
      %parallel_loop3A_492 = arith.constant 200 : i32
      %parallel_loop3A_493 = arith.constant 1 : i32
      %parallel_loop3A_494 = arith.constant 1 : i32
      scf.for %parallel_loop3A_607 = %parallel_loop3A_491 to %parallel_loop3A_492 step %parallel_loop3A_493  : i32 {
        %parallel_loop3A_608 = arith.constant 0 : i32
        %parallel_loop3A_609 = arith.constant 0 : i32
        %parallel_loop3A_610 = tpu.memref_slice %arg9[%parallel_loop3A_494, %parallel_loop3A_608, %parallel_loop3A_609] : memref<3x200x128xf32, #tpu.memory_space<vmem>> -> memref<1x200x128xf32, #tpu.memory_space<vmem>>
        %parallel_loop3A_611 = tpu.memref_squeeze %parallel_loop3A_610 : memref<1x200x128xf32, #tpu.memory_space<vmem>> -> memref<200x128xf32, #tpu.memory_space<vmem>>
        %parallel_loop3A_612 = arith.index_cast %parallel_loop3A_607 : i32 to index
        %parallel_loop3A_613 = arith.constant 0 : index
        %parallel_loop3A_614 = tpu.vector_load %parallel_loop3A_611[%parallel_loop3A_612, %parallel_loop3A_613] {strides = array<i32>} : memref<200x128xf32, #tpu.memory_space<vmem>>, vector<1x16xf32>,
        %parallel_loop3A_615 = vector.shape_cast %parallel_loop3A_614 : vector<1x16xf32> to vector<16xf32>
        %parallel_loop3A_616 = arith.index_cast %parallel_loop3A_607 : i32 to index
        %parallel_loop3A_617 = arith.constant 0 : index
        %parallel_loop3A_618 = tpu.vector_load %arg10[%parallel_loop3A_616, %parallel_loop3A_617] {strides = array<i32>} : memref<200x128xf32, #tpu.memory_space<vmem>>, vector<1x16xf32>,
        %parallel_loop3A_619 = vector.shape_cast %parallel_loop3A_618 : vector<1x16xf32> to vector<16xf32>
        %parallel_loop3A_620 = arith.addf %parallel_loop3A_615, %parallel_loop3A_619 : vector<16xf32>
        %parallel_loop3A_621 = arith.constant 0 : i32
        %parallel_loop3A_622 = arith.constant 0 : i32
        %parallel_loop3A_623 = tpu.memref_slice %arg9[%parallel_loop3A_494, %parallel_loop3A_621, %parallel_loop3A_622] : memref<3x200x128xf32, #tpu.memory_space<vmem>> -> memref<1x200x128xf32, #tpu.memory_space<vmem>>
        %parallel_loop3A_624 = tpu.memref_squeeze %parallel_loop3A_623 : memref<1x200x128xf32, #tpu.memory_space<vmem>> -> memref<200x128xf32, #tpu.memory_space<vmem>>
        %parallel_loop3A_625 = arith.index_cast %parallel_loop3A_607 : i32 to index
        %parallel_loop3A_626 = arith.constant 16 : index
        %parallel_loop3A_627 = tpu.vector_load %parallel_loop3A_624[%parallel_loop3A_625, %parallel_loop3A_626] {strides = array<i32>} : memref<200x128xf32, #tpu.memory_space<vmem>>, vector<1x16xf32>,
        %parallel_loop3A_628 = vector.shape_cast %parallel_loop3A_627 : vector<1x16xf32> to vector<16xf32>
        %parallel_loop3A_629 = arith.index_cast %parallel_loop3A_607 : i32 to index
        %parallel_loop3A_630 = arith.constant 16 : index
        %parallel_loop3A_631 = tpu.vector_load %arg10[%parallel_loop3A_629, %parallel_loop3A_630] {strides = array<i32>} : memref<200x128xf32, #tpu.memory_space<vmem>>, vector<1x16xf32>,
        %parallel_loop3A_632 = vector.shape_cast %parallel_loop3A_631 : vector<1x16xf32> to vector<16xf32>
        %parallel_loop3A_633 = arith.addf %parallel_loop3A_628, %parallel_loop3A_632 : vector<16xf32>
        %parallel_loop3A_634 = arith.constant 0 : i32
        %parallel_loop3A_635 = arith.constant 0 : i32
        %parallel_loop3A_636 = tpu.memref_slice %arg9[%parallel_loop3A_494, %parallel_loop3A_634, %parallel_loop3A_635] : memref<3x200x128xf32, #tpu.memory_space<vmem>> -> memref<1x200x128xf32, #tpu.memory_space<vmem>>
        %parallel_loop3A_637 = tpu.memref_squeeze %parallel_loop3A_636 : memref<1x200x128xf32, #tpu.memory_space<vmem>> -> memref<200x128xf32, #tpu.memory_space<vmem>>
        %parallel_loop3A_638 = arith.index_cast %parallel_loop3A_607 : i32 to index
        %parallel_loop3A_639 = arith.constant 32 : index
        %parallel_loop3A_640 = tpu.vector_load %parallel_loop3A_637[%parallel_loop3A_638, %parallel_loop3A_639] {strides = array<i32>} : memref<200x128xf32, #tpu.memory_space<vmem>>, vector<1x16xf32>,
        %parallel_loop3A_641 = vector.shape_cast %parallel_loop3A_640 : vector<1x16xf32> to vector<16xf32>
        %parallel_loop3A_642 = arith.index_cast %parallel_loop3A_607 : i32 to index
        %parallel_loop3A_643 = arith.constant 32 : index
        %parallel_loop3A_644 = tpu.vector_load %arg10[%parallel_loop3A_642, %parallel_loop3A_643] {strides = array<i32>} : memref<200x128xf32, #tpu.memory_space<vmem>>, vector<1x16xf32>,
        %parallel_loop3A_645 = vector.shape_cast %parallel_loop3A_644 : vector<1x16xf32> to vector<16xf32>
        %parallel_loop3A_646 = arith.addf %parallel_loop3A_641, %parallel_loop3A_645 : vector<16xf32>
        %parallel_loop3A_647 = arith.constant 0 : i32
        %parallel_loop3A_648 = arith.constant 0 : i32
        %parallel_loop3A_649 = tpu.memref_slice %arg9[%parallel_loop3A_494, %parallel_loop3A_647, %parallel_loop3A_648] : memref<3x200x128xf32, #tpu.memory_space<vmem>> -> memref<1x200x128xf32, #tpu.memory_space<vmem>>
        %parallel_loop3A_650 = tpu.memref_squeeze %parallel_loop3A_649 : memref<1x200x128xf32, #tpu.memory_space<vmem>> -> memref<200x128xf32, #tpu.memory_space<vmem>>
        %parallel_loop3A_651 = arith.index_cast %parallel_loop3A_607 : i32 to index
        %parallel_loop3A_652 = arith.constant 48 : index
        %parallel_loop3A_653 = tpu.vector_load %parallel_loop3A_650[%parallel_loop3A_651, %parallel_loop3A_652] {strides = array<i32>} : memref<200x128xf32, #tpu.memory_space<vmem>>, vector<1x16xf32>,
        %parallel_loop3A_654 = vector.shape_cast %parallel_loop3A_653 : vector<1x16xf32> to vector<16xf32>
        %parallel_loop3A_655 = arith.index_cast %parallel_loop3A_607 : i32 to index
        %parallel_loop3A_656 = arith.constant 48 : index
        %parallel_loop3A_657 = tpu.vector_load %arg10[%parallel_loop3A_655, %parallel_loop3A_656] {strides = array<i32>} : memref<200x128xf32, #tpu.memory_space<vmem>>, vector<1x16xf32>,
        %parallel_loop3A_658 = vector.shape_cast %parallel_loop3A_657 : vector<1x16xf32> to vector<16xf32>
        %parallel_loop3A_659 = arith.addf %parallel_loop3A_654, %parallel_loop3A_658 : vector<16xf32>
        %parallel_loop3A_660 = arith.constant 0 : i32
        %parallel_loop3A_661 = arith.constant 0 : i32
        %parallel_loop3A_662 = tpu.memref_slice %arg9[%parallel_loop3A_494, %parallel_loop3A_660, %parallel_loop3A_661] : memref<3x200x128xf32, #tpu.memory_space<vmem>> -> memref<1x200x128xf32, #tpu.memory_space<vmem>>
        %parallel_loop3A_663 = tpu.memref_squeeze %parallel_loop3A_662 : memref<1x200x128xf32, #tpu.memory_space<vmem>> -> memref<200x128xf32, #tpu.memory_space<vmem>>
        %parallel_loop3A_664 = arith.index_cast %parallel_loop3A_607 : i32 to index
        %parallel_loop3A_665 = arith.constant 64 : index
        %parallel_loop3A_666 = tpu.vector_load %parallel_loop3A_663[%parallel_loop3A_664, %parallel_loop3A_665] {strides = array<i32>} : memref<200x128xf32, #tpu.memory_space<vmem>>, vector<1x16xf32>,
        %parallel_loop3A_667 = vector.shape_cast %parallel_loop3A_666 : vector<1x16xf32> to vector<16xf32>
        %parallel_loop3A_668 = arith.index_cast %parallel_loop3A_607 : i32 to index
        %parallel_loop3A_669 = arith.constant 64 : index
        %parallel_loop3A_670 = tpu.vector_load %arg10[%parallel_loop3A_668, %parallel_loop3A_669] {strides = array<i32>} : memref<200x128xf32, #tpu.memory_space<vmem>>, vector<1x16xf32>,
        %parallel_loop3A_671 = vector.shape_cast %parallel_loop3A_670 : vector<1x16xf32> to vector<16xf32>
        %parallel_loop3A_672 = arith.addf %parallel_loop3A_667, %parallel_loop3A_671 : vector<16xf32>
        %parallel_loop3A_673 = arith.constant 0 : i32
        %parallel_loop3A_674 = arith.constant 0 : i32
        %parallel_loop3A_675 = tpu.memref_slice %arg9[%parallel_loop3A_494, %parallel_loop3A_673, %parallel_loop3A_674] : memref<3x200x128xf32, #tpu.memory_space<vmem>> -> memref<1x200x128xf32, #tpu.memory_space<vmem>>
        %parallel_loop3A_676 = tpu.memref_squeeze %parallel_loop3A_675 : memref<1x200x128xf32, #tpu.memory_space<vmem>> -> memref<200x128xf32, #tpu.memory_space<vmem>>
        %parallel_loop3A_677 = arith.index_cast %parallel_loop3A_607 : i32 to index
        %parallel_loop3A_678 = arith.constant 80 : index
        %parallel_loop3A_679 = tpu.vector_load %parallel_loop3A_676[%parallel_loop3A_677, %parallel_loop3A_678] {strides = array<i32>} : memref<200x128xf32, #tpu.memory_space<vmem>>, vector<1x16xf32>,
        %parallel_loop3A_680 = vector.shape_cast %parallel_loop3A_679 : vector<1x16xf32> to vector<16xf32>
        %parallel_loop3A_681 = arith.index_cast %parallel_loop3A_607 : i32 to index
        %parallel_loop3A_682 = arith.constant 80 : index
        %parallel_loop3A_683 = tpu.vector_load %arg10[%parallel_loop3A_681, %parallel_loop3A_682] {strides = array<i32>} : memref<200x128xf32, #tpu.memory_space<vmem>>, vector<1x16xf32>,
        %parallel_loop3A_684 = vector.shape_cast %parallel_loop3A_683 : vector<1x16xf32> to vector<16xf32>
        %parallel_loop3A_685 = arith.addf %parallel_loop3A_680, %parallel_loop3A_684 : vector<16xf32>
        %parallel_loop3A_686 = arith.constant 0 : i32
        %parallel_loop3A_687 = arith.constant 0 : i32
        %parallel_loop3A_688 = tpu.memref_slice %arg9[%parallel_loop3A_494, %parallel_loop3A_686, %parallel_loop3A_687] : memref<3x200x128xf32, #tpu.memory_space<vmem>> -> memref<1x200x128xf32, #tpu.memory_space<vmem>>
        %parallel_loop3A_689 = tpu.memref_squeeze %parallel_loop3A_688 : memref<1x200x128xf32, #tpu.memory_space<vmem>> -> memref<200x128xf32, #tpu.memory_space<vmem>>
        %parallel_loop3A_690 = arith.index_cast %parallel_loop3A_607 : i32 to index
        %parallel_loop3A_691 = arith.constant 96 : index
        %parallel_loop3A_692 = tpu.vector_load %parallel_loop3A_689[%parallel_loop3A_690, %parallel_loop3A_691] {strides = array<i32>} : memref<200x128xf32, #tpu.memory_space<vmem>>, vector<1x16xf32>,
        %parallel_loop3A_693 = vector.shape_cast %parallel_loop3A_692 : vector<1x16xf32> to vector<16xf32>
        %parallel_loop3A_694 = arith.index_cast %parallel_loop3A_607 : i32 to index
        %parallel_loop3A_695 = arith.constant 96 : index
        %parallel_loop3A_696 = tpu.vector_load %arg10[%parallel_loop3A_694, %parallel_loop3A_695] {strides = array<i32>} : memref<200x128xf32, #tpu.memory_space<vmem>>, vector<1x16xf32>,
        %parallel_loop3A_697 = vector.shape_cast %parallel_loop3A_696 : vector<1x16xf32> to vector<16xf32>
        %parallel_loop3A_698 = arith.addf %parallel_loop3A_693, %parallel_loop3A_697 : vector<16xf32>
        %parallel_loop3A_699 = arith.constant 0 : i32
        %parallel_loop3A_700 = arith.constant 0 : i32
        %parallel_loop3A_701 = tpu.memref_slice %arg9[%parallel_loop3A_494, %parallel_loop3A_699, %parallel_loop3A_700] : memref<3x200x128xf32, #tpu.memory_space<vmem>> -> memref<1x200x128xf32, #tpu.memory_space<vmem>>
        %parallel_loop3A_702 = tpu.memref_squeeze %parallel_loop3A_701 : memref<1x200x128xf32, #tpu.memory_space<vmem>> -> memref<200x128xf32, #tpu.memory_space<vmem>>
        %parallel_loop3A_703 = arith.index_cast %parallel_loop3A_607 : i32 to index
        %parallel_loop3A_704 = arith.constant 112 : index
        %parallel_loop3A_705 = tpu.vector_load %parallel_loop3A_702[%parallel_loop3A_703, %parallel_loop3A_704] {strides = array<i32>} : memref<200x128xf32, #tpu.memory_space<vmem>>, vector<1x16xf32>,
        %parallel_loop3A_706 = vector.shape_cast %parallel_loop3A_705 : vector<1x16xf32> to vector<16xf32>
        %parallel_loop3A_707 = arith.index_cast %parallel_loop3A_607 : i32 to index
        %parallel_loop3A_708 = arith.constant 112 : index
        %parallel_loop3A_709 = tpu.vector_load %arg10[%parallel_loop3A_707, %parallel_loop3A_708] {strides = array<i32>} : memref<200x128xf32, #tpu.memory_space<vmem>>, vector<1x16xf32>,
        %parallel_loop3A_710 = vector.shape_cast %parallel_loop3A_709 : vector<1x16xf32> to vector<16xf32>
        %parallel_loop3A_711 = arith.addf %parallel_loop3A_706, %parallel_loop3A_710 : vector<16xf32>
        %parallel_loop3A_712 = arith.mulf %parallel_loop3A_620, %parallel_loop3A_620 : vector<16xf32>
        %parallel_loop3A_713 = arith.addf %parallel_loop3A_620, %parallel_loop3A_633 : vector<16xf32>
        %parallel_loop3A_714 = arith.mulf %parallel_loop3A_633, %parallel_loop3A_633 : vector<16xf32>
        %parallel_loop3A_715 = arith.addf %parallel_loop3A_712, %parallel_loop3A_714 : vector<16xf32>
        %parallel_loop3A_716 = arith.addf %parallel_loop3A_713, %parallel_loop3A_646 : vector<16xf32>
        %parallel_loop3A_717 = arith.mulf %parallel_loop3A_646, %parallel_loop3A_646 : vector<16xf32>
        %parallel_loop3A_718 = arith.addf %parallel_loop3A_715, %parallel_loop3A_717 : vector<16xf32>
        %parallel_loop3A_719 = arith.addf %parallel_loop3A_716, %parallel_loop3A_659 : vector<16xf32>
        %parallel_loop3A_720 = arith.mulf %parallel_loop3A_659, %parallel_loop3A_659 : vector<16xf32>
        %parallel_loop3A_721 = arith.addf %parallel_loop3A_718, %parallel_loop3A_720 : vector<16xf32>
        %parallel_loop3A_722 = arith.addf %parallel_loop3A_719, %parallel_loop3A_672 : vector<16xf32>
        %parallel_loop3A_723 = arith.mulf %parallel_loop3A_672, %parallel_loop3A_672 : vector<16xf32>
        %parallel_loop3A_724 = arith.addf %parallel_loop3A_721, %parallel_loop3A_723 : vector<16xf32>
        %parallel_loop3A_725 = arith.addf %parallel_loop3A_722, %parallel_loop3A_685 : vector<16xf32>
        %parallel_loop3A_726 = arith.mulf %parallel_loop3A_685, %parallel_loop3A_685 : vector<16xf32>
        %parallel_loop3A_727 = arith.addf %parallel_loop3A_724, %parallel_loop3A_726 : vector<16xf32>
        %parallel_loop3A_728 = arith.addf %parallel_loop3A_725, %parallel_loop3A_698 : vector<16xf32>
        %parallel_loop3A_729 = arith.mulf %parallel_loop3A_698, %parallel_loop3A_698 : vector<16xf32>
        %parallel_loop3A_730 = arith.addf %parallel_loop3A_727, %parallel_loop3A_729 : vector<16xf32>
        %parallel_loop3A_731 = arith.addf %parallel_loop3A_728, %parallel_loop3A_711 : vector<16xf32>
        %parallel_loop3A_732 = arith.mulf %parallel_loop3A_711, %parallel_loop3A_711 : vector<16xf32>
        %parallel_loop3A_733 = arith.addf %parallel_loop3A_730, %parallel_loop3A_732 : vector<16xf32>
        %parallel_loop3A_734 = vector.shape_cast %and3A_87 : vector<16xi32> to vector<16x1xi32>
        %parallel_loop3A_735 = vector.shape_cast %parallel_loop3A_734 : vector<16x1xi32> to vector<16xi32>
        %parallel_loop3A_736 = tpu.dynamic_gather %parallel_loop3A_731[%parallel_loop3A_735] in [0] : vector<16xf32>, vector<16xi32> -> vector<16xf32>
        %parallel_loop3A_737 = arith.addf %parallel_loop3A_731, %parallel_loop3A_736 : vector<16xf32>
        %parallel_loop3A_738 = vector.shape_cast %and3A_87 : vector<16xi32> to vector<16x1xi32>
        %parallel_loop3A_739 = vector.shape_cast %parallel_loop3A_738 : vector<16x1xi32> to vector<16xi32>
        %parallel_loop3A_740 = tpu.dynamic_gather %parallel_loop3A_733[%parallel_loop3A_739] in [0] : vector<16xf32>, vector<16xi32> -> vector<16xf32>
        %parallel_loop3A_741 = arith.addf %parallel_loop3A_733, %parallel_loop3A_740 : vector<16xf32>
        %parallel_loop3A_742 = arith.select %lt3A_89, %parallel_loop3A_737, %parallel_loop3A_741 : vector<16xi1>, vector<16xf32>
        %parallel_loop3A_743 = vector.shape_cast %or3A : vector<16xi32> to vector<16x1xi32>
        %parallel_loop3A_744 = vector.shape_cast %parallel_loop3A_743 : vector<16x1xi32> to vector<16xi32>
        %parallel_loop3A_745 = tpu.dynamic_gather %parallel_loop3A_742[%parallel_loop3A_744] in [0] : vector<16xf32>, vector<16xi32> -> vector<16xf32>
        %parallel_loop3A_746 = arith.addf %parallel_loop3A_742, %parallel_loop3A_745 : vector<16xf32>
        %parallel_loop3A_747 = vector.shape_cast %or3A_108 : vector<16xi32> to vector<16x1xi32>
        %parallel_loop3A_748 = vector.shape_cast %parallel_loop3A_747 : vector<16x1xi32> to vector<16xi32>
        %parallel_loop3A_749 = tpu.dynamic_gather %parallel_loop3A_746[%parallel_loop3A_748] in [0] : vector<16xf32>, vector<16xi32> -> vector<16xf32>
        %parallel_loop3A_750 = arith.addf %parallel_loop3A_746, %parallel_loop3A_749 : vector<16xf32>
        %parallel_loop3A_751 = vector.shape_cast %or3A_118 : vector<16xi32> to vector<16x1xi32>
        %parallel_loop3A_752 = vector.shape_cast %parallel_loop3A_751 : vector<16x1xi32> to vector<16xi32>
        %parallel_loop3A_753 = tpu.dynamic_gather %parallel_loop3A_750[%parallel_loop3A_752] in [0] : vector<16xf32>, vector<16xi32> -> vector<16xf32>
        %parallel_loop3A_754 = arith.addf %parallel_loop3A_750, %parallel_loop3A_753 : vector<16xf32>
        %parallel_loop3A_755 = arith.constant 7.812500e-03 : f32
        %parallel_loop3A_756 = vector.broadcast %parallel_loop3A_755 : f32 to vector<16xf32>
        %parallel_loop3A_757 = arith.mulf %parallel_loop3A_754, %parallel_loop3A_756 : vector<16xf32>
        %parallel_loop3A_758 = vector.shape_cast %and3A_121 : vector<16xi32> to vector<16x1xi32>
        %parallel_loop3A_759 = vector.shape_cast %parallel_loop3A_758 : vector<16x1xi32> to vector<16xi32>
        %parallel_loop3A_760 = tpu.dynamic_gather %parallel_loop3A_757[%parallel_loop3A_759] in [0] : vector<16xf32>, vector<16xi32> -> vector<16xf32>
        %parallel_loop3A_761 = vector.shape_cast %or3A_124 : vector<16xi32> to vector<16x1xi32>
        %parallel_loop3A_762 = vector.shape_cast %parallel_loop3A_761 : vector<16x1xi32> to vector<16xi32>
        %parallel_loop3A_763 = tpu.dynamic_gather %parallel_loop3A_757[%parallel_loop3A_762] in [0] : vector<16xf32>, vector<16xi32> -> vector<16xf32>
        %parallel_loop3A_764 = arith.mulf %parallel_loop3A_760, %parallel_loop3A_760 : vector<16xf32>
        %parallel_loop3A_765 = arith.subf %parallel_loop3A_763, %parallel_loop3A_764 : vector<16xf32>
        %parallel_loop3A_766 = arith.constant 9.99999996E-13 : f32
        %parallel_loop3A_767 = vector.broadcast %parallel_loop3A_766 : f32 to vector<16xf32>
        %parallel_loop3A_768 = arith.addf %parallel_loop3A_765, %parallel_loop3A_767 : vector<16xf32>
        %parallel_loop3A_769 = tpu.bitcast %parallel_loop3A_768 : vector<16xf32> -> vector<16xi32>
        %parallel_loop3A_770 = arith.constant 1 : i32
        %parallel_loop3A_771 = vector.broadcast %parallel_loop3A_770 : i32 to vector<16xi32>
        %parallel_loop3A_772 = arith.shrsi %parallel_loop3A_769, %parallel_loop3A_771 : vector<16xi32>
        %parallel_loop3A_773 = arith.constant 1597463007 : i32
        %parallel_loop3A_774 = vector.broadcast %parallel_loop3A_773 : i32 to vector<16xi32>
        %parallel_loop3A_775 = arith.subi %parallel_loop3A_774, %parallel_loop3A_772 : vector<16xi32>
        %parallel_loop3A_776 = tpu.bitcast %parallel_loop3A_775 : vector<16xi32> -> vector<16xf32>
        %parallel_loop3A_777 = arith.constant 5.000000e-01 : f32
        %parallel_loop3A_778 = vector.broadcast %parallel_loop3A_777 : f32 to vector<16xf32>
        %parallel_loop3A_779 = arith.mulf %parallel_loop3A_778, %parallel_loop3A_768 : vector<16xf32>
        %parallel_loop3A_780 = arith.mulf %parallel_loop3A_779, %parallel_loop3A_776 : vector<16xf32>
        %parallel_loop3A_781 = arith.mulf %parallel_loop3A_780, %parallel_loop3A_776 : vector<16xf32>
        %parallel_loop3A_782 = arith.constant 1.500000e+00 : f32
        %parallel_loop3A_783 = vector.broadcast %parallel_loop3A_782 : f32 to vector<16xf32>
        %parallel_loop3A_784 = arith.subf %parallel_loop3A_783, %parallel_loop3A_781 : vector<16xf32>
        %parallel_loop3A_785 = arith.mulf %parallel_loop3A_776, %parallel_loop3A_784 : vector<16xf32>
        %parallel_loop3A_786 = arith.subf %parallel_loop3A_620, %parallel_loop3A_760 : vector<16xf32>
        %parallel_loop3A_787 = arith.subf %parallel_loop3A_633, %parallel_loop3A_760 : vector<16xf32>
        %parallel_loop3A_788 = arith.subf %parallel_loop3A_646, %parallel_loop3A_760 : vector<16xf32>
        %parallel_loop3A_789 = arith.subf %parallel_loop3A_659, %parallel_loop3A_760 : vector<16xf32>
        %parallel_loop3A_790 = arith.subf %parallel_loop3A_672, %parallel_loop3A_760 : vector<16xf32>
        %parallel_loop3A_791 = arith.subf %parallel_loop3A_685, %parallel_loop3A_760 : vector<16xf32>
        %parallel_loop3A_792 = arith.subf %parallel_loop3A_698, %parallel_loop3A_760 : vector<16xf32>
        %parallel_loop3A_793 = arith.subf %parallel_loop3A_711, %parallel_loop3A_760 : vector<16xf32>
        %parallel_loop3A_794 = arith.mulf %get3A_7, %parallel_loop3A_785 : vector<16xf32>
        %parallel_loop3A_795 = arith.mulf %get3A_12, %parallel_loop3A_785 : vector<16xf32>
        %parallel_loop3A_796 = arith.mulf %get3A_17, %parallel_loop3A_785 : vector<16xf32>
        %parallel_loop3A_797 = arith.mulf %get3A_22, %parallel_loop3A_785 : vector<16xf32>
        %parallel_loop3A_798 = arith.mulf %get3A_27, %parallel_loop3A_785 : vector<16xf32>
        %parallel_loop3A_799 = arith.mulf %get3A_32, %parallel_loop3A_785 : vector<16xf32>
        %parallel_loop3A_800 = arith.mulf %get3A_37, %parallel_loop3A_785 : vector<16xf32>
        %parallel_loop3A_801 = arith.mulf %get3A_42, %parallel_loop3A_785 : vector<16xf32>
        %parallel_loop3A_802 = arith.mulf %parallel_loop3A_786, %parallel_loop3A_794 : vector<16xf32>
        %parallel_loop3A_803 = arith.addf %parallel_loop3A_802, %get3A_47 : vector<16xf32>
        %parallel_loop3A_804 = arith.constant 0 : i32
        %parallel_loop3A_805 = arith.constant 0 : i32
        %parallel_loop3A_806 = tpu.memref_slice %arg9[%parallel_loop3A_494, %parallel_loop3A_804, %parallel_loop3A_805] : memref<3x200x128xf32, #tpu.memory_space<vmem>> -> memref<1x200x128xf32, #tpu.memory_space<vmem>>
        %parallel_loop3A_807 = tpu.memref_squeeze %parallel_loop3A_806 : memref<1x200x128xf32, #tpu.memory_space<vmem>> -> memref<200x128xf32, #tpu.memory_space<vmem>>
        %parallel_loop3A_808 = arith.index_cast %parallel_loop3A_607 : i32 to index
        %parallel_loop3A_809 = arith.constant 0 : index
        %parallel_loop3A_810 = tpu.vector_load %parallel_loop3A_807[%parallel_loop3A_808, %parallel_loop3A_809] {strides = array<i32>} : memref<200x128xf32, #tpu.memory_space<vmem>>, vector<1x16xf32>,
        %parallel_loop3A_811 = vector.shape_cast %parallel_loop3A_810 : vector<1x16xf32> to vector<16xf32>
        %parallel_loop3A_812 = vector.shape_cast %parallel_loop3A_803 : vector<16xf32> to vector<1x16xf32>
        tpu.vector_store %parallel_loop3A_807[%parallel_loop3A_808, %parallel_loop3A_809], %parallel_loop3A_812 {strides = array<i32>} : memref<200x128xf32, #tpu.memory_space<vmem>>, vector<1x16xf32>,
        %parallel_loop3A_813 = arith.mulf %parallel_loop3A_787, %parallel_loop3A_795 : vector<16xf32>
        %parallel_loop3A_814 = arith.addf %parallel_loop3A_813, %get3A_52 : vector<16xf32>
        %parallel_loop3A_815 = arith.constant 0 : i32
        %parallel_loop3A_816 = arith.constant 0 : i32
        %parallel_loop3A_817 = tpu.memref_slice %arg9[%parallel_loop3A_494, %parallel_loop3A_815, %parallel_loop3A_816] : memref<3x200x128xf32, #tpu.memory_space<vmem>> -> memref<1x200x128xf32, #tpu.memory_space<vmem>>
        %parallel_loop3A_818 = tpu.memref_squeeze %parallel_loop3A_817 : memref<1x200x128xf32, #tpu.memory_space<vmem>> -> memref<200x128xf32, #tpu.memory_space<vmem>>
        %parallel_loop3A_819 = arith.index_cast %parallel_loop3A_607 : i32 to index
        %parallel_loop3A_820 = arith.constant 16 : index
        %parallel_loop3A_821 = tpu.vector_load %parallel_loop3A_818[%parallel_loop3A_819, %parallel_loop3A_820] {strides = array<i32>} : memref<200x128xf32, #tpu.memory_space<vmem>>, vector<1x16xf32>,
        %parallel_loop3A_822 = vector.shape_cast %parallel_loop3A_821 : vector<1x16xf32> to vector<16xf32>
        %parallel_loop3A_823 = vector.shape_cast %parallel_loop3A_814 : vector<16xf32> to vector<1x16xf32>
        tpu.vector_store %parallel_loop3A_818[%parallel_loop3A_819, %parallel_loop3A_820], %parallel_loop3A_823 {strides = array<i32>} : memref<200x128xf32, #tpu.memory_space<vmem>>, vector<1x16xf32>,
        %parallel_loop3A_824 = arith.mulf %parallel_loop3A_788, %parallel_loop3A_796 : vector<16xf32>
        %parallel_loop3A_825 = arith.addf %parallel_loop3A_824, %get3A_57 : vector<16xf32>
        %parallel_loop3A_826 = arith.constant 0 : i32
        %parallel_loop3A_827 = arith.constant 0 : i32
        %parallel_loop3A_828 = tpu.memref_slice %arg9[%parallel_loop3A_494, %parallel_loop3A_826, %parallel_loop3A_827] : memref<3x200x128xf32, #tpu.memory_space<vmem>> -> memref<1x200x128xf32, #tpu.memory_space<vmem>>
        %parallel_loop3A_829 = tpu.memref_squeeze %parallel_loop3A_828 : memref<1x200x128xf32, #tpu.memory_space<vmem>> -> memref<200x128xf32, #tpu.memory_space<vmem>>
        %parallel_loop3A_830 = arith.index_cast %parallel_loop3A_607 : i32 to index
        %parallel_loop3A_831 = arith.constant 32 : index
        %parallel_loop3A_832 = tpu.vector_load %parallel_loop3A_829[%parallel_loop3A_830, %parallel_loop3A_831] {strides = array<i32>} : memref<200x128xf32, #tpu.memory_space<vmem>>, vector<1x16xf32>,
        %parallel_loop3A_833 = vector.shape_cast %parallel_loop3A_832 : vector<1x16xf32> to vector<16xf32>
        %parallel_loop3A_834 = vector.shape_cast %parallel_loop3A_825 : vector<16xf32> to vector<1x16xf32>
        tpu.vector_store %parallel_loop3A_829[%parallel_loop3A_830, %parallel_loop3A_831], %parallel_loop3A_834 {strides = array<i32>} : memref<200x128xf32, #tpu.memory_space<vmem>>, vector<1x16xf32>,
        %parallel_loop3A_835 = arith.mulf %parallel_loop3A_789, %parallel_loop3A_797 : vector<16xf32>
        %parallel_loop3A_836 = arith.addf %parallel_loop3A_835, %get3A_62 : vector<16xf32>
        %parallel_loop3A_837 = arith.constant 0 : i32
        %parallel_loop3A_838 = arith.constant 0 : i32
        %parallel_loop3A_839 = tpu.memref_slice %arg9[%parallel_loop3A_494, %parallel_loop3A_837, %parallel_loop3A_838] : memref<3x200x128xf32, #tpu.memory_space<vmem>> -> memref<1x200x128xf32, #tpu.memory_space<vmem>>
        %parallel_loop3A_840 = tpu.memref_squeeze %parallel_loop3A_839 : memref<1x200x128xf32, #tpu.memory_space<vmem>> -> memref<200x128xf32, #tpu.memory_space<vmem>>
        %parallel_loop3A_841 = arith.index_cast %parallel_loop3A_607 : i32 to index
        %parallel_loop3A_842 = arith.constant 48 : index
        %parallel_loop3A_843 = tpu.vector_load %parallel_loop3A_840[%parallel_loop3A_841, %parallel_loop3A_842] {strides = array<i32>} : memref<200x128xf32, #tpu.memory_space<vmem>>, vector<1x16xf32>,
        %parallel_loop3A_844 = vector.shape_cast %parallel_loop3A_843 : vector<1x16xf32> to vector<16xf32>
        %parallel_loop3A_845 = vector.shape_cast %parallel_loop3A_836 : vector<16xf32> to vector<1x16xf32>
        tpu.vector_store %parallel_loop3A_840[%parallel_loop3A_841, %parallel_loop3A_842], %parallel_loop3A_845 {strides = array<i32>} : memref<200x128xf32, #tpu.memory_space<vmem>>, vector<1x16xf32>,
        %parallel_loop3A_846 = arith.mulf %parallel_loop3A_790, %parallel_loop3A_798 : vector<16xf32>
        %parallel_loop3A_847 = arith.addf %parallel_loop3A_846, %get3A_67 : vector<16xf32>
        %parallel_loop3A_848 = arith.constant 0 : i32
        %parallel_loop3A_849 = arith.constant 0 : i32
        %parallel_loop3A_850 = tpu.memref_slice %arg9[%parallel_loop3A_494, %parallel_loop3A_848, %parallel_loop3A_849] : memref<3x200x128xf32, #tpu.memory_space<vmem>> -> memref<1x200x128xf32, #tpu.memory_space<vmem>>
        %parallel_loop3A_851 = tpu.memref_squeeze %parallel_loop3A_850 : memref<1x200x128xf32, #tpu.memory_space<vmem>> -> memref<200x128xf32, #tpu.memory_space<vmem>>
        %parallel_loop3A_852 = arith.index_cast %parallel_loop3A_607 : i32 to index
        %parallel_loop3A_853 = arith.constant 64 : index
        %parallel_loop3A_854 = tpu.vector_load %parallel_loop3A_851[%parallel_loop3A_852, %parallel_loop3A_853] {strides = array<i32>} : memref<200x128xf32, #tpu.memory_space<vmem>>, vector<1x16xf32>,
        %parallel_loop3A_855 = vector.shape_cast %parallel_loop3A_854 : vector<1x16xf32> to vector<16xf32>
        %parallel_loop3A_856 = vector.shape_cast %parallel_loop3A_847 : vector<16xf32> to vector<1x16xf32>
        tpu.vector_store %parallel_loop3A_851[%parallel_loop3A_852, %parallel_loop3A_853], %parallel_loop3A_856 {strides = array<i32>} : memref<200x128xf32, #tpu.memory_space<vmem>>, vector<1x16xf32>,
        %parallel_loop3A_857 = arith.mulf %parallel_loop3A_791, %parallel_loop3A_799 : vector<16xf32>
        %parallel_loop3A_858 = arith.addf %parallel_loop3A_857, %get3A_72 : vector<16xf32>
        %parallel_loop3A_859 = arith.constant 0 : i32
        %parallel_loop3A_860 = arith.constant 0 : i32
        %parallel_loop3A_861 = tpu.memref_slice %arg9[%parallel_loop3A_494, %parallel_loop3A_859, %parallel_loop3A_860] : memref<3x200x128xf32, #tpu.memory_space<vmem>> -> memref<1x200x128xf32, #tpu.memory_space<vmem>>
        %parallel_loop3A_862 = tpu.memref_squeeze %parallel_loop3A_861 : memref<1x200x128xf32, #tpu.memory_space<vmem>> -> memref<200x128xf32, #tpu.memory_space<vmem>>
        %parallel_loop3A_863 = arith.index_cast %parallel_loop3A_607 : i32 to index
        %parallel_loop3A_864 = arith.constant 80 : index
        %parallel_loop3A_865 = tpu.vector_load %parallel_loop3A_862[%parallel_loop3A_863, %parallel_loop3A_864] {strides = array<i32>} : memref<200x128xf32, #tpu.memory_space<vmem>>, vector<1x16xf32>,
        %parallel_loop3A_866 = vector.shape_cast %parallel_loop3A_865 : vector<1x16xf32> to vector<16xf32>
        %parallel_loop3A_867 = vector.shape_cast %parallel_loop3A_858 : vector<16xf32> to vector<1x16xf32>
        tpu.vector_store %parallel_loop3A_862[%parallel_loop3A_863, %parallel_loop3A_864], %parallel_loop3A_867 {strides = array<i32>} : memref<200x128xf32, #tpu.memory_space<vmem>>, vector<1x16xf32>,
        %parallel_loop3A_868 = arith.mulf %parallel_loop3A_792, %parallel_loop3A_800 : vector<16xf32>
        %parallel_loop3A_869 = arith.addf %parallel_loop3A_868, %get3A_77 : vector<16xf32>
        %parallel_loop3A_870 = arith.constant 0 : i32
        %parallel_loop3A_871 = arith.constant 0 : i32
        %parallel_loop3A_872 = tpu.memref_slice %arg9[%parallel_loop3A_494, %parallel_loop3A_870, %parallel_loop3A_871] : memref<3x200x128xf32, #tpu.memory_space<vmem>> -> memref<1x200x128xf32, #tpu.memory_space<vmem>>
        %parallel_loop3A_873 = tpu.memref_squeeze %parallel_loop3A_872 : memref<1x200x128xf32, #tpu.memory_space<vmem>> -> memref<200x128xf32, #tpu.memory_space<vmem>>
        %parallel_loop3A_874 = arith.index_cast %parallel_loop3A_607 : i32 to index
        %parallel_loop3A_875 = arith.constant 96 : index
        %parallel_loop3A_876 = tpu.vector_load %parallel_loop3A_873[%parallel_loop3A_874, %parallel_loop3A_875] {strides = array<i32>} : memref<200x128xf32, #tpu.memory_space<vmem>>, vector<1x16xf32>,
        %parallel_loop3A_877 = vector.shape_cast %parallel_loop3A_876 : vector<1x16xf32> to vector<16xf32>
        %parallel_loop3A_878 = vector.shape_cast %parallel_loop3A_869 : vector<16xf32> to vector<1x16xf32>
        tpu.vector_store %parallel_loop3A_873[%parallel_loop3A_874, %parallel_loop3A_875], %parallel_loop3A_878 {strides = array<i32>} : memref<200x128xf32, #tpu.memory_space<vmem>>, vector<1x16xf32>,
        %parallel_loop3A_879 = arith.mulf %parallel_loop3A_793, %parallel_loop3A_801 : vector<16xf32>
        %parallel_loop3A_880 = arith.addf %parallel_loop3A_879, %get3A_82 : vector<16xf32>
        %parallel_loop3A_881 = arith.constant 0 : i32
        %parallel_loop3A_882 = arith.constant 0 : i32
        %parallel_loop3A_883 = tpu.memref_slice %arg9[%parallel_loop3A_494, %parallel_loop3A_881, %parallel_loop3A_882] : memref<3x200x128xf32, #tpu.memory_space<vmem>> -> memref<1x200x128xf32, #tpu.memory_space<vmem>>
        %parallel_loop3A_884 = tpu.memref_squeeze %parallel_loop3A_883 : memref<1x200x128xf32, #tpu.memory_space<vmem>> -> memref<200x128xf32, #tpu.memory_space<vmem>>
        %parallel_loop3A_885 = arith.index_cast %parallel_loop3A_607 : i32 to index
        %parallel_loop3A_886 = arith.constant 112 : index
        %parallel_loop3A_887 = tpu.vector_load %parallel_loop3A_884[%parallel_loop3A_885, %parallel_loop3A_886] {strides = array<i32>} : memref<200x128xf32, #tpu.memory_space<vmem>>, vector<1x16xf32>,
        %parallel_loop3A_888 = vector.shape_cast %parallel_loop3A_887 : vector<1x16xf32> to vector<16xf32>
        %parallel_loop3A_889 = vector.shape_cast %parallel_loop3A_880 : vector<16xf32> to vector<1x16xf32>
        tpu.vector_store %parallel_loop3A_884[%parallel_loop3A_885, %parallel_loop3A_886], %parallel_loop3A_889 {strides = array<i32>} : memref<200x128xf32, #tpu.memory_space<vmem>>, vector<1x16xf32>,
      } {sc.loop_unroll_factor = 1 : i64, sc.parallel_access}
      %add3A_495 = arith.addi %mul3A_2, %add3A_435 : i32
      %dma_start3A_496 = arith.constant 1 : i32
      %dma_start3A_497 = arith.constant 0 : i32
      %dma_start3A_498 = arith.constant 0 : i32
      %dma_start3A_499 = tpu.memref_slice %arg9[%dma_start3A_496, %dma_start3A_497, %dma_start3A_498] : memref<3x200x128xf32, #tpu.memory_space<vmem>> -> memref<1x200x128xf32, #tpu.memory_space<vmem>>
      %dma_start3A_500 = tpu.memref_squeeze %dma_start3A_499 : memref<1x200x128xf32, #tpu.memory_space<vmem>> -> memref<200x128xf32, #tpu.memory_space<vmem>>
      %dma_start3A_501 = arith.constant 0 : i32
      %dma_start3A_502 = arith.constant 0 : i32
      %dma_start3A_503 = tpu.memref_slice %arg7[%add3A_495, %dma_start3A_501, %dma_start3A_502] : memref<1024x200x128xf32, #tpu.memory_space<hbm>> -> memref<1x200x128xf32, #tpu.memory_space<hbm>>
      %dma_start3A_504 = tpu.memref_squeeze %dma_start3A_503 : memref<1x200x128xf32, #tpu.memory_space<hbm>> -> memref<200x128xf32, #tpu.memory_space<hbm>>
      %dma_start3A_505 = arith.constant 0 : i32
      %dma_start3A_506 = arith.constant 0 : i32
      %dma_start3A_507 = tpu.memref_slice %arg7[%add3A_495, %dma_start3A_505, %dma_start3A_506] : memref<1024x200x128xf32, #tpu.memory_space<hbm>> -> memref<1x200x128xf32, #tpu.memory_space<hbm>>
      %dma_start3A_508 = tpu.memref_squeeze %dma_start3A_507 : memref<1x200x128xf32, #tpu.memory_space<hbm>> -> memref<200x128xf32, #tpu.memory_space<hbm>>
      %dma_start3A_509 = arith.constant 0 : i32
      %dma_start3A_510 = arith.constant 0 : i32
      %dma_start3A_511 = tpu.memref_slice %arg9[%dma_start3A_496, %dma_start3A_509, %dma_start3A_510] : memref<3x200x128xf32, #tpu.memory_space<vmem>> -> memref<1x200x128xf32, #tpu.memory_space<vmem>>
      %dma_start3A_512 = tpu.memref_squeeze %dma_start3A_511 : memref<1x200x128xf32, #tpu.memory_space<vmem>> -> memref<200x128xf32, #tpu.memory_space<vmem>>
      tpu.enqueue_dma source(%dma_start3A_512 : memref<200x128xf32, #tpu.memory_space<vmem>>) target(%dma_start3A_508 : memref<200x128xf32, #tpu.memory_space<hbm>>) target_semaphore(%arg16 : memref<!tpu.dma_semaphore, #tpu.memory_space<semaphore_mem>>)
      %mul3A_513 = arith.constant 3 : i32
      %mul3A_514 = arith.muli %scan3A_353, %mul3A_513 : i32
      %add3A_515 = arith.constant 2 : i32
      %add3A_516 = arith.addi %mul3A_514, %add3A_515 : i32
      %dma_wait3A_517 = arith.constant 0 : i32
      %dma_wait3A_518 = arith.constant 2 : i32
      %dma_wait3A_519 = arith.constant 0 : i32
      %dma_wait3A_520 = arith.constant 0 : i32
      %dma_wait3A_521 = tpu.memref_slice %arg9[%dma_wait3A_518, %dma_wait3A_519, %dma_wait3A_520] : memref<3x200x128xf32, #tpu.memory_space<vmem>> -> memref<1x100x128xf32, #tpu.memory_space<vmem>>
      %dma_wait3A_522 = tpu.memref_squeeze %dma_wait3A_521 : memref<1x100x128xf32, #tpu.memory_space<vmem>> -> memref<100x128xf32, #tpu.memory_space<vmem>>
      %dma_wait3A_523 = arith.constant 0 : i32
      %dma_wait3A_524 = tpu.memref_slice %arg8[%add3A_516, %dma_wait3A_517, %dma_wait3A_523] : memref<32x2x100xi32, #tpu.memory_space<vmem>> -> memref<1x1x100xi32, #tpu.memory_space<vmem>>
      %dma_wait3A_525 = tpu.memref_squeeze %dma_wait3A_524 : memref<1x1x100xi32, #tpu.memory_space<vmem>> -> memref<100xi32, #tpu.memory_space<vmem>>
      %dma_wait3A_526 = arith.constant 0 : i32
      %dma_wait3A_527 = arith.constant 0 : i32
      %dma_wait3A_528 = tpu.memref_slice %arg3[%dma_wait3A_526, %dma_wait3A_527] : memref<100000x128xf32, #tpu.memory_space<hbm>> -> memref<100000x128xf32, #tpu.memory_space<hbm>>
      tpu.wait_indirect_dma semaphore(%arg14 : memref<!tpu.dma_semaphore, #tpu.memory_space<semaphore_mem>>) src(%dma_wait3A_528 : memref<100000x128xf32, #tpu.memory_space<hbm>>) dst(%dma_wait3A_522 : memref<100x128xf32, #tpu.memory_space<vmem>>)
      %dma_wait3A_529 = arith.constant 1 : i32
      %dma_wait3A_530 = arith.constant 2 : i32
      %dma_wait3A_531 = arith.constant 100 : i32
      %dma_wait3A_532 = arith.constant 0 : i32
      %dma_wait3A_533 = tpu.memref_slice %arg9[%dma_wait3A_530, %dma_wait3A_531, %dma_wait3A_532] : memref<3x200x128xf32, #tpu.memory_space<vmem>> -> memref<1x100x128xf32, #tpu.memory_space<vmem>>
      %dma_wait3A_534 = tpu.memref_squeeze %dma_wait3A_533 : memref<1x100x128xf32, #tpu.memory_space<vmem>> -> memref<100x128xf32, #tpu.memory_space<vmem>>
      %dma_wait3A_535 = arith.constant 0 : i32
      %dma_wait3A_536 = tpu.memref_slice %arg8[%add3A_516, %dma_wait3A_529, %dma_wait3A_535] : memref<32x2x100xi32, #tpu.memory_space<vmem>> -> memref<1x1x100xi32, #tpu.memory_space<vmem>>
      %dma_wait3A_537 = tpu.memref_squeeze %dma_wait3A_536 : memref<1x1x100xi32, #tpu.memory_space<vmem>> -> memref<100xi32, #tpu.memory_space<vmem>>
      %dma_wait3A_538 = arith.constant 0 : i32
      %dma_wait3A_539 = arith.constant 0 : i32
      %dma_wait3A_540 = tpu.memref_slice %arg3[%dma_wait3A_538, %dma_wait3A_539] : memref<100000x128xf32, #tpu.memory_space<hbm>> -> memref<100000x128xf32, #tpu.memory_space<hbm>>
      tpu.wait_indirect_dma semaphore(%arg14 : memref<!tpu.dma_semaphore, #tpu.memory_space<semaphore_mem>>) src(%dma_wait3A_540 : memref<100000x128xf32, #tpu.memory_space<hbm>>) dst(%dma_wait3A_534 : memref<100x128xf32, #tpu.memory_space<vmem>>)
      %add3A_541 = arith.addi %mul3A_2, %add3A_516 : i32
      %dma_wait3A_542 = arith.constant 0 : i32
      %dma_wait3A_543 = arith.constant 0 : i32
      %dma_wait3A_544 = arith.constant 0 : i32
      %dma_wait3A_545 = tpu.memref_slice %arg9[%dma_wait3A_542, %dma_wait3A_543, %dma_wait3A_544] : memref<3x200x128xf32, #tpu.memory_space<vmem>> -> memref<1x200x128xf32, #tpu.memory_space<vmem>>
      %dma_wait3A_546 = tpu.memref_squeeze %dma_wait3A_545 : memref<1x200x128xf32, #tpu.memory_space<vmem>> -> memref<200x128xf32, #tpu.memory_space<vmem>>
      %dma_wait3A_547 = arith.constant 0 : i32
      %dma_wait3A_548 = arith.constant 0 : i32
      %dma_wait3A_549 = tpu.memref_slice %arg7[%add3A_541, %dma_wait3A_547, %dma_wait3A_548] : memref<1024x200x128xf32, #tpu.memory_space<hbm>> -> memref<1x200x128xf32, #tpu.memory_space<hbm>>
      %dma_wait3A_550 = tpu.memref_squeeze %dma_wait3A_549 : memref<1x200x128xf32, #tpu.memory_space<hbm>> -> memref<200x128xf32, #tpu.memory_space<hbm>>
      %dma_wait3A_551 = arith.constant 0 : i32
      %dma_wait3A_552 = arith.constant 0 : i32
      %dma_wait3A_553 = tpu.memref_slice %arg7[%add3A_541, %dma_wait3A_551, %dma_wait3A_552] : memref<1024x200x128xf32, #tpu.memory_space<hbm>> -> memref<1x200x128xf32, #tpu.memory_space<hbm>>
      %dma_wait3A_554 = tpu.memref_squeeze %dma_wait3A_553 : memref<1x200x128xf32, #tpu.memory_space<hbm>> -> memref<200x128xf32, #tpu.memory_space<hbm>>
      %dma_wait3A_555 = arith.constant 0 : i32
      %dma_wait3A_556 = arith.constant 0 : i32
      %dma_wait3A_557 = tpu.memref_slice %arg9[%dma_wait3A_542, %dma_wait3A_555, %dma_wait3A_556] : memref<3x200x128xf32, #tpu.memory_space<vmem>> -> memref<1x200x128xf32, #tpu.memory_space<vmem>>
      %dma_wait3A_558 = tpu.memref_squeeze %dma_wait3A_557 : memref<1x200x128xf32, #tpu.memory_space<vmem>> -> memref<200x128xf32, #tpu.memory_space<vmem>>
      tpu.wait_dma2 semaphore(%arg15 : memref<!tpu.dma_semaphore, #tpu.memory_space<semaphore_mem>>) src(%dma_wait3A_558 : memref<200x128xf32, #tpu.memory_space<vmem>>) dst(%dma_wait3A_554 : memref<200x128xf32, #tpu.memory_space<hbm>>)
      %add3A_559 = arith.constant 1 : i32
      %add3A_560 = arith.addi %add3A_516, %add3A_559 : i32
      %dma_start3A_561 = arith.constant 0 : i32
      %dma_start3A_562 = arith.constant 0 : i32
      %dma_start3A_563 = arith.constant 0 : i32
      %dma_start3A_564 = arith.constant 0 : i32
      %dma_start3A_565 = tpu.memref_slice %arg9[%dma_start3A_562, %dma_start3A_563, %dma_start3A_564] : memref<3x200x128xf32, #tpu.memory_space<vmem>> -> memref<1x100x128xf32, #tpu.memory_space<vmem>>
      %dma_start3A_566 = tpu.memref_squeeze %dma_start3A_565 : memref<1x100x128xf32, #tpu.memory_space<vmem>> -> memref<100x128xf32, #tpu.memory_space<vmem>>
      %dma_start3A_567 = arith.constant 0 : i32
      %dma_start3A_568 = tpu.memref_slice %arg8[%add3A_560, %dma_start3A_561, %dma_start3A_567] : memref<32x2x100xi32, #tpu.memory_space<vmem>> -> memref<1x1x100xi32, #tpu.memory_space<vmem>>
      %dma_start3A_569 = tpu.memref_squeeze %dma_start3A_568 : memref<1x1x100xi32, #tpu.memory_space<vmem>> -> memref<100xi32, #tpu.memory_space<vmem>>
      %dma_start3A_570 = arith.constant 0 : i32
      %dma_start3A_571 = arith.constant 0 : i32
      %dma_start3A_572 = tpu.memref_slice %arg3[%dma_start3A_570, %dma_start3A_571] : memref<100000x128xf32, #tpu.memory_space<hbm>> -> memref<100000x128xf32, #tpu.memory_space<hbm>>
      tpu.enqueue_indirect_dma source(%dma_start3A_572 : memref<100000x128xf32, #tpu.memory_space<hbm>>) target(%dma_start3A_566 : memref<100x128xf32, #tpu.memory_space<vmem>>) offsets(%dma_start3A_569 : memref<100xi32, #tpu.memory_space<vmem>>) semaphore(%arg12 : memref<!tpu.dma_semaphore, #tpu.memory_space<semaphore_mem>>)
      %dma_start3A_573 = arith.constant 1 : i32
      %dma_start3A_574 = arith.constant 0 : i32
      %dma_start3A_575 = arith.constant 100 : i32
      %dma_start3A_576 = arith.constant 0 : i32
      %dma_start3A_577 = tpu.memref_slice %arg9[%dma_start3A_574, %dma_start3A_575, %dma_start3A_576] : memref<3x200x128xf32, #tpu.memory_space<vmem>> -> memref<1x100x128xf32, #tpu.memory_space<vmem>>
      %dma_start3A_578 = tpu.memref_squeeze %dma_start3A_577 : memref<1x100x128xf32, #tpu.memory_space<vmem>> -> memref<100x128xf32, #tpu.memory_space<vmem>>
      %dma_start3A_579 = arith.constant 0 : i32
      %dma_start3A_580 = tpu.memref_slice %arg8[%add3A_560, %dma_start3A_573, %dma_start3A_579] : memref<32x2x100xi32, #tpu.memory_space<vmem>> -> memref<1x1x100xi32, #tpu.memory_space<vmem>>
      %dma_start3A_581 = tpu.memref_squeeze %dma_start3A_580 : memref<1x1x100xi32, #tpu.memory_space<vmem>> -> memref<100xi32, #tpu.memory_space<vmem>>
      %dma_start3A_582 = arith.constant 0 : i32
      %dma_start3A_583 = arith.constant 0 : i32
      %dma_start3A_584 = tpu.memref_slice %arg3[%dma_start3A_582, %dma_start3A_583] : memref<100000x128xf32, #tpu.memory_space<hbm>> -> memref<100000x128xf32, #tpu.memory_space<hbm>>
      tpu.enqueue_indirect_dma source(%dma_start3A_584 : memref<100000x128xf32, #tpu.memory_space<hbm>>) target(%dma_start3A_578 : memref<100x128xf32, #tpu.memory_space<vmem>>) offsets(%dma_start3A_581 : memref<100xi32, #tpu.memory_space<vmem>>) semaphore(%arg12 : memref<!tpu.dma_semaphore, #tpu.memory_space<semaphore_mem>>)
      %parallel_loop3A_585 = arith.constant 0 : i32
      %parallel_loop3A_586 = arith.constant 200 : i32
      %parallel_loop3A_587 = arith.constant 1 : i32
      %parallel_loop3A_588 = arith.constant 2 : i32
      scf.for %parallel_loop3A_607 = %parallel_loop3A_585 to %parallel_loop3A_586 step %parallel_loop3A_587  : i32 {
        %parallel_loop3A_608 = arith.constant 0 : i32
        %parallel_loop3A_609 = arith.constant 0 : i32
        %parallel_loop3A_610 = tpu.memref_slice %arg9[%parallel_loop3A_588, %parallel_loop3A_608, %parallel_loop3A_609] : memref<3x200x128xf32, #tpu.memory_space<vmem>> -> memref<1x200x128xf32, #tpu.memory_space<vmem>>
        %parallel_loop3A_611 = tpu.memref_squeeze %parallel_loop3A_610 : memref<1x200x128xf32, #tpu.memory_space<vmem>> -> memref<200x128xf32, #tpu.memory_space<vmem>>
        %parallel_loop3A_612 = arith.index_cast %parallel_loop3A_607 : i32 to index
        %parallel_loop3A_613 = arith.constant 0 : index
        %parallel_loop3A_614 = tpu.vector_load %parallel_loop3A_611[%parallel_loop3A_612, %parallel_loop3A_613] {strides = array<i32>} : memref<200x128xf32, #tpu.memory_space<vmem>>, vector<1x16xf32>,
        %parallel_loop3A_615 = vector.shape_cast %parallel_loop3A_614 : vector<1x16xf32> to vector<16xf32>
        %parallel_loop3A_616 = arith.index_cast %parallel_loop3A_607 : i32 to index
        %parallel_loop3A_617 = arith.constant 0 : index
        %parallel_loop3A_618 = tpu.vector_load %arg10[%parallel_loop3A_616, %parallel_loop3A_617] {strides = array<i32>} : memref<200x128xf32, #tpu.memory_space<vmem>>, vector<1x16xf32>,
        %parallel_loop3A_619 = vector.shape_cast %parallel_loop3A_618 : vector<1x16xf32> to vector<16xf32>
        %parallel_loop3A_620 = arith.addf %parallel_loop3A_615, %parallel_loop3A_619 : vector<16xf32>
        %parallel_loop3A_621 = arith.constant 0 : i32
        %parallel_loop3A_622 = arith.constant 0 : i32
        %parallel_loop3A_623 = tpu.memref_slice %arg9[%parallel_loop3A_588, %parallel_loop3A_621, %parallel_loop3A_622] : memref<3x200x128xf32, #tpu.memory_space<vmem>> -> memref<1x200x128xf32, #tpu.memory_space<vmem>>
        %parallel_loop3A_624 = tpu.memref_squeeze %parallel_loop3A_623 : memref<1x200x128xf32, #tpu.memory_space<vmem>> -> memref<200x128xf32, #tpu.memory_space<vmem>>
        %parallel_loop3A_625 = arith.index_cast %parallel_loop3A_607 : i32 to index
        %parallel_loop3A_626 = arith.constant 16 : index
        %parallel_loop3A_627 = tpu.vector_load %parallel_loop3A_624[%parallel_loop3A_625, %parallel_loop3A_626] {strides = array<i32>} : memref<200x128xf32, #tpu.memory_space<vmem>>, vector<1x16xf32>,
        %parallel_loop3A_628 = vector.shape_cast %parallel_loop3A_627 : vector<1x16xf32> to vector<16xf32>
        %parallel_loop3A_629 = arith.index_cast %parallel_loop3A_607 : i32 to index
        %parallel_loop3A_630 = arith.constant 16 : index
        %parallel_loop3A_631 = tpu.vector_load %arg10[%parallel_loop3A_629, %parallel_loop3A_630] {strides = array<i32>} : memref<200x128xf32, #tpu.memory_space<vmem>>, vector<1x16xf32>,
        %parallel_loop3A_632 = vector.shape_cast %parallel_loop3A_631 : vector<1x16xf32> to vector<16xf32>
        %parallel_loop3A_633 = arith.addf %parallel_loop3A_628, %parallel_loop3A_632 : vector<16xf32>
        %parallel_loop3A_634 = arith.constant 0 : i32
        %parallel_loop3A_635 = arith.constant 0 : i32
        %parallel_loop3A_636 = tpu.memref_slice %arg9[%parallel_loop3A_588, %parallel_loop3A_634, %parallel_loop3A_635] : memref<3x200x128xf32, #tpu.memory_space<vmem>> -> memref<1x200x128xf32, #tpu.memory_space<vmem>>
        %parallel_loop3A_637 = tpu.memref_squeeze %parallel_loop3A_636 : memref<1x200x128xf32, #tpu.memory_space<vmem>> -> memref<200x128xf32, #tpu.memory_space<vmem>>
        %parallel_loop3A_638 = arith.index_cast %parallel_loop3A_607 : i32 to index
        %parallel_loop3A_639 = arith.constant 32 : index
        %parallel_loop3A_640 = tpu.vector_load %parallel_loop3A_637[%parallel_loop3A_638, %parallel_loop3A_639] {strides = array<i32>} : memref<200x128xf32, #tpu.memory_space<vmem>>, vector<1x16xf32>,
        %parallel_loop3A_641 = vector.shape_cast %parallel_loop3A_640 : vector<1x16xf32> to vector<16xf32>
        %parallel_loop3A_642 = arith.index_cast %parallel_loop3A_607 : i32 to index
        %parallel_loop3A_643 = arith.constant 32 : index
        %parallel_loop3A_644 = tpu.vector_load %arg10[%parallel_loop3A_642, %parallel_loop3A_643] {strides = array<i32>} : memref<200x128xf32, #tpu.memory_space<vmem>>, vector<1x16xf32>,
        %parallel_loop3A_645 = vector.shape_cast %parallel_loop3A_644 : vector<1x16xf32> to vector<16xf32>
        %parallel_loop3A_646 = arith.addf %parallel_loop3A_641, %parallel_loop3A_645 : vector<16xf32>
        %parallel_loop3A_647 = arith.constant 0 : i32
        %parallel_loop3A_648 = arith.constant 0 : i32
        %parallel_loop3A_649 = tpu.memref_slice %arg9[%parallel_loop3A_588, %parallel_loop3A_647, %parallel_loop3A_648] : memref<3x200x128xf32, #tpu.memory_space<vmem>> -> memref<1x200x128xf32, #tpu.memory_space<vmem>>
        %parallel_loop3A_650 = tpu.memref_squeeze %parallel_loop3A_649 : memref<1x200x128xf32, #tpu.memory_space<vmem>> -> memref<200x128xf32, #tpu.memory_space<vmem>>
        %parallel_loop3A_651 = arith.index_cast %parallel_loop3A_607 : i32 to index
        %parallel_loop3A_652 = arith.constant 48 : index
        %parallel_loop3A_653 = tpu.vector_load %parallel_loop3A_650[%parallel_loop3A_651, %parallel_loop3A_652] {strides = array<i32>} : memref<200x128xf32, #tpu.memory_space<vmem>>, vector<1x16xf32>,
        %parallel_loop3A_654 = vector.shape_cast %parallel_loop3A_653 : vector<1x16xf32> to vector<16xf32>
        %parallel_loop3A_655 = arith.index_cast %parallel_loop3A_607 : i32 to index
        %parallel_loop3A_656 = arith.constant 48 : index
        %parallel_loop3A_657 = tpu.vector_load %arg10[%parallel_loop3A_655, %parallel_loop3A_656] {strides = array<i32>} : memref<200x128xf32, #tpu.memory_space<vmem>>, vector<1x16xf32>,
        %parallel_loop3A_658 = vector.shape_cast %parallel_loop3A_657 : vector<1x16xf32> to vector<16xf32>
        %parallel_loop3A_659 = arith.addf %parallel_loop3A_654, %parallel_loop3A_658 : vector<16xf32>
        %parallel_loop3A_660 = arith.constant 0 : i32
        %parallel_loop3A_661 = arith.constant 0 : i32
        %parallel_loop3A_662 = tpu.memref_slice %arg9[%parallel_loop3A_588, %parallel_loop3A_660, %parallel_loop3A_661] : memref<3x200x128xf32, #tpu.memory_space<vmem>> -> memref<1x200x128xf32, #tpu.memory_space<vmem>>
        %parallel_loop3A_663 = tpu.memref_squeeze %parallel_loop3A_662 : memref<1x200x128xf32, #tpu.memory_space<vmem>> -> memref<200x128xf32, #tpu.memory_space<vmem>>
        %parallel_loop3A_664 = arith.index_cast %parallel_loop3A_607 : i32 to index
        %parallel_loop3A_665 = arith.constant 64 : index
        %parallel_loop3A_666 = tpu.vector_load %parallel_loop3A_663[%parallel_loop3A_664, %parallel_loop3A_665] {strides = array<i32>} : memref<200x128xf32, #tpu.memory_space<vmem>>, vector<1x16xf32>,
        %parallel_loop3A_667 = vector.shape_cast %parallel_loop3A_666 : vector<1x16xf32> to vector<16xf32>
        %parallel_loop3A_668 = arith.index_cast %parallel_loop3A_607 : i32 to index
        %parallel_loop3A_669 = arith.constant 64 : index
        %parallel_loop3A_670 = tpu.vector_load %arg10[%parallel_loop3A_668, %parallel_loop3A_669] {strides = array<i32>} : memref<200x128xf32, #tpu.memory_space<vmem>>, vector<1x16xf32>,
        %parallel_loop3A_671 = vector.shape_cast %parallel_loop3A_670 : vector<1x16xf32> to vector<16xf32>
        %parallel_loop3A_672 = arith.addf %parallel_loop3A_667, %parallel_loop3A_671 : vector<16xf32>
        %parallel_loop3A_673 = arith.constant 0 : i32
        %parallel_loop3A_674 = arith.constant 0 : i32
        %parallel_loop3A_675 = tpu.memref_slice %arg9[%parallel_loop3A_588, %parallel_loop3A_673, %parallel_loop3A_674] : memref<3x200x128xf32, #tpu.memory_space<vmem>> -> memref<1x200x128xf32, #tpu.memory_space<vmem>>
        %parallel_loop3A_676 = tpu.memref_squeeze %parallel_loop3A_675 : memref<1x200x128xf32, #tpu.memory_space<vmem>> -> memref<200x128xf32, #tpu.memory_space<vmem>>
        %parallel_loop3A_677 = arith.index_cast %parallel_loop3A_607 : i32 to index
        %parallel_loop3A_678 = arith.constant 80 : index
        %parallel_loop3A_679 = tpu.vector_load %parallel_loop3A_676[%parallel_loop3A_677, %parallel_loop3A_678] {strides = array<i32>} : memref<200x128xf32, #tpu.memory_space<vmem>>, vector<1x16xf32>,
        %parallel_loop3A_680 = vector.shape_cast %parallel_loop3A_679 : vector<1x16xf32> to vector<16xf32>
        %parallel_loop3A_681 = arith.index_cast %parallel_loop3A_607 : i32 to index
        %parallel_loop3A_682 = arith.constant 80 : index
        %parallel_loop3A_683 = tpu.vector_load %arg10[%parallel_loop3A_681, %parallel_loop3A_682] {strides = array<i32>} : memref<200x128xf32, #tpu.memory_space<vmem>>, vector<1x16xf32>,
        %parallel_loop3A_684 = vector.shape_cast %parallel_loop3A_683 : vector<1x16xf32> to vector<16xf32>
        %parallel_loop3A_685 = arith.addf %parallel_loop3A_680, %parallel_loop3A_684 : vector<16xf32>
        %parallel_loop3A_686 = arith.constant 0 : i32
        %parallel_loop3A_687 = arith.constant 0 : i32
        %parallel_loop3A_688 = tpu.memref_slice %arg9[%parallel_loop3A_588, %parallel_loop3A_686, %parallel_loop3A_687] : memref<3x200x128xf32, #tpu.memory_space<vmem>> -> memref<1x200x128xf32, #tpu.memory_space<vmem>>
        %parallel_loop3A_689 = tpu.memref_squeeze %parallel_loop3A_688 : memref<1x200x128xf32, #tpu.memory_space<vmem>> -> memref<200x128xf32, #tpu.memory_space<vmem>>
        %parallel_loop3A_690 = arith.index_cast %parallel_loop3A_607 : i32 to index
        %parallel_loop3A_691 = arith.constant 96 : index
        %parallel_loop3A_692 = tpu.vector_load %parallel_loop3A_689[%parallel_loop3A_690, %parallel_loop3A_691] {strides = array<i32>} : memref<200x128xf32, #tpu.memory_space<vmem>>, vector<1x16xf32>,
        %parallel_loop3A_693 = vector.shape_cast %parallel_loop3A_692 : vector<1x16xf32> to vector<16xf32>
        %parallel_loop3A_694 = arith.index_cast %parallel_loop3A_607 : i32 to index
        %parallel_loop3A_695 = arith.constant 96 : index
        %parallel_loop3A_696 = tpu.vector_load %arg10[%parallel_loop3A_694, %parallel_loop3A_695] {strides = array<i32>} : memref<200x128xf32, #tpu.memory_space<vmem>>, vector<1x16xf32>,
        %parallel_loop3A_697 = vector.shape_cast %parallel_loop3A_696 : vector<1x16xf32> to vector<16xf32>
        %parallel_loop3A_698 = arith.addf %parallel_loop3A_693, %parallel_loop3A_697 : vector<16xf32>
        %parallel_loop3A_699 = arith.constant 0 : i32
        %parallel_loop3A_700 = arith.constant 0 : i32
        %parallel_loop3A_701 = tpu.memref_slice %arg9[%parallel_loop3A_588, %parallel_loop3A_699, %parallel_loop3A_700] : memref<3x200x128xf32, #tpu.memory_space<vmem>> -> memref<1x200x128xf32, #tpu.memory_space<vmem>>
        %parallel_loop3A_702 = tpu.memref_squeeze %parallel_loop3A_701 : memref<1x200x128xf32, #tpu.memory_space<vmem>> -> memref<200x128xf32, #tpu.memory_space<vmem>>
        %parallel_loop3A_703 = arith.index_cast %parallel_loop3A_607 : i32 to index
        %parallel_loop3A_704 = arith.constant 112 : index
        %parallel_loop3A_705 = tpu.vector_load %parallel_loop3A_702[%parallel_loop3A_703, %parallel_loop3A_704] {strides = array<i32>} : memref<200x128xf32, #tpu.memory_space<vmem>>, vector<1x16xf32>,
        %parallel_loop3A_706 = vector.shape_cast %parallel_loop3A_705 : vector<1x16xf32> to vector<16xf32>
        %parallel_loop3A_707 = arith.index_cast %parallel_loop3A_607 : i32 to index
        %parallel_loop3A_708 = arith.constant 112 : index
        %parallel_loop3A_709 = tpu.vector_load %arg10[%parallel_loop3A_707, %parallel_loop3A_708] {strides = array<i32>} : memref<200x128xf32, #tpu.memory_space<vmem>>, vector<1x16xf32>,
        %parallel_loop3A_710 = vector.shape_cast %parallel_loop3A_709 : vector<1x16xf32> to vector<16xf32>
        %parallel_loop3A_711 = arith.addf %parallel_loop3A_706, %parallel_loop3A_710 : vector<16xf32>
        %parallel_loop3A_712 = arith.mulf %parallel_loop3A_620, %parallel_loop3A_620 : vector<16xf32>
        %parallel_loop3A_713 = arith.addf %parallel_loop3A_620, %parallel_loop3A_633 : vector<16xf32>
        %parallel_loop3A_714 = arith.mulf %parallel_loop3A_633, %parallel_loop3A_633 : vector<16xf32>
        %parallel_loop3A_715 = arith.addf %parallel_loop3A_712, %parallel_loop3A_714 : vector<16xf32>
        %parallel_loop3A_716 = arith.addf %parallel_loop3A_713, %parallel_loop3A_646 : vector<16xf32>
        %parallel_loop3A_717 = arith.mulf %parallel_loop3A_646, %parallel_loop3A_646 : vector<16xf32>
        %parallel_loop3A_718 = arith.addf %parallel_loop3A_715, %parallel_loop3A_717 : vector<16xf32>
        %parallel_loop3A_719 = arith.addf %parallel_loop3A_716, %parallel_loop3A_659 : vector<16xf32>
        %parallel_loop3A_720 = arith.mulf %parallel_loop3A_659, %parallel_loop3A_659 : vector<16xf32>
        %parallel_loop3A_721 = arith.addf %parallel_loop3A_718, %parallel_loop3A_720 : vector<16xf32>
        %parallel_loop3A_722 = arith.addf %parallel_loop3A_719, %parallel_loop3A_672 : vector<16xf32>
        %parallel_loop3A_723 = arith.mulf %parallel_loop3A_672, %parallel_loop3A_672 : vector<16xf32>
        %parallel_loop3A_724 = arith.addf %parallel_loop3A_721, %parallel_loop3A_723 : vector<16xf32>
        %parallel_loop3A_725 = arith.addf %parallel_loop3A_722, %parallel_loop3A_685 : vector<16xf32>
        %parallel_loop3A_726 = arith.mulf %parallel_loop3A_685, %parallel_loop3A_685 : vector<16xf32>
        %parallel_loop3A_727 = arith.addf %parallel_loop3A_724, %parallel_loop3A_726 : vector<16xf32>
        %parallel_loop3A_728 = arith.addf %parallel_loop3A_725, %parallel_loop3A_698 : vector<16xf32>
        %parallel_loop3A_729 = arith.mulf %parallel_loop3A_698, %parallel_loop3A_698 : vector<16xf32>
        %parallel_loop3A_730 = arith.addf %parallel_loop3A_727, %parallel_loop3A_729 : vector<16xf32>
        %parallel_loop3A_731 = arith.addf %parallel_loop3A_728, %parallel_loop3A_711 : vector<16xf32>
        %parallel_loop3A_732 = arith.mulf %parallel_loop3A_711, %parallel_loop3A_711 : vector<16xf32>
        %parallel_loop3A_733 = arith.addf %parallel_loop3A_730, %parallel_loop3A_732 : vector<16xf32>
        %parallel_loop3A_734 = vector.shape_cast %and3A_87 : vector<16xi32> to vector<16x1xi32>
        %parallel_loop3A_735 = vector.shape_cast %parallel_loop3A_734 : vector<16x1xi32> to vector<16xi32>
        %parallel_loop3A_736 = tpu.dynamic_gather %parallel_loop3A_731[%parallel_loop3A_735] in [0] : vector<16xf32>, vector<16xi32> -> vector<16xf32>
        %parallel_loop3A_737 = arith.addf %parallel_loop3A_731, %parallel_loop3A_736 : vector<16xf32>
        %parallel_loop3A_738 = vector.shape_cast %and3A_87 : vector<16xi32> to vector<16x1xi32>
        %parallel_loop3A_739 = vector.shape_cast %parallel_loop3A_738 : vector<16x1xi32> to vector<16xi32>
        %parallel_loop3A_740 = tpu.dynamic_gather %parallel_loop3A_733[%parallel_loop3A_739] in [0] : vector<16xf32>, vector<16xi32> -> vector<16xf32>
        %parallel_loop3A_741 = arith.addf %parallel_loop3A_733, %parallel_loop3A_740 : vector<16xf32>
        %parallel_loop3A_742 = arith.select %lt3A_89, %parallel_loop3A_737, %parallel_loop3A_741 : vector<16xi1>, vector<16xf32>
        %parallel_loop3A_743 = vector.shape_cast %or3A : vector<16xi32> to vector<16x1xi32>
        %parallel_loop3A_744 = vector.shape_cast %parallel_loop3A_743 : vector<16x1xi32> to vector<16xi32>
        %parallel_loop3A_745 = tpu.dynamic_gather %parallel_loop3A_742[%parallel_loop3A_744] in [0] : vector<16xf32>, vector<16xi32> -> vector<16xf32>
        %parallel_loop3A_746 = arith.addf %parallel_loop3A_742, %parallel_loop3A_745 : vector<16xf32>
        %parallel_loop3A_747 = vector.shape_cast %or3A_108 : vector<16xi32> to vector<16x1xi32>
        %parallel_loop3A_748 = vector.shape_cast %parallel_loop3A_747 : vector<16x1xi32> to vector<16xi32>
        %parallel_loop3A_749 = tpu.dynamic_gather %parallel_loop3A_746[%parallel_loop3A_748] in [0] : vector<16xf32>, vector<16xi32> -> vector<16xf32>
        %parallel_loop3A_750 = arith.addf %parallel_loop3A_746, %parallel_loop3A_749 : vector<16xf32>
        %parallel_loop3A_751 = vector.shape_cast %or3A_118 : vector<16xi32> to vector<16x1xi32>
        %parallel_loop3A_752 = vector.shape_cast %parallel_loop3A_751 : vector<16x1xi32> to vector<16xi32>
        %parallel_loop3A_753 = tpu.dynamic_gather %parallel_loop3A_750[%parallel_loop3A_752] in [0] : vector<16xf32>, vector<16xi32> -> vector<16xf32>
        %parallel_loop3A_754 = arith.addf %parallel_loop3A_750, %parallel_loop3A_753 : vector<16xf32>
        %parallel_loop3A_755 = arith.constant 7.812500e-03 : f32
        %parallel_loop3A_756 = vector.broadcast %parallel_loop3A_755 : f32 to vector<16xf32>
        %parallel_loop3A_757 = arith.mulf %parallel_loop3A_754, %parallel_loop3A_756 : vector<16xf32>
        %parallel_loop3A_758 = vector.shape_cast %and3A_121 : vector<16xi32> to vector<16x1xi32>
        %parallel_loop3A_759 = vector.shape_cast %parallel_loop3A_758 : vector<16x1xi32> to vector<16xi32>
        %parallel_loop3A_760 = tpu.dynamic_gather %parallel_loop3A_757[%parallel_loop3A_759] in [0] : vector<16xf32>, vector<16xi32> -> vector<16xf32>
        %parallel_loop3A_761 = vector.shape_cast %or3A_124 : vector<16xi32> to vector<16x1xi32>
        %parallel_loop3A_762 = vector.shape_cast %parallel_loop3A_761 : vector<16x1xi32> to vector<16xi32>
        %parallel_loop3A_763 = tpu.dynamic_gather %parallel_loop3A_757[%parallel_loop3A_762] in [0] : vector<16xf32>, vector<16xi32> -> vector<16xf32>
        %parallel_loop3A_764 = arith.mulf %parallel_loop3A_760, %parallel_loop3A_760 : vector<16xf32>
        %parallel_loop3A_765 = arith.subf %parallel_loop3A_763, %parallel_loop3A_764 : vector<16xf32>
        %parallel_loop3A_766 = arith.constant 9.99999996E-13 : f32
        %parallel_loop3A_767 = vector.broadcast %parallel_loop3A_766 : f32 to vector<16xf32>
        %parallel_loop3A_768 = arith.addf %parallel_loop3A_765, %parallel_loop3A_767 : vector<16xf32>
        %parallel_loop3A_769 = tpu.bitcast %parallel_loop3A_768 : vector<16xf32> -> vector<16xi32>
        %parallel_loop3A_770 = arith.constant 1 : i32
        %parallel_loop3A_771 = vector.broadcast %parallel_loop3A_770 : i32 to vector<16xi32>
        %parallel_loop3A_772 = arith.shrsi %parallel_loop3A_769, %parallel_loop3A_771 : vector<16xi32>
        %parallel_loop3A_773 = arith.constant 1597463007 : i32
        %parallel_loop3A_774 = vector.broadcast %parallel_loop3A_773 : i32 to vector<16xi32>
        %parallel_loop3A_775 = arith.subi %parallel_loop3A_774, %parallel_loop3A_772 : vector<16xi32>
        %parallel_loop3A_776 = tpu.bitcast %parallel_loop3A_775 : vector<16xi32> -> vector<16xf32>
        %parallel_loop3A_777 = arith.constant 5.000000e-01 : f32
        %parallel_loop3A_778 = vector.broadcast %parallel_loop3A_777 : f32 to vector<16xf32>
        %parallel_loop3A_779 = arith.mulf %parallel_loop3A_778, %parallel_loop3A_768 : vector<16xf32>
        %parallel_loop3A_780 = arith.mulf %parallel_loop3A_779, %parallel_loop3A_776 : vector<16xf32>
        %parallel_loop3A_781 = arith.mulf %parallel_loop3A_780, %parallel_loop3A_776 : vector<16xf32>
        %parallel_loop3A_782 = arith.constant 1.500000e+00 : f32
        %parallel_loop3A_783 = vector.broadcast %parallel_loop3A_782 : f32 to vector<16xf32>
        %parallel_loop3A_784 = arith.subf %parallel_loop3A_783, %parallel_loop3A_781 : vector<16xf32>
        %parallel_loop3A_785 = arith.mulf %parallel_loop3A_776, %parallel_loop3A_784 : vector<16xf32>
        %parallel_loop3A_786 = arith.subf %parallel_loop3A_620, %parallel_loop3A_760 : vector<16xf32>
        %parallel_loop3A_787 = arith.subf %parallel_loop3A_633, %parallel_loop3A_760 : vector<16xf32>
        %parallel_loop3A_788 = arith.subf %parallel_loop3A_646, %parallel_loop3A_760 : vector<16xf32>
        %parallel_loop3A_789 = arith.subf %parallel_loop3A_659, %parallel_loop3A_760 : vector<16xf32>
        %parallel_loop3A_790 = arith.subf %parallel_loop3A_672, %parallel_loop3A_760 : vector<16xf32>
        %parallel_loop3A_791 = arith.subf %parallel_loop3A_685, %parallel_loop3A_760 : vector<16xf32>
        %parallel_loop3A_792 = arith.subf %parallel_loop3A_698, %parallel_loop3A_760 : vector<16xf32>
        %parallel_loop3A_793 = arith.subf %parallel_loop3A_711, %parallel_loop3A_760 : vector<16xf32>
        %parallel_loop3A_794 = arith.mulf %get3A_7, %parallel_loop3A_785 : vector<16xf32>
        %parallel_loop3A_795 = arith.mulf %get3A_12, %parallel_loop3A_785 : vector<16xf32>
        %parallel_loop3A_796 = arith.mulf %get3A_17, %parallel_loop3A_785 : vector<16xf32>
        %parallel_loop3A_797 = arith.mulf %get3A_22, %parallel_loop3A_785 : vector<16xf32>
        %parallel_loop3A_798 = arith.mulf %get3A_27, %parallel_loop3A_785 : vector<16xf32>
        %parallel_loop3A_799 = arith.mulf %get3A_32, %parallel_loop3A_785 : vector<16xf32>
        %parallel_loop3A_800 = arith.mulf %get3A_37, %parallel_loop3A_785 : vector<16xf32>
        %parallel_loop3A_801 = arith.mulf %get3A_42, %parallel_loop3A_785 : vector<16xf32>
        %parallel_loop3A_802 = arith.mulf %parallel_loop3A_786, %parallel_loop3A_794 : vector<16xf32>
        %parallel_loop3A_803 = arith.addf %parallel_loop3A_802, %get3A_47 : vector<16xf32>
        %parallel_loop3A_804 = arith.constant 0 : i32
        %parallel_loop3A_805 = arith.constant 0 : i32
        %parallel_loop3A_806 = tpu.memref_slice %arg9[%parallel_loop3A_588, %parallel_loop3A_804, %parallel_loop3A_805] : memref<3x200x128xf32, #tpu.memory_space<vmem>> -> memref<1x200x128xf32, #tpu.memory_space<vmem>>
        %parallel_loop3A_807 = tpu.memref_squeeze %parallel_loop3A_806 : memref<1x200x128xf32, #tpu.memory_space<vmem>> -> memref<200x128xf32, #tpu.memory_space<vmem>>
        %parallel_loop3A_808 = arith.index_cast %parallel_loop3A_607 : i32 to index
        %parallel_loop3A_809 = arith.constant 0 : index
        %parallel_loop3A_810 = tpu.vector_load %parallel_loop3A_807[%parallel_loop3A_808, %parallel_loop3A_809] {strides = array<i32>} : memref<200x128xf32, #tpu.memory_space<vmem>>, vector<1x16xf32>,
        %parallel_loop3A_811 = vector.shape_cast %parallel_loop3A_810 : vector<1x16xf32> to vector<16xf32>
        %parallel_loop3A_812 = vector.shape_cast %parallel_loop3A_803 : vector<16xf32> to vector<1x16xf32>
        tpu.vector_store %parallel_loop3A_807[%parallel_loop3A_808, %parallel_loop3A_809], %parallel_loop3A_812 {strides = array<i32>} : memref<200x128xf32, #tpu.memory_space<vmem>>, vector<1x16xf32>,
        %parallel_loop3A_813 = arith.mulf %parallel_loop3A_787, %parallel_loop3A_795 : vector<16xf32>
        %parallel_loop3A_814 = arith.addf %parallel_loop3A_813, %get3A_52 : vector<16xf32>
        %parallel_loop3A_815 = arith.constant 0 : i32
        %parallel_loop3A_816 = arith.constant 0 : i32
        %parallel_loop3A_817 = tpu.memref_slice %arg9[%parallel_loop3A_588, %parallel_loop3A_815, %parallel_loop3A_816] : memref<3x200x128xf32, #tpu.memory_space<vmem>> -> memref<1x200x128xf32, #tpu.memory_space<vmem>>
        %parallel_loop3A_818 = tpu.memref_squeeze %parallel_loop3A_817 : memref<1x200x128xf32, #tpu.memory_space<vmem>> -> memref<200x128xf32, #tpu.memory_space<vmem>>
        %parallel_loop3A_819 = arith.index_cast %parallel_loop3A_607 : i32 to index
        %parallel_loop3A_820 = arith.constant 16 : index
        %parallel_loop3A_821 = tpu.vector_load %parallel_loop3A_818[%parallel_loop3A_819, %parallel_loop3A_820] {strides = array<i32>} : memref<200x128xf32, #tpu.memory_space<vmem>>, vector<1x16xf32>,
        %parallel_loop3A_822 = vector.shape_cast %parallel_loop3A_821 : vector<1x16xf32> to vector<16xf32>
        %parallel_loop3A_823 = vector.shape_cast %parallel_loop3A_814 : vector<16xf32> to vector<1x16xf32>
        tpu.vector_store %parallel_loop3A_818[%parallel_loop3A_819, %parallel_loop3A_820], %parallel_loop3A_823 {strides = array<i32>} : memref<200x128xf32, #tpu.memory_space<vmem>>, vector<1x16xf32>,
        %parallel_loop3A_824 = arith.mulf %parallel_loop3A_788, %parallel_loop3A_796 : vector<16xf32>
        %parallel_loop3A_825 = arith.addf %parallel_loop3A_824, %get3A_57 : vector<16xf32>
        %parallel_loop3A_826 = arith.constant 0 : i32
        %parallel_loop3A_827 = arith.constant 0 : i32
        %parallel_loop3A_828 = tpu.memref_slice %arg9[%parallel_loop3A_588, %parallel_loop3A_826, %parallel_loop3A_827] : memref<3x200x128xf32, #tpu.memory_space<vmem>> -> memref<1x200x128xf32, #tpu.memory_space<vmem>>
        %parallel_loop3A_829 = tpu.memref_squeeze %parallel_loop3A_828 : memref<1x200x128xf32, #tpu.memory_space<vmem>> -> memref<200x128xf32, #tpu.memory_space<vmem>>
        %parallel_loop3A_830 = arith.index_cast %parallel_loop3A_607 : i32 to index
        %parallel_loop3A_831 = arith.constant 32 : index
        %parallel_loop3A_832 = tpu.vector_load %parallel_loop3A_829[%parallel_loop3A_830, %parallel_loop3A_831] {strides = array<i32>} : memref<200x128xf32, #tpu.memory_space<vmem>>, vector<1x16xf32>,
        %parallel_loop3A_833 = vector.shape_cast %parallel_loop3A_832 : vector<1x16xf32> to vector<16xf32>
        %parallel_loop3A_834 = vector.shape_cast %parallel_loop3A_825 : vector<16xf32> to vector<1x16xf32>
        tpu.vector_store %parallel_loop3A_829[%parallel_loop3A_830, %parallel_loop3A_831], %parallel_loop3A_834 {strides = array<i32>} : memref<200x128xf32, #tpu.memory_space<vmem>>, vector<1x16xf32>,
        %parallel_loop3A_835 = arith.mulf %parallel_loop3A_789, %parallel_loop3A_797 : vector<16xf32>
        %parallel_loop3A_836 = arith.addf %parallel_loop3A_835, %get3A_62 : vector<16xf32>
        %parallel_loop3A_837 = arith.constant 0 : i32
        %parallel_loop3A_838 = arith.constant 0 : i32
        %parallel_loop3A_839 = tpu.memref_slice %arg9[%parallel_loop3A_588, %parallel_loop3A_837, %parallel_loop3A_838] : memref<3x200x128xf32, #tpu.memory_space<vmem>> -> memref<1x200x128xf32, #tpu.memory_space<vmem>>
        %parallel_loop3A_840 = tpu.memref_squeeze %parallel_loop3A_839 : memref<1x200x128xf32, #tpu.memory_space<vmem>> -> memref<200x128xf32, #tpu.memory_space<vmem>>
        %parallel_loop3A_841 = arith.index_cast %parallel_loop3A_607 : i32 to index
        %parallel_loop3A_842 = arith.constant 48 : index
        %parallel_loop3A_843 = tpu.vector_load %parallel_loop3A_840[%parallel_loop3A_841, %parallel_loop3A_842] {strides = array<i32>} : memref<200x128xf32, #tpu.memory_space<vmem>>, vector<1x16xf32>,
        %parallel_loop3A_844 = vector.shape_cast %parallel_loop3A_843 : vector<1x16xf32> to vector<16xf32>
        %parallel_loop3A_845 = vector.shape_cast %parallel_loop3A_836 : vector<16xf32> to vector<1x16xf32>
        tpu.vector_store %parallel_loop3A_840[%parallel_loop3A_841, %parallel_loop3A_842], %parallel_loop3A_845 {strides = array<i32>} : memref<200x128xf32, #tpu.memory_space<vmem>>, vector<1x16xf32>,
        %parallel_loop3A_846 = arith.mulf %parallel_loop3A_790, %parallel_loop3A_798 : vector<16xf32>
        %parallel_loop3A_847 = arith.addf %parallel_loop3A_846, %get3A_67 : vector<16xf32>
        %parallel_loop3A_848 = arith.constant 0 : i32
        %parallel_loop3A_849 = arith.constant 0 : i32
        %parallel_loop3A_850 = tpu.memref_slice %arg9[%parallel_loop3A_588, %parallel_loop3A_848, %parallel_loop3A_849] : memref<3x200x128xf32, #tpu.memory_space<vmem>> -> memref<1x200x128xf32, #tpu.memory_space<vmem>>
        %parallel_loop3A_851 = tpu.memref_squeeze %parallel_loop3A_850 : memref<1x200x128xf32, #tpu.memory_space<vmem>> -> memref<200x128xf32, #tpu.memory_space<vmem>>
        %parallel_loop3A_852 = arith.index_cast %parallel_loop3A_607 : i32 to index
        %parallel_loop3A_853 = arith.constant 64 : index
        %parallel_loop3A_854 = tpu.vector_load %parallel_loop3A_851[%parallel_loop3A_852, %parallel_loop3A_853] {strides = array<i32>} : memref<200x128xf32, #tpu.memory_space<vmem>>, vector<1x16xf32>,
        %parallel_loop3A_855 = vector.shape_cast %parallel_loop3A_854 : vector<1x16xf32> to vector<16xf32>
        %parallel_loop3A_856 = vector.shape_cast %parallel_loop3A_847 : vector<16xf32> to vector<1x16xf32>
        tpu.vector_store %parallel_loop3A_851[%parallel_loop3A_852, %parallel_loop3A_853], %parallel_loop3A_856 {strides = array<i32>} : memref<200x128xf32, #tpu.memory_space<vmem>>, vector<1x16xf32>,
        %parallel_loop3A_857 = arith.mulf %parallel_loop3A_791, %parallel_loop3A_799 : vector<16xf32>
        %parallel_loop3A_858 = arith.addf %parallel_loop3A_857, %get3A_72 : vector<16xf32>
        %parallel_loop3A_859 = arith.constant 0 : i32
        %parallel_loop3A_860 = arith.constant 0 : i32
        %parallel_loop3A_861 = tpu.memref_slice %arg9[%parallel_loop3A_588, %parallel_loop3A_859, %parallel_loop3A_860] : memref<3x200x128xf32, #tpu.memory_space<vmem>> -> memref<1x200x128xf32, #tpu.memory_space<vmem>>
        %parallel_loop3A_862 = tpu.memref_squeeze %parallel_loop3A_861 : memref<1x200x128xf32, #tpu.memory_space<vmem>> -> memref<200x128xf32, #tpu.memory_space<vmem>>
        %parallel_loop3A_863 = arith.index_cast %parallel_loop3A_607 : i32 to index
        %parallel_loop3A_864 = arith.constant 80 : index
        %parallel_loop3A_865 = tpu.vector_load %parallel_loop3A_862[%parallel_loop3A_863, %parallel_loop3A_864] {strides = array<i32>} : memref<200x128xf32, #tpu.memory_space<vmem>>, vector<1x16xf32>,
        %parallel_loop3A_866 = vector.shape_cast %parallel_loop3A_865 : vector<1x16xf32> to vector<16xf32>
        %parallel_loop3A_867 = vector.shape_cast %parallel_loop3A_858 : vector<16xf32> to vector<1x16xf32>
        tpu.vector_store %parallel_loop3A_862[%parallel_loop3A_863, %parallel_loop3A_864], %parallel_loop3A_867 {strides = array<i32>} : memref<200x128xf32, #tpu.memory_space<vmem>>, vector<1x16xf32>,
        %parallel_loop3A_868 = arith.mulf %parallel_loop3A_792, %parallel_loop3A_800 : vector<16xf32>
        %parallel_loop3A_869 = arith.addf %parallel_loop3A_868, %get3A_77 : vector<16xf32>
        %parallel_loop3A_870 = arith.constant 0 : i32
        %parallel_loop3A_871 = arith.constant 0 : i32
        %parallel_loop3A_872 = tpu.memref_slice %arg9[%parallel_loop3A_588, %parallel_loop3A_870, %parallel_loop3A_871] : memref<3x200x128xf32, #tpu.memory_space<vmem>> -> memref<1x200x128xf32, #tpu.memory_space<vmem>>
        %parallel_loop3A_873 = tpu.memref_squeeze %parallel_loop3A_872 : memref<1x200x128xf32, #tpu.memory_space<vmem>> -> memref<200x128xf32, #tpu.memory_space<vmem>>
        %parallel_loop3A_874 = arith.index_cast %parallel_loop3A_607 : i32 to index
        %parallel_loop3A_875 = arith.constant 96 : index
        %parallel_loop3A_876 = tpu.vector_load %parallel_loop3A_873[%parallel_loop3A_874, %parallel_loop3A_875] {strides = array<i32>} : memref<200x128xf32, #tpu.memory_space<vmem>>, vector<1x16xf32>,
        %parallel_loop3A_877 = vector.shape_cast %parallel_loop3A_876 : vector<1x16xf32> to vector<16xf32>
        %parallel_loop3A_878 = vector.shape_cast %parallel_loop3A_869 : vector<16xf32> to vector<1x16xf32>
        tpu.vector_store %parallel_loop3A_873[%parallel_loop3A_874, %parallel_loop3A_875], %parallel_loop3A_878 {strides = array<i32>} : memref<200x128xf32, #tpu.memory_space<vmem>>, vector<1x16xf32>,
        %parallel_loop3A_879 = arith.mulf %parallel_loop3A_793, %parallel_loop3A_801 : vector<16xf32>
        %parallel_loop3A_880 = arith.addf %parallel_loop3A_879, %get3A_82 : vector<16xf32>
        %parallel_loop3A_881 = arith.constant 0 : i32
        %parallel_loop3A_882 = arith.constant 0 : i32
        %parallel_loop3A_883 = tpu.memref_slice %arg9[%parallel_loop3A_588, %parallel_loop3A_881, %parallel_loop3A_882] : memref<3x200x128xf32, #tpu.memory_space<vmem>> -> memref<1x200x128xf32, #tpu.memory_space<vmem>>
        %parallel_loop3A_884 = tpu.memref_squeeze %parallel_loop3A_883 : memref<1x200x128xf32, #tpu.memory_space<vmem>> -> memref<200x128xf32, #tpu.memory_space<vmem>>
        %parallel_loop3A_885 = arith.index_cast %parallel_loop3A_607 : i32 to index
        %parallel_loop3A_886 = arith.constant 112 : index
        %parallel_loop3A_887 = tpu.vector_load %parallel_loop3A_884[%parallel_loop3A_885, %parallel_loop3A_886] {strides = array<i32>} : memref<200x128xf32, #tpu.memory_space<vmem>>, vector<1x16xf32>,
        %parallel_loop3A_888 = vector.shape_cast %parallel_loop3A_887 : vector<1x16xf32> to vector<16xf32>
        %parallel_loop3A_889 = vector.shape_cast %parallel_loop3A_880 : vector<16xf32> to vector<1x16xf32>
        tpu.vector_store %parallel_loop3A_884[%parallel_loop3A_885, %parallel_loop3A_886], %parallel_loop3A_889 {strides = array<i32>} : memref<200x128xf32, #tpu.memory_space<vmem>>, vector<1x16xf32>,
      } {sc.loop_unroll_factor = 1 : i64, sc.parallel_access}
      %add3A_589 = arith.addi %mul3A_2, %add3A_516 : i32
      %dma_start3A_590 = arith.constant 2 : i32
      %dma_start3A_591 = arith.constant 0 : i32
      %dma_start3A_592 = arith.constant 0 : i32
      %dma_start3A_593 = tpu.memref_slice %arg9[%dma_start3A_590, %dma_start3A_591, %dma_start3A_592] : memref<3x200x128xf32, #tpu.memory_space<vmem>> -> memref<1x200x128xf32, #tpu.memory_space<vmem>>
      %dma_start3A_594 = tpu.memref_squeeze %dma_start3A_593 : memref<1x200x128xf32, #tpu.memory_space<vmem>> -> memref<200x128xf32, #tpu.memory_space<vmem>>
      %dma_start3A_595 = arith.constant 0 : i32
      %dma_start3A_596 = arith.constant 0 : i32
      %dma_start3A_597 = tpu.memref_slice %arg7[%add3A_589, %dma_start3A_595, %dma_start3A_596] : memref<1024x200x128xf32, #tpu.memory_space<hbm>> -> memref<1x200x128xf32, #tpu.memory_space<hbm>>
      %dma_start3A_598 = tpu.memref_squeeze %dma_start3A_597 : memref<1x200x128xf32, #tpu.memory_space<hbm>> -> memref<200x128xf32, #tpu.memory_space<hbm>>
      %dma_start3A_599 = arith.constant 0 : i32
      %dma_start3A_600 = arith.constant 0 : i32
      %dma_start3A_601 = tpu.memref_slice %arg7[%add3A_589, %dma_start3A_599, %dma_start3A_600] : memref<1024x200x128xf32, #tpu.memory_space<hbm>> -> memref<1x200x128xf32, #tpu.memory_space<hbm>>
      %dma_start3A_602 = tpu.memref_squeeze %dma_start3A_601 : memref<1x200x128xf32, #tpu.memory_space<hbm>> -> memref<200x128xf32, #tpu.memory_space<hbm>>
      %dma_start3A_603 = arith.constant 0 : i32
      %dma_start3A_604 = arith.constant 0 : i32
      %dma_start3A_605 = tpu.memref_slice %arg9[%dma_start3A_590, %dma_start3A_603, %dma_start3A_604] : memref<3x200x128xf32, #tpu.memory_space<vmem>> -> memref<1x200x128xf32, #tpu.memory_space<vmem>>
      %dma_start3A_606 = tpu.memref_squeeze %dma_start3A_605 : memref<1x200x128xf32, #tpu.memory_space<vmem>> -> memref<200x128xf32, #tpu.memory_space<vmem>>
      tpu.enqueue_dma source(%dma_start3A_606 : memref<200x128xf32, #tpu.memory_space<vmem>>) target(%dma_start3A_602 : memref<200x128xf32, #tpu.memory_space<hbm>>) target_semaphore(%arg17 : memref<!tpu.dma_semaphore, #tpu.memory_space<semaphore_mem>>)
    }
    %scan3A_154 = arith.constant 10 : i32
    %dma_wait3A = arith.constant 30 : i32
    %dma_wait3A_155 = arith.constant 0 : i32
    %dma_wait3A_156 = arith.constant 0 : i32
    %dma_wait3A_157 = arith.constant 0 : i32
    %dma_wait3A_158 = arith.constant 0 : i32
    %dma_wait3A_159 = tpu.memref_slice %arg9[%dma_wait3A_156, %dma_wait3A_157, %dma_wait3A_158] : memref<3x200x128xf32, #tpu.memory_space<vmem>> -> memref<1x100x128xf32, #tpu.memory_space<vmem>>
    %dma_wait3A_160 = tpu.memref_squeeze %dma_wait3A_159 : memref<1x100x128xf32, #tpu.memory_space<vmem>> -> memref<100x128xf32, #tpu.memory_space<vmem>>
    %dma_wait3A_161 = arith.constant 0 : i32
    %dma_wait3A_162 = tpu.memref_slice %arg8[%dma_wait3A, %dma_wait3A_155, %dma_wait3A_161] : memref<32x2x100xi32, #tpu.memory_space<vmem>> -> memref<1x1x100xi32, #tpu.memory_space<vmem>>
    %dma_wait3A_163 = tpu.memref_squeeze %dma_wait3A_162 : memref<1x1x100xi32, #tpu.memory_space<vmem>> -> memref<100xi32, #tpu.memory_space<vmem>>
    %dma_wait3A_164 = arith.constant 0 : i32
    %dma_wait3A_165 = arith.constant 0 : i32
    %dma_wait3A_166 = tpu.memref_slice %arg3[%dma_wait3A_164, %dma_wait3A_165] : memref<100000x128xf32, #tpu.memory_space<hbm>> -> memref<100000x128xf32, #tpu.memory_space<hbm>>
    tpu.wait_indirect_dma semaphore(%arg12 : memref<!tpu.dma_semaphore, #tpu.memory_space<semaphore_mem>>) src(%dma_wait3A_166 : memref<100000x128xf32, #tpu.memory_space<hbm>>) dst(%dma_wait3A_160 : memref<100x128xf32, #tpu.memory_space<vmem>>)
    %dma_wait3A_167 = arith.constant 30 : i32
    %dma_wait3A_168 = arith.constant 1 : i32
    %dma_wait3A_169 = arith.constant 0 : i32
    %dma_wait3A_170 = arith.constant 100 : i32
    %dma_wait3A_171 = arith.constant 0 : i32
    %dma_wait3A_172 = tpu.memref_slice %arg9[%dma_wait3A_169, %dma_wait3A_170, %dma_wait3A_171] : memref<3x200x128xf32, #tpu.memory_space<vmem>> -> memref<1x100x128xf32, #tpu.memory_space<vmem>>
    %dma_wait3A_173 = tpu.memref_squeeze %dma_wait3A_172 : memref<1x100x128xf32, #tpu.memory_space<vmem>> -> memref<100x128xf32, #tpu.memory_space<vmem>>
    %dma_wait3A_174 = arith.constant 0 : i32
    %dma_wait3A_175 = tpu.memref_slice %arg8[%dma_wait3A_167, %dma_wait3A_168, %dma_wait3A_174] : memref<32x2x100xi32, #tpu.memory_space<vmem>> -> memref<1x1x100xi32, #tpu.memory_space<vmem>>
    %dma_wait3A_176 = tpu.memref_squeeze %dma_wait3A_175 : memref<1x1x100xi32, #tpu.memory_space<vmem>> -> memref<100xi32, #tpu.memory_space<vmem>>
    %dma_wait3A_177 = arith.constant 0 : i32
    %dma_wait3A_178 = arith.constant 0 : i32
    %dma_wait3A_179 = tpu.memref_slice %arg3[%dma_wait3A_177, %dma_wait3A_178] : memref<100000x128xf32, #tpu.memory_space<hbm>> -> memref<100000x128xf32, #tpu.memory_space<hbm>>
    tpu.wait_indirect_dma semaphore(%arg12 : memref<!tpu.dma_semaphore, #tpu.memory_space<semaphore_mem>>) src(%dma_wait3A_179 : memref<100000x128xf32, #tpu.memory_space<hbm>>) dst(%dma_wait3A_173 : memref<100x128xf32, #tpu.memory_space<vmem>>)
    %add3A_180 = arith.constant 30 : i32
    %add3A_181 = arith.addi %mul3A_2, %add3A_180 : i32
    %dma_wait3A_182 = arith.constant 1 : i32
    %dma_wait3A_183 = arith.constant 0 : i32
    %dma_wait3A_184 = arith.constant 0 : i32
    %dma_wait3A_185 = tpu.memref_slice %arg9[%dma_wait3A_182, %dma_wait3A_183, %dma_wait3A_184] : memref<3x200x128xf32, #tpu.memory_space<vmem>> -> memref<1x200x128xf32, #tpu.memory_space<vmem>>
    %dma_wait3A_186 = tpu.memref_squeeze %dma_wait3A_185 : memref<1x200x128xf32, #tpu.memory_space<vmem>> -> memref<200x128xf32, #tpu.memory_space<vmem>>
    %dma_wait3A_187 = arith.constant 0 : i32
    %dma_wait3A_188 = arith.constant 0 : i32
    %dma_wait3A_189 = tpu.memref_slice %arg7[%add3A_181, %dma_wait3A_187, %dma_wait3A_188] : memref<1024x200x128xf32, #tpu.memory_space<hbm>> -> memref<1x200x128xf32, #tpu.memory_space<hbm>>
    %dma_wait3A_190 = tpu.memref_squeeze %dma_wait3A_189 : memref<1x200x128xf32, #tpu.memory_space<hbm>> -> memref<200x128xf32, #tpu.memory_space<hbm>>
    %dma_wait3A_191 = arith.constant 0 : i32
    %dma_wait3A_192 = arith.constant 0 : i32
    %dma_wait3A_193 = tpu.memref_slice %arg7[%add3A_181, %dma_wait3A_191, %dma_wait3A_192] : memref<1024x200x128xf32, #tpu.memory_space<hbm>> -> memref<1x200x128xf32, #tpu.memory_space<hbm>>
    %dma_wait3A_194 = tpu.memref_squeeze %dma_wait3A_193 : memref<1x200x128xf32, #tpu.memory_space<hbm>> -> memref<200x128xf32, #tpu.memory_space<hbm>>
    %dma_wait3A_195 = arith.constant 0 : i32
    %dma_wait3A_196 = arith.constant 0 : i32
    %dma_wait3A_197 = tpu.memref_slice %arg9[%dma_wait3A_182, %dma_wait3A_195, %dma_wait3A_196] : memref<3x200x128xf32, #tpu.memory_space<vmem>> -> memref<1x200x128xf32, #tpu.memory_space<vmem>>
    %dma_wait3A_198 = tpu.memref_squeeze %dma_wait3A_197 : memref<1x200x128xf32, #tpu.memory_space<vmem>> -> memref<200x128xf32, #tpu.memory_space<vmem>>
    tpu.wait_dma2 semaphore(%arg16 : memref<!tpu.dma_semaphore, #tpu.memory_space<semaphore_mem>>) src(%dma_wait3A_198 : memref<200x128xf32, #tpu.memory_space<vmem>>) dst(%dma_wait3A_194 : memref<200x128xf32, #tpu.memory_space<hbm>>)
    %dma_start3A_199 = arith.constant 31 : i32
    %dma_start3A_200 = arith.constant 0 : i32
    %dma_start3A_201 = arith.constant 1 : i32
    %dma_start3A_202 = arith.constant 0 : i32
    %dma_start3A_203 = arith.constant 0 : i32
    %dma_start3A_204 = tpu.memref_slice %arg9[%dma_start3A_201, %dma_start3A_202, %dma_start3A_203] : memref<3x200x128xf32, #tpu.memory_space<vmem>> -> memref<1x100x128xf32, #tpu.memory_space<vmem>>
    %dma_start3A_205 = tpu.memref_squeeze %dma_start3A_204 : memref<1x100x128xf32, #tpu.memory_space<vmem>> -> memref<100x128xf32, #tpu.memory_space<vmem>>
    %dma_start3A_206 = arith.constant 0 : i32
    %dma_start3A_207 = tpu.memref_slice %arg8[%dma_start3A_199, %dma_start3A_200, %dma_start3A_206] : memref<32x2x100xi32, #tpu.memory_space<vmem>> -> memref<1x1x100xi32, #tpu.memory_space<vmem>>
    %dma_start3A_208 = tpu.memref_squeeze %dma_start3A_207 : memref<1x1x100xi32, #tpu.memory_space<vmem>> -> memref<100xi32, #tpu.memory_space<vmem>>
    %dma_start3A_209 = arith.constant 0 : i32
    %dma_start3A_210 = arith.constant 0 : i32
    %dma_start3A_211 = tpu.memref_slice %arg3[%dma_start3A_209, %dma_start3A_210] : memref<100000x128xf32, #tpu.memory_space<hbm>> -> memref<100000x128xf32, #tpu.memory_space<hbm>>
    tpu.enqueue_indirect_dma source(%dma_start3A_211 : memref<100000x128xf32, #tpu.memory_space<hbm>>) target(%dma_start3A_205 : memref<100x128xf32, #tpu.memory_space<vmem>>) offsets(%dma_start3A_208 : memref<100xi32, #tpu.memory_space<vmem>>) semaphore(%arg13 : memref<!tpu.dma_semaphore, #tpu.memory_space<semaphore_mem>>)
    %dma_start3A_212 = arith.constant 31 : i32
    %dma_start3A_213 = arith.constant 1 : i32
    %dma_start3A_214 = arith.constant 1 : i32
    %dma_start3A_215 = arith.constant 100 : i32
    %dma_start3A_216 = arith.constant 0 : i32
    %dma_start3A_217 = tpu.memref_slice %arg9[%dma_start3A_214, %dma_start3A_215, %dma_start3A_216] : memref<3x200x128xf32, #tpu.memory_space<vmem>> -> memref<1x100x128xf32, #tpu.memory_space<vmem>>
    %dma_start3A_218 = tpu.memref_squeeze %dma_start3A_217 : memref<1x100x128xf32, #tpu.memory_space<vmem>> -> memref<100x128xf32, #tpu.memory_space<vmem>>
    %dma_start3A_219 = arith.constant 0 : i32
    %dma_start3A_220 = tpu.memref_slice %arg8[%dma_start3A_212, %dma_start3A_213, %dma_start3A_219] : memref<32x2x100xi32, #tpu.memory_space<vmem>> -> memref<1x1x100xi32, #tpu.memory_space<vmem>>
    %dma_start3A_221 = tpu.memref_squeeze %dma_start3A_220 : memref<1x1x100xi32, #tpu.memory_space<vmem>> -> memref<100xi32, #tpu.memory_space<vmem>>
    %dma_start3A_222 = arith.constant 0 : i32
    %dma_start3A_223 = arith.constant 0 : i32
    %dma_start3A_224 = tpu.memref_slice %arg3[%dma_start3A_222, %dma_start3A_223] : memref<100000x128xf32, #tpu.memory_space<hbm>> -> memref<100000x128xf32, #tpu.memory_space<hbm>>
    tpu.enqueue_indirect_dma source(%dma_start3A_224 : memref<100000x128xf32, #tpu.memory_space<hbm>>) target(%dma_start3A_218 : memref<100x128xf32, #tpu.memory_space<vmem>>) offsets(%dma_start3A_221 : memref<100xi32, #tpu.memory_space<vmem>>) semaphore(%arg13 : memref<!tpu.dma_semaphore, #tpu.memory_space<semaphore_mem>>)
    %parallel_loop3A = arith.constant 0 : i32
    %parallel_loop3A_225 = arith.constant 200 : i32
    %parallel_loop3A_226 = arith.constant 1 : i32
    %parallel_loop3A_227 = arith.constant 0 : i32
    scf.for %parallel_loop3A_353 = %parallel_loop3A to %parallel_loop3A_225 step %parallel_loop3A_226  : i32 {
      %parallel_loop3A_354 = arith.constant 0 : i32
      %parallel_loop3A_355 = arith.constant 0 : i32
      %parallel_loop3A_356 = tpu.memref_slice %arg9[%parallel_loop3A_227, %parallel_loop3A_354, %parallel_loop3A_355] : memref<3x200x128xf32, #tpu.memory_space<vmem>> -> memref<1x200x128xf32, #tpu.memory_space<vmem>>
      %parallel_loop3A_357 = tpu.memref_squeeze %parallel_loop3A_356 : memref<1x200x128xf32, #tpu.memory_space<vmem>> -> memref<200x128xf32, #tpu.memory_space<vmem>>
      %parallel_loop3A_358 = arith.index_cast %parallel_loop3A_353 : i32 to index
      %parallel_loop3A_359 = arith.constant 0 : index
      %parallel_loop3A_360 = tpu.vector_load %parallel_loop3A_357[%parallel_loop3A_358, %parallel_loop3A_359] {strides = array<i32>} : memref<200x128xf32, #tpu.memory_space<vmem>>, vector<1x16xf32>,
      %parallel_loop3A_361 = vector.shape_cast %parallel_loop3A_360 : vector<1x16xf32> to vector<16xf32>
      %parallel_loop3A_362 = arith.index_cast %parallel_loop3A_353 : i32 to index
      %parallel_loop3A_363 = arith.constant 0 : index
      %parallel_loop3A_364 = tpu.vector_load %arg10[%parallel_loop3A_362, %parallel_loop3A_363] {strides = array<i32>} : memref<200x128xf32, #tpu.memory_space<vmem>>, vector<1x16xf32>,
      %parallel_loop3A_365 = vector.shape_cast %parallel_loop3A_364 : vector<1x16xf32> to vector<16xf32>
      %parallel_loop3A_366 = arith.addf %parallel_loop3A_361, %parallel_loop3A_365 : vector<16xf32>
      %parallel_loop3A_367 = arith.constant 0 : i32
      %parallel_loop3A_368 = arith.constant 0 : i32
      %parallel_loop3A_369 = tpu.memref_slice %arg9[%parallel_loop3A_227, %parallel_loop3A_367, %parallel_loop3A_368] : memref<3x200x128xf32, #tpu.memory_space<vmem>> -> memref<1x200x128xf32, #tpu.memory_space<vmem>>
      %parallel_loop3A_370 = tpu.memref_squeeze %parallel_loop3A_369 : memref<1x200x128xf32, #tpu.memory_space<vmem>> -> memref<200x128xf32, #tpu.memory_space<vmem>>
      %parallel_loop3A_371 = arith.index_cast %parallel_loop3A_353 : i32 to index
      %parallel_loop3A_372 = arith.constant 16 : index
      %parallel_loop3A_373 = tpu.vector_load %parallel_loop3A_370[%parallel_loop3A_371, %parallel_loop3A_372] {strides = array<i32>} : memref<200x128xf32, #tpu.memory_space<vmem>>, vector<1x16xf32>,
      %parallel_loop3A_374 = vector.shape_cast %parallel_loop3A_373 : vector<1x16xf32> to vector<16xf32>
      %parallel_loop3A_375 = arith.index_cast %parallel_loop3A_353 : i32 to index
      %parallel_loop3A_376 = arith.constant 16 : index
      %parallel_loop3A_377 = tpu.vector_load %arg10[%parallel_loop3A_375, %parallel_loop3A_376] {strides = array<i32>} : memref<200x128xf32, #tpu.memory_space<vmem>>, vector<1x16xf32>,
      %parallel_loop3A_378 = vector.shape_cast %parallel_loop3A_377 : vector<1x16xf32> to vector<16xf32>
      %parallel_loop3A_379 = arith.addf %parallel_loop3A_374, %parallel_loop3A_378 : vector<16xf32>
      %parallel_loop3A_380 = arith.constant 0 : i32
      %parallel_loop3A_381 = arith.constant 0 : i32
      %parallel_loop3A_382 = tpu.memref_slice %arg9[%parallel_loop3A_227, %parallel_loop3A_380, %parallel_loop3A_381] : memref<3x200x128xf32, #tpu.memory_space<vmem>> -> memref<1x200x128xf32, #tpu.memory_space<vmem>>
      %parallel_loop3A_383 = tpu.memref_squeeze %parallel_loop3A_382 : memref<1x200x128xf32, #tpu.memory_space<vmem>> -> memref<200x128xf32, #tpu.memory_space<vmem>>
      %parallel_loop3A_384 = arith.index_cast %parallel_loop3A_353 : i32 to index
      %parallel_loop3A_385 = arith.constant 32 : index
      %parallel_loop3A_386 = tpu.vector_load %parallel_loop3A_383[%parallel_loop3A_384, %parallel_loop3A_385] {strides = array<i32>} : memref<200x128xf32, #tpu.memory_space<vmem>>, vector<1x16xf32>,
      %parallel_loop3A_387 = vector.shape_cast %parallel_loop3A_386 : vector<1x16xf32> to vector<16xf32>
      %parallel_loop3A_388 = arith.index_cast %parallel_loop3A_353 : i32 to index
      %parallel_loop3A_389 = arith.constant 32 : index
      %parallel_loop3A_390 = tpu.vector_load %arg10[%parallel_loop3A_388, %parallel_loop3A_389] {strides = array<i32>} : memref<200x128xf32, #tpu.memory_space<vmem>>, vector<1x16xf32>,
      %parallel_loop3A_391 = vector.shape_cast %parallel_loop3A_390 : vector<1x16xf32> to vector<16xf32>
      %parallel_loop3A_392 = arith.addf %parallel_loop3A_387, %parallel_loop3A_391 : vector<16xf32>
      %parallel_loop3A_393 = arith.constant 0 : i32
      %parallel_loop3A_394 = arith.constant 0 : i32
      %parallel_loop3A_395 = tpu.memref_slice %arg9[%parallel_loop3A_227, %parallel_loop3A_393, %parallel_loop3A_394] : memref<3x200x128xf32, #tpu.memory_space<vmem>> -> memref<1x200x128xf32, #tpu.memory_space<vmem>>
      %parallel_loop3A_396 = tpu.memref_squeeze %parallel_loop3A_395 : memref<1x200x128xf32, #tpu.memory_space<vmem>> -> memref<200x128xf32, #tpu.memory_space<vmem>>
      %parallel_loop3A_397 = arith.index_cast %parallel_loop3A_353 : i32 to index
      %parallel_loop3A_398 = arith.constant 48 : index
      %parallel_loop3A_399 = tpu.vector_load %parallel_loop3A_396[%parallel_loop3A_397, %parallel_loop3A_398] {strides = array<i32>} : memref<200x128xf32, #tpu.memory_space<vmem>>, vector<1x16xf32>,
      %parallel_loop3A_400 = vector.shape_cast %parallel_loop3A_399 : vector<1x16xf32> to vector<16xf32>
      %parallel_loop3A_401 = arith.index_cast %parallel_loop3A_353 : i32 to index
      %parallel_loop3A_402 = arith.constant 48 : index
      %parallel_loop3A_403 = tpu.vector_load %arg10[%parallel_loop3A_401, %parallel_loop3A_402] {strides = array<i32>} : memref<200x128xf32, #tpu.memory_space<vmem>>, vector<1x16xf32>,
      %parallel_loop3A_404 = vector.shape_cast %parallel_loop3A_403 : vector<1x16xf32> to vector<16xf32>
      %parallel_loop3A_405 = arith.addf %parallel_loop3A_400, %parallel_loop3A_404 : vector<16xf32>
      %parallel_loop3A_406 = arith.constant 0 : i32
      %parallel_loop3A_407 = arith.constant 0 : i32
      %parallel_loop3A_408 = tpu.memref_slice %arg9[%parallel_loop3A_227, %parallel_loop3A_406, %parallel_loop3A_407] : memref<3x200x128xf32, #tpu.memory_space<vmem>> -> memref<1x200x128xf32, #tpu.memory_space<vmem>>
      %parallel_loop3A_409 = tpu.memref_squeeze %parallel_loop3A_408 : memref<1x200x128xf32, #tpu.memory_space<vmem>> -> memref<200x128xf32, #tpu.memory_space<vmem>>
      %parallel_loop3A_410 = arith.index_cast %parallel_loop3A_353 : i32 to index
      %parallel_loop3A_411 = arith.constant 64 : index
      %parallel_loop3A_412 = tpu.vector_load %parallel_loop3A_409[%parallel_loop3A_410, %parallel_loop3A_411] {strides = array<i32>} : memref<200x128xf32, #tpu.memory_space<vmem>>, vector<1x16xf32>,
      %parallel_loop3A_413 = vector.shape_cast %parallel_loop3A_412 : vector<1x16xf32> to vector<16xf32>
      %parallel_loop3A_414 = arith.index_cast %parallel_loop3A_353 : i32 to index
      %parallel_loop3A_415 = arith.constant 64 : index
      %parallel_loop3A_416 = tpu.vector_load %arg10[%parallel_loop3A_414, %parallel_loop3A_415] {strides = array<i32>} : memref<200x128xf32, #tpu.memory_space<vmem>>, vector<1x16xf32>,
      %parallel_loop3A_417 = vector.shape_cast %parallel_loop3A_416 : vector<1x16xf32> to vector<16xf32>
      %parallel_loop3A_418 = arith.addf %parallel_loop3A_413, %parallel_loop3A_417 : vector<16xf32>
      %parallel_loop3A_419 = arith.constant 0 : i32
      %parallel_loop3A_420 = arith.constant 0 : i32
      %parallel_loop3A_421 = tpu.memref_slice %arg9[%parallel_loop3A_227, %parallel_loop3A_419, %parallel_loop3A_420] : memref<3x200x128xf32, #tpu.memory_space<vmem>> -> memref<1x200x128xf32, #tpu.memory_space<vmem>>
      %parallel_loop3A_422 = tpu.memref_squeeze %parallel_loop3A_421 : memref<1x200x128xf32, #tpu.memory_space<vmem>> -> memref<200x128xf32, #tpu.memory_space<vmem>>
      %parallel_loop3A_423 = arith.index_cast %parallel_loop3A_353 : i32 to index
      %parallel_loop3A_424 = arith.constant 80 : index
      %parallel_loop3A_425 = tpu.vector_load %parallel_loop3A_422[%parallel_loop3A_423, %parallel_loop3A_424] {strides = array<i32>} : memref<200x128xf32, #tpu.memory_space<vmem>>, vector<1x16xf32>,
      %parallel_loop3A_426 = vector.shape_cast %parallel_loop3A_425 : vector<1x16xf32> to vector<16xf32>
      %parallel_loop3A_427 = arith.index_cast %parallel_loop3A_353 : i32 to index
      %parallel_loop3A_428 = arith.constant 80 : index
      %parallel_loop3A_429 = tpu.vector_load %arg10[%parallel_loop3A_427, %parallel_loop3A_428] {strides = array<i32>} : memref<200x128xf32, #tpu.memory_space<vmem>>, vector<1x16xf32>,
      %parallel_loop3A_430 = vector.shape_cast %parallel_loop3A_429 : vector<1x16xf32> to vector<16xf32>
      %parallel_loop3A_431 = arith.addf %parallel_loop3A_426, %parallel_loop3A_430 : vector<16xf32>
      %parallel_loop3A_432 = arith.constant 0 : i32
      %parallel_loop3A_433 = arith.constant 0 : i32
      %parallel_loop3A_434 = tpu.memref_slice %arg9[%parallel_loop3A_227, %parallel_loop3A_432, %parallel_loop3A_433] : memref<3x200x128xf32, #tpu.memory_space<vmem>> -> memref<1x200x128xf32, #tpu.memory_space<vmem>>
      %parallel_loop3A_435 = tpu.memref_squeeze %parallel_loop3A_434 : memref<1x200x128xf32, #tpu.memory_space<vmem>> -> memref<200x128xf32, #tpu.memory_space<vmem>>
      %parallel_loop3A_436 = arith.index_cast %parallel_loop3A_353 : i32 to index
      %parallel_loop3A_437 = arith.constant 96 : index
      %parallel_loop3A_438 = tpu.vector_load %parallel_loop3A_435[%parallel_loop3A_436, %parallel_loop3A_437] {strides = array<i32>} : memref<200x128xf32, #tpu.memory_space<vmem>>, vector<1x16xf32>,
      %parallel_loop3A_439 = vector.shape_cast %parallel_loop3A_438 : vector<1x16xf32> to vector<16xf32>
      %parallel_loop3A_440 = arith.index_cast %parallel_loop3A_353 : i32 to index
      %parallel_loop3A_441 = arith.constant 96 : index
      %parallel_loop3A_442 = tpu.vector_load %arg10[%parallel_loop3A_440, %parallel_loop3A_441] {strides = array<i32>} : memref<200x128xf32, #tpu.memory_space<vmem>>, vector<1x16xf32>,
      %parallel_loop3A_443 = vector.shape_cast %parallel_loop3A_442 : vector<1x16xf32> to vector<16xf32>
      %parallel_loop3A_444 = arith.addf %parallel_loop3A_439, %parallel_loop3A_443 : vector<16xf32>
      %parallel_loop3A_445 = arith.constant 0 : i32
      %parallel_loop3A_446 = arith.constant 0 : i32
      %parallel_loop3A_447 = tpu.memref_slice %arg9[%parallel_loop3A_227, %parallel_loop3A_445, %parallel_loop3A_446] : memref<3x200x128xf32, #tpu.memory_space<vmem>> -> memref<1x200x128xf32, #tpu.memory_space<vmem>>
      %parallel_loop3A_448 = tpu.memref_squeeze %parallel_loop3A_447 : memref<1x200x128xf32, #tpu.memory_space<vmem>> -> memref<200x128xf32, #tpu.memory_space<vmem>>
      %parallel_loop3A_449 = arith.index_cast %parallel_loop3A_353 : i32 to index
      %parallel_loop3A_450 = arith.constant 112 : index
      %parallel_loop3A_451 = tpu.vector_load %parallel_loop3A_448[%parallel_loop3A_449, %parallel_loop3A_450] {strides = array<i32>} : memref<200x128xf32, #tpu.memory_space<vmem>>, vector<1x16xf32>,
      %parallel_loop3A_452 = vector.shape_cast %parallel_loop3A_451 : vector<1x16xf32> to vector<16xf32>
      %parallel_loop3A_453 = arith.index_cast %parallel_loop3A_353 : i32 to index
      %parallel_loop3A_454 = arith.constant 112 : index
      %parallel_loop3A_455 = tpu.vector_load %arg10[%parallel_loop3A_453, %parallel_loop3A_454] {strides = array<i32>} : memref<200x128xf32, #tpu.memory_space<vmem>>, vector<1x16xf32>,
      %parallel_loop3A_456 = vector.shape_cast %parallel_loop3A_455 : vector<1x16xf32> to vector<16xf32>
      %parallel_loop3A_457 = arith.addf %parallel_loop3A_452, %parallel_loop3A_456 : vector<16xf32>
      %parallel_loop3A_458 = arith.mulf %parallel_loop3A_366, %parallel_loop3A_366 : vector<16xf32>
      %parallel_loop3A_459 = arith.addf %parallel_loop3A_366, %parallel_loop3A_379 : vector<16xf32>
      %parallel_loop3A_460 = arith.mulf %parallel_loop3A_379, %parallel_loop3A_379 : vector<16xf32>
      %parallel_loop3A_461 = arith.addf %parallel_loop3A_458, %parallel_loop3A_460 : vector<16xf32>
      %parallel_loop3A_462 = arith.addf %parallel_loop3A_459, %parallel_loop3A_392 : vector<16xf32>
      %parallel_loop3A_463 = arith.mulf %parallel_loop3A_392, %parallel_loop3A_392 : vector<16xf32>
      %parallel_loop3A_464 = arith.addf %parallel_loop3A_461, %parallel_loop3A_463 : vector<16xf32>
      %parallel_loop3A_465 = arith.addf %parallel_loop3A_462, %parallel_loop3A_405 : vector<16xf32>
      %parallel_loop3A_466 = arith.mulf %parallel_loop3A_405, %parallel_loop3A_405 : vector<16xf32>
      %parallel_loop3A_467 = arith.addf %parallel_loop3A_464, %parallel_loop3A_466 : vector<16xf32>
      %parallel_loop3A_468 = arith.addf %parallel_loop3A_465, %parallel_loop3A_418 : vector<16xf32>
      %parallel_loop3A_469 = arith.mulf %parallel_loop3A_418, %parallel_loop3A_418 : vector<16xf32>
      %parallel_loop3A_470 = arith.addf %parallel_loop3A_467, %parallel_loop3A_469 : vector<16xf32>
      %parallel_loop3A_471 = arith.addf %parallel_loop3A_468, %parallel_loop3A_431 : vector<16xf32>
      %parallel_loop3A_472 = arith.mulf %parallel_loop3A_431, %parallel_loop3A_431 : vector<16xf32>
      %parallel_loop3A_473 = arith.addf %parallel_loop3A_470, %parallel_loop3A_472 : vector<16xf32>
      %parallel_loop3A_474 = arith.addf %parallel_loop3A_471, %parallel_loop3A_444 : vector<16xf32>
      %parallel_loop3A_475 = arith.mulf %parallel_loop3A_444, %parallel_loop3A_444 : vector<16xf32>
      %parallel_loop3A_476 = arith.addf %parallel_loop3A_473, %parallel_loop3A_475 : vector<16xf32>
      %parallel_loop3A_477 = arith.addf %parallel_loop3A_474, %parallel_loop3A_457 : vector<16xf32>
      %parallel_loop3A_478 = arith.mulf %parallel_loop3A_457, %parallel_loop3A_457 : vector<16xf32>
      %parallel_loop3A_479 = arith.addf %parallel_loop3A_476, %parallel_loop3A_478 : vector<16xf32>
      %parallel_loop3A_480 = vector.shape_cast %and3A_87 : vector<16xi32> to vector<16x1xi32>
      %parallel_loop3A_481 = vector.shape_cast %parallel_loop3A_480 : vector<16x1xi32> to vector<16xi32>
      %parallel_loop3A_482 = tpu.dynamic_gather %parallel_loop3A_477[%parallel_loop3A_481] in [0] : vector<16xf32>, vector<16xi32> -> vector<16xf32>
      %parallel_loop3A_483 = arith.addf %parallel_loop3A_477, %parallel_loop3A_482 : vector<16xf32>
      %parallel_loop3A_484 = vector.shape_cast %and3A_87 : vector<16xi32> to vector<16x1xi32>
      %parallel_loop3A_485 = vector.shape_cast %parallel_loop3A_484 : vector<16x1xi32> to vector<16xi32>
      %parallel_loop3A_486 = tpu.dynamic_gather %parallel_loop3A_479[%parallel_loop3A_485] in [0] : vector<16xf32>, vector<16xi32> -> vector<16xf32>
      %parallel_loop3A_487 = arith.addf %parallel_loop3A_479, %parallel_loop3A_486 : vector<16xf32>
      %parallel_loop3A_488 = arith.select %lt3A_89, %parallel_loop3A_483, %parallel_loop3A_487 : vector<16xi1>, vector<16xf32>
      %parallel_loop3A_489 = vector.shape_cast %or3A : vector<16xi32> to vector<16x1xi32>
      %parallel_loop3A_490 = vector.shape_cast %parallel_loop3A_489 : vector<16x1xi32> to vector<16xi32>
      %parallel_loop3A_491 = tpu.dynamic_gather %parallel_loop3A_488[%parallel_loop3A_490] in [0] : vector<16xf32>, vector<16xi32> -> vector<16xf32>
      %parallel_loop3A_492 = arith.addf %parallel_loop3A_488, %parallel_loop3A_491 : vector<16xf32>
      %parallel_loop3A_493 = vector.shape_cast %or3A_108 : vector<16xi32> to vector<16x1xi32>
      %parallel_loop3A_494 = vector.shape_cast %parallel_loop3A_493 : vector<16x1xi32> to vector<16xi32>
      %parallel_loop3A_495 = tpu.dynamic_gather %parallel_loop3A_492[%parallel_loop3A_494] in [0] : vector<16xf32>, vector<16xi32> -> vector<16xf32>
      %parallel_loop3A_496 = arith.addf %parallel_loop3A_492, %parallel_loop3A_495 : vector<16xf32>
      %parallel_loop3A_497 = vector.shape_cast %or3A_118 : vector<16xi32> to vector<16x1xi32>
      %parallel_loop3A_498 = vector.shape_cast %parallel_loop3A_497 : vector<16x1xi32> to vector<16xi32>
      %parallel_loop3A_499 = tpu.dynamic_gather %parallel_loop3A_496[%parallel_loop3A_498] in [0] : vector<16xf32>, vector<16xi32> -> vector<16xf32>
      %parallel_loop3A_500 = arith.addf %parallel_loop3A_496, %parallel_loop3A_499 : vector<16xf32>
      %parallel_loop3A_501 = arith.constant 7.812500e-03 : f32
      %parallel_loop3A_502 = vector.broadcast %parallel_loop3A_501 : f32 to vector<16xf32>
      %parallel_loop3A_503 = arith.mulf %parallel_loop3A_500, %parallel_loop3A_502 : vector<16xf32>
      %parallel_loop3A_504 = vector.shape_cast %and3A_121 : vector<16xi32> to vector<16x1xi32>
      %parallel_loop3A_505 = vector.shape_cast %parallel_loop3A_504 : vector<16x1xi32> to vector<16xi32>
      %parallel_loop3A_506 = tpu.dynamic_gather %parallel_loop3A_503[%parallel_loop3A_505] in [0] : vector<16xf32>, vector<16xi32> -> vector<16xf32>
      %parallel_loop3A_507 = vector.shape_cast %or3A_124 : vector<16xi32> to vector<16x1xi32>
      %parallel_loop3A_508 = vector.shape_cast %parallel_loop3A_507 : vector<16x1xi32> to vector<16xi32>
      %parallel_loop3A_509 = tpu.dynamic_gather %parallel_loop3A_503[%parallel_loop3A_508] in [0] : vector<16xf32>, vector<16xi32> -> vector<16xf32>
      %parallel_loop3A_510 = arith.mulf %parallel_loop3A_506, %parallel_loop3A_506 : vector<16xf32>
      %parallel_loop3A_511 = arith.subf %parallel_loop3A_509, %parallel_loop3A_510 : vector<16xf32>
      %parallel_loop3A_512 = arith.constant 9.99999996E-13 : f32
      %parallel_loop3A_513 = vector.broadcast %parallel_loop3A_512 : f32 to vector<16xf32>
      %parallel_loop3A_514 = arith.addf %parallel_loop3A_511, %parallel_loop3A_513 : vector<16xf32>
      %parallel_loop3A_515 = tpu.bitcast %parallel_loop3A_514 : vector<16xf32> -> vector<16xi32>
      %parallel_loop3A_516 = arith.constant 1 : i32
      %parallel_loop3A_517 = vector.broadcast %parallel_loop3A_516 : i32 to vector<16xi32>
      %parallel_loop3A_518 = arith.shrsi %parallel_loop3A_515, %parallel_loop3A_517 : vector<16xi32>
      %parallel_loop3A_519 = arith.constant 1597463007 : i32
      %parallel_loop3A_520 = vector.broadcast %parallel_loop3A_519 : i32 to vector<16xi32>
      %parallel_loop3A_521 = arith.subi %parallel_loop3A_520, %parallel_loop3A_518 : vector<16xi32>
      %parallel_loop3A_522 = tpu.bitcast %parallel_loop3A_521 : vector<16xi32> -> vector<16xf32>
      %parallel_loop3A_523 = arith.constant 5.000000e-01 : f32
      %parallel_loop3A_524 = vector.broadcast %parallel_loop3A_523 : f32 to vector<16xf32>
      %parallel_loop3A_525 = arith.mulf %parallel_loop3A_524, %parallel_loop3A_514 : vector<16xf32>
      %parallel_loop3A_526 = arith.mulf %parallel_loop3A_525, %parallel_loop3A_522 : vector<16xf32>
      %parallel_loop3A_527 = arith.mulf %parallel_loop3A_526, %parallel_loop3A_522 : vector<16xf32>
      %parallel_loop3A_528 = arith.constant 1.500000e+00 : f32
      %parallel_loop3A_529 = vector.broadcast %parallel_loop3A_528 : f32 to vector<16xf32>
      %parallel_loop3A_530 = arith.subf %parallel_loop3A_529, %parallel_loop3A_527 : vector<16xf32>
      %parallel_loop3A_531 = arith.mulf %parallel_loop3A_522, %parallel_loop3A_530 : vector<16xf32>
      %parallel_loop3A_532 = arith.subf %parallel_loop3A_366, %parallel_loop3A_506 : vector<16xf32>
      %parallel_loop3A_533 = arith.subf %parallel_loop3A_379, %parallel_loop3A_506 : vector<16xf32>
      %parallel_loop3A_534 = arith.subf %parallel_loop3A_392, %parallel_loop3A_506 : vector<16xf32>
      %parallel_loop3A_535 = arith.subf %parallel_loop3A_405, %parallel_loop3A_506 : vector<16xf32>
      %parallel_loop3A_536 = arith.subf %parallel_loop3A_418, %parallel_loop3A_506 : vector<16xf32>
      %parallel_loop3A_537 = arith.subf %parallel_loop3A_431, %parallel_loop3A_506 : vector<16xf32>
      %parallel_loop3A_538 = arith.subf %parallel_loop3A_444, %parallel_loop3A_506 : vector<16xf32>
      %parallel_loop3A_539 = arith.subf %parallel_loop3A_457, %parallel_loop3A_506 : vector<16xf32>
      %parallel_loop3A_540 = arith.mulf %get3A_7, %parallel_loop3A_531 : vector<16xf32>
      %parallel_loop3A_541 = arith.mulf %get3A_12, %parallel_loop3A_531 : vector<16xf32>
      %parallel_loop3A_542 = arith.mulf %get3A_17, %parallel_loop3A_531 : vector<16xf32>
      %parallel_loop3A_543 = arith.mulf %get3A_22, %parallel_loop3A_531 : vector<16xf32>
      %parallel_loop3A_544 = arith.mulf %get3A_27, %parallel_loop3A_531 : vector<16xf32>
      %parallel_loop3A_545 = arith.mulf %get3A_32, %parallel_loop3A_531 : vector<16xf32>
      %parallel_loop3A_546 = arith.mulf %get3A_37, %parallel_loop3A_531 : vector<16xf32>
      %parallel_loop3A_547 = arith.mulf %get3A_42, %parallel_loop3A_531 : vector<16xf32>
      %parallel_loop3A_548 = arith.mulf %parallel_loop3A_532, %parallel_loop3A_540 : vector<16xf32>
      %parallel_loop3A_549 = arith.addf %parallel_loop3A_548, %get3A_47 : vector<16xf32>
      %parallel_loop3A_550 = arith.constant 0 : i32
      %parallel_loop3A_551 = arith.constant 0 : i32
      %parallel_loop3A_552 = tpu.memref_slice %arg9[%parallel_loop3A_227, %parallel_loop3A_550, %parallel_loop3A_551] : memref<3x200x128xf32, #tpu.memory_space<vmem>> -> memref<1x200x128xf32, #tpu.memory_space<vmem>>
      %parallel_loop3A_553 = tpu.memref_squeeze %parallel_loop3A_552 : memref<1x200x128xf32, #tpu.memory_space<vmem>> -> memref<200x128xf32, #tpu.memory_space<vmem>>
      %parallel_loop3A_554 = arith.index_cast %parallel_loop3A_353 : i32 to index
      %parallel_loop3A_555 = arith.constant 0 : index
      %parallel_loop3A_556 = tpu.vector_load %parallel_loop3A_553[%parallel_loop3A_554, %parallel_loop3A_555] {strides = array<i32>} : memref<200x128xf32, #tpu.memory_space<vmem>>, vector<1x16xf32>,
      %parallel_loop3A_557 = vector.shape_cast %parallel_loop3A_556 : vector<1x16xf32> to vector<16xf32>
      %parallel_loop3A_558 = vector.shape_cast %parallel_loop3A_549 : vector<16xf32> to vector<1x16xf32>
      tpu.vector_store %parallel_loop3A_553[%parallel_loop3A_554, %parallel_loop3A_555], %parallel_loop3A_558 {strides = array<i32>} : memref<200x128xf32, #tpu.memory_space<vmem>>, vector<1x16xf32>,
      %parallel_loop3A_559 = arith.mulf %parallel_loop3A_533, %parallel_loop3A_541 : vector<16xf32>
      %parallel_loop3A_560 = arith.addf %parallel_loop3A_559, %get3A_52 : vector<16xf32>
      %parallel_loop3A_561 = arith.constant 0 : i32
      %parallel_loop3A_562 = arith.constant 0 : i32
      %parallel_loop3A_563 = tpu.memref_slice %arg9[%parallel_loop3A_227, %parallel_loop3A_561, %parallel_loop3A_562] : memref<3x200x128xf32, #tpu.memory_space<vmem>> -> memref<1x200x128xf32, #tpu.memory_space<vmem>>
      %parallel_loop3A_564 = tpu.memref_squeeze %parallel_loop3A_563 : memref<1x200x128xf32, #tpu.memory_space<vmem>> -> memref<200x128xf32, #tpu.memory_space<vmem>>
      %parallel_loop3A_565 = arith.index_cast %parallel_loop3A_353 : i32 to index
      %parallel_loop3A_566 = arith.constant 16 : index
      %parallel_loop3A_567 = tpu.vector_load %parallel_loop3A_564[%parallel_loop3A_565, %parallel_loop3A_566] {strides = array<i32>} : memref<200x128xf32, #tpu.memory_space<vmem>>, vector<1x16xf32>,
      %parallel_loop3A_568 = vector.shape_cast %parallel_loop3A_567 : vector<1x16xf32> to vector<16xf32>
      %parallel_loop3A_569 = vector.shape_cast %parallel_loop3A_560 : vector<16xf32> to vector<1x16xf32>
      tpu.vector_store %parallel_loop3A_564[%parallel_loop3A_565, %parallel_loop3A_566], %parallel_loop3A_569 {strides = array<i32>} : memref<200x128xf32, #tpu.memory_space<vmem>>, vector<1x16xf32>,
      %parallel_loop3A_570 = arith.mulf %parallel_loop3A_534, %parallel_loop3A_542 : vector<16xf32>
      %parallel_loop3A_571 = arith.addf %parallel_loop3A_570, %get3A_57 : vector<16xf32>
      %parallel_loop3A_572 = arith.constant 0 : i32
      %parallel_loop3A_573 = arith.constant 0 : i32
      %parallel_loop3A_574 = tpu.memref_slice %arg9[%parallel_loop3A_227, %parallel_loop3A_572, %parallel_loop3A_573] : memref<3x200x128xf32, #tpu.memory_space<vmem>> -> memref<1x200x128xf32, #tpu.memory_space<vmem>>
      %parallel_loop3A_575 = tpu.memref_squeeze %parallel_loop3A_574 : memref<1x200x128xf32, #tpu.memory_space<vmem>> -> memref<200x128xf32, #tpu.memory_space<vmem>>
      %parallel_loop3A_576 = arith.index_cast %parallel_loop3A_353 : i32 to index
      %parallel_loop3A_577 = arith.constant 32 : index
      %parallel_loop3A_578 = tpu.vector_load %parallel_loop3A_575[%parallel_loop3A_576, %parallel_loop3A_577] {strides = array<i32>} : memref<200x128xf32, #tpu.memory_space<vmem>>, vector<1x16xf32>,
      %parallel_loop3A_579 = vector.shape_cast %parallel_loop3A_578 : vector<1x16xf32> to vector<16xf32>
      %parallel_loop3A_580 = vector.shape_cast %parallel_loop3A_571 : vector<16xf32> to vector<1x16xf32>
      tpu.vector_store %parallel_loop3A_575[%parallel_loop3A_576, %parallel_loop3A_577], %parallel_loop3A_580 {strides = array<i32>} : memref<200x128xf32, #tpu.memory_space<vmem>>, vector<1x16xf32>,
      %parallel_loop3A_581 = arith.mulf %parallel_loop3A_535, %parallel_loop3A_543 : vector<16xf32>
      %parallel_loop3A_582 = arith.addf %parallel_loop3A_581, %get3A_62 : vector<16xf32>
      %parallel_loop3A_583 = arith.constant 0 : i32
      %parallel_loop3A_584 = arith.constant 0 : i32
      %parallel_loop3A_585 = tpu.memref_slice %arg9[%parallel_loop3A_227, %parallel_loop3A_583, %parallel_loop3A_584] : memref<3x200x128xf32, #tpu.memory_space<vmem>> -> memref<1x200x128xf32, #tpu.memory_space<vmem>>
      %parallel_loop3A_586 = tpu.memref_squeeze %parallel_loop3A_585 : memref<1x200x128xf32, #tpu.memory_space<vmem>> -> memref<200x128xf32, #tpu.memory_space<vmem>>
      %parallel_loop3A_587 = arith.index_cast %parallel_loop3A_353 : i32 to index
      %parallel_loop3A_588 = arith.constant 48 : index
      %parallel_loop3A_589 = tpu.vector_load %parallel_loop3A_586[%parallel_loop3A_587, %parallel_loop3A_588] {strides = array<i32>} : memref<200x128xf32, #tpu.memory_space<vmem>>, vector<1x16xf32>,
      %parallel_loop3A_590 = vector.shape_cast %parallel_loop3A_589 : vector<1x16xf32> to vector<16xf32>
      %parallel_loop3A_591 = vector.shape_cast %parallel_loop3A_582 : vector<16xf32> to vector<1x16xf32>
      tpu.vector_store %parallel_loop3A_586[%parallel_loop3A_587, %parallel_loop3A_588], %parallel_loop3A_591 {strides = array<i32>} : memref<200x128xf32, #tpu.memory_space<vmem>>, vector<1x16xf32>,
      %parallel_loop3A_592 = arith.mulf %parallel_loop3A_536, %parallel_loop3A_544 : vector<16xf32>
      %parallel_loop3A_593 = arith.addf %parallel_loop3A_592, %get3A_67 : vector<16xf32>
      %parallel_loop3A_594 = arith.constant 0 : i32
      %parallel_loop3A_595 = arith.constant 0 : i32
      %parallel_loop3A_596 = tpu.memref_slice %arg9[%parallel_loop3A_227, %parallel_loop3A_594, %parallel_loop3A_595] : memref<3x200x128xf32, #tpu.memory_space<vmem>> -> memref<1x200x128xf32, #tpu.memory_space<vmem>>
      %parallel_loop3A_597 = tpu.memref_squeeze %parallel_loop3A_596 : memref<1x200x128xf32, #tpu.memory_space<vmem>> -> memref<200x128xf32, #tpu.memory_space<vmem>>
      %parallel_loop3A_598 = arith.index_cast %parallel_loop3A_353 : i32 to index
      %parallel_loop3A_599 = arith.constant 64 : index
      %parallel_loop3A_600 = tpu.vector_load %parallel_loop3A_597[%parallel_loop3A_598, %parallel_loop3A_599] {strides = array<i32>} : memref<200x128xf32, #tpu.memory_space<vmem>>, vector<1x16xf32>,
      %parallel_loop3A_601 = vector.shape_cast %parallel_loop3A_600 : vector<1x16xf32> to vector<16xf32>
      %parallel_loop3A_602 = vector.shape_cast %parallel_loop3A_593 : vector<16xf32> to vector<1x16xf32>
      tpu.vector_store %parallel_loop3A_597[%parallel_loop3A_598, %parallel_loop3A_599], %parallel_loop3A_602 {strides = array<i32>} : memref<200x128xf32, #tpu.memory_space<vmem>>, vector<1x16xf32>,
      %parallel_loop3A_603 = arith.mulf %parallel_loop3A_537, %parallel_loop3A_545 : vector<16xf32>
      %parallel_loop3A_604 = arith.addf %parallel_loop3A_603, %get3A_72 : vector<16xf32>
      %parallel_loop3A_605 = arith.constant 0 : i32
      %parallel_loop3A_606 = arith.constant 0 : i32
      %parallel_loop3A_607 = tpu.memref_slice %arg9[%parallel_loop3A_227, %parallel_loop3A_605, %parallel_loop3A_606] : memref<3x200x128xf32, #tpu.memory_space<vmem>> -> memref<1x200x128xf32, #tpu.memory_space<vmem>>
      %parallel_loop3A_608 = tpu.memref_squeeze %parallel_loop3A_607 : memref<1x200x128xf32, #tpu.memory_space<vmem>> -> memref<200x128xf32, #tpu.memory_space<vmem>>
      %parallel_loop3A_609 = arith.index_cast %parallel_loop3A_353 : i32 to index
      %parallel_loop3A_610 = arith.constant 80 : index
      %parallel_loop3A_611 = tpu.vector_load %parallel_loop3A_608[%parallel_loop3A_609, %parallel_loop3A_610] {strides = array<i32>} : memref<200x128xf32, #tpu.memory_space<vmem>>, vector<1x16xf32>,
      %parallel_loop3A_612 = vector.shape_cast %parallel_loop3A_611 : vector<1x16xf32> to vector<16xf32>
      %parallel_loop3A_613 = vector.shape_cast %parallel_loop3A_604 : vector<16xf32> to vector<1x16xf32>
      tpu.vector_store %parallel_loop3A_608[%parallel_loop3A_609, %parallel_loop3A_610], %parallel_loop3A_613 {strides = array<i32>} : memref<200x128xf32, #tpu.memory_space<vmem>>, vector<1x16xf32>,
      %parallel_loop3A_614 = arith.mulf %parallel_loop3A_538, %parallel_loop3A_546 : vector<16xf32>
      %parallel_loop3A_615 = arith.addf %parallel_loop3A_614, %get3A_77 : vector<16xf32>
      %parallel_loop3A_616 = arith.constant 0 : i32
      %parallel_loop3A_617 = arith.constant 0 : i32
      %parallel_loop3A_618 = tpu.memref_slice %arg9[%parallel_loop3A_227, %parallel_loop3A_616, %parallel_loop3A_617] : memref<3x200x128xf32, #tpu.memory_space<vmem>> -> memref<1x200x128xf32, #tpu.memory_space<vmem>>
      %parallel_loop3A_619 = tpu.memref_squeeze %parallel_loop3A_618 : memref<1x200x128xf32, #tpu.memory_space<vmem>> -> memref<200x128xf32, #tpu.memory_space<vmem>>
      %parallel_loop3A_620 = arith.index_cast %parallel_loop3A_353 : i32 to index
      %parallel_loop3A_621 = arith.constant 96 : index
      %parallel_loop3A_622 = tpu.vector_load %parallel_loop3A_619[%parallel_loop3A_620, %parallel_loop3A_621] {strides = array<i32>} : memref<200x128xf32, #tpu.memory_space<vmem>>, vector<1x16xf32>,
      %parallel_loop3A_623 = vector.shape_cast %parallel_loop3A_622 : vector<1x16xf32> to vector<16xf32>
      %parallel_loop3A_624 = vector.shape_cast %parallel_loop3A_615 : vector<16xf32> to vector<1x16xf32>
      tpu.vector_store %parallel_loop3A_619[%parallel_loop3A_620, %parallel_loop3A_621], %parallel_loop3A_624 {strides = array<i32>} : memref<200x128xf32, #tpu.memory_space<vmem>>, vector<1x16xf32>,
      %parallel_loop3A_625 = arith.mulf %parallel_loop3A_539, %parallel_loop3A_547 : vector<16xf32>
      %parallel_loop3A_626 = arith.addf %parallel_loop3A_625, %get3A_82 : vector<16xf32>
      %parallel_loop3A_627 = arith.constant 0 : i32
      %parallel_loop3A_628 = arith.constant 0 : i32
      %parallel_loop3A_629 = tpu.memref_slice %arg9[%parallel_loop3A_227, %parallel_loop3A_627, %parallel_loop3A_628] : memref<3x200x128xf32, #tpu.memory_space<vmem>> -> memref<1x200x128xf32, #tpu.memory_space<vmem>>
      %parallel_loop3A_630 = tpu.memref_squeeze %parallel_loop3A_629 : memref<1x200x128xf32, #tpu.memory_space<vmem>> -> memref<200x128xf32, #tpu.memory_space<vmem>>
      %parallel_loop3A_631 = arith.index_cast %parallel_loop3A_353 : i32 to index
      %parallel_loop3A_632 = arith.constant 112 : index
      %parallel_loop3A_633 = tpu.vector_load %parallel_loop3A_630[%parallel_loop3A_631, %parallel_loop3A_632] {strides = array<i32>} : memref<200x128xf32, #tpu.memory_space<vmem>>, vector<1x16xf32>,
      %parallel_loop3A_634 = vector.shape_cast %parallel_loop3A_633 : vector<1x16xf32> to vector<16xf32>
      %parallel_loop3A_635 = vector.shape_cast %parallel_loop3A_626 : vector<16xf32> to vector<1x16xf32>
      tpu.vector_store %parallel_loop3A_630[%parallel_loop3A_631, %parallel_loop3A_632], %parallel_loop3A_635 {strides = array<i32>} : memref<200x128xf32, #tpu.memory_space<vmem>>, vector<1x16xf32>,
    } {sc.loop_unroll_factor = 1 : i64, sc.parallel_access}
    %add3A_228 = arith.constant 30 : i32
    %add3A_229 = arith.addi %mul3A_2, %add3A_228 : i32
    %dma_start3A_230 = arith.constant 0 : i32
    %dma_start3A_231 = arith.constant 0 : i32
    %dma_start3A_232 = arith.constant 0 : i32
    %dma_start3A_233 = tpu.memref_slice %arg9[%dma_start3A_230, %dma_start3A_231, %dma_start3A_232] : memref<3x200x128xf32, #tpu.memory_space<vmem>> -> memref<1x200x128xf32, #tpu.memory_space<vmem>>
    %dma_start3A_234 = tpu.memref_squeeze %dma_start3A_233 : memref<1x200x128xf32, #tpu.memory_space<vmem>> -> memref<200x128xf32, #tpu.memory_space<vmem>>
    %dma_start3A_235 = arith.constant 0 : i32
    %dma_start3A_236 = arith.constant 0 : i32
    %dma_start3A_237 = tpu.memref_slice %arg7[%add3A_229, %dma_start3A_235, %dma_start3A_236] : memref<1024x200x128xf32, #tpu.memory_space<hbm>> -> memref<1x200x128xf32, #tpu.memory_space<hbm>>
    %dma_start3A_238 = tpu.memref_squeeze %dma_start3A_237 : memref<1x200x128xf32, #tpu.memory_space<hbm>> -> memref<200x128xf32, #tpu.memory_space<hbm>>
    %dma_start3A_239 = arith.constant 0 : i32
    %dma_start3A_240 = arith.constant 0 : i32
    %dma_start3A_241 = tpu.memref_slice %arg7[%add3A_229, %dma_start3A_239, %dma_start3A_240] : memref<1024x200x128xf32, #tpu.memory_space<hbm>> -> memref<1x200x128xf32, #tpu.memory_space<hbm>>
    %dma_start3A_242 = tpu.memref_squeeze %dma_start3A_241 : memref<1x200x128xf32, #tpu.memory_space<hbm>> -> memref<200x128xf32, #tpu.memory_space<hbm>>
    %dma_start3A_243 = arith.constant 0 : i32
    %dma_start3A_244 = arith.constant 0 : i32
    %dma_start3A_245 = tpu.memref_slice %arg9[%dma_start3A_230, %dma_start3A_243, %dma_start3A_244] : memref<3x200x128xf32, #tpu.memory_space<vmem>> -> memref<1x200x128xf32, #tpu.memory_space<vmem>>
    %dma_start3A_246 = tpu.memref_squeeze %dma_start3A_245 : memref<1x200x128xf32, #tpu.memory_space<vmem>> -> memref<200x128xf32, #tpu.memory_space<vmem>>
    tpu.enqueue_dma source(%dma_start3A_246 : memref<200x128xf32, #tpu.memory_space<vmem>>) target(%dma_start3A_242 : memref<200x128xf32, #tpu.memory_space<hbm>>) target_semaphore(%arg15 : memref<!tpu.dma_semaphore, #tpu.memory_space<semaphore_mem>>)
    %dma_wait3A_247 = arith.constant 31 : i32
    %dma_wait3A_248 = arith.constant 0 : i32
    %dma_wait3A_249 = arith.constant 1 : i32
    %dma_wait3A_250 = arith.constant 0 : i32
    %dma_wait3A_251 = arith.constant 0 : i32
    %dma_wait3A_252 = tpu.memref_slice %arg9[%dma_wait3A_249, %dma_wait3A_250, %dma_wait3A_251] : memref<3x200x128xf32, #tpu.memory_space<vmem>> -> memref<1x100x128xf32, #tpu.memory_space<vmem>>
    %dma_wait3A_253 = tpu.memref_squeeze %dma_wait3A_252 : memref<1x100x128xf32, #tpu.memory_space<vmem>> -> memref<100x128xf32, #tpu.memory_space<vmem>>
    %dma_wait3A_254 = arith.constant 0 : i32
    %dma_wait3A_255 = tpu.memref_slice %arg8[%dma_wait3A_247, %dma_wait3A_248, %dma_wait3A_254] : memref<32x2x100xi32, #tpu.memory_space<vmem>> -> memref<1x1x100xi32, #tpu.memory_space<vmem>>
    %dma_wait3A_256 = tpu.memref_squeeze %dma_wait3A_255 : memref<1x1x100xi32, #tpu.memory_space<vmem>> -> memref<100xi32, #tpu.memory_space<vmem>>
    %dma_wait3A_257 = arith.constant 0 : i32
    %dma_wait3A_258 = arith.constant 0 : i32
    %dma_wait3A_259 = tpu.memref_slice %arg3[%dma_wait3A_257, %dma_wait3A_258] : memref<100000x128xf32, #tpu.memory_space<hbm>> -> memref<100000x128xf32, #tpu.memory_space<hbm>>
    tpu.wait_indirect_dma semaphore(%arg13 : memref<!tpu.dma_semaphore, #tpu.memory_space<semaphore_mem>>) src(%dma_wait3A_259 : memref<100000x128xf32, #tpu.memory_space<hbm>>) dst(%dma_wait3A_253 : memref<100x128xf32, #tpu.memory_space<vmem>>)
    %dma_wait3A_260 = arith.constant 31 : i32
    %dma_wait3A_261 = arith.constant 1 : i32
    %dma_wait3A_262 = arith.constant 1 : i32
    %dma_wait3A_263 = arith.constant 100 : i32
    %dma_wait3A_264 = arith.constant 0 : i32
    %dma_wait3A_265 = tpu.memref_slice %arg9[%dma_wait3A_262, %dma_wait3A_263, %dma_wait3A_264] : memref<3x200x128xf32, #tpu.memory_space<vmem>> -> memref<1x100x128xf32, #tpu.memory_space<vmem>>
    %dma_wait3A_266 = tpu.memref_squeeze %dma_wait3A_265 : memref<1x100x128xf32, #tpu.memory_space<vmem>> -> memref<100x128xf32, #tpu.memory_space<vmem>>
    %dma_wait3A_267 = arith.constant 0 : i32
    %dma_wait3A_268 = tpu.memref_slice %arg8[%dma_wait3A_260, %dma_wait3A_261, %dma_wait3A_267] : memref<32x2x100xi32, #tpu.memory_space<vmem>> -> memref<1x1x100xi32, #tpu.memory_space<vmem>>
    %dma_wait3A_269 = tpu.memref_squeeze %dma_wait3A_268 : memref<1x1x100xi32, #tpu.memory_space<vmem>> -> memref<100xi32, #tpu.memory_space<vmem>>
    %dma_wait3A_270 = arith.constant 0 : i32
    %dma_wait3A_271 = arith.constant 0 : i32
    %dma_wait3A_272 = tpu.memref_slice %arg3[%dma_wait3A_270, %dma_wait3A_271] : memref<100000x128xf32, #tpu.memory_space<hbm>> -> memref<100000x128xf32, #tpu.memory_space<hbm>>
    tpu.wait_indirect_dma semaphore(%arg13 : memref<!tpu.dma_semaphore, #tpu.memory_space<semaphore_mem>>) src(%dma_wait3A_272 : memref<100000x128xf32, #tpu.memory_space<hbm>>) dst(%dma_wait3A_266 : memref<100x128xf32, #tpu.memory_space<vmem>>)
    %add3A_273 = arith.constant 31 : i32
    %add3A_274 = arith.addi %mul3A_2, %add3A_273 : i32
    %dma_wait3A_275 = arith.constant 2 : i32
    %dma_wait3A_276 = arith.constant 0 : i32
    %dma_wait3A_277 = arith.constant 0 : i32
    %dma_wait3A_278 = tpu.memref_slice %arg9[%dma_wait3A_275, %dma_wait3A_276, %dma_wait3A_277] : memref<3x200x128xf32, #tpu.memory_space<vmem>> -> memref<1x200x128xf32, #tpu.memory_space<vmem>>
    %dma_wait3A_279 = tpu.memref_squeeze %dma_wait3A_278 : memref<1x200x128xf32, #tpu.memory_space<vmem>> -> memref<200x128xf32, #tpu.memory_space<vmem>>
    %dma_wait3A_280 = arith.constant 0 : i32
    %dma_wait3A_281 = arith.constant 0 : i32
    %dma_wait3A_282 = tpu.memref_slice %arg7[%add3A_274, %dma_wait3A_280, %dma_wait3A_281] : memref<1024x200x128xf32, #tpu.memory_space<hbm>> -> memref<1x200x128xf32, #tpu.memory_space<hbm>>
    %dma_wait3A_283 = tpu.memref_squeeze %dma_wait3A_282 : memref<1x200x128xf32, #tpu.memory_space<hbm>> -> memref<200x128xf32, #tpu.memory_space<hbm>>
    %dma_wait3A_284 = arith.constant 0 : i32
    %dma_wait3A_285 = arith.constant 0 : i32
    %dma_wait3A_286 = tpu.memref_slice %arg7[%add3A_274, %dma_wait3A_284, %dma_wait3A_285] : memref<1024x200x128xf32, #tpu.memory_space<hbm>> -> memref<1x200x128xf32, #tpu.memory_space<hbm>>
    %dma_wait3A_287 = tpu.memref_squeeze %dma_wait3A_286 : memref<1x200x128xf32, #tpu.memory_space<hbm>> -> memref<200x128xf32, #tpu.memory_space<hbm>>
    %dma_wait3A_288 = arith.constant 0 : i32
    %dma_wait3A_289 = arith.constant 0 : i32
    %dma_wait3A_290 = tpu.memref_slice %arg9[%dma_wait3A_275, %dma_wait3A_288, %dma_wait3A_289] : memref<3x200x128xf32, #tpu.memory_space<vmem>> -> memref<1x200x128xf32, #tpu.memory_space<vmem>>
    %dma_wait3A_291 = tpu.memref_squeeze %dma_wait3A_290 : memref<1x200x128xf32, #tpu.memory_space<vmem>> -> memref<200x128xf32, #tpu.memory_space<vmem>>
    tpu.wait_dma2 semaphore(%arg17 : memref<!tpu.dma_semaphore, #tpu.memory_space<semaphore_mem>>) src(%dma_wait3A_291 : memref<200x128xf32, #tpu.memory_space<vmem>>) dst(%dma_wait3A_287 : memref<200x128xf32, #tpu.memory_space<hbm>>)
    %parallel_loop3A_292 = arith.constant 0 : i32
    %parallel_loop3A_293 = arith.constant 200 : i32
    %parallel_loop3A_294 = arith.constant 1 : i32
    %parallel_loop3A_295 = arith.constant 1 : i32
    scf.for %parallel_loop3A_353 = %parallel_loop3A_292 to %parallel_loop3A_293 step %parallel_loop3A_294  : i32 {
      %parallel_loop3A_354 = arith.constant 0 : i32
      %parallel_loop3A_355 = arith.constant 0 : i32
      %parallel_loop3A_356 = tpu.memref_slice %arg9[%parallel_loop3A_295, %parallel_loop3A_354, %parallel_loop3A_355] : memref<3x200x128xf32, #tpu.memory_space<vmem>> -> memref<1x200x128xf32, #tpu.memory_space<vmem>>
      %parallel_loop3A_357 = tpu.memref_squeeze %parallel_loop3A_356 : memref<1x200x128xf32, #tpu.memory_space<vmem>> -> memref<200x128xf32, #tpu.memory_space<vmem>>
      %parallel_loop3A_358 = arith.index_cast %parallel_loop3A_353 : i32 to index
      %parallel_loop3A_359 = arith.constant 0 : index
      %parallel_loop3A_360 = tpu.vector_load %parallel_loop3A_357[%parallel_loop3A_358, %parallel_loop3A_359] {strides = array<i32>} : memref<200x128xf32, #tpu.memory_space<vmem>>, vector<1x16xf32>,
      %parallel_loop3A_361 = vector.shape_cast %parallel_loop3A_360 : vector<1x16xf32> to vector<16xf32>
      %parallel_loop3A_362 = arith.index_cast %parallel_loop3A_353 : i32 to index
      %parallel_loop3A_363 = arith.constant 0 : index
      %parallel_loop3A_364 = tpu.vector_load %arg10[%parallel_loop3A_362, %parallel_loop3A_363] {strides = array<i32>} : memref<200x128xf32, #tpu.memory_space<vmem>>, vector<1x16xf32>,
      %parallel_loop3A_365 = vector.shape_cast %parallel_loop3A_364 : vector<1x16xf32> to vector<16xf32>
      %parallel_loop3A_366 = arith.addf %parallel_loop3A_361, %parallel_loop3A_365 : vector<16xf32>
      %parallel_loop3A_367 = arith.constant 0 : i32
      %parallel_loop3A_368 = arith.constant 0 : i32
      %parallel_loop3A_369 = tpu.memref_slice %arg9[%parallel_loop3A_295, %parallel_loop3A_367, %parallel_loop3A_368] : memref<3x200x128xf32, #tpu.memory_space<vmem>> -> memref<1x200x128xf32, #tpu.memory_space<vmem>>
      %parallel_loop3A_370 = tpu.memref_squeeze %parallel_loop3A_369 : memref<1x200x128xf32, #tpu.memory_space<vmem>> -> memref<200x128xf32, #tpu.memory_space<vmem>>
      %parallel_loop3A_371 = arith.index_cast %parallel_loop3A_353 : i32 to index
      %parallel_loop3A_372 = arith.constant 16 : index
      %parallel_loop3A_373 = tpu.vector_load %parallel_loop3A_370[%parallel_loop3A_371, %parallel_loop3A_372] {strides = array<i32>} : memref<200x128xf32, #tpu.memory_space<vmem>>, vector<1x16xf32>,
      %parallel_loop3A_374 = vector.shape_cast %parallel_loop3A_373 : vector<1x16xf32> to vector<16xf32>
      %parallel_loop3A_375 = arith.index_cast %parallel_loop3A_353 : i32 to index
      %parallel_loop3A_376 = arith.constant 16 : index
      %parallel_loop3A_377 = tpu.vector_load %arg10[%parallel_loop3A_375, %parallel_loop3A_376] {strides = array<i32>} : memref<200x128xf32, #tpu.memory_space<vmem>>, vector<1x16xf32>,
      %parallel_loop3A_378 = vector.shape_cast %parallel_loop3A_377 : vector<1x16xf32> to vector<16xf32>
      %parallel_loop3A_379 = arith.addf %parallel_loop3A_374, %parallel_loop3A_378 : vector<16xf32>
      %parallel_loop3A_380 = arith.constant 0 : i32
      %parallel_loop3A_381 = arith.constant 0 : i32
      %parallel_loop3A_382 = tpu.memref_slice %arg9[%parallel_loop3A_295, %parallel_loop3A_380, %parallel_loop3A_381] : memref<3x200x128xf32, #tpu.memory_space<vmem>> -> memref<1x200x128xf32, #tpu.memory_space<vmem>>
      %parallel_loop3A_383 = tpu.memref_squeeze %parallel_loop3A_382 : memref<1x200x128xf32, #tpu.memory_space<vmem>> -> memref<200x128xf32, #tpu.memory_space<vmem>>
      %parallel_loop3A_384 = arith.index_cast %parallel_loop3A_353 : i32 to index
      %parallel_loop3A_385 = arith.constant 32 : index
      %parallel_loop3A_386 = tpu.vector_load %parallel_loop3A_383[%parallel_loop3A_384, %parallel_loop3A_385] {strides = array<i32>} : memref<200x128xf32, #tpu.memory_space<vmem>>, vector<1x16xf32>,
      %parallel_loop3A_387 = vector.shape_cast %parallel_loop3A_386 : vector<1x16xf32> to vector<16xf32>
      %parallel_loop3A_388 = arith.index_cast %parallel_loop3A_353 : i32 to index
      %parallel_loop3A_389 = arith.constant 32 : index
      %parallel_loop3A_390 = tpu.vector_load %arg10[%parallel_loop3A_388, %parallel_loop3A_389] {strides = array<i32>} : memref<200x128xf32, #tpu.memory_space<vmem>>, vector<1x16xf32>,
      %parallel_loop3A_391 = vector.shape_cast %parallel_loop3A_390 : vector<1x16xf32> to vector<16xf32>
      %parallel_loop3A_392 = arith.addf %parallel_loop3A_387, %parallel_loop3A_391 : vector<16xf32>
      %parallel_loop3A_393 = arith.constant 0 : i32
      %parallel_loop3A_394 = arith.constant 0 : i32
      %parallel_loop3A_395 = tpu.memref_slice %arg9[%parallel_loop3A_295, %parallel_loop3A_393, %parallel_loop3A_394] : memref<3x200x128xf32, #tpu.memory_space<vmem>> -> memref<1x200x128xf32, #tpu.memory_space<vmem>>
      %parallel_loop3A_396 = tpu.memref_squeeze %parallel_loop3A_395 : memref<1x200x128xf32, #tpu.memory_space<vmem>> -> memref<200x128xf32, #tpu.memory_space<vmem>>
      %parallel_loop3A_397 = arith.index_cast %parallel_loop3A_353 : i32 to index
      %parallel_loop3A_398 = arith.constant 48 : index
      %parallel_loop3A_399 = tpu.vector_load %parallel_loop3A_396[%parallel_loop3A_397, %parallel_loop3A_398] {strides = array<i32>} : memref<200x128xf32, #tpu.memory_space<vmem>>, vector<1x16xf32>,
      %parallel_loop3A_400 = vector.shape_cast %parallel_loop3A_399 : vector<1x16xf32> to vector<16xf32>
      %parallel_loop3A_401 = arith.index_cast %parallel_loop3A_353 : i32 to index
      %parallel_loop3A_402 = arith.constant 48 : index
      %parallel_loop3A_403 = tpu.vector_load %arg10[%parallel_loop3A_401, %parallel_loop3A_402] {strides = array<i32>} : memref<200x128xf32, #tpu.memory_space<vmem>>, vector<1x16xf32>,
      %parallel_loop3A_404 = vector.shape_cast %parallel_loop3A_403 : vector<1x16xf32> to vector<16xf32>
      %parallel_loop3A_405 = arith.addf %parallel_loop3A_400, %parallel_loop3A_404 : vector<16xf32>
      %parallel_loop3A_406 = arith.constant 0 : i32
      %parallel_loop3A_407 = arith.constant 0 : i32
      %parallel_loop3A_408 = tpu.memref_slice %arg9[%parallel_loop3A_295, %parallel_loop3A_406, %parallel_loop3A_407] : memref<3x200x128xf32, #tpu.memory_space<vmem>> -> memref<1x200x128xf32, #tpu.memory_space<vmem>>
      %parallel_loop3A_409 = tpu.memref_squeeze %parallel_loop3A_408 : memref<1x200x128xf32, #tpu.memory_space<vmem>> -> memref<200x128xf32, #tpu.memory_space<vmem>>
      %parallel_loop3A_410 = arith.index_cast %parallel_loop3A_353 : i32 to index
      %parallel_loop3A_411 = arith.constant 64 : index
      %parallel_loop3A_412 = tpu.vector_load %parallel_loop3A_409[%parallel_loop3A_410, %parallel_loop3A_411] {strides = array<i32>} : memref<200x128xf32, #tpu.memory_space<vmem>>, vector<1x16xf32>,
      %parallel_loop3A_413 = vector.shape_cast %parallel_loop3A_412 : vector<1x16xf32> to vector<16xf32>
      %parallel_loop3A_414 = arith.index_cast %parallel_loop3A_353 : i32 to index
      %parallel_loop3A_415 = arith.constant 64 : index
      %parallel_loop3A_416 = tpu.vector_load %arg10[%parallel_loop3A_414, %parallel_loop3A_415] {strides = array<i32>} : memref<200x128xf32, #tpu.memory_space<vmem>>, vector<1x16xf32>,
      %parallel_loop3A_417 = vector.shape_cast %parallel_loop3A_416 : vector<1x16xf32> to vector<16xf32>
      %parallel_loop3A_418 = arith.addf %parallel_loop3A_413, %parallel_loop3A_417 : vector<16xf32>
      %parallel_loop3A_419 = arith.constant 0 : i32
      %parallel_loop3A_420 = arith.constant 0 : i32
      %parallel_loop3A_421 = tpu.memref_slice %arg9[%parallel_loop3A_295, %parallel_loop3A_419, %parallel_loop3A_420] : memref<3x200x128xf32, #tpu.memory_space<vmem>> -> memref<1x200x128xf32, #tpu.memory_space<vmem>>
      %parallel_loop3A_422 = tpu.memref_squeeze %parallel_loop3A_421 : memref<1x200x128xf32, #tpu.memory_space<vmem>> -> memref<200x128xf32, #tpu.memory_space<vmem>>
      %parallel_loop3A_423 = arith.index_cast %parallel_loop3A_353 : i32 to index
      %parallel_loop3A_424 = arith.constant 80 : index
      %parallel_loop3A_425 = tpu.vector_load %parallel_loop3A_422[%parallel_loop3A_423, %parallel_loop3A_424] {strides = array<i32>} : memref<200x128xf32, #tpu.memory_space<vmem>>, vector<1x16xf32>,
      %parallel_loop3A_426 = vector.shape_cast %parallel_loop3A_425 : vector<1x16xf32> to vector<16xf32>
      %parallel_loop3A_427 = arith.index_cast %parallel_loop3A_353 : i32 to index
      %parallel_loop3A_428 = arith.constant 80 : index
      %parallel_loop3A_429 = tpu.vector_load %arg10[%parallel_loop3A_427, %parallel_loop3A_428] {strides = array<i32>} : memref<200x128xf32, #tpu.memory_space<vmem>>, vector<1x16xf32>,
      %parallel_loop3A_430 = vector.shape_cast %parallel_loop3A_429 : vector<1x16xf32> to vector<16xf32>
      %parallel_loop3A_431 = arith.addf %parallel_loop3A_426, %parallel_loop3A_430 : vector<16xf32>
      %parallel_loop3A_432 = arith.constant 0 : i32
      %parallel_loop3A_433 = arith.constant 0 : i32
      %parallel_loop3A_434 = tpu.memref_slice %arg9[%parallel_loop3A_295, %parallel_loop3A_432, %parallel_loop3A_433] : memref<3x200x128xf32, #tpu.memory_space<vmem>> -> memref<1x200x128xf32, #tpu.memory_space<vmem>>
      %parallel_loop3A_435 = tpu.memref_squeeze %parallel_loop3A_434 : memref<1x200x128xf32, #tpu.memory_space<vmem>> -> memref<200x128xf32, #tpu.memory_space<vmem>>
      %parallel_loop3A_436 = arith.index_cast %parallel_loop3A_353 : i32 to index
      %parallel_loop3A_437 = arith.constant 96 : index
      %parallel_loop3A_438 = tpu.vector_load %parallel_loop3A_435[%parallel_loop3A_436, %parallel_loop3A_437] {strides = array<i32>} : memref<200x128xf32, #tpu.memory_space<vmem>>, vector<1x16xf32>,
      %parallel_loop3A_439 = vector.shape_cast %parallel_loop3A_438 : vector<1x16xf32> to vector<16xf32>
      %parallel_loop3A_440 = arith.index_cast %parallel_loop3A_353 : i32 to index
      %parallel_loop3A_441 = arith.constant 96 : index
      %parallel_loop3A_442 = tpu.vector_load %arg10[%parallel_loop3A_440, %parallel_loop3A_441] {strides = array<i32>} : memref<200x128xf32, #tpu.memory_space<vmem>>, vector<1x16xf32>,
      %parallel_loop3A_443 = vector.shape_cast %parallel_loop3A_442 : vector<1x16xf32> to vector<16xf32>
      %parallel_loop3A_444 = arith.addf %parallel_loop3A_439, %parallel_loop3A_443 : vector<16xf32>
      %parallel_loop3A_445 = arith.constant 0 : i32
      %parallel_loop3A_446 = arith.constant 0 : i32
      %parallel_loop3A_447 = tpu.memref_slice %arg9[%parallel_loop3A_295, %parallel_loop3A_445, %parallel_loop3A_446] : memref<3x200x128xf32, #tpu.memory_space<vmem>> -> memref<1x200x128xf32, #tpu.memory_space<vmem>>
      %parallel_loop3A_448 = tpu.memref_squeeze %parallel_loop3A_447 : memref<1x200x128xf32, #tpu.memory_space<vmem>> -> memref<200x128xf32, #tpu.memory_space<vmem>>
      %parallel_loop3A_449 = arith.index_cast %parallel_loop3A_353 : i32 to index
      %parallel_loop3A_450 = arith.constant 112 : index
      %parallel_loop3A_451 = tpu.vector_load %parallel_loop3A_448[%parallel_loop3A_449, %parallel_loop3A_450] {strides = array<i32>} : memref<200x128xf32, #tpu.memory_space<vmem>>, vector<1x16xf32>,
      %parallel_loop3A_452 = vector.shape_cast %parallel_loop3A_451 : vector<1x16xf32> to vector<16xf32>
      %parallel_loop3A_453 = arith.index_cast %parallel_loop3A_353 : i32 to index
      %parallel_loop3A_454 = arith.constant 112 : index
      %parallel_loop3A_455 = tpu.vector_load %arg10[%parallel_loop3A_453, %parallel_loop3A_454] {strides = array<i32>} : memref<200x128xf32, #tpu.memory_space<vmem>>, vector<1x16xf32>,
      %parallel_loop3A_456 = vector.shape_cast %parallel_loop3A_455 : vector<1x16xf32> to vector<16xf32>
      %parallel_loop3A_457 = arith.addf %parallel_loop3A_452, %parallel_loop3A_456 : vector<16xf32>
      %parallel_loop3A_458 = arith.mulf %parallel_loop3A_366, %parallel_loop3A_366 : vector<16xf32>
      %parallel_loop3A_459 = arith.addf %parallel_loop3A_366, %parallel_loop3A_379 : vector<16xf32>
      %parallel_loop3A_460 = arith.mulf %parallel_loop3A_379, %parallel_loop3A_379 : vector<16xf32>
      %parallel_loop3A_461 = arith.addf %parallel_loop3A_458, %parallel_loop3A_460 : vector<16xf32>
      %parallel_loop3A_462 = arith.addf %parallel_loop3A_459, %parallel_loop3A_392 : vector<16xf32>
      %parallel_loop3A_463 = arith.mulf %parallel_loop3A_392, %parallel_loop3A_392 : vector<16xf32>
      %parallel_loop3A_464 = arith.addf %parallel_loop3A_461, %parallel_loop3A_463 : vector<16xf32>
      %parallel_loop3A_465 = arith.addf %parallel_loop3A_462, %parallel_loop3A_405 : vector<16xf32>
      %parallel_loop3A_466 = arith.mulf %parallel_loop3A_405, %parallel_loop3A_405 : vector<16xf32>
      %parallel_loop3A_467 = arith.addf %parallel_loop3A_464, %parallel_loop3A_466 : vector<16xf32>
      %parallel_loop3A_468 = arith.addf %parallel_loop3A_465, %parallel_loop3A_418 : vector<16xf32>
      %parallel_loop3A_469 = arith.mulf %parallel_loop3A_418, %parallel_loop3A_418 : vector<16xf32>
      %parallel_loop3A_470 = arith.addf %parallel_loop3A_467, %parallel_loop3A_469 : vector<16xf32>
      %parallel_loop3A_471 = arith.addf %parallel_loop3A_468, %parallel_loop3A_431 : vector<16xf32>
      %parallel_loop3A_472 = arith.mulf %parallel_loop3A_431, %parallel_loop3A_431 : vector<16xf32>
      %parallel_loop3A_473 = arith.addf %parallel_loop3A_470, %parallel_loop3A_472 : vector<16xf32>
      %parallel_loop3A_474 = arith.addf %parallel_loop3A_471, %parallel_loop3A_444 : vector<16xf32>
      %parallel_loop3A_475 = arith.mulf %parallel_loop3A_444, %parallel_loop3A_444 : vector<16xf32>
      %parallel_loop3A_476 = arith.addf %parallel_loop3A_473, %parallel_loop3A_475 : vector<16xf32>
      %parallel_loop3A_477 = arith.addf %parallel_loop3A_474, %parallel_loop3A_457 : vector<16xf32>
      %parallel_loop3A_478 = arith.mulf %parallel_loop3A_457, %parallel_loop3A_457 : vector<16xf32>
      %parallel_loop3A_479 = arith.addf %parallel_loop3A_476, %parallel_loop3A_478 : vector<16xf32>
      %parallel_loop3A_480 = vector.shape_cast %and3A_87 : vector<16xi32> to vector<16x1xi32>
      %parallel_loop3A_481 = vector.shape_cast %parallel_loop3A_480 : vector<16x1xi32> to vector<16xi32>
      %parallel_loop3A_482 = tpu.dynamic_gather %parallel_loop3A_477[%parallel_loop3A_481] in [0] : vector<16xf32>, vector<16xi32> -> vector<16xf32>
      %parallel_loop3A_483 = arith.addf %parallel_loop3A_477, %parallel_loop3A_482 : vector<16xf32>
      %parallel_loop3A_484 = vector.shape_cast %and3A_87 : vector<16xi32> to vector<16x1xi32>
      %parallel_loop3A_485 = vector.shape_cast %parallel_loop3A_484 : vector<16x1xi32> to vector<16xi32>
      %parallel_loop3A_486 = tpu.dynamic_gather %parallel_loop3A_479[%parallel_loop3A_485] in [0] : vector<16xf32>, vector<16xi32> -> vector<16xf32>
      %parallel_loop3A_487 = arith.addf %parallel_loop3A_479, %parallel_loop3A_486 : vector<16xf32>
      %parallel_loop3A_488 = arith.select %lt3A_89, %parallel_loop3A_483, %parallel_loop3A_487 : vector<16xi1>, vector<16xf32>
      %parallel_loop3A_489 = vector.shape_cast %or3A : vector<16xi32> to vector<16x1xi32>
      %parallel_loop3A_490 = vector.shape_cast %parallel_loop3A_489 : vector<16x1xi32> to vector<16xi32>
      %parallel_loop3A_491 = tpu.dynamic_gather %parallel_loop3A_488[%parallel_loop3A_490] in [0] : vector<16xf32>, vector<16xi32> -> vector<16xf32>
      %parallel_loop3A_492 = arith.addf %parallel_loop3A_488, %parallel_loop3A_491 : vector<16xf32>
      %parallel_loop3A_493 = vector.shape_cast %or3A_108 : vector<16xi32> to vector<16x1xi32>
      %parallel_loop3A_494 = vector.shape_cast %parallel_loop3A_493 : vector<16x1xi32> to vector<16xi32>
      %parallel_loop3A_495 = tpu.dynamic_gather %parallel_loop3A_492[%parallel_loop3A_494] in [0] : vector<16xf32>, vector<16xi32> -> vector<16xf32>
      %parallel_loop3A_496 = arith.addf %parallel_loop3A_492, %parallel_loop3A_495 : vector<16xf32>
      %parallel_loop3A_497 = vector.shape_cast %or3A_118 : vector<16xi32> to vector<16x1xi32>
      %parallel_loop3A_498 = vector.shape_cast %parallel_loop3A_497 : vector<16x1xi32> to vector<16xi32>
      %parallel_loop3A_499 = tpu.dynamic_gather %parallel_loop3A_496[%parallel_loop3A_498] in [0] : vector<16xf32>, vector<16xi32> -> vector<16xf32>
      %parallel_loop3A_500 = arith.addf %parallel_loop3A_496, %parallel_loop3A_499 : vector<16xf32>
      %parallel_loop3A_501 = arith.constant 7.812500e-03 : f32
      %parallel_loop3A_502 = vector.broadcast %parallel_loop3A_501 : f32 to vector<16xf32>
      %parallel_loop3A_503 = arith.mulf %parallel_loop3A_500, %parallel_loop3A_502 : vector<16xf32>
      %parallel_loop3A_504 = vector.shape_cast %and3A_121 : vector<16xi32> to vector<16x1xi32>
      %parallel_loop3A_505 = vector.shape_cast %parallel_loop3A_504 : vector<16x1xi32> to vector<16xi32>
      %parallel_loop3A_506 = tpu.dynamic_gather %parallel_loop3A_503[%parallel_loop3A_505] in [0] : vector<16xf32>, vector<16xi32> -> vector<16xf32>
      %parallel_loop3A_507 = vector.shape_cast %or3A_124 : vector<16xi32> to vector<16x1xi32>
      %parallel_loop3A_508 = vector.shape_cast %parallel_loop3A_507 : vector<16x1xi32> to vector<16xi32>
      %parallel_loop3A_509 = tpu.dynamic_gather %parallel_loop3A_503[%parallel_loop3A_508] in [0] : vector<16xf32>, vector<16xi32> -> vector<16xf32>
      %parallel_loop3A_510 = arith.mulf %parallel_loop3A_506, %parallel_loop3A_506 : vector<16xf32>
      %parallel_loop3A_511 = arith.subf %parallel_loop3A_509, %parallel_loop3A_510 : vector<16xf32>
      %parallel_loop3A_512 = arith.constant 9.99999996E-13 : f32
      %parallel_loop3A_513 = vector.broadcast %parallel_loop3A_512 : f32 to vector<16xf32>
      %parallel_loop3A_514 = arith.addf %parallel_loop3A_511, %parallel_loop3A_513 : vector<16xf32>
      %parallel_loop3A_515 = tpu.bitcast %parallel_loop3A_514 : vector<16xf32> -> vector<16xi32>
      %parallel_loop3A_516 = arith.constant 1 : i32
      %parallel_loop3A_517 = vector.broadcast %parallel_loop3A_516 : i32 to vector<16xi32>
      %parallel_loop3A_518 = arith.shrsi %parallel_loop3A_515, %parallel_loop3A_517 : vector<16xi32>
      %parallel_loop3A_519 = arith.constant 1597463007 : i32
      %parallel_loop3A_520 = vector.broadcast %parallel_loop3A_519 : i32 to vector<16xi32>
      %parallel_loop3A_521 = arith.subi %parallel_loop3A_520, %parallel_loop3A_518 : vector<16xi32>
      %parallel_loop3A_522 = tpu.bitcast %parallel_loop3A_521 : vector<16xi32> -> vector<16xf32>
      %parallel_loop3A_523 = arith.constant 5.000000e-01 : f32
      %parallel_loop3A_524 = vector.broadcast %parallel_loop3A_523 : f32 to vector<16xf32>
      %parallel_loop3A_525 = arith.mulf %parallel_loop3A_524, %parallel_loop3A_514 : vector<16xf32>
      %parallel_loop3A_526 = arith.mulf %parallel_loop3A_525, %parallel_loop3A_522 : vector<16xf32>
      %parallel_loop3A_527 = arith.mulf %parallel_loop3A_526, %parallel_loop3A_522 : vector<16xf32>
      %parallel_loop3A_528 = arith.constant 1.500000e+00 : f32
      %parallel_loop3A_529 = vector.broadcast %parallel_loop3A_528 : f32 to vector<16xf32>
      %parallel_loop3A_530 = arith.subf %parallel_loop3A_529, %parallel_loop3A_527 : vector<16xf32>
      %parallel_loop3A_531 = arith.mulf %parallel_loop3A_522, %parallel_loop3A_530 : vector<16xf32>
      %parallel_loop3A_532 = arith.subf %parallel_loop3A_366, %parallel_loop3A_506 : vector<16xf32>
      %parallel_loop3A_533 = arith.subf %parallel_loop3A_379, %parallel_loop3A_506 : vector<16xf32>
      %parallel_loop3A_534 = arith.subf %parallel_loop3A_392, %parallel_loop3A_506 : vector<16xf32>
      %parallel_loop3A_535 = arith.subf %parallel_loop3A_405, %parallel_loop3A_506 : vector<16xf32>
      %parallel_loop3A_536 = arith.subf %parallel_loop3A_418, %parallel_loop3A_506 : vector<16xf32>
      %parallel_loop3A_537 = arith.subf %parallel_loop3A_431, %parallel_loop3A_506 : vector<16xf32>
      %parallel_loop3A_538 = arith.subf %parallel_loop3A_444, %parallel_loop3A_506 : vector<16xf32>
      %parallel_loop3A_539 = arith.subf %parallel_loop3A_457, %parallel_loop3A_506 : vector<16xf32>
      %parallel_loop3A_540 = arith.mulf %get3A_7, %parallel_loop3A_531 : vector<16xf32>
      %parallel_loop3A_541 = arith.mulf %get3A_12, %parallel_loop3A_531 : vector<16xf32>
      %parallel_loop3A_542 = arith.mulf %get3A_17, %parallel_loop3A_531 : vector<16xf32>
      %parallel_loop3A_543 = arith.mulf %get3A_22, %parallel_loop3A_531 : vector<16xf32>
      %parallel_loop3A_544 = arith.mulf %get3A_27, %parallel_loop3A_531 : vector<16xf32>
      %parallel_loop3A_545 = arith.mulf %get3A_32, %parallel_loop3A_531 : vector<16xf32>
      %parallel_loop3A_546 = arith.mulf %get3A_37, %parallel_loop3A_531 : vector<16xf32>
      %parallel_loop3A_547 = arith.mulf %get3A_42, %parallel_loop3A_531 : vector<16xf32>
      %parallel_loop3A_548 = arith.mulf %parallel_loop3A_532, %parallel_loop3A_540 : vector<16xf32>
      %parallel_loop3A_549 = arith.addf %parallel_loop3A_548, %get3A_47 : vector<16xf32>
      %parallel_loop3A_550 = arith.constant 0 : i32
      %parallel_loop3A_551 = arith.constant 0 : i32
      %parallel_loop3A_552 = tpu.memref_slice %arg9[%parallel_loop3A_295, %parallel_loop3A_550, %parallel_loop3A_551] : memref<3x200x128xf32, #tpu.memory_space<vmem>> -> memref<1x200x128xf32, #tpu.memory_space<vmem>>
      %parallel_loop3A_553 = tpu.memref_squeeze %parallel_loop3A_552 : memref<1x200x128xf32, #tpu.memory_space<vmem>> -> memref<200x128xf32, #tpu.memory_space<vmem>>
      %parallel_loop3A_554 = arith.index_cast %parallel_loop3A_353 : i32 to index
      %parallel_loop3A_555 = arith.constant 0 : index
      %parallel_loop3A_556 = tpu.vector_load %parallel_loop3A_553[%parallel_loop3A_554, %parallel_loop3A_555] {strides = array<i32>} : memref<200x128xf32, #tpu.memory_space<vmem>>, vector<1x16xf32>,
      %parallel_loop3A_557 = vector.shape_cast %parallel_loop3A_556 : vector<1x16xf32> to vector<16xf32>
      %parallel_loop3A_558 = vector.shape_cast %parallel_loop3A_549 : vector<16xf32> to vector<1x16xf32>
      tpu.vector_store %parallel_loop3A_553[%parallel_loop3A_554, %parallel_loop3A_555], %parallel_loop3A_558 {strides = array<i32>} : memref<200x128xf32, #tpu.memory_space<vmem>>, vector<1x16xf32>,
      %parallel_loop3A_559 = arith.mulf %parallel_loop3A_533, %parallel_loop3A_541 : vector<16xf32>
      %parallel_loop3A_560 = arith.addf %parallel_loop3A_559, %get3A_52 : vector<16xf32>
      %parallel_loop3A_561 = arith.constant 0 : i32
      %parallel_loop3A_562 = arith.constant 0 : i32
      %parallel_loop3A_563 = tpu.memref_slice %arg9[%parallel_loop3A_295, %parallel_loop3A_561, %parallel_loop3A_562] : memref<3x200x128xf32, #tpu.memory_space<vmem>> -> memref<1x200x128xf32, #tpu.memory_space<vmem>>
      %parallel_loop3A_564 = tpu.memref_squeeze %parallel_loop3A_563 : memref<1x200x128xf32, #tpu.memory_space<vmem>> -> memref<200x128xf32, #tpu.memory_space<vmem>>
      %parallel_loop3A_565 = arith.index_cast %parallel_loop3A_353 : i32 to index
      %parallel_loop3A_566 = arith.constant 16 : index
      %parallel_loop3A_567 = tpu.vector_load %parallel_loop3A_564[%parallel_loop3A_565, %parallel_loop3A_566] {strides = array<i32>} : memref<200x128xf32, #tpu.memory_space<vmem>>, vector<1x16xf32>,
      %parallel_loop3A_568 = vector.shape_cast %parallel_loop3A_567 : vector<1x16xf32> to vector<16xf32>
      %parallel_loop3A_569 = vector.shape_cast %parallel_loop3A_560 : vector<16xf32> to vector<1x16xf32>
      tpu.vector_store %parallel_loop3A_564[%parallel_loop3A_565, %parallel_loop3A_566], %parallel_loop3A_569 {strides = array<i32>} : memref<200x128xf32, #tpu.memory_space<vmem>>, vector<1x16xf32>,
      %parallel_loop3A_570 = arith.mulf %parallel_loop3A_534, %parallel_loop3A_542 : vector<16xf32>
      %parallel_loop3A_571 = arith.addf %parallel_loop3A_570, %get3A_57 : vector<16xf32>
      %parallel_loop3A_572 = arith.constant 0 : i32
      %parallel_loop3A_573 = arith.constant 0 : i32
      %parallel_loop3A_574 = tpu.memref_slice %arg9[%parallel_loop3A_295, %parallel_loop3A_572, %parallel_loop3A_573] : memref<3x200x128xf32, #tpu.memory_space<vmem>> -> memref<1x200x128xf32, #tpu.memory_space<vmem>>
      %parallel_loop3A_575 = tpu.memref_squeeze %parallel_loop3A_574 : memref<1x200x128xf32, #tpu.memory_space<vmem>> -> memref<200x128xf32, #tpu.memory_space<vmem>>
      %parallel_loop3A_576 = arith.index_cast %parallel_loop3A_353 : i32 to index
      %parallel_loop3A_577 = arith.constant 32 : index
      %parallel_loop3A_578 = tpu.vector_load %parallel_loop3A_575[%parallel_loop3A_576, %parallel_loop3A_577] {strides = array<i32>} : memref<200x128xf32, #tpu.memory_space<vmem>>, vector<1x16xf32>,
      %parallel_loop3A_579 = vector.shape_cast %parallel_loop3A_578 : vector<1x16xf32> to vector<16xf32>
      %parallel_loop3A_580 = vector.shape_cast %parallel_loop3A_571 : vector<16xf32> to vector<1x16xf32>
      tpu.vector_store %parallel_loop3A_575[%parallel_loop3A_576, %parallel_loop3A_577], %parallel_loop3A_580 {strides = array<i32>} : memref<200x128xf32, #tpu.memory_space<vmem>>, vector<1x16xf32>,
      %parallel_loop3A_581 = arith.mulf %parallel_loop3A_535, %parallel_loop3A_543 : vector<16xf32>
      %parallel_loop3A_582 = arith.addf %parallel_loop3A_581, %get3A_62 : vector<16xf32>
      %parallel_loop3A_583 = arith.constant 0 : i32
      %parallel_loop3A_584 = arith.constant 0 : i32
      %parallel_loop3A_585 = tpu.memref_slice %arg9[%parallel_loop3A_295, %parallel_loop3A_583, %parallel_loop3A_584] : memref<3x200x128xf32, #tpu.memory_space<vmem>> -> memref<1x200x128xf32, #tpu.memory_space<vmem>>
      %parallel_loop3A_586 = tpu.memref_squeeze %parallel_loop3A_585 : memref<1x200x128xf32, #tpu.memory_space<vmem>> -> memref<200x128xf32, #tpu.memory_space<vmem>>
      %parallel_loop3A_587 = arith.index_cast %parallel_loop3A_353 : i32 to index
      %parallel_loop3A_588 = arith.constant 48 : index
      %parallel_loop3A_589 = tpu.vector_load %parallel_loop3A_586[%parallel_loop3A_587, %parallel_loop3A_588] {strides = array<i32>} : memref<200x128xf32, #tpu.memory_space<vmem>>, vector<1x16xf32>,
      %parallel_loop3A_590 = vector.shape_cast %parallel_loop3A_589 : vector<1x16xf32> to vector<16xf32>
      %parallel_loop3A_591 = vector.shape_cast %parallel_loop3A_582 : vector<16xf32> to vector<1x16xf32>
      tpu.vector_store %parallel_loop3A_586[%parallel_loop3A_587, %parallel_loop3A_588], %parallel_loop3A_591 {strides = array<i32>} : memref<200x128xf32, #tpu.memory_space<vmem>>, vector<1x16xf32>,
      %parallel_loop3A_592 = arith.mulf %parallel_loop3A_536, %parallel_loop3A_544 : vector<16xf32>
      %parallel_loop3A_593 = arith.addf %parallel_loop3A_592, %get3A_67 : vector<16xf32>
      %parallel_loop3A_594 = arith.constant 0 : i32
      %parallel_loop3A_595 = arith.constant 0 : i32
      %parallel_loop3A_596 = tpu.memref_slice %arg9[%parallel_loop3A_295, %parallel_loop3A_594, %parallel_loop3A_595] : memref<3x200x128xf32, #tpu.memory_space<vmem>> -> memref<1x200x128xf32, #tpu.memory_space<vmem>>
      %parallel_loop3A_597 = tpu.memref_squeeze %parallel_loop3A_596 : memref<1x200x128xf32, #tpu.memory_space<vmem>> -> memref<200x128xf32, #tpu.memory_space<vmem>>
      %parallel_loop3A_598 = arith.index_cast %parallel_loop3A_353 : i32 to index
      %parallel_loop3A_599 = arith.constant 64 : index
      %parallel_loop3A_600 = tpu.vector_load %parallel_loop3A_597[%parallel_loop3A_598, %parallel_loop3A_599] {strides = array<i32>} : memref<200x128xf32, #tpu.memory_space<vmem>>, vector<1x16xf32>,
      %parallel_loop3A_601 = vector.shape_cast %parallel_loop3A_600 : vector<1x16xf32> to vector<16xf32>
      %parallel_loop3A_602 = vector.shape_cast %parallel_loop3A_593 : vector<16xf32> to vector<1x16xf32>
      tpu.vector_store %parallel_loop3A_597[%parallel_loop3A_598, %parallel_loop3A_599], %parallel_loop3A_602 {strides = array<i32>} : memref<200x128xf32, #tpu.memory_space<vmem>>, vector<1x16xf32>,
      %parallel_loop3A_603 = arith.mulf %parallel_loop3A_537, %parallel_loop3A_545 : vector<16xf32>
      %parallel_loop3A_604 = arith.addf %parallel_loop3A_603, %get3A_72 : vector<16xf32>
      %parallel_loop3A_605 = arith.constant 0 : i32
      %parallel_loop3A_606 = arith.constant 0 : i32
      %parallel_loop3A_607 = tpu.memref_slice %arg9[%parallel_loop3A_295, %parallel_loop3A_605, %parallel_loop3A_606] : memref<3x200x128xf32, #tpu.memory_space<vmem>> -> memref<1x200x128xf32, #tpu.memory_space<vmem>>
      %parallel_loop3A_608 = tpu.memref_squeeze %parallel_loop3A_607 : memref<1x200x128xf32, #tpu.memory_space<vmem>> -> memref<200x128xf32, #tpu.memory_space<vmem>>
      %parallel_loop3A_609 = arith.index_cast %parallel_loop3A_353 : i32 to index
      %parallel_loop3A_610 = arith.constant 80 : index
      %parallel_loop3A_611 = tpu.vector_load %parallel_loop3A_608[%parallel_loop3A_609, %parallel_loop3A_610] {strides = array<i32>} : memref<200x128xf32, #tpu.memory_space<vmem>>, vector<1x16xf32>,
      %parallel_loop3A_612 = vector.shape_cast %parallel_loop3A_611 : vector<1x16xf32> to vector<16xf32>
      %parallel_loop3A_613 = vector.shape_cast %parallel_loop3A_604 : vector<16xf32> to vector<1x16xf32>
      tpu.vector_store %parallel_loop3A_608[%parallel_loop3A_609, %parallel_loop3A_610], %parallel_loop3A_613 {strides = array<i32>} : memref<200x128xf32, #tpu.memory_space<vmem>>, vector<1x16xf32>,
      %parallel_loop3A_614 = arith.mulf %parallel_loop3A_538, %parallel_loop3A_546 : vector<16xf32>
      %parallel_loop3A_615 = arith.addf %parallel_loop3A_614, %get3A_77 : vector<16xf32>
      %parallel_loop3A_616 = arith.constant 0 : i32
      %parallel_loop3A_617 = arith.constant 0 : i32
      %parallel_loop3A_618 = tpu.memref_slice %arg9[%parallel_loop3A_295, %parallel_loop3A_616, %parallel_loop3A_617] : memref<3x200x128xf32, #tpu.memory_space<vmem>> -> memref<1x200x128xf32, #tpu.memory_space<vmem>>
      %parallel_loop3A_619 = tpu.memref_squeeze %parallel_loop3A_618 : memref<1x200x128xf32, #tpu.memory_space<vmem>> -> memref<200x128xf32, #tpu.memory_space<vmem>>
      %parallel_loop3A_620 = arith.index_cast %parallel_loop3A_353 : i32 to index
      %parallel_loop3A_621 = arith.constant 96 : index
      %parallel_loop3A_622 = tpu.vector_load %parallel_loop3A_619[%parallel_loop3A_620, %parallel_loop3A_621] {strides = array<i32>} : memref<200x128xf32, #tpu.memory_space<vmem>>, vector<1x16xf32>,
      %parallel_loop3A_623 = vector.shape_cast %parallel_loop3A_622 : vector<1x16xf32> to vector<16xf32>
      %parallel_loop3A_624 = vector.shape_cast %parallel_loop3A_615 : vector<16xf32> to vector<1x16xf32>
      tpu.vector_store %parallel_loop3A_619[%parallel_loop3A_620, %parallel_loop3A_621], %parallel_loop3A_624 {strides = array<i32>} : memref<200x128xf32, #tpu.memory_space<vmem>>, vector<1x16xf32>,
      %parallel_loop3A_625 = arith.mulf %parallel_loop3A_539, %parallel_loop3A_547 : vector<16xf32>
      %parallel_loop3A_626 = arith.addf %parallel_loop3A_625, %get3A_82 : vector<16xf32>
      %parallel_loop3A_627 = arith.constant 0 : i32
      %parallel_loop3A_628 = arith.constant 0 : i32
      %parallel_loop3A_629 = tpu.memref_slice %arg9[%parallel_loop3A_295, %parallel_loop3A_627, %parallel_loop3A_628] : memref<3x200x128xf32, #tpu.memory_space<vmem>> -> memref<1x200x128xf32, #tpu.memory_space<vmem>>
      %parallel_loop3A_630 = tpu.memref_squeeze %parallel_loop3A_629 : memref<1x200x128xf32, #tpu.memory_space<vmem>> -> memref<200x128xf32, #tpu.memory_space<vmem>>
      %parallel_loop3A_631 = arith.index_cast %parallel_loop3A_353 : i32 to index
      %parallel_loop3A_632 = arith.constant 112 : index
      %parallel_loop3A_633 = tpu.vector_load %parallel_loop3A_630[%parallel_loop3A_631, %parallel_loop3A_632] {strides = array<i32>} : memref<200x128xf32, #tpu.memory_space<vmem>>, vector<1x16xf32>,
      %parallel_loop3A_634 = vector.shape_cast %parallel_loop3A_633 : vector<1x16xf32> to vector<16xf32>
      %parallel_loop3A_635 = vector.shape_cast %parallel_loop3A_626 : vector<16xf32> to vector<1x16xf32>
      tpu.vector_store %parallel_loop3A_630[%parallel_loop3A_631, %parallel_loop3A_632], %parallel_loop3A_635 {strides = array<i32>} : memref<200x128xf32, #tpu.memory_space<vmem>>, vector<1x16xf32>,
    } {sc.loop_unroll_factor = 1 : i64, sc.parallel_access}
    %add3A_296 = arith.constant 31 : i32
    %add3A_297 = arith.addi %mul3A_2, %add3A_296 : i32
    %dma_start3A_298 = arith.constant 1 : i32
    %dma_start3A_299 = arith.constant 0 : i32
    %dma_start3A_300 = arith.constant 0 : i32
    %dma_start3A_301 = tpu.memref_slice %arg9[%dma_start3A_298, %dma_start3A_299, %dma_start3A_300] : memref<3x200x128xf32, #tpu.memory_space<vmem>> -> memref<1x200x128xf32, #tpu.memory_space<vmem>>
    %dma_start3A_302 = tpu.memref_squeeze %dma_start3A_301 : memref<1x200x128xf32, #tpu.memory_space<vmem>> -> memref<200x128xf32, #tpu.memory_space<vmem>>
    %dma_start3A_303 = arith.constant 0 : i32
    %dma_start3A_304 = arith.constant 0 : i32
    %dma_start3A_305 = tpu.memref_slice %arg7[%add3A_297, %dma_start3A_303, %dma_start3A_304] : memref<1024x200x128xf32, #tpu.memory_space<hbm>> -> memref<1x200x128xf32, #tpu.memory_space<hbm>>
    %dma_start3A_306 = tpu.memref_squeeze %dma_start3A_305 : memref<1x200x128xf32, #tpu.memory_space<hbm>> -> memref<200x128xf32, #tpu.memory_space<hbm>>
    %dma_start3A_307 = arith.constant 0 : i32
    %dma_start3A_308 = arith.constant 0 : i32
    %dma_start3A_309 = tpu.memref_slice %arg7[%add3A_297, %dma_start3A_307, %dma_start3A_308] : memref<1024x200x128xf32, #tpu.memory_space<hbm>> -> memref<1x200x128xf32, #tpu.memory_space<hbm>>
    %dma_start3A_310 = tpu.memref_squeeze %dma_start3A_309 : memref<1x200x128xf32, #tpu.memory_space<hbm>> -> memref<200x128xf32, #tpu.memory_space<hbm>>
    %dma_start3A_311 = arith.constant 0 : i32
    %dma_start3A_312 = arith.constant 0 : i32
    %dma_start3A_313 = tpu.memref_slice %arg9[%dma_start3A_298, %dma_start3A_311, %dma_start3A_312] : memref<3x200x128xf32, #tpu.memory_space<vmem>> -> memref<1x200x128xf32, #tpu.memory_space<vmem>>
    %dma_start3A_314 = tpu.memref_squeeze %dma_start3A_313 : memref<1x200x128xf32, #tpu.memory_space<vmem>> -> memref<200x128xf32, #tpu.memory_space<vmem>>
    tpu.enqueue_dma source(%dma_start3A_314 : memref<200x128xf32, #tpu.memory_space<vmem>>) target(%dma_start3A_310 : memref<200x128xf32, #tpu.memory_space<hbm>>) target_semaphore(%arg16 : memref<!tpu.dma_semaphore, #tpu.memory_space<semaphore_mem>>)
    %add3A_315 = arith.constant 30 : i32
    %add3A_316 = arith.addi %mul3A_2, %add3A_315 : i32
    %dma_wait3A_317 = arith.constant 0 : i32
    %dma_wait3A_318 = arith.constant 0 : i32
    %dma_wait3A_319 = arith.constant 0 : i32
    %dma_wait3A_320 = tpu.memref_slice %arg9[%dma_wait3A_317, %dma_wait3A_318, %dma_wait3A_319] : memref<3x200x128xf32, #tpu.memory_space<vmem>> -> memref<1x200x128xf32, #tpu.memory_space<vmem>>
    %dma_wait3A_321 = tpu.memref_squeeze %dma_wait3A_320 : memref<1x200x128xf32, #tpu.memory_space<vmem>> -> memref<200x128xf32, #tpu.memory_space<vmem>>
    %dma_wait3A_322 = arith.constant 0 : i32
    %dma_wait3A_323 = arith.constant 0 : i32
    %dma_wait3A_324 = tpu.memref_slice %arg7[%add3A_316, %dma_wait3A_322, %dma_wait3A_323] : memref<1024x200x128xf32, #tpu.memory_space<hbm>> -> memref<1x200x128xf32, #tpu.memory_space<hbm>>
    %dma_wait3A_325 = tpu.memref_squeeze %dma_wait3A_324 : memref<1x200x128xf32, #tpu.memory_space<hbm>> -> memref<200x128xf32, #tpu.memory_space<hbm>>
    %dma_wait3A_326 = arith.constant 0 : i32
    %dma_wait3A_327 = arith.constant 0 : i32
    %dma_wait3A_328 = tpu.memref_slice %arg7[%add3A_316, %dma_wait3A_326, %dma_wait3A_327] : memref<1024x200x128xf32, #tpu.memory_space<hbm>> -> memref<1x200x128xf32, #tpu.memory_space<hbm>>
    %dma_wait3A_329 = tpu.memref_squeeze %dma_wait3A_328 : memref<1x200x128xf32, #tpu.memory_space<hbm>> -> memref<200x128xf32, #tpu.memory_space<hbm>>
    %dma_wait3A_330 = arith.constant 0 : i32
    %dma_wait3A_331 = arith.constant 0 : i32
    %dma_wait3A_332 = tpu.memref_slice %arg9[%dma_wait3A_317, %dma_wait3A_330, %dma_wait3A_331] : memref<3x200x128xf32, #tpu.memory_space<vmem>> -> memref<1x200x128xf32, #tpu.memory_space<vmem>>
    %dma_wait3A_333 = tpu.memref_squeeze %dma_wait3A_332 : memref<1x200x128xf32, #tpu.memory_space<vmem>> -> memref<200x128xf32, #tpu.memory_space<vmem>>
    tpu.wait_dma2 semaphore(%arg15 : memref<!tpu.dma_semaphore, #tpu.memory_space<semaphore_mem>>) src(%dma_wait3A_333 : memref<200x128xf32, #tpu.memory_space<vmem>>) dst(%dma_wait3A_329 : memref<200x128xf32, #tpu.memory_space<hbm>>)
    %add3A_334 = arith.constant 31 : i32
    %add3A_335 = arith.addi %mul3A_2, %add3A_334 : i32
    %dma_wait3A_336 = arith.constant 1 : i32
    %dma_wait3A_337 = arith.constant 0 : i32
    %dma_wait3A_338 = arith.constant 0 : i32
    %dma_wait3A_339 = tpu.memref_slice %arg9[%dma_wait3A_336, %dma_wait3A_337, %dma_wait3A_338] : memref<3x200x128xf32, #tpu.memory_space<vmem>> -> memref<1x200x128xf32, #tpu.memory_space<vmem>>
    %dma_wait3A_340 = tpu.memref_squeeze %dma_wait3A_339 : memref<1x200x128xf32, #tpu.memory_space<vmem>> -> memref<200x128xf32, #tpu.memory_space<vmem>>
    %dma_wait3A_341 = arith.constant 0 : i32
    %dma_wait3A_342 = arith.constant 0 : i32
    %dma_wait3A_343 = tpu.memref_slice %arg7[%add3A_335, %dma_wait3A_341, %dma_wait3A_342] : memref<1024x200x128xf32, #tpu.memory_space<hbm>> -> memref<1x200x128xf32, #tpu.memory_space<hbm>>
    %dma_wait3A_344 = tpu.memref_squeeze %dma_wait3A_343 : memref<1x200x128xf32, #tpu.memory_space<hbm>> -> memref<200x128xf32, #tpu.memory_space<hbm>>
    %dma_wait3A_345 = arith.constant 0 : i32
    %dma_wait3A_346 = arith.constant 0 : i32
    %dma_wait3A_347 = tpu.memref_slice %arg7[%add3A_335, %dma_wait3A_345, %dma_wait3A_346] : memref<1024x200x128xf32, #tpu.memory_space<hbm>> -> memref<1x200x128xf32, #tpu.memory_space<hbm>>
    %dma_wait3A_348 = tpu.memref_squeeze %dma_wait3A_347 : memref<1x200x128xf32, #tpu.memory_space<hbm>> -> memref<200x128xf32, #tpu.memory_space<hbm>>
    %dma_wait3A_349 = arith.constant 0 : i32
    %dma_wait3A_350 = arith.constant 0 : i32
    %dma_wait3A_351 = tpu.memref_slice %arg9[%dma_wait3A_336, %dma_wait3A_349, %dma_wait3A_350] : memref<3x200x128xf32, #tpu.memory_space<vmem>> -> memref<1x200x128xf32, #tpu.memory_space<vmem>>
    %dma_wait3A_352 = tpu.memref_squeeze %dma_wait3A_351 : memref<1x200x128xf32, #tpu.memory_space<vmem>> -> memref<200x128xf32, #tpu.memory_space<vmem>>
    tpu.wait_dma2 semaphore(%arg16 : memref<!tpu.dma_semaphore, #tpu.memory_space<semaphore_mem>>) src(%dma_wait3A_352 : memref<200x128xf32, #tpu.memory_space<vmem>>) dst(%dma_wait3A_348 : memref<200x128xf32, #tpu.memory_space<hbm>>)
    return
  }
}

</mosaic_0001>

<sc_bundles>
// kernel: kernel.3.cloned.1.call-start
scs
__scs_entry_jumppad:
0x0: {  	(pc) =	sbr.rel $0x88, $3  }
0x1: {  	(tag) =	ssettag $0x0;
	lr =	simm.s32 $0x1  }
0x2: {  	[smem:$0x3F9C] =	sst lr;
	_ =	strace $0xD0000000  }
0x3: {  	_ = 	snop  }
0x4: {  	_ = 	snop  }
0x5: {  	_ = 	snop  }
0x6: {  	_ = 	snop  }
0x7: {  	_ = 	snop  }
__scs_overlays_trampoline_lowered:
0x8: {  	[smem:$0x3FAB] =	sst s0  }
0x9: {  	[smem:$0x3FAC] =	sst s1  }
0xa: {  	[smem:$0x3FAD] =	sst s2  }
0xb: {  	[smem:$0x3FAE] =	sst s3  }
0xc: {  	[smem:$0x3FAF] =	sst s4  }
0xd: {  	[smem:$0x3FB0] =	sst s5  }
0xe: {  	[smem:$0x3FB1] =	sst s6  }
0xf: {  	[smem:$0x3FB2] =	sst s7  }
0x10: {  	[smem:$0x3FB3] =	sst s8  }
0x11: {  	[smem:$0x3FB4] =	sst s9;
	s0 =	simm.s32 @!p0 $0x0  }
0x12: {  	s1 =	sld [smem:$0x3F9A];
	s0 =	simm.s32 @p0 $0x1  }
0x13: {  	[smem:$0x3FB5] =	sst s0;
	s0 =	simm.s32 @!p1 $0x0  }
0x14: {  	s2 =	sld [smem:$0x3F99];
	s0 =	simm.s32 @p1 $0x1  }
0x15: {  	[smem:$0x3FB6] =	sst s0;
	s0 =	simm.s32 @!p2 $0x0  }
0x16: {  	s3 =	sld [smem:$0x3FDB];
	s0 =	simm.s32 @p2 $0x1  }
0x17: {  	s4 =	simm.s32 $0x1BF5;
	[smem:$0x3FB8] =	sst s0  }
0x18: {  	s0 =	sld [smem:$0x3F9B];
	_ =	swait.ge [sflag:s4], $0x0  }
0x19: {  	s7 =	sld [smem:$0x3F9C]  }
0x1a: {  	s8 =	sadd.s32 $0xFFFFE003, lr  }
0x1b: {  	s9 =	sadd.s32 $0xFFFFFEF7, lr;
	s5 =	simm.s32 $0xFFFFFFFF;
	p2 =	slt.u32 s8, $0xFFFFF086  }
0x1c: {  	p1 =	slt.u32 s9, $0xF7A;
	s5 =	simm.s32 @!p2 $0x0  }
0x1d: {  	s5 =	simm.s32 @p1 $0x1;
	p0 =	seq.s32 s7, s2  }
0x1e: {  	s7 =	smul.u32 @!p0 $0xF7A, s2;
	p2 =	seq.s32 @!p0 s5, $0x0  }
0x1f: {  	s9 =	smul.u32 $0xF7A, s1;
	s8 =	simm.s32 @!p0 $0x1BF5;
	p2 =	por !p2, p0  }
0x20: {  	[sflag:s8] =	ssyncset.s32 @!p0 $0xFFFFF086;
	s6 =	sadd.s32 @!p0 s3, s7;
	s7 =	simm.s32 @!p0 $0x108  }
0x21: {  	s3 =	sadd.s32 s3, s9;
	s6 =	sadd.s32 @!p0 $0x88, s6;
	s7 =	simm.s32 @p2 $0x1082  }
0x22: {  	[simem:s7], [sflag:s8] =	dma.local @!p0 [hbm:s6], $0xF7A  }
0x23: {  	s9 =	sor.u32 $0xD0000000, s2;
	s6 =	simm.s32 $0x108;
	_ =	swait.ge @!p0 [sflag:s8], $0x0  }
0x24: {  	s3 =	sadd.s32 $0x88, s3;
	s6 =	simm.s32 @!p1 $0x1082;
	[sflag:s4] =	ssyncset.s32 $0xFFFFF086  }
0x25: {  	[simem:s6], [sflag:s4] =	dma.local [hbm:s3], $0xF7A  }
0x26: {  	[smem:$0x3F9C] =	sst s1;
	(tag) =	ssettag s2;
	_ =	strace s9  }
0x27: {  	s1 =	sld [smem:$0x3FAC]  }
0x28: {  	s2 =	sld [smem:$0x3FAD]  }
0x29: {  	s4 =	sld [smem:$0x3FAF]  }
0x2a: {  	p0 =	seq.s32 s5, $0x0;
	s5 =	sld [smem:$0x3FB0]  }
0x2b: {  	s6 =	sld [smem:$0x3FB1]  }
0x2c: {  	s7 =	sld [smem:$0x3FB2]  }
0x2d: {  	s3 =	simm.s32 $0x108;
	s8 =	sld [smem:$0x3FB3]  }
0x2e: {  	s3 =	simm.s32 @!p0 $0x1082;
	s9 =	sld [smem:$0x3FB4]  }
0x2f: {  	lr =	sadd.s32 s0, s3;
	s0 =	sld [smem:$0x3FAB]  }
0x30: {  	s3 =	sld [smem:$0x3FAE]  }
0x31: {  	[smem:$0x3FB7] =	sst s10  }
0x32: {  	s10 =	sld [smem:$0x3FB5];
	_ =	sdelay $0x3  }
0x33: {  	p0 =	seq.s32 s10, $0x1;
	s10 =	sld [smem:$0x3FB7];
	_ =	sdelay $0x3  }
0x34: {  	[smem:$0x3FB7] =	sst s10  }
0x35: {  	s10 =	sld [smem:$0x3FB6];
	_ =	sdelay $0x3  }
0x36: {  	p1 =	seq.s32 s10, $0x1;
	s10 =	sld [smem:$0x3FB7];
	_ =	sdelay $0x3  }
0x37: {  	[smem:$0x3FB7] =	sst s10  }
0x38: {  	s10 =	sld [smem:$0x3FB8]  }
0x39: {  	_ = 	snop;
	(pc) =	sbr.ind lr, $3  }
0x3a: {  	_ = 	snop  }
0x3b: {  	_ = 	snop  }
0x3c: {  	p2 =	seq.s32 s10, $0x1;
	s10 =	sld [smem:$0x3FB7]  }
0x3d: {  	_ =	shalt  }
0x3e: {  	_ =	shalt  }
0x3f: {  	_ =	shalt  }
0x40: {  	_ =	shalt  }
0x41: {  	_ =	shalt  }
0x42: {  	_ =	shalt  }
0x43: {  	_ =	shalt  }
0x44: {  	_ =	shalt  }
0x45: {  	_ =	shalt  }
0x46: {  	_ =	shalt  }
0x47: {  	_ =	shalt  }
0x48: {  	_ =	shalt  }
0x49: {  	_ =	shalt  }
0x4a: {  	_ =	shalt  }
0x4b: {  	_ =	shalt  }
0x4c: {  	_ =	shalt  }
0x4d: {  	_ =	shalt  }
0x4e: {  	_ =	shalt  }
0x4f: {  	_ =	shalt  }
0x50: {  	_ =	shalt  }
0x51: {  	_ =	shalt  }
0x52: {  	_ =	shalt  }
0x53: {  	_ =	shalt  }
0x54: {  	_ =	shalt  }
0x55: {  	_ =	shalt  }
0x56: {  	_ =	shalt  }
0x57: {  	_ =	shalt  }
0x58: {  	_ =	shalt  }
0x59: {  	_ =	shalt  }
0x5a: {  	_ =	shalt  }
0x5b: {  	_ =	shalt  }
0x5c: {  	_ =	shalt  }
0x5d: {  	_ =	shalt  }
0x5e: {  	_ =	shalt  }
0x5f: {  	_ =	shalt  }
0x60: {  	_ =	shalt  }
0x61: {  	_ =	shalt  }
0x62: {  	_ =	shalt  }
0x63: {  	_ =	shalt  }
0x64: {  	_ =	shalt  }
0x65: {  	_ =	shalt  }
0x66: {  	_ =	shalt  }
0x67: {  	_ =	shalt  }
0x68: {  	_ =	shalt  }
0x69: {  	_ =	shalt  }
0x6a: {  	_ =	shalt  }
0x6b: {  	_ =	shalt  }
0x6c: {  	_ =	shalt  }
0x6d: {  	_ =	shalt  }
0x6e: {  	_ =	shalt  }
0x6f: {  	_ =	shalt  }
0x70: {  	_ =	shalt  }
0x71: {  	_ =	shalt  }
0x72: {  	_ =	shalt  }
0x73: {  	_ =	shalt  }
0x74: {  	_ =	shalt  }
0x75: {  	_ =	shalt  }
0x76: {  	_ =	shalt  }
0x77: {  	_ =	shalt  }
0x78: {  	_ =	shalt  }
0x79: {  	_ =	shalt  }
0x7a: {  	_ =	shalt  }
0x7b: {  	_ =	shalt  }
0x7c: {  	_ =	shalt  }
0x7d: {  	_ =	shalt  }
0x7e: {  	_ =	shalt  }
0x7f: {  	_ =	shalt  }
0x80: {  	_ =	shalt  }
0x81: {  	_ =	shalt  }
0x82: {  	_ =	shalt  }
0x83: {  	_ =	shalt  }
0x84: {  	_ =	shalt  }
0x85: {  	_ =	shalt  }
0x86: {  	_ =	shalt  }
0x87: {  	_ =	shalt  }
.Lfunc_end0:
.L_simem_size_0:
called_computation_lowered:
.L_overlay_start_0:
0x88: {  	s2 =	sld [smem:$0x3FD9]  }
0x89: {  	s3 =	sld [smem:$0x3FFE];
	_ =	sdelay $0x1  }
0x8a: {  	s1 =	srdreg.scid  }
0x8b: {  	s0 =	sand.u32 $0x1, s1  }
0x8c: {  	s17 =	sshll.u32 s0, $0xA;
	s2 =	sadd.s32 s3, s2  }
0x8d: {  	s2 =	sadd.s32 s2, s17  }
0x8e: {  	[smem:$0x3FC3] =	sst s2  }
0x8f: {  	_ = 	snop  }
0x90: {  	s2 =	sld [smem:$0x3FC8]  }
0x91: {  	s18 =	sld [smem:$0x3FC7]  }
0x92: {  	s4 =	sld [smem:$0x3FC6]  }
0x93: {  	s5 =	sld [smem:$0x3FC5]  }
0x94: {  	s6 =	sld [smem:$0x3FD0];
	(tm) =	ssettm $0x1  }
0x95: {  	s7 =	sld [smem:$0x3FFB];
	_ =	sdelay $0x3  }
0x96: {  	_ =	strace s7  }
0x97: {  	s7 =	sld [smem:$0x3FFC];
	_ =	sdelay $0x3  }
0x98: {  	_ =	strace s7  }
0x99: {  	s7 =	sld [smem:$0x3FFD];
	_ =	sdelay $0x3  }
0x9a: {  	_ =	strace s7  }
0x9b: {  	_ =	strace $0x8FFFFFFF  }
0x9c: {  	s19 =	sld [smem:$0x3FDB];
	_ =	sdelay $0x1  }
0x9d: {  	s8 =	simm.s32 $_scs_section_size  }
0x9e: {  	s9 =	simm.s32 $_size__tile_overlayer_lowered;
	s10 =	simm.s32 $_tile_overlayer_lowered  }
0x9f: {  	s22 =	simm.s32 $0x1BFF;
	s21 =	sshll.u32 s10, $0x1;
	s7 =	sadd.s32 s8, s19  }
0xa0: {  	s11 =	simm.s32 $0x0;
	s20 =	sshll.u32 s9, $0x1;
	s9 =	sadd.s32 s21, s7  }
0xa1: {  	[timem:s11], [sflag:s22] =	dma.local [hbm:s9], s20  }
0xa2: {  	_ =	swait.ge [sflag:s22], s20  }
0xa3: {  	s8 =	ssub.s32 $0x0, s20;
	[sflag:s22] =	ssyncset.done $0x0  }
0xa4: {  	[sflag:s22] =	ssyncadd.s32 s8;
	_ =	sdelay $0x1  }
0xa5: {  	s23 =	simm.s32 $0x1B8B  }
0xa6: {  	_ =	swait.ge [sflag:s23], $0x1  }
0xa7: {  	[sflag:s23] =	ssyncset.done $0x0  }
0xa8: {  	s25 =	simm.s32 $0x1B8E;
	s24 =	sld [smem:$0x3FFE];
	[sflag:s23] =	ssyncadd.s32 $0xFFFFFFFF  }
0xa9: {  	s26 =	simm.s32 $execute0_lowered;
	[smem:$0x3FD2] =	sst s25  }
0xaa: {  	s9 =	sshll.u32 s26, $0x1;
	_ =	strace $0x80000046;
	[dreg:$0x1] =	wrdreg $0xFFFFFFFF  }
0xab: {  	s28 =	simm.s32 $_size_execute0_lowered;
	s7 =	sadd.s32 s7, s9;
	[dreg:$0x0] =	wrdreg $0x0  }
0xac: {  	s9 =	sshll.u32 s28, $0x1;
	[dreg:$0x2] =	wrdreg s7  }
0xad: {  	[dreg:$0x3] =	wrdreg s9  }
0xae: {  	[dreg:$0x4] =	wrdreg $0xC0  }
0xaf: {  	_ =	task [dreg:s11], $0x5FFFF  }
0xb0: {  	[dreg:$0x1] =	wrdreg $0xFFFFFFFF  }
0xb1: {  	[dreg:$0x0] =	wrdreg $0x60  }
0xb2: {  	[dreg:$0x2] =	wrdreg s24  }
0xb3: {  	[dreg:$0x3] =	wrdreg s2  }
0xb4: {  	[dreg:$0x4] =	wrdreg s18  }
0xb5: {  	[dreg:$0x5] =	wrdreg s4  }
0xb6: {  	[dreg:$0x6] =	wrdreg s5  }
0xb7: {  	[dreg:$0x7] =	wrdreg s6  }
0xb8: {  	[dreg:$0x8] =	wrdreg $0x9  }
0xb9: {  	_ =	task.clear_ibuf [dreg:s11], $0x9FFFF;
	_ =	strace $0x90000046  }
0xba: {  	s29 =	simm.s32 $0x9;
	_ =	strace $0x80000048  }
0xbb: {  	_ =	swait.ge [sflag:s29], $0x1  }
0xbc: {  	[sflag:s29] =	ssyncadd.s32 $0xFFFFFFFF  }
0xbd: {  	_ =	strace $0x90000048  }
0xbe: {  	_ =	sfence  }
0xbf: {  	s30 =	sld [smem:$0x0];
	_ =	sdelay $0x2  }
0xc0: {  	s31 =	sshll.u32 s1, $0xD;
	s1 =	sshrl.u32 s1, $0x2  }
0xc1: {  	s3 =	sand.u32 $0x4000, s31;
	s1 =	sadd.s32 s1, s30  }
0xc2: {  	s0 =	sor.u32 s3, s0;
	s1 =	sshll.u32 s1, $0x11  }
0xc3: {  	s0 =	sor.u32 s1, s0  }
0xc4: {  	s0 =	sadd.s32 $0x8F2B, s0  }
0xc5: {  	[sflag:s0] =	ssyncadd.remote.s32 $0x1  }
0xc6: {  	_ =	sfence.sel $0xFFFF  }
0xc7: {  	[dreg:$0x0] =	wrdreg $0xFFFFFFFF;
	(pc) =	sbr.abs _section_cstart, $3  }
0xc8: {  	[dreg:$0x1] =	wrdreg $0xFFFFFFFF  }
0xc9: {  	_ =	task.clear_ibuf [dreg:s11], $0x2FFFF;
	_ =	strace $0x9FFFFFFF  }
0xca: {  	(tm) =	ssettm $0x7FFFFFFF  }
0xcb: {  	_ =	shalt  }
tec
execute0_lowered:
.L_overlay_start_1:
0x0: {  	(tag) =	ssettag $0x1  }
0x1: {  	s1 =	rddreg [dreg:$0x0]  }
0x2: {  	s0 =	rddreg [dreg:$0x1];
	s2 =	srdreg.scid  }
0x3: {  	s3 =	stileid.u32;
	s6 =	rddreg [dreg:$0x5];
	v0 =	vimm.s32 $0xFEDCBA98;
	s7 =	simm.s32 $0x0;
	v1 =	vimm.s32 $0x76543210  }
0x4: {  	v2 =	vimm.s32 $0xBA98FEDC;
	v3 =	vimm.s32 $0x32107654;
	s16 =	simm.s32 $0x7;
	s17 =	simm.s32 $0x64;
	s18 =	simm.s32 $0x2000  }
0x5: {  	v4 =	vimm.s32 $0x98FEDCBA;
	v5 =	vimm.s32 $0x10765432;
	s20 =	simm.s32 $0x5200;
	s21 =	simm.s32 $0x1;
	s22 =	simm.s32 $0x8400  }
0x6: {  	v6 =	vimm.s32 $0x8FEDCBA9;
	v7 =	vimm.s32 $0x7654321;
	s23 =	simm.s32 $0xB600;
	s24 =	simm.s32 $0x2;
	s25 =	simm.s32 $0xE800  }
0x7: {  	s26 =	simm.s32 $0x11A00;
	s28 =	simm.s32 $0x3;
	s29 =	simm.s32 $0x4;
	v0 =	vunpack.c.l.s4.s8 v0;
	v1 =	vunpack.c.l.s4.s8 v1;
	v2 =	vunpack.c.l.s4.s8 v2  }
0x8: {  	s30 =	simm.s32 $0x5;
	s2 =	sand.u32 $0x1, s2;
	s3 =	sshll.u32 s3, $0x1;
	v3 =	vunpack.c.l.s4.s8 v3;
	v4 =	vunpack.c.l.s4.s8 v4;
	v5 =	vunpack.c.l.s4.s8 v5  }
0x9: {  	[smem:$0x7FF] =	sst s7;
	v6 =	vunpack.c.l.s4.s8 v6;
	v7 =	vunpack.c.l.s4.s8 v7;
	s3 =	sor.u32 s2, s3;
	s2 =	ssub.s32 $0x2, s2;
	v0 =	vunpack.c.0.s8.s32 v0  }
0xa: {  	s4 =	smul.u32 $0xC8000, s3;
	s5 =	sshll.u32 s3, $0xA;
	s8 =	sshrl.u32 s2, $0x1;
	v1 =	vunpack.c.0.s8.s32 v1;
	v2 =	vunpack.c.0.s8.s32 v2;
	v3 =	vunpack.c.0.s8.s32 v3  }
0xb: {  	_ =	strace $0x80000047;
	v4 =	vunpack.c.0.s8.s32 v4;
	v5 =	vunpack.c.0.s8.s32 v5;
	s1 =	sadd.s32 s5, s1;
	s2 =	ssub.s32 s2, s8;
	v0 =	vand.u32 $0xF, v0  }
0xc: {  	v6 =	vunpack.c.0.s8.s32 v6;
	v7 =	vunpack.c.0.s8.s32 v7;
	s8 =	sshll.u32 s3, $0x5;
	s4 =	sshrl.u32 s4, $0x3;
	s9 =	sadd.s32 $0x400, s1;
	v0 =	vcombine.low v0, v1  }
0xd: {  	vm0 =	vmmov $0xff;
	s12 =	smax.u32 s2, $0x1;
	s1 =	simm.s32 $0x6;
	s31 =	sadd.s32 s6, s4;
	v1 =	vcombine.low v3, v2;
	v2 =	vcombine.low v5, v4  }
0xe: {  	s2 =	simm.s32 $0x0;
	v3 =	vcombine.low v7, v6;
	v4 =	vimm.s32 $0x0;
	v5 =	vimm.s32 $0x8;
	s10 =	sadd.s32 $0x17700, s31;
	s11 =	sadd.s32 $0x18380, s31  }
.LBB2_1:
0xf: {  	[tilespmem:s7], [sflag:$0x7] =	stream.linear.gather [hbm4b:s9+s7], $0x2000, $0x38;
	[tilespmem:$0x1B100] =	vst v63  }
0x10: {  	_ =	swait.ge [sflag:s16], $0x2000  }
0x11: {  	[sflag:s16] =	ssyncset.done $0x0  }
0x12: {  	[sflag:s16] =	ssyncadd.s32 $0xFFFFE000  }
0x13: {  	s4 =	simm.s32 $0x14C00;
	s3 =	rddreg [dreg:$0x2]  }
0x14: {  	[tilespmem:s4], [sflag:$0x7] =	stream.linear.gather [hbm4b:s3+s7], $0x6400, $0x38;
	[tilespmem:$0x1B100] =	vst v63  }
0x15: {  	_ =	swait.ge [sflag:s16], $0x6400  }
0x16: {  	[sflag:s16] =	ssyncset.done $0x0  }
0x17: {  	[sflag:s16] =	ssyncadd.s32 $0xFFFF9C00  }
0x18: {  	s14 =	simm.s32 $0x1B000;
	s13 =	rddreg [dreg:$0x3]  }
0x19: {  	[tilespmem:s14], [sflag:$0x7] =	stream.linear.gather [hbm4b:s13+s7], $0x80, $0x38;
	[tilespmem:$0x1B100] =	vst v63  }
0x1a: {  	_ =	swait.ge [sflag:s16], $0x80  }
0x1b: {  	[sflag:s16] =	ssyncset.done $0x0  }
0x1c: {  	[sflag:s16] =	ssyncadd.s32 $0xFFFFFF80  }
0x1d: {  	s19 =	simm.s32 $0x1B080;
	s15 =	rddreg [dreg:$0x4]  }
0x1e: {  	[tilespmem:s19], [sflag:$0x7] =	stream.linear.gather [hbm4b:s15+s7], $0x80, $0x38;
	[tilespmem:$0x1B100] =	vst v63  }
0x1f: {  	_ =	swait.ge [sflag:s16], $0x80  }
0x20: {  	[sflag:s16] =	ssyncset.done $0x0  }
0x21: {  	[sflag:s16] =	ssyncadd.s32 $0xFFFFFF80  }
0x22: {  	v19 =	vld [tilespmem:$0x1B000]  }
0x23: {  	v18 =	vld [tilespmem:$0x1B010]  }
0x24: {  	v17 =	vld [tilespmem:$0x1B020]  }
0x25: {  	v16 =	vld [tilespmem:$0x1B030]  }
0x26: {  	v14 =	vld [tilespmem:$0x1B040]  }
0x27: {  	v12 =	vld [tilespmem:$0x1B050]  }
0x28: {  	v9 =	vld [tilespmem:$0x1B060]  }
0x29: {  	v21 =	vld [tilespmem:$0x1B070]  }
0x2a: {  	v15 =	vld [tilespmem:$0x1B080]  }
0x2b: {  	v13 =	vld [tilespmem:$0x1B090]  }
0x2c: {  	v11 =	vld [tilespmem:$0x1B0A0]  }
0x2d: {  	v10 =	vld [tilespmem:$0x1B0B0]  }
0x2e: {  	v8 =	vld [tilespmem:$0x1B0C0]  }
0x2f: {  	v7 =	vld [tilespmem:$0x1B0D0]  }
0x30: {  	v6 =	vld [tilespmem:$0x1B0E0]  }
0x31: {  	v20 =	vld [tilespmem:$0x1B0F0];
	[tilespmem:s18], [sflag:$0x1] =	stream.indirect.gather [hbm4b:s0+s17], $0x80, s7, s17, $0xb8  }
0x32: {  	s31 =	simm.s32 $0x80;
	s3 =	simm.s32 $0x0  }
0x33: {  	[tilespmem:s20], [sflag:$0x1] =	stream.indirect.gather [hbm4b:s0+s17], $0x80, s31, s17, $0xb8;
	[tilespmem:$0x1B100] =	vst v63  }
.LBB2_2:
0x34: {  	_ =	swait.ge [sflag:s21], $0x3200  }
0x35: {  	[sflag:s21] =	ssyncset.done $0x0  }
0x36: {  	[sflag:s21] =	ssyncadd.s32 $0xFFFFCE00  }
0x37: {  	_ =	swait.ge [sflag:s21], $0x3200  }
0x38: {  	s13 =	smul.u32 $0x3, s3;
	p0 =	seq.s32 s3, $0x0;
	[sflag:s21] =	ssyncset.done $0x0  }
0x39: {  	s5 =	simm.s32 @!p0 $0x5;
	[sflag:s21] =	ssyncadd.s32 $0xFFFFCE00  }
0x3a: {  	s4 =	sadd.s32 $0x1, s13;
	_ =	swait.ge @!p0 [sflag:s5], $0x6400  }
0x3b: {  	s14 =	sshll.u32 s4, $0x8;
	[sflag:s5] =	ssyncset.done @!p0 $0x0  }
0x3c: {  	s19 =	sand.u32 $0x3FFFFF00, s14;
	[sflag:s5] =	ssyncadd.s32 @!p0 $0xFFFF9C00  }
0x3d: {  	[tilespmem:s22], [sflag:$0x2] =	stream.indirect.gather [hbm4b:s0+s17], $0x80, s19, s17, $0xb8;
	[tilespmem:$0x1B100] =	vst v63  }
0x3e: {  	s14 =	simm.s32 $0x0;
	s5 =	sor.u32 $0x80, s19  }
0x3f: {  	[tilespmem:s23], [sflag:$0x2] =	stream.indirect.gather [hbm4b:s0+s17], $0x80, s5, s17, $0xb8;
	[tilespmem:$0x1B100] =	vst v63  }
0x40: {  	v22 =	vld [tilespmem:s14+$0x2030]  }
0x41: {  	v23 =	vld [tilespmem:s14+$0x2000]  }
0x42: {  	v24 =	vld [tilespmem:s14+$0x14C00]  }
0x43: {  	v25 =	vld [tilespmem:s14+$0x2010]  }
0x44: {  	v26 =	vld [tilespmem:s14+$0x14C10]  }
0x45: {  	v27 =	vld [tilespmem:s14+$0x2020]  }
0x46: {  	v28 =	vld [tilespmem:s14+$0x14C20]  }
0x47: {  	v29 =	vld [tilespmem:s14+$0x14C30]  }
0x48: {  	v30 =	vld [tilespmem:s14+$0x2040]  }
0x49: {  	v23 =	vadd.f32 v24, v23;
	v24 =	vadd.f32 v26, v25;
	v25 =	vld [tilespmem:s14+$0x14C40]  }
0x4a: {  	v26 =	vld [tilespmem:s14+$0x2050]  }
0x4b: {  	v28 =	vadd.f32 v28, v27;
	v27 =	vld [tilespmem:s14+$0x14C50];
	v31 =	vmul.f32 v23, v23;
	v32 =	vmul.f32 v24, v24  }
0x4c: {  	v34 =	vld [tilespmem:s14+$0x14C60];
	v33 =	vadd.f32 v24, v23  }
0x4d: {  	v22 =	vadd.f32 v29, v22;
	v29 =	vld [tilespmem:s14+$0x2060];
	v50 =	vmul.f32 v28, v28;
	v31 =	vadd.f32 v32, v31  }
0x4e: {  	v35 =	vld [tilespmem:s14+$0x14C70];
	v33 =	vadd.f32 v28, v33  }
0x4f: {  	v51 =	vmul.f32 v22, v22;
	v25 =	vadd.f32 v25, v30;
	v30 =	vld [tilespmem:s14+$0x2070];
	v31 =	vadd.f32 v50, v31  }
0x50: {  	v26 =	vadd.f32 v27, v26  }
0x51: {  	v27 =	vadd.f32 v22, v33;
	v52 =	vmul.f32 v25, v25;
	v31 =	vadd.f32 v51, v31  }
0x52: {  	v29 =	vadd.f32 v34, v29  }
0x53: {  	v53 =	vmul.f32 v26, v26;
	v27 =	vadd.f32 v25, v27;
	v31 =	vadd.f32 v52, v31  }
0x54: {  	v35 =	vadd.f32 v35, v30  }
0x55: {  	v27 =	vadd.f32 v26, v27;
	v30 =	vadd.f32 v53, v31;
	v31 =	vmul.f32 v29, v29;
	_ =	sdelay $0x1  }
0x56: {  	v27 =	vadd.f32 v29, v27;
	v30 =	vadd.f32 v31, v30;
	v31 =	vmul.f32 v35, v35;
	_ =	sdelay $0x1  }
0x57: {  	v27 =	vadd.f32 v35, v27;
	v30 =	vadd.f32 v31, v30  }
0x58: {  	s15 =	simm.s32 $0x80  }
0x59: {  	v36 =	vld [tilespmem:s15+$0x2030];
	v31 =	vperm.xlane v27, v0;
	v54 =	vperm.xlane v30, v0  }
0x5a: {  	v55 =	vld [tilespmem:s15+$0x14C00]  }
0x5b: {  	v37 =	vld [tilespmem:s15+$0x14C10];
	v27 =	vadd.f32 v27, v31;
	v30 =	vadd.f32 v30, v54  }
0x5c: {  	v31 =	vld [tilespmem:s15+$0x2000]  }
0x5d: {  	v27 =	vsel vm0, v27, v30;
	v30 =	vld [tilespmem:s15+$0x2010]  }
0x5e: {  	v38 =	vld [tilespmem:s15+$0x2020];
	v56 =	vperm.xlane v27, v1  }
0x5f: {  	v39 =	vld [tilespmem:s15+$0x14C20]  }
0x60: {  	v40 =	vld [tilespmem:s15+$0x14C30];
	v27 =	vadd.f32 v27, v56  }
0x61: {  	v57 =	vld [tilespmem:s15+$0x14C40];
	v34 =	vadd.f32 v55, v31  }
0x62: {  	v31 =	vld [tilespmem:s15+$0x2040];
	v41 =	vperm.xlane v27, v2;
	v33 =	vadd.f32 v37, v30  }
0x63: {  	v58 =	vld [tilespmem:s15+$0x2050];
	v42 =	vmul.f32 v34, v34  }
0x64: {  	v59 =	vld [tilespmem:s15+$0x14C50];
	v30 =	vadd.f32 v39, v38;
	v27 =	vadd.f32 v27, v41;
	v60 =	vmul.f32 v33, v33  }
0x65: {  	v61 =	vld [tilespmem:s15+$0x2060];
	v32 =	vadd.f32 v40, v36;
	v44 =	vadd.f32 v33, v34  }
0x66: {  	v45 =	vld [tilespmem:s15+$0x14C60];
	v62 =	vmul.f32 v30, v30;
	v43 =	vperm.xlane v27, v3;
	v39 =	vadd.f32 v60, v42  }
0x67: {  	v48 =	vld [tilespmem:s15+$0x14C70];
	v40 =	vadd.f32 v57, v31;
	v63 =	vadd.f32 v30, v44  }
0x68: {  	v49 =	vmul.f32 v32, v32;
	v31 =	vld [tilespmem:s15+$0x2070];
	v27 =	vadd.f32 v27, v43;
	v39 =	vadd.f32 v62, v39  }
0x69: {  	v51 =	vmul.f32 v40, v40;
	v37 =	vadd.f32 v32, v63  }
0x6a: {  	v44 =	vadd.f32 v59, v58;
	v27 =	vmul.f32 $7.812500000e-03, v27;
	v50 =	vadd.f32 v49, v39  }
0x6b: {  	v41 =	vadd.f32 v45, v61;
	v52 =	vadd.f32 v40, v37  }
0x6c: {  	v53 =	vmul.f32 v44, v44;
	v42 =	vperm.xlane v27, v4;
	v38 =	vadd.f32 v51, v50  }
0x6d: {  	v54 =	vperm.xlane v27, v5;
	v27 =	vadd.f32 v48, v31;
	v31 =	vadd.f32 v44, v52  }
0x6e: {  	v57 =	vmul.f32 v41, v41;
	v55 =	vmul.f32 v42, v42;
	v56 =	vadd.f32 v53, v38  }
0x6f: {  	v31 =	vadd.f32 v41, v31  }
0x70: {  	v59 =	vmul.f32 v27, v27;
	v58 =	vsub.f32 v54, v55;
	v36 =	vadd.f32 v57, v56  }
0x71: {  	v31 =	vadd.f32 v27, v31  }
0x72: {  	v38 =	vadd.f32 $9.999999960e-13, v58;
	v36 =	vadd.f32 v59, v36  }
0x73: {  	v61 =	vperm.xlane v31, v0  }
0x74: {  	s19 =	simm.s32 $0x100;
	v60 =	vshra.s32 v38, $0x1;
	v38 =	vmul.f32 $-5.000000000e-01, v38;
	v62 =	vperm.xlane v36, v0  }
0x75: {  	v57 =	vld [tilespmem:s19+$0x2000];
	v37 =	vsub.s32 $0x5F3759DF, v60  }
0x76: {  	v58 =	vld [tilespmem:s19+$0x14C00];
	v31 =	vadd.f32 v31, v61;
	v38 =	vmul.f32 v37, v38;
	v36 =	vadd.f32 v36, v62  }
0x77: {  	v46 =	vsub.f32 v23, v42;
	v48 =	vsub.f32 v28, v42;
	v28 =	vld [tilespmem:s19+$0x14C10]  }
0x78: {  	v47 =	vsub.f32 v24, v42;
	v59 =	vld [tilespmem:s19+$0x2010];
	v38 =	vmul.f32 v37, v38;
	v23 =	vsel vm0, v31, v36  }
0x79: {  	v63 =	vld [tilespmem:s19+$0x2030];
	v49 =	vsub.f32 v22, v42;
	v51 =	vsub.f32 v25, v42;
	v24 =	vperm.xlane v23, v1  }
0x7a: {  	v25 =	vld [tilespmem:s19+$0x2020];
	v52 =	vsub.f32 v26, v42;
	v31 =	vadd.f32 $1.500000000e+00, v38  }
0x7b: {  	v26 =	vld [tilespmem:s19+$0x14C20];
	v22 =	vadd.f32 v58, v57;
	v24 =	vadd.f32 v23, v24  }
0x7c: {  	v35 =	vsub.f32 v35, v42;
	v53 =	vld [tilespmem:s19+$0x2040];
	v31 =	vmul.f32 v37, v31  }
0x7d: {  	v60 =	vld [tilespmem:s19+$0x14C30];
	v43 =	vmul.f32 v22, v22;
	v23 =	vadd.f32 v28, v59;
	v61 =	vperm.xlane v24, v2  }
0x7e: {  	v55 =	vsub.f32 v29, v42;
	v28 =	vld [tilespmem:s19+$0x14C40];
	v37 =	vmul.f32 v31, v19;
	v29 =	vmul.f32 v31, v21  }
0x7f: {  	v42 =	vld [tilespmem:s19+$0x2050];
	v38 =	vadd.f32 v23, v22;
	v50 =	vmul.f32 v31, v18;
	v39 =	vmul.f32 v31, v17  }
0x80: {  	v54 =	vld [tilespmem:s19+$0x14C50];
	v36 =	vmul.f32 v31, v16;
	v62 =	vadd.f32 v24, v61;
	v29 =	vmul.f32 v29, v35  }
0x81: {  	v58 =	vmul.f32 v31, v14;
	v24 =	vadd.f32 v26, v25;
	v26 =	vmul.f32 v23, v23  }
0x82: {  	v25 =	vadd.f32 v60, v63;
	v56 =	vadd.f32 v29, v20;
	v29 =	vperm.xlane v62, v3  }
0x83: {  	v45 =	vld [tilespmem:s19+$0x2060];
	v43 =	vadd.f32 v26, v43;
	v57 =	vmul.f32 v24, v24;
	v26 =	vadd.f32 v28, v53  }
0x84: {  	v59 =	vld [tilespmem:s19+$0x14C60];
	v60 =	vmul.f32 v31, v12;
	v28 =	vadd.f32 v24, v38;
	v35 =	vadd.f32 v62, v29  }
0x85: {  	v53 =	vld [tilespmem:s19+$0x2070];
	v63 =	vadd.f32 v57, v43;
	v29 =	vadd.f32 v54, v42;
	v54 =	vmul.f32 v25, v25  }
0x86: {  	v43 =	vld [tilespmem:s19+$0x14C70];
	v57 =	vmul.f32 v31, v9;
	v31 =	vadd.f32 v25, v28;
	v35 =	vmul.f32 $7.812500000e-03, v35  }
0x87: {  	v62 =	vmul.f32 v26, v26;
	v61 =	vadd.f32 v54, v63  }
0x88: {  	v46 =	vmul.f32 v37, v46;
	v63 =	vadd.f32 v26, v31;
	v38 =	vperm.xlane v35, v4  }
0x89: {  	v28 =	vadd.f32 v59, v45;
	v54 =	vmul.f32 v29, v29;
	v37 =	vadd.f32 v62, v61  }
0x8a: {  	v35 =	vperm.xlane v35, v5;
	v61 =	vadd.f32 v29, v63;
	v59 =	vmul.f32 v38, v38  }
0x8b: {  	v31 =	vadd.f32 v43, v53;
	v62 =	vadd.f32 v54, v37  }
0x8c: {  	v63 =	vmul.f32 v28, v28;
	v53 =	vadd.f32 v28, v61;
	v35 =	vsub.f32 v35, v59  }
0x8d: {  	v45 =	vmul.f32 v50, v47;
	v37 =	vsub.f32 v34, v38;
	v34 =	vsub.f32 v33, v38  }
0x8e: {  	v61 =	vmul.f32 v31, v31;
	v54 =	vadd.f32 v63, v62;
	v35 =	vadd.f32 $9.999999960e-13, v35  }
0x8f: {  	v33 =	vsub.f32 v40, v38;
	v59 =	vmul.f32 v39, v48;
	v42 =	vadd.f32 v31, v53  }
0x90: {  	v47 =	vadd.f32 v61, v54;
	v62 =	vshra.s32 v35, $0x1;
	v35 =	vmul.f32 $-5.000000000e-01, v35  }
0x91: {  	v39 =	vmul.f32 v36, v49;
	v63 =	vperm.xlane v42, v0;
	v50 =	vsub.s32 $0x5F3759DF, v62  }
0x92: {  	v36 =	vsub.f32 v30, v38;
	v30 =	vperm.xlane v47, v0;
	v61 =	vmul.f32 v50, v35  }
0x93: {  	s31 =	simm.s32 $0x180;
	v53 =	vmul.f32 v58, v51;
	v48 =	vmul.f32 v57, v55;
	v51 =	vadd.f32 v46, v15  }
0x94: {  	v43 =	vld [tilespmem:s31+$0x2030];
	v42 =	vadd.f32 v42, v63;
	v62 =	vadd.f32 v47, v30;
	v63 =	vmul.f32 v50, v61  }
0x95: {  	v40 =	vld [tilespmem:s31+$0x2000];
	v54 =	vmul.f32 v60, v52;
	v35 =	vsub.f32 v32, v38;
	v32 =	vsub.f32 v44, v38  }
0x96: {  	v30 =	vsub.f32 v41, v38;
	v41 =	vld [tilespmem:s31+$0x14C00];
	v44 =	vsel vm0, v42, v62;
	v55 =	vadd.f32 $1.500000000e+00, v63  }
0x97: {  	s5 =	simm.s32 $0x800;
	[tilespmem:s14+$0x2070] =	vst v56;
	v52 =	vadd.f32 v45, v13;
	v49 =	vadd.f32 v59, v11;
	v42 =	vld [tilespmem:s31+$0x2010];
	v56 =	vperm.xlane v44, v1  }
.LBB2_3:
0x98: {  	p1 =	sne.s32 s5, $0x18E00;
	v45 =	vld [tilespmem:s31+$0x14C10];
	v46 =	vmul.f32 v50, v55;
	[tilespmem:s14+$0x2000] =	vst v51;
	v39 =	vadd.f32 v39, v10;
	v47 =	vadd.f32 v53, v8  }
0x99: {  	v51 =	vadd.f32 v54, v7;
	v50 =	vld [tilespmem:s31+$0x2020];
	v44 =	vadd.f32 v44, v56;
	[tilespmem:s14+$0x2010] =	vst v52  }
0x9a: {  	v27 =	vsub.f32 v27, v38;
	v52 =	vld [tilespmem:s31+$0x14C20];
	v38 =	vmul.f32 v46, v19;
	v53 =	vmul.f32 v46, v21;
	[tilespmem:s14+$0x2020] =	vst v49  }
0x9b: {  	v55 =	vmul.f32 v46, v18;
	v49 =	vld [tilespmem:s31+$0x14C30];
	v54 =	vperm.xlane v44, v2;
	[tilespmem:s14+$0x2030] =	vst v39;
	v39 =	vadd.f32 v48, v6  }
0x9c: {  	v40 =	vadd.f32 v41, v40;
	v48 =	vmul.f32 v46, v17;
	v41 =	vld [tilespmem:s31+$0x2040];
	v58 =	vmul.f32 v53, v27;
	[tilespmem:s14+$0x2040] =	vst v47  }
0x9d: {  	v47 =	vmul.f32 v46, v16;
	v42 =	vadd.f32 v45, v42;
	v45 =	vld [tilespmem:s31+$0x14C40];
	v44 =	vadd.f32 v44, v54;
	[tilespmem:s14+$0x2050] =	vst v51  }
0x9e: {  	v53 =	vmul.f32 v40, v40;
	v54 =	vmul.f32 v46, v14;
	v51 =	vld [tilespmem:s31+$0x2050];
	v56 =	vadd.f32 v58, v20;
	[tilespmem:s14+$0x2060] =	vst v39;
	s14 =	smov.u32 s15;
	s15 =	smov.u32 s19;
	s19 =	smov.u32 s31  }
0x9f: {  	v27 =	vmovc v31;
	v52 =	vadd.f32 v52, v50;
	v39 =	vld [tilespmem:s19+$0x14C50];
	v50 =	vmul.f32 v42, v42;
	v57 =	vperm.xlane v44, v3  }
0xa0: {  	v58 =	vmul.f32 v46, v12;
	v43 =	vadd.f32 v49, v43;
	v31 =	vld [tilespmem:s19+$0x2060];
	v49 =	vadd.f32 v42, v40;
	[tilespmem:s14+$0x2070] =	vst v56  }
0xa1: {  	v56 =	vld [tilespmem:s19+$0x14C60];
	v50 =	vadd.f32 v50, v53;
	v53 =	vmul.f32 v52, v52;
	v44 =	vadd.f32 v44, v57  }
0xa2: {  	v46 =	vmul.f32 v46, v9;
	v41 =	vadd.f32 v45, v41;
	v45 =	vld [tilespmem:s19+$0x2070];
	v49 =	vadd.f32 v52, v49  }
0xa3: {  	v57 =	vld [tilespmem:s19+$0x14C70];
	v50 =	vadd.f32 v53, v50;
	v53 =	vmul.f32 v43, v43;
	v44 =	vmul.f32 $7.812500000e-03, v44  }
0xa4: {  	v51 =	vadd.f32 v39, v51;
	v39 =	vadd.f32 v43, v49;
	v49 =	vmul.f32 v38, v37  }
0xa5: {  	v37 =	vadd.f32 v53, v50;
	v50 =	vmul.f32 v41, v41;
	v38 =	vperm.xlane v44, v4  }
0xa6: {  	v56 =	vadd.f32 v56, v31;
	v39 =	vadd.f32 v41, v39;
	v53 =	vmul.f32 v51, v51  }
0xa7: {  	v44 =	vperm.xlane v44, v5;
	v37 =	vadd.f32 v50, v37;
	v50 =	vmul.f32 v38, v38  }
0xa8: {  	v31 =	vadd.f32 v57, v45;
	v39 =	vadd.f32 v51, v39;
	v45 =	vmul.f32 v55, v34  }
0xa9: {  	v34 =	vadd.f32 v53, v37;
	v53 =	vmul.f32 v56, v56;
	v44 =	vsub.f32 v44, v50  }
0xaa: {  	v57 =	vmul.f32 v48, v36;
	v37 =	vsub.f32 v22, v38;
	v22 =	vmovc v40;
	v39 =	vadd.f32 v56, v39  }
0xab: {  	v40 =	vmul.f32 v31, v31;
	v36 =	vadd.f32 v53, v34;
	v44 =	vadd.f32 $9.999999960e-13, v44  }
0xac: {  	v34 =	vsub.f32 v23, v38;
	v23 =	vmovc v42;
	v48 =	vadd.f32 v31, v39;
	v39 =	vmul.f32 v47, v35  }
0xad: {  	v40 =	vadd.f32 v40, v36;
	v35 =	vshra.s32 v44, $0x1;
	v42 =	vmul.f32 $-5.000000000e-01, v44  }
0xae: {  	v36 =	vsub.f32 v24, v38;
	v24 =	vmovc v52;
	v44 =	vperm.xlane v48, v0;
	v50 =	vsub.s32 $0x5F3759DF, v35  }
0xaf: {  	v35 =	vsub.f32 v25, v38;
	v25 =	vmovc v43;
	v47 =	vperm.xlane v40, v0;
	v42 =	vmul.f32 v50, v42  }
.Ltmp0:
0xb0: {  	s31 =	sshra.s32 s5, $0x2;
	v53 =	vmul.f32 v54, v33;
	v33 =	vsub.f32 v26, v38;
	v26 =	vmovc v41;
	v52 =	vsub.f32 v29, v38;
	(pc) =	sbr.rel @p1 .LBB2_3-.Ltmp0, $4  }
0xb1: {  	v29 =	vmovc v51;
	v44 =	vadd.f32 v48, v44;
	v43 =	vld [tilespmem:s31+$0x2030];
	v47 =	vadd.f32 v40, v47;
	v42 =	vmul.f32 v50, v42  }
0xb2: {  	v54 =	vmul.f32 v58, v32;
	v48 =	vmul.f32 v46, v30;
	v30 =	vsub.f32 v28, v38;
	v28 =	vmovc v56;
	v40 =	vld [tilespmem:s31+$0x2000]  }
0xb3: {  	v51 =	vadd.f32 v49, v15;
	v32 =	vmovc v52;
	v41 =	vld [tilespmem:s31+$0x14C00];
	v44 =	vsel vm0, v44, v47;
	v55 =	vadd.f32 $1.500000000e+00, v42  }
0xb4: {  	s5 =	sadd.s32 $0x200, s5;
	v49 =	vadd.f32 v57, v11;
	v52 =	vadd.f32 v45, v13;
	v42 =	vld [tilespmem:s31+$0x2010];
	v56 =	vperm.xlane v44, v1  }
0xb5: {  	_ = 	snop  }
0xb6: {  	v45 =	vld [tilespmem:s31+$0x14C10]  }
0xb7: {  	v46 =	vld [tilespmem:s31+$0x2020]  }
0xb8: {  	v47 =	vld [tilespmem:s31+$0x14C20];
	v40 =	vadd.f32 v41, v40  }
0xb9: {  	v57 =	vld [tilespmem:s31+$0x14C30]  }
0xba: {  	v58 =	vld [tilespmem:s31+$0x2040];
	[tilespmem:$0x1FFF0] =	vst v40  }
0xbb: {  	v41 =	vadd.f32 v45, v42;
	v45 =	vld [tilespmem:s31+$0x14C40]  }
0xbc: {  	v59 =	vld [tilespmem:s31+$0x2050]  }
0xbd: {  	v60 =	vmul.f32 v40, v40;
	v42 =	vadd.f32 v47, v46;
	v46 =	vld [tilespmem:s31+$0x14C50];
	v47 =	vmul.f32 v41, v41  }
0xbe: {  	v43 =	vadd.f32 v57, v43;
	v57 =	vld [tilespmem:s31+$0x2060];
	v61 =	vadd.f32 v41, v40  }
0xbf: {  	v62 =	vld [tilespmem:s31+$0x14C60];
	v40 =	vmul.f32 v42, v42;
	v47 =	vadd.f32 v47, v60  }
0xc0: {  	v61 =	vadd.f32 v42, v61  }
0xc1: {  	v63 =	vld [tilespmem:s31+$0x14C70];
	v45 =	vadd.f32 v45, v58;
	v60 =	vadd.f32 v40, v47;
	v40 =	vmul.f32 v43, v43  }
0xc2: {  	v58 =	vld [tilespmem:s31+$0x2070];
	v47 =	vadd.f32 v46, v59;
	v59 =	vadd.f32 v43, v61  }
0xc3: {  	v40 =	vadd.f32 v40, v60;
	v60 =	vmul.f32 v45, v45  }
0xc4: {  	v46 =	vadd.f32 v62, v57;
	v62 =	vadd.f32 v45, v59  }
0xc5: {  	v40 =	vadd.f32 v60, v40;
	v60 =	vmul.f32 v47, v47  }
0xc6: {  	v56 =	vadd.f32 v44, v56;
	v57 =	vadd.f32 v47, v62  }
0xc7: {  	v61 =	vmul.f32 v46, v46;
	v44 =	vadd.f32 v63, v58;
	v40 =	vadd.f32 v60, v40;
	_ =	sdelay $0x1  }
0xc8: {  	v57 =	vadd.f32 v46, v57;
	v63 =	vmul.f32 v44, v44;
	v40 =	vadd.f32 v61, v40  }
0xc9: {  	v62 =	vperm.xlane v56, v2  }
0xca: {  	v57 =	vadd.f32 v44, v57;
	v40 =	vadd.f32 v63, v40  }
0xcb: {  	v56 =	vadd.f32 v56, v62  }
0xcc: {  	v59 =	vperm.xlane v57, v0;
	v60 =	vperm.xlane v40, v0  }
0xcd: {  	v58 =	vperm.xlane v56, v3  }
0xce: {  	v50 =	vmul.f32 v50, v55;
	v57 =	vadd.f32 v57, v59;
	v40 =	vadd.f32 v40, v60  }
0xcf: {  	v56 =	vadd.f32 v56, v58  }
0xd0: {  	v27 =	vsub.f32 v27, v38;
	v61 =	vmul.f32 v50, v21;
	v40 =	vsel vm0, v57, v40  }
0xd1: {  	v56 =	vmul.f32 $7.812500000e-03, v56;
	v60 =	vperm.xlane v40, v1  }
0xd2: {  	v39 =	vadd.f32 v39, v10;
	v27 =	vmul.f32 v61, v27;
	v61 =	vmul.f32 v50, v18  }
0xd3: {  	v53 =	vadd.f32 v53, v8;
	v38 =	vperm.xlane v56, v4;
	v40 =	vadd.f32 v40, v60  }
0xd4: {  	v54 =	vadd.f32 v54, v7;
	v34 =	vmul.f32 v61, v34;
	v62 =	vperm.xlane v56, v5  }
0xd5: {  	v48 =	vadd.f32 v48, v6;
	v63 =	vmul.f32 v38, v38;
	v60 =	vperm.xlane v40, v2  }
0xd6: {  	v27 =	vadd.f32 v27, v20;
	v34 =	vadd.f32 v34, v13  }
0xd7: {  	v55 =	vsub.f32 v62, v63;
	v40 =	vadd.f32 v40, v60  }
0xd8: {  	v57 =	vmul.f32 v50, v19;
	v22 =	vsub.f32 v22, v38;
	v62 =	vmul.f32 v50, v17  }
0xd9: {  	[tilespmem:s14+$0x2000] =	vst v51;
	v23 =	vsub.f32 v23, v38;
	v55 =	vadd.f32 $9.999999960e-13, v55;
	v61 =	vperm.xlane v40, v3  }
0xda: {  	[tilespmem:s14+$0x2010] =	vst v52;
	v24 =	vsub.f32 v24, v38;
	v63 =	vmul.f32 v50, v16;
	v36 =	vmul.f32 v62, v36  }
0xdb: {  	[tilespmem:s14+$0x2020] =	vst v49;
	v62 =	vshra.s32 v55, $0x1;
	v55 =	vmul.f32 $-5.000000000e-01, v55;
	v40 =	vadd.f32 v40, v61  }
0xdc: {  	[tilespmem:s14+$0x2030] =	vst v39;
	v37 =	vmul.f32 v57, v37;
	v35 =	vmul.f32 v63, v35;
	v58 =	vsub.s32 $0x5F3759DF, v62  }
0xdd: {  	[tilespmem:s14+$0x2040] =	vst v53;
	v25 =	vsub.f32 v25, v38;
	v55 =	vmul.f32 v58, v55;
	v40 =	vmul.f32 $7.812500000e-03, v40  }
0xde: {  	[tilespmem:s14+$0x2050] =	vst v54;
	v26 =	vsub.f32 v26, v38;
	v63 =	vmul.f32 v50, v12;
	v60 =	vmul.f32 v50, v14  }
0xdf: {  	[tilespmem:s14+$0x2060] =	vst v48;
	v29 =	vsub.f32 v29, v38;
	v55 =	vmul.f32 v58, v55;
	v57 =	vperm.xlane v40, v4  }
0xe0: {  	[tilespmem:s15+$0x2070] =	vst v27;
	v37 =	vadd.f32 v37, v15;
	v36 =	vadd.f32 v36, v11;
	v33 =	vmul.f32 v60, v33  }
0xe1: {  	[tilespmem:s15+$0x2010] =	vst v34;
	v60 =	vadd.f32 $1.500000000e+00, v55;
	v40 =	vperm.xlane v40, v5;
	v61 =	vmul.f32 v57, v57  }
0xe2: {  	v32 =	vmul.f32 v63, v32;
	v35 =	vadd.f32 v35, v10;
	[tilespmem:s15+$0x2000] =	vst v37;
	v50 =	vmul.f32 v50, v9  }
0xe3: {  	v28 =	vsub.f32 v28, v38;
	[tilespmem:s15+$0x2020] =	vst v36;
	v62 =	vmul.f32 v58, v60;
	v40 =	vsub.f32 v40, v61  }
0xe4: {  	v31 =	vsub.f32 v31, v38;
	v32 =	vadd.f32 v32, v7;
	[tilespmem:s15+$0x2030] =	vst v35;
	v30 =	vmul.f32 v50, v30  }
0xe5: {  	v35 =	vld [tilespmem:$0x1FFF0];
	v63 =	vmul.f32 v62, v19;
	v52 =	vmul.f32 v62, v21;
	v40 =	vadd.f32 $9.999999960e-13, v40  }
0xe6: {  	v33 =	vadd.f32 v33, v8;
	v53 =	vmul.f32 v62, v18;
	v54 =	vmul.f32 v62, v17  }
0xe7: {  	v27 =	vmul.f32 v52, v31;
	v31 =	vshra.s32 v40, $0x1;
	v40 =	vmul.f32 $-5.000000000e-01, v40  }
0xe8: {  	v55 =	vmul.f32 v62, v16;
	v56 =	vmul.f32 v62, v14;
	v31 =	vsub.s32 $0x5F3759DF, v31  }
0xe9: {  	v30 =	vadd.f32 v30, v6;
	v58 =	vmul.f32 v62, v12;
	v40 =	vmul.f32 v31, v40  }
0xea: {  	v59 =	vmul.f32 v62, v9;
	v35 =	vsub.f32 v35, v57;
	v60 =	vsub.f32 v41, v57  }
0xeb: {  	[tilespmem:s15+$0x2060] =	vst v30;
	v62 =	vsub.f32 v42, v57;
	v30 =	vsub.f32 v47, v57;
	v61 =	vmul.f32 v31, v40  }
0xec: {  	v22 =	vmul.f32 v63, v22;
	v23 =	vmul.f32 v53, v23;
	v63 =	vsub.f32 v43, v57  }
0xed: {  	[tilespmem:s15+$0x2050] =	vst v32;
	v24 =	vmul.f32 v54, v24;
	v27 =	vadd.f32 v27, v20;
	v39 =	vadd.f32 $1.500000000e+00, v61  }
0xee: {  	[tilespmem:s15+$0x2040] =	vst v33;
	v43 =	vsub.f32 v45, v57;
	v25 =	vmul.f32 v55, v25;
	v22 =	vadd.f32 v22, v15  }
0xef: {  	v26 =	vmul.f32 v56, v26;
	v23 =	vadd.f32 v23, v13;
	[tilespmem:s19+$0x2070] =	vst v27;
	v27 =	vmul.f32 v31, v39  }
0xf0: {  	v29 =	vmul.f32 v58, v29;
	v28 =	vmul.f32 v59, v28;
	v24 =	vadd.f32 v24, v11;
	[tilespmem:s19+$0x2000] =	vst v22  }
0xf1: {  	v22 =	vadd.f32 v25, v10;
	[tilespmem:s19+$0x2010] =	vst v23;
	v23 =	vsub.f32 v44, v57;
	v25 =	vmul.f32 v27, v21  }
0xf2: {  	v26 =	vadd.f32 v26, v8;
	[tilespmem:s19+$0x2020] =	vst v24;
	v24 =	vadd.f32 v29, v7;
	v44 =	vmul.f32 v27, v19  }
0xf3: {  	[tilespmem:s19+$0x2030] =	vst v22;
	v31 =	vsub.f32 v46, v57;
	v29 =	vmul.f32 v27, v18;
	v22 =	vmul.f32 v25, v23  }
0xf4: {  	[tilespmem:s19+$0x2040] =	vst v26;
	v23 =	vadd.f32 v28, v6;
	v25 =	vmul.f32 v27, v17;
	v26 =	vmul.f32 v44, v35  }
0xf5: {  	[tilespmem:s19+$0x2050] =	vst v24;
	v28 =	vmul.f32 v27, v16;
	v24 =	vmul.f32 v29, v60;
	v22 =	vadd.f32 v22, v20  }
0xf6: {  	v29 =	vmul.f32 v27, v14;
	[tilespmem:s19+$0x2060] =	vst v23;
	v23 =	vmul.f32 v25, v62;
	v25 =	vadd.f32 v26, v15  }
0xf7: {  	v26 =	vmul.f32 v27, v12;
	v24 =	vadd.f32 v24, v13;
	[tilespmem:s31+$0x2070] =	vst v22;
	v22 =	vmul.f32 v28, v63  }
0xf8: {  	v27 =	vmul.f32 v27, v9;
	v28 =	vmul.f32 v29, v43;
	v23 =	vadd.f32 v23, v11;
	[tilespmem:s31+$0x2000] =	vst v25  }
0xf9: {  	v25 =	vmul.f32 v26, v30;
	[tilespmem:s31+$0x2010] =	vst v24;
	v22 =	vadd.f32 v22, v10  }
0xfa: {  	v24 =	vmul.f32 v27, v31;
	v26 =	vadd.f32 v28, v8;
	[tilespmem:s31+$0x2020] =	vst v23  }
0xfb: {  	s5 =	sadd.s32 s8, s13;
	v23 =	vadd.f32 v25, v7;
	[tilespmem:s31+$0x2030] =	vst v22  }
0xfc: {  	s5 =	smul.u32 $0xC80, s5;
	v22 =	vadd.f32 v24, v6;
	[tilespmem:s31+$0x2040] =	vst v26  }
0xfd: {  	[tilespmem:s31+$0x2050] =	vst v23  }
0xfe: {  	s5 =	sadd.s32 s6, s5;
	[tilespmem:s31+$0x2060] =	vst v22  }
0xff: {  	[hbm4b:s5+s7] =	stream.linear.scatter [tilespmem:s18], [sflag:$0x4], $0x6400, $0x38;
	[tilespmem:$0x1B100] =	vst v63  }
0x100: {  	_ =	swait.ge [sflag:s24], $0x3200  }
0x101: {  	[sflag:s24] =	ssyncset.done $0x0  }
0x102: {  	[sflag:s24] =	ssyncadd.s32 $0xFFFFCE00  }
0x103: {  	_ =	swait.ge [sflag:s24], $0x3200  }
0x104: {  	[sflag:s24] =	ssyncset.done $0x0  }
0x105: {  	s5 =	simm.s32 @!p0 $0x6;
	[sflag:s24] =	ssyncadd.s32 $0xFFFFCE00  }
0x106: {  	s13 =	sadd.s32 $0x2, s13;
	_ =	swait.ge @!p0 [sflag:s5], $0x6400  }
0x107: {  	s15 =	sshll.u32 s13, $0x8;
	[sflag:s5] =	ssyncset.done @!p0 $0x0  }
0x108: {  	s19 =	sand.u32 $0x3FFFFF00, s15;
	[sflag:s5] =	ssyncadd.s32 @!p0 $0xFFFF9C00  }
0x109: {  	[tilespmem:s25], [sflag:$0x3] =	stream.indirect.gather [hbm4b:s0+s17], $0x80, s19, s17, $0xb8;
	[tilespmem:$0x1B100] =	vst v63  }
0x10a: {  	s14 =	simm.s32 $0x0;
	s5 =	sor.u32 $0x80, s19  }
0x10b: {  	[tilespmem:s26], [sflag:$0x3] =	stream.indirect.gather [hbm4b:s0+s17], $0x80, s5, s17, $0xb8;
	[tilespmem:$0x1B100] =	vst v63  }
0x10c: {  	v22 =	vld [tilespmem:s14+$0x8430]  }
0x10d: {  	v23 =	vld [tilespmem:s14+$0x8400]  }
0x10e: {  	v24 =	vld [tilespmem:s14+$0x14C00]  }
0x10f: {  	v25 =	vld [tilespmem:s14+$0x8410]  }
0x110: {  	v26 =	vld [tilespmem:s14+$0x14C10]  }
0x111: {  	v27 =	vld [tilespmem:s14+$0x8420]  }
0x112: {  	v28 =	vld [tilespmem:s14+$0x14C20]  }
0x113: {  	v29 =	vld [tilespmem:s14+$0x14C30]  }
0x114: {  	v30 =	vld [tilespmem:s14+$0x8440]  }
0x115: {  	v23 =	vadd.f32 v24, v23;
	v24 =	vadd.f32 v26, v25;
	v25 =	vld [tilespmem:s14+$0x14C40]  }
0x116: {  	v26 =	vld [tilespmem:s14+$0x8450]  }
0x117: {  	v28 =	vadd.f32 v28, v27;
	v27 =	vld [tilespmem:s14+$0x14C50];
	v31 =	vmul.f32 v23, v23;
	v45 =	vmul.f32 v24, v24  }
0x118: {  	v47 =	vld [tilespmem:s14+$0x14C60];
	v46 =	vadd.f32 v24, v23  }
0x119: {  	v22 =	vadd.f32 v29, v22;
	v29 =	vld [tilespmem:s14+$0x8460];
	v48 =	vmul.f32 v28, v28;
	v31 =	vadd.f32 v45, v31  }
0x11a: {  	v49 =	vld [tilespmem:s14+$0x14C70];
	v33 =	vadd.f32 v28, v46  }
0x11b: {  	v50 =	vmul.f32 v22, v22;
	v25 =	vadd.f32 v25, v30;
	v30 =	vld [tilespmem:s14+$0x8470];
	v31 =	vadd.f32 v48, v31  }
0x11c: {  	v26 =	vadd.f32 v27, v26  }
0x11d: {  	v27 =	vadd.f32 v22, v33;
	v51 =	vmul.f32 v25, v25;
	v31 =	vadd.f32 v50, v31  }
0x11e: {  	v29 =	vadd.f32 v47, v29  }
0x11f: {  	v52 =	vmul.f32 v26, v26;
	v27 =	vadd.f32 v25, v27;
	v31 =	vadd.f32 v51, v31  }
0x120: {  	v35 =	vadd.f32 v49, v30  }
0x121: {  	v27 =	vadd.f32 v26, v27;
	v30 =	vadd.f32 v52, v31;
	v31 =	vmul.f32 v29, v29;
	_ =	sdelay $0x1  }
0x122: {  	v27 =	vadd.f32 v29, v27;
	v30 =	vadd.f32 v31, v30;
	v31 =	vmul.f32 v35, v35;
	_ =	sdelay $0x1  }
0x123: {  	v27 =	vadd.f32 v35, v27;
	v30 =	vadd.f32 v31, v30  }
0x124: {  	s15 =	simm.s32 $0x80  }
0x125: {  	v54 =	vld [tilespmem:s15+$0x8430];
	v31 =	vperm.xlane v27, v0;
	v53 =	vperm.xlane v30, v0  }
0x126: {  	v55 =	vld [tilespmem:s15+$0x14C00]  }
0x127: {  	v57 =	vld [tilespmem:s15+$0x14C10];
	v27 =	vadd.f32 v27, v31;
	v30 =	vadd.f32 v30, v53  }
0x128: {  	v31 =	vld [tilespmem:s15+$0x8400]  }
0x129: {  	v27 =	vsel vm0, v27, v30;
	v30 =	vld [tilespmem:s15+$0x8410]  }
0x12a: {  	v58 =	vld [tilespmem:s15+$0x8420];
	v56 =	vperm.xlane v27, v1  }
0x12b: {  	v59 =	vld [tilespmem:s15+$0x14C20]  }
0x12c: {  	v60 =	vld [tilespmem:s15+$0x14C30];
	v27 =	vadd.f32 v27, v56  }
0x12d: {  	v62 =	vld [tilespmem:s15+$0x14C40];
	v34 =	vadd.f32 v55, v31  }
0x12e: {  	v31 =	vld [tilespmem:s15+$0x8440];
	v61 =	vperm.xlane v27, v2;
	v33 =	vadd.f32 v57, v30  }
0x12f: {  	v63 =	vld [tilespmem:s15+$0x8450];
	v48 =	vmul.f32 v34, v34  }
0x130: {  	v49 =	vld [tilespmem:s15+$0x14C50];
	v30 =	vadd.f32 v59, v58;
	v27 =	vadd.f32 v27, v61;
	v50 =	vmul.f32 v33, v33  }
0x131: {  	v32 =	vadd.f32 v60, v54;
	v54 =	vld [tilespmem:s15+$0x14C60];
	v53 =	vadd.f32 v33, v34  }
0x132: {  	v52 =	vld [tilespmem:s15+$0x8460];
	v55 =	vmul.f32 v30, v30;
	v51 =	vperm.xlane v27, v3;
	v39 =	vadd.f32 v50, v48  }
0x133: {  	v57 =	vld [tilespmem:s15+$0x14C70];
	v40 =	vadd.f32 v62, v31;
	v56 =	vadd.f32 v30, v53  }
0x134: {  	v58 =	vmul.f32 v32, v32;
	v31 =	vld [tilespmem:s15+$0x8470];
	v27 =	vadd.f32 v27, v51;
	v39 =	vadd.f32 v55, v39  }
0x135: {  	v44 =	vadd.f32 v49, v63;
	v37 =	vadd.f32 v32, v56  }
0x136: {  	v60 =	vmul.f32 v40, v40;
	v27 =	vmul.f32 $7.812500000e-03, v27;
	v59 =	vadd.f32 v58, v39  }
0x137: {  	v41 =	vadd.f32 v54, v52;
	v63 =	vadd.f32 v40, v37  }
0x138: {  	v48 =	vmul.f32 v44, v44;
	v61 =	vperm.xlane v27, v4;
	v38 =	vadd.f32 v60, v59  }
0x139: {  	v49 =	vperm.xlane v27, v5;
	v27 =	vadd.f32 v57, v31;
	v31 =	vadd.f32 v44, v63  }
0x13a: {  	v52 =	vmul.f32 v41, v41;
	v50 =	vmul.f32 v61, v61;
	v51 =	vadd.f32 v48, v38  }
0x13b: {  	v31 =	vadd.f32 v41, v31  }
0x13c: {  	v54 =	vmul.f32 v27, v27;
	v53 =	vsub.f32 v49, v50;
	v36 =	vadd.f32 v52, v51  }
0x13d: {  	v31 =	vadd.f32 v27, v31  }
0x13e: {  	v38 =	vadd.f32 $9.999999960e-13, v53;
	v36 =	vadd.f32 v54, v36  }
0x13f: {  	s19 =	simm.s32 $0x100;
	v56 =	vperm.xlane v31, v0  }
0x140: {  	v58 =	vld [tilespmem:s19+$0x8400];
	v55 =	vshra.s32 v38, $0x1;
	v38 =	vmul.f32 $-5.000000000e-01, v38;
	v57 =	vperm.xlane v36, v0  }
0x141: {  	v59 =	vld [tilespmem:s19+$0x14C00];
	v37 =	vsub.s32 $0x5F3759DF, v55  }
0x142: {  	v31 =	vadd.f32 v31, v56;
	v38 =	vmul.f32 v37, v38;
	v36 =	vadd.f32 v36, v57  }
0x143: {  	v62 =	vld [tilespmem:s19+$0x8410];
	v46 =	vsub.f32 v23, v61;
	v47 =	vsub.f32 v24, v61  }
0x144: {  	v48 =	vsub.f32 v28, v61;
	v28 =	vld [tilespmem:s19+$0x14C10];
	v38 =	vmul.f32 v37, v38;
	v23 =	vsel vm0, v31, v36  }
0x145: {  	v45 =	vld [tilespmem:s19+$0x8430];
	v35 =	vsub.f32 v35, v61;
	v49 =	vsub.f32 v22, v61;
	v24 =	vperm.xlane v23, v1  }
0x146: {  	v63 =	vld [tilespmem:s19+$0x14C30];
	v22 =	vadd.f32 v59, v58;
	v31 =	vadd.f32 $1.500000000e+00, v38  }
0x147: {  	v51 =	vsub.f32 v25, v61;
	v25 =	vld [tilespmem:s19+$0x8420];
	v24 =	vadd.f32 v23, v24  }
0x148: {  	v52 =	vsub.f32 v26, v61;
	v26 =	vld [tilespmem:s19+$0x14C20];
	v43 =	vmul.f32 v22, v22;
	v31 =	vmul.f32 v37, v31  }
0x149: {  	v55 =	vsub.f32 v29, v61;
	v61 =	vld [tilespmem:s19+$0x8440];
	v23 =	vadd.f32 v28, v62;
	v60 =	vperm.xlane v24, v2  }
0x14a: {  	v28 =	vld [tilespmem:s19+$0x14C40];
	v37 =	vmul.f32 v31, v19;
	v29 =	vmul.f32 v31, v21  }
0x14b: {  	v42 =	vld [tilespmem:s19+$0x8450];
	v38 =	vadd.f32 v23, v22;
	v50 =	vmul.f32 v31, v18;
	v39 =	vmul.f32 v31, v17  }
0x14c: {  	v54 =	vld [tilespmem:s19+$0x14C50];
	v36 =	vmul.f32 v31, v16;
	v62 =	vadd.f32 v24, v60;
	v29 =	vmul.f32 v29, v35  }
0x14d: {  	v58 =	vmul.f32 v31, v14;
	v24 =	vadd.f32 v26, v25;
	v26 =	vmul.f32 v23, v23  }
0x14e: {  	v25 =	vadd.f32 v63, v45;
	v56 =	vadd.f32 v29, v20;
	v29 =	vperm.xlane v62, v3  }
0x14f: {  	v59 =	vld [tilespmem:s19+$0x14C60];
	v43 =	vadd.f32 v26, v43;
	v57 =	vmul.f32 v24, v24;
	v26 =	vadd.f32 v28, v61  }
0x150: {  	v45 =	vld [tilespmem:s19+$0x8460];
	v60 =	vmul.f32 v31, v12;
	v28 =	vadd.f32 v24, v38;
	v35 =	vadd.f32 v62, v29  }
0x151: {  	v53 =	vld [tilespmem:s19+$0x8470];
	v63 =	vadd.f32 v57, v43;
	v29 =	vadd.f32 v54, v42;
	v54 =	vmul.f32 v25, v25  }
0x152: {  	v43 =	vld [tilespmem:s19+$0x14C70];
	v57 =	vmul.f32 v31, v9;
	v31 =	vadd.f32 v25, v28;
	v35 =	vmul.f32 $7.812500000e-03, v35  }
0x153: {  	v62 =	vmul.f32 v26, v26;
	v61 =	vadd.f32 v54, v63  }
0x154: {  	v46 =	vmul.f32 v37, v46;
	v63 =	vadd.f32 v26, v31;
	v38 =	vperm.xlane v35, v4  }
0x155: {  	v28 =	vadd.f32 v59, v45;
	v54 =	vmul.f32 v29, v29;
	v37 =	vadd.f32 v62, v61  }
0x156: {  	v35 =	vperm.xlane v35, v5;
	v61 =	vadd.f32 v29, v63;
	v59 =	vmul.f32 v38, v38  }
0x157: {  	v31 =	vadd.f32 v43, v53;
	v62 =	vadd.f32 v54, v37  }
0x158: {  	v63 =	vmul.f32 v28, v28;
	v53 =	vadd.f32 v28, v61;
	v35 =	vsub.f32 v35, v59  }
0x159: {  	v45 =	vmul.f32 v50, v47;
	v37 =	vsub.f32 v34, v38;
	v34 =	vsub.f32 v33, v38  }
0x15a: {  	v61 =	vmul.f32 v31, v31;
	v54 =	vadd.f32 v63, v62;
	v35 =	vadd.f32 $9.999999960e-13, v35  }
0x15b: {  	v33 =	vsub.f32 v40, v38;
	v59 =	vmul.f32 v39, v48;
	v42 =	vadd.f32 v31, v53  }
0x15c: {  	v47 =	vadd.f32 v61, v54;
	v62 =	vshra.s32 v35, $0x1;
	v35 =	vmul.f32 $-5.000000000e-01, v35  }
0x15d: {  	v39 =	vmul.f32 v36, v49;
	v63 =	vperm.xlane v42, v0;
	v50 =	vsub.s32 $0x5F3759DF, v62  }
0x15e: {  	v36 =	vsub.f32 v30, v38;
	v30 =	vperm.xlane v47, v0;
	v61 =	vmul.f32 v50, v35  }
0x15f: {  	s31 =	simm.s32 $0x180;
	v53 =	vmul.f32 v58, v51;
	v48 =	vmul.f32 v57, v55;
	v51 =	vadd.f32 v46, v15  }
0x160: {  	v43 =	vld [tilespmem:s31+$0x8430];
	v42 =	vadd.f32 v42, v63;
	v62 =	vadd.f32 v47, v30;
	v63 =	vmul.f32 v50, v61  }
0x161: {  	v40 =	vld [tilespmem:s31+$0x8400];
	v54 =	vmul.f32 v60, v52;
	v35 =	vsub.f32 v32, v38;
	v32 =	vsub.f32 v44, v38  }
0x162: {  	v30 =	vsub.f32 v41, v38;
	v41 =	vld [tilespmem:s31+$0x14C00];
	v44 =	vsel vm0, v42, v62;
	v55 =	vadd.f32 $1.500000000e+00, v63  }
0x163: {  	s5 =	simm.s32 $0x800;
	[tilespmem:s14+$0x8470] =	vst v56;
	v52 =	vadd.f32 v45, v13;
	v49 =	vadd.f32 v59, v11;
	v42 =	vld [tilespmem:s31+$0x8410];
	v56 =	vperm.xlane v44, v1  }
.LBB2_5:
0x164: {  	p0 =	sne.s32 s5, $0x18E00;
	v45 =	vld [tilespmem:s31+$0x14C10];
	v46 =	vmul.f32 v50, v55;
	[tilespmem:s14+$0x8400] =	vst v51;
	v39 =	vadd.f32 v39, v10;
	v47 =	vadd.f32 v53, v8  }
0x165: {  	v51 =	vadd.f32 v54, v7;
	v50 =	vld [tilespmem:s31+$0x8420];
	v44 =	vadd.f32 v44, v56;
	[tilespmem:s14+$0x8410] =	vst v52  }
0x166: {  	v27 =	vsub.f32 v27, v38;
	v52 =	vld [tilespmem:s31+$0x14C20];
	v38 =	vmul.f32 v46, v19;
	v53 =	vmul.f32 v46, v21;
	[tilespmem:s14+$0x8420] =	vst v49  }
0x167: {  	v55 =	vmul.f32 v46, v18;
	v49 =	vld [tilespmem:s31+$0x14C30];
	v54 =	vperm.xlane v44, v2;
	[tilespmem:s14+$0x8430] =	vst v39;
	v39 =	vadd.f32 v48, v6  }
0x168: {  	v40 =	vadd.f32 v41, v40;
	v48 =	vmul.f32 v46, v17;
	v41 =	vld [tilespmem:s31+$0x8440];
	v58 =	vmul.f32 v53, v27;
	[tilespmem:s14+$0x8440] =	vst v47  }
0x169: {  	v47 =	vmul.f32 v46, v16;
	v42 =	vadd.f32 v45, v42;
	v45 =	vld [tilespmem:s31+$0x14C40];
	v44 =	vadd.f32 v44, v54;
	[tilespmem:s14+$0x8450] =	vst v51  }
0x16a: {  	v53 =	vmul.f32 v40, v40;
	v54 =	vmul.f32 v46, v14;
	v51 =	vld [tilespmem:s31+$0x8450];
	v56 =	vadd.f32 v58, v20;
	[tilespmem:s14+$0x8460] =	vst v39;
	s14 =	smov.u32 s15;
	s15 =	smov.u32 s19;
	s19 =	smov.u32 s31  }
0x16b: {  	v27 =	vmovc v31;
	v52 =	vadd.f32 v52, v50;
	v39 =	vld [tilespmem:s19+$0x14C50];
	v50 =	vmul.f32 v42, v42;
	v57 =	vperm.xlane v44, v3  }
0x16c: {  	v58 =	vmul.f32 v46, v12;
	v43 =	vadd.f32 v49, v43;
	v31 =	vld [tilespmem:s19+$0x8460];
	v49 =	vadd.f32 v42, v40;
	[tilespmem:s14+$0x8470] =	vst v56  }
0x16d: {  	v56 =	vld [tilespmem:s19+$0x14C60];
	v50 =	vadd.f32 v50, v53;
	v53 =	vmul.f32 v52, v52;
	v44 =	vadd.f32 v44, v57  }
0x16e: {  	v46 =	vmul.f32 v46, v9;
	v41 =	vadd.f32 v45, v41;
	v45 =	vld [tilespmem:s19+$0x8470];
	v49 =	vadd.f32 v52, v49  }
0x16f: {  	v57 =	vld [tilespmem:s19+$0x14C70];
	v50 =	vadd.f32 v53, v50;
	v53 =	vmul.f32 v43, v43;
	v44 =	vmul.f32 $7.812500000e-03, v44  }
0x170: {  	v51 =	vadd.f32 v39, v51;
	v39 =	vadd.f32 v43, v49;
	v49 =	vmul.f32 v38, v37  }
0x171: {  	v37 =	vadd.f32 v53, v50;
	v50 =	vmul.f32 v41, v41;
	v38 =	vperm.xlane v44, v4  }
0x172: {  	v56 =	vadd.f32 v56, v31;
	v39 =	vadd.f32 v41, v39;
	v53 =	vmul.f32 v51, v51  }
0x173: {  	v44 =	vperm.xlane v44, v5;
	v37 =	vadd.f32 v50, v37;
	v50 =	vmul.f32 v38, v38  }
0x174: {  	v31 =	vadd.f32 v57, v45;
	v39 =	vadd.f32 v51, v39;
	v45 =	vmul.f32 v55, v34  }
0x175: {  	v34 =	vadd.f32 v53, v37;
	v53 =	vmul.f32 v56, v56;
	v44 =	vsub.f32 v44, v50  }
0x176: {  	v57 =	vmul.f32 v48, v36;
	v37 =	vsub.f32 v22, v38;
	v22 =	vmovc v40;
	v39 =	vadd.f32 v56, v39  }
0x177: {  	v40 =	vmul.f32 v31, v31;
	v36 =	vadd.f32 v53, v34;
	v44 =	vadd.f32 $9.999999960e-13, v44  }
0x178: {  	v34 =	vsub.f32 v23, v38;
	v23 =	vmovc v42;
	v48 =	vadd.f32 v31, v39;
	v39 =	vmul.f32 v47, v35  }
0x179: {  	v40 =	vadd.f32 v40, v36;
	v35 =	vshra.s32 v44, $0x1;
	v42 =	vmul.f32 $-5.000000000e-01, v44  }
0x17a: {  	v36 =	vsub.f32 v24, v38;
	v24 =	vmovc v52;
	v44 =	vperm.xlane v48, v0;
	v50 =	vsub.s32 $0x5F3759DF, v35  }
0x17b: {  	v35 =	vsub.f32 v25, v38;
	v25 =	vmovc v43;
	v47 =	vperm.xlane v40, v0;
	v42 =	vmul.f32 v50, v42  }
.Ltmp1:
0x17c: {  	s31 =	sshra.s32 s5, $0x2;
	v53 =	vmul.f32 v54, v33;
	v33 =	vsub.f32 v26, v38;
	v26 =	vmovc v41;
	v52 =	vsub.f32 v29, v38;
	(pc) =	sbr.rel @p0 .LBB2_5-.Ltmp1, $4  }
0x17d: {  	v29 =	vmovc v51;
	v44 =	vadd.f32 v48, v44;
	v43 =	vld [tilespmem:s31+$0x8430];
	v47 =	vadd.f32 v40, v47;
	v42 =	vmul.f32 v50, v42  }
0x17e: {  	v54 =	vmul.f32 v58, v32;
	v48 =	vmul.f32 v46, v30;
	v30 =	vsub.f32 v28, v38;
	v28 =	vmovc v56;
	v40 =	vld [tilespmem:s31+$0x8400]  }
0x17f: {  	v51 =	vadd.f32 v49, v15;
	v32 =	vmovc v52;
	v41 =	vld [tilespmem:s31+$0x14C00];
	v44 =	vsel vm0, v44, v47;
	v55 =	vadd.f32 $1.500000000e+00, v42  }
0x180: {  	s5 =	sadd.s32 $0x200, s5;
	v49 =	vadd.f32 v57, v11;
	v52 =	vadd.f32 v45, v13;
	v42 =	vld [tilespmem:s31+$0x8410];
	v56 =	vperm.xlane v44, v1  }
0x181: {  	_ = 	snop  }
0x182: {  	v45 =	vld [tilespmem:s31+$0x14C10]  }
0x183: {  	v46 =	vld [tilespmem:s31+$0x8420]  }
0x184: {  	v47 =	vld [tilespmem:s31+$0x14C20];
	v40 =	vadd.f32 v41, v40  }
0x185: {  	v57 =	vld [tilespmem:s31+$0x14C30]  }
0x186: {  	v58 =	vld [tilespmem:s31+$0x8440];
	[tilespmem:$0x1FFE0] =	vst v40  }
0x187: {  	v41 =	vadd.f32 v45, v42;
	v45 =	vld [tilespmem:s31+$0x14C40]  }
0x188: {  	v59 =	vld [tilespmem:s31+$0x8450]  }
0x189: {  	v60 =	vmul.f32 v40, v40;
	v42 =	vadd.f32 v47, v46;
	v46 =	vld [tilespmem:s31+$0x14C50];
	v47 =	vmul.f32 v41, v41  }
0x18a: {  	v43 =	vadd.f32 v57, v43;
	v57 =	vld [tilespmem:s31+$0x8460];
	v61 =	vadd.f32 v41, v40  }
0x18b: {  	v62 =	vld [tilespmem:s31+$0x14C60];
	v40 =	vmul.f32 v42, v42;
	v47 =	vadd.f32 v47, v60  }
0x18c: {  	v61 =	vadd.f32 v42, v61  }
0x18d: {  	v63 =	vld [tilespmem:s31+$0x14C70];
	v45 =	vadd.f32 v45, v58;
	v60 =	vadd.f32 v40, v47;
	v40 =	vmul.f32 v43, v43  }
0x18e: {  	v58 =	vld [tilespmem:s31+$0x8470];
	v47 =	vadd.f32 v46, v59;
	v59 =	vadd.f32 v43, v61  }
0x18f: {  	v40 =	vadd.f32 v40, v60;
	v60 =	vmul.f32 v45, v45  }
0x190: {  	v46 =	vadd.f32 v62, v57;
	v62 =	vadd.f32 v45, v59  }
0x191: {  	v40 =	vadd.f32 v60, v40;
	v60 =	vmul.f32 v47, v47  }
0x192: {  	v56 =	vadd.f32 v44, v56;
	v57 =	vadd.f32 v47, v62  }
0x193: {  	v61 =	vmul.f32 v46, v46;
	v44 =	vadd.f32 v63, v58;
	v40 =	vadd.f32 v60, v40;
	_ =	sdelay $0x1  }
0x194: {  	v57 =	vadd.f32 v46, v57;
	v63 =	vmul.f32 v44, v44;
	v40 =	vadd.f32 v61, v40  }
0x195: {  	v62 =	vperm.xlane v56, v2  }
0x196: {  	v57 =	vadd.f32 v44, v57;
	v40 =	vadd.f32 v63, v40  }
0x197: {  	v56 =	vadd.f32 v56, v62  }
0x198: {  	v59 =	vperm.xlane v57, v0;
	v60 =	vperm.xlane v40, v0  }
0x199: {  	v58 =	vperm.xlane v56, v3  }
0x19a: {  	v50 =	vmul.f32 v50, v55;
	v57 =	vadd.f32 v57, v59;
	v40 =	vadd.f32 v40, v60  }
0x19b: {  	v56 =	vadd.f32 v56, v58  }
0x19c: {  	v27 =	vsub.f32 v27, v38;
	v61 =	vmul.f32 v50, v21;
	v40 =	vsel vm0, v57, v40  }
0x19d: {  	v56 =	vmul.f32 $7.812500000e-03, v56;
	v60 =	vperm.xlane v40, v1  }
0x19e: {  	v39 =	vadd.f32 v39, v10;
	v27 =	vmul.f32 v61, v27;
	v61 =	vmul.f32 v50, v18  }
0x19f: {  	v53 =	vadd.f32 v53, v8;
	v38 =	vperm.xlane v56, v4;
	v40 =	vadd.f32 v40, v60  }
0x1a0: {  	v54 =	vadd.f32 v54, v7;
	v34 =	vmul.f32 v61, v34;
	v62 =	vperm.xlane v56, v5  }
0x1a1: {  	v48 =	vadd.f32 v48, v6;
	v63 =	vmul.f32 v38, v38;
	v60 =	vperm.xlane v40, v2  }
0x1a2: {  	v27 =	vadd.f32 v27, v20;
	v34 =	vadd.f32 v34, v13  }
0x1a3: {  	v55 =	vsub.f32 v62, v63;
	v40 =	vadd.f32 v40, v60  }
0x1a4: {  	v57 =	vmul.f32 v50, v19;
	v22 =	vsub.f32 v22, v38;
	v62 =	vmul.f32 v50, v17  }
0x1a5: {  	[tilespmem:s14+$0x8400] =	vst v51;
	v23 =	vsub.f32 v23, v38;
	v55 =	vadd.f32 $9.999999960e-13, v55;
	v61 =	vperm.xlane v40, v3  }
0x1a6: {  	[tilespmem:s14+$0x8410] =	vst v52;
	v24 =	vsub.f32 v24, v38;
	v63 =	vmul.f32 v50, v16;
	v36 =	vmul.f32 v62, v36  }
0x1a7: {  	[tilespmem:s14+$0x8420] =	vst v49;
	v62 =	vshra.s32 v55, $0x1;
	v55 =	vmul.f32 $-5.000000000e-01, v55;
	v40 =	vadd.f32 v40, v61  }
0x1a8: {  	[tilespmem:s14+$0x8430] =	vst v39;
	v37 =	vmul.f32 v57, v37;
	v35 =	vmul.f32 v63, v35;
	v58 =	vsub.s32 $0x5F3759DF, v62  }
0x1a9: {  	[tilespmem:s14+$0x8440] =	vst v53;
	v25 =	vsub.f32 v25, v38;
	v55 =	vmul.f32 v58, v55;
	v40 =	vmul.f32 $7.812500000e-03, v40  }
0x1aa: {  	[tilespmem:s14+$0x8450] =	vst v54;
	v26 =	vsub.f32 v26, v38;
	v63 =	vmul.f32 v50, v12;
	v60 =	vmul.f32 v50, v14  }
0x1ab: {  	[tilespmem:s14+$0x8460] =	vst v48;
	v29 =	vsub.f32 v29, v38;
	v55 =	vmul.f32 v58, v55;
	v57 =	vperm.xlane v40, v4  }
0x1ac: {  	[tilespmem:s15+$0x8470] =	vst v27;
	v37 =	vadd.f32 v37, v15;
	v36 =	vadd.f32 v36, v11;
	v33 =	vmul.f32 v60, v33  }
0x1ad: {  	[tilespmem:s15+$0x8410] =	vst v34;
	v60 =	vadd.f32 $1.500000000e+00, v55;
	v40 =	vperm.xlane v40, v5;
	v61 =	vmul.f32 v57, v57  }
0x1ae: {  	v32 =	vmul.f32 v63, v32;
	v35 =	vadd.f32 v35, v10;
	[tilespmem:s15+$0x8400] =	vst v37;
	v50 =	vmul.f32 v50, v9  }
0x1af: {  	v28 =	vsub.f32 v28, v38;
	[tilespmem:s15+$0x8420] =	vst v36;
	v62 =	vmul.f32 v58, v60;
	v40 =	vsub.f32 v40, v61  }
0x1b0: {  	v31 =	vsub.f32 v31, v38;
	v32 =	vadd.f32 v32, v7;
	[tilespmem:s15+$0x8430] =	vst v35;
	v30 =	vmul.f32 v50, v30  }
0x1b1: {  	v35 =	vld [tilespmem:$0x1FFE0];
	v63 =	vmul.f32 v62, v19;
	v52 =	vmul.f32 v62, v21;
	v40 =	vadd.f32 $9.999999960e-13, v40  }
0x1b2: {  	v33 =	vadd.f32 v33, v8;
	v53 =	vmul.f32 v62, v18;
	v54 =	vmul.f32 v62, v17  }
0x1b3: {  	v27 =	vmul.f32 v52, v31;
	v31 =	vshra.s32 v40, $0x1;
	v40 =	vmul.f32 $-5.000000000e-01, v40  }
0x1b4: {  	v55 =	vmul.f32 v62, v16;
	v56 =	vmul.f32 v62, v14;
	v31 =	vsub.s32 $0x5F3759DF, v31  }
0x1b5: {  	v30 =	vadd.f32 v30, v6;
	v58 =	vmul.f32 v62, v12;
	v40 =	vmul.f32 v31, v40  }
0x1b6: {  	v59 =	vmul.f32 v62, v9;
	v35 =	vsub.f32 v35, v57;
	v60 =	vsub.f32 v41, v57  }
0x1b7: {  	[tilespmem:s15+$0x8460] =	vst v30;
	v62 =	vsub.f32 v42, v57;
	v30 =	vsub.f32 v47, v57;
	v61 =	vmul.f32 v31, v40  }
0x1b8: {  	v22 =	vmul.f32 v63, v22;
	v23 =	vmul.f32 v53, v23;
	v63 =	vsub.f32 v43, v57  }
0x1b9: {  	[tilespmem:s15+$0x8450] =	vst v32;
	v24 =	vmul.f32 v54, v24;
	v27 =	vadd.f32 v27, v20;
	v39 =	vadd.f32 $1.500000000e+00, v61  }
0x1ba: {  	[tilespmem:s15+$0x8440] =	vst v33;
	v43 =	vsub.f32 v45, v57;
	v25 =	vmul.f32 v55, v25;
	v22 =	vadd.f32 v22, v15  }
0x1bb: {  	v26 =	vmul.f32 v56, v26;
	v23 =	vadd.f32 v23, v13;
	[tilespmem:s19+$0x8470] =	vst v27;
	v27 =	vmul.f32 v31, v39  }
0x1bc: {  	v29 =	vmul.f32 v58, v29;
	v28 =	vmul.f32 v59, v28;
	v24 =	vadd.f32 v24, v11;
	[tilespmem:s19+$0x8400] =	vst v22  }
0x1bd: {  	v22 =	vadd.f32 v25, v10;
	[tilespmem:s19+$0x8410] =	vst v23;
	v23 =	vsub.f32 v44, v57;
	v25 =	vmul.f32 v27, v21  }
0x1be: {  	v26 =	vadd.f32 v26, v8;
	[tilespmem:s19+$0x8420] =	vst v24;
	v24 =	vadd.f32 v29, v7;
	v44 =	vmul.f32 v27, v19  }
0x1bf: {  	[tilespmem:s19+$0x8430] =	vst v22;
	v31 =	vsub.f32 v46, v57;
	v29 =	vmul.f32 v27, v18;
	v22 =	vmul.f32 v25, v23  }
0x1c0: {  	[tilespmem:s19+$0x8440] =	vst v26;
	v23 =	vadd.f32 v28, v6;
	v25 =	vmul.f32 v27, v17;
	v26 =	vmul.f32 v44, v35  }
0x1c1: {  	[tilespmem:s19+$0x8450] =	vst v24;
	v28 =	vmul.f32 v27, v16;
	v24 =	vmul.f32 v29, v60;
	v22 =	vadd.f32 v22, v20  }
0x1c2: {  	v29 =	vmul.f32 v27, v14;
	[tilespmem:s19+$0x8460] =	vst v23;
	v23 =	vmul.f32 v25, v62;
	v25 =	vadd.f32 v26, v15  }
0x1c3: {  	v26 =	vmul.f32 v27, v12;
	v24 =	vadd.f32 v24, v13;
	[tilespmem:s31+$0x8470] =	vst v22;
	v22 =	vmul.f32 v28, v63  }
0x1c4: {  	v27 =	vmul.f32 v27, v9;
	v28 =	vmul.f32 v29, v43;
	v23 =	vadd.f32 v23, v11;
	[tilespmem:s31+$0x8400] =	vst v25  }
0x1c5: {  	v25 =	vmul.f32 v26, v30;
	[tilespmem:s31+$0x8410] =	vst v24;
	v22 =	vadd.f32 v22, v10  }
0x1c6: {  	v24 =	vmul.f32 v27, v31;
	v26 =	vadd.f32 v28, v8;
	[tilespmem:s31+$0x8420] =	vst v23  }
0x1c7: {  	s4 =	sadd.s32 s8, s4;
	v23 =	vadd.f32 v25, v7;
	[tilespmem:s31+$0x8430] =	vst v22  }
0x1c8: {  	s4 =	smul.u32 $0xC80, s4;
	v22 =	vadd.f32 v24, v6;
	[tilespmem:s31+$0x8440] =	vst v26  }
0x1c9: {  	[tilespmem:s31+$0x8450] =	vst v23  }
0x1ca: {  	s5 =	simm.s32 $0x0;
	s4 =	sadd.s32 s6, s4;
	[tilespmem:s31+$0x8460] =	vst v22  }
0x1cb: {  	[hbm4b:s4+s5] =	stream.linear.scatter [tilespmem:s22], [sflag:$0x5], $0x6400, $0x38;
	[tilespmem:$0x1B100] =	vst v63  }
0x1cc: {  	_ =	swait.ge [sflag:s28], $0x3200  }
0x1cd: {  	[sflag:s28] =	ssyncset.done $0x0  }
0x1ce: {  	[sflag:s28] =	ssyncadd.s32 $0xFFFFCE00  }
0x1cf: {  	_ =	swait.ge [sflag:s28], $0x3200  }
0x1d0: {  	[sflag:s28] =	ssyncset.done $0x0  }
0x1d1: {  	s15 =	smul.u32 $0xC00, s3;
	[sflag:s28] =	ssyncadd.s32 $0xFFFFCE00  }
0x1d2: {  	_ =	swait.ge [sflag:s29], $0x6400  }
0x1d3: {  	s4 =	sshra.s32 s15, $0x2;
	[sflag:s29] =	ssyncset.done $0x0  }
0x1d4: {  	s19 =	sadd.s32 $0x300, s4;
	[sflag:s29] =	ssyncadd.s32 $0xFFFF9C00  }
0x1d5: {  	[tilespmem:s18], [sflag:$0x1] =	stream.indirect.gather [hbm4b:s0+s17], $0x80, s19, s17, $0xb8;
	[tilespmem:$0x1B100] =	vst v63  }
0x1d6: {  	s4 =	sadd.s32 $0x380, s4  }
0x1d7: {  	[tilespmem:s20], [sflag:$0x1] =	stream.indirect.gather [hbm4b:s0+s17], $0x80, s4, s17, $0xb8;
	[tilespmem:$0x1B100] =	vst v63  }
0x1d8: {  	s4 =	simm.s32 $0x0  }
0x1d9: {  	v22 =	vld [tilespmem:s4+$0xE830]  }
0x1da: {  	v23 =	vld [tilespmem:s4+$0xE800]  }
0x1db: {  	v24 =	vld [tilespmem:s4+$0x14C00]  }
0x1dc: {  	v25 =	vld [tilespmem:s4+$0xE810]  }
0x1dd: {  	v26 =	vld [tilespmem:s4+$0x14C10]  }
0x1de: {  	v27 =	vld [tilespmem:s4+$0xE820]  }
0x1df: {  	v28 =	vld [tilespmem:s4+$0x14C20]  }
0x1e0: {  	v29 =	vld [tilespmem:s4+$0x14C30]  }
0x1e1: {  	v30 =	vld [tilespmem:s4+$0xE840]  }
0x1e2: {  	v23 =	vadd.f32 v24, v23;
	v24 =	vadd.f32 v26, v25;
	v25 =	vld [tilespmem:s4+$0x14C40]  }
0x1e3: {  	v26 =	vld [tilespmem:s4+$0xE850]  }
0x1e4: {  	v28 =	vadd.f32 v28, v27;
	v27 =	vld [tilespmem:s4+$0x14C50];
	v31 =	vmul.f32 v23, v23;
	v45 =	vmul.f32 v24, v24  }
0x1e5: {  	v47 =	vld [tilespmem:s4+$0x14C60];
	v46 =	vadd.f32 v24, v23  }
0x1e6: {  	v22 =	vadd.f32 v29, v22;
	v29 =	vld [tilespmem:s4+$0xE860];
	v48 =	vmul.f32 v28, v28;
	v31 =	vadd.f32 v45, v31  }
0x1e7: {  	v49 =	vld [tilespmem:s4+$0x14C70];
	v33 =	vadd.f32 v28, v46  }
0x1e8: {  	v50 =	vmul.f32 v22, v22;
	v25 =	vadd.f32 v25, v30;
	v30 =	vld [tilespmem:s4+$0xE870];
	v31 =	vadd.f32 v48, v31  }
0x1e9: {  	v26 =	vadd.f32 v27, v26  }
0x1ea: {  	v27 =	vadd.f32 v22, v33;
	v51 =	vmul.f32 v25, v25;
	v31 =	vadd.f32 v50, v31  }
0x1eb: {  	v29 =	vadd.f32 v47, v29  }
0x1ec: {  	v52 =	vmul.f32 v26, v26;
	v27 =	vadd.f32 v25, v27;
	v31 =	vadd.f32 v51, v31  }
0x1ed: {  	v35 =	vadd.f32 v49, v30  }
0x1ee: {  	v27 =	vadd.f32 v26, v27;
	v30 =	vadd.f32 v52, v31;
	v31 =	vmul.f32 v29, v29;
	_ =	sdelay $0x1  }
0x1ef: {  	v27 =	vadd.f32 v29, v27;
	v30 =	vadd.f32 v31, v30;
	v31 =	vmul.f32 v35, v35;
	_ =	sdelay $0x1  }
0x1f0: {  	v27 =	vadd.f32 v35, v27;
	v30 =	vadd.f32 v31, v30;
	_ =	sdelay $0x1  }
0x1f1: {  	s14 =	simm.s32 $0x80;
	v31 =	vperm.xlane v27, v0;
	v53 =	vperm.xlane v30, v0  }
0x1f2: {  	v54 =	vld [tilespmem:s14+$0xE830]  }
0x1f3: {  	v55 =	vld [tilespmem:s14+$0x14C00];
	v27 =	vadd.f32 v27, v31;
	v30 =	vadd.f32 v30, v53  }
0x1f4: {  	v57 =	vld [tilespmem:s14+$0x14C10]  }
0x1f5: {  	v31 =	vld [tilespmem:s14+$0xE800];
	v27 =	vsel vm0, v27, v30  }
0x1f6: {  	v30 =	vld [tilespmem:s14+$0xE810];
	v56 =	vperm.xlane v27, v1  }
0x1f7: {  	v58 =	vld [tilespmem:s14+$0xE820]  }
0x1f8: {  	v59 =	vld [tilespmem:s14+$0x14C20];
	v27 =	vadd.f32 v27, v56  }
0x1f9: {  	v60 =	vld [tilespmem:s14+$0x14C30]  }
0x1fa: {  	v62 =	vld [tilespmem:s14+$0x14C40];
	v61 =	vperm.xlane v27, v2  }
0x1fb: {  	v34 =	vadd.f32 v55, v31;
	v31 =	vld [tilespmem:s14+$0xE840];
	v33 =	vadd.f32 v57, v30  }
0x1fc: {  	v63 =	vld [tilespmem:s14+$0xE850];
	v27 =	vadd.f32 v27, v61  }
0x1fd: {  	v49 =	vld [tilespmem:s14+$0x14C50];
	v48 =	vmul.f32 v34, v34;
	v30 =	vadd.f32 v59, v58;
	v50 =	vmul.f32 v33, v33  }
0x1fe: {  	v32 =	vadd.f32 v60, v54;
	v54 =	vld [tilespmem:s14+$0x14C60];
	v51 =	vperm.xlane v27, v3  }
0x1ff: {  	v52 =	vld [tilespmem:s14+$0xE860];
	v53 =	vadd.f32 v33, v34;
	v55 =	vmul.f32 v30, v30;
	v39 =	vadd.f32 v50, v48  }
0x200: {  	v57 =	vld [tilespmem:s14+$0x14C70];
	v40 =	vadd.f32 v62, v31;
	v27 =	vadd.f32 v27, v51  }
0x201: {  	v58 =	vmul.f32 v32, v32;
	v31 =	vld [tilespmem:s14+$0xE870];
	v56 =	vadd.f32 v30, v53;
	v39 =	vadd.f32 v55, v39  }
0x202: {  	v44 =	vadd.f32 v49, v63;
	v27 =	vmul.f32 $7.812500000e-03, v27  }
0x203: {  	v60 =	vmul.f32 v40, v40;
	v37 =	vadd.f32 v32, v56;
	v59 =	vadd.f32 v58, v39  }
0x204: {  	v41 =	vadd.f32 v54, v52;
	v61 =	vperm.xlane v27, v4  }
0x205: {  	v48 =	vmul.f32 v44, v44;
	v63 =	vadd.f32 v40, v37;
	v38 =	vadd.f32 v60, v59  }
0x206: {  	v49 =	vperm.xlane v27, v5;
	v27 =	vadd.f32 v57, v31;
	v50 =	vmul.f32 v61, v61  }
0x207: {  	v52 =	vmul.f32 v41, v41;
	v31 =	vadd.f32 v44, v63;
	v51 =	vadd.f32 v48, v38  }
0x208: {  	v53 =	vsub.f32 v49, v50  }
0x209: {  	v31 =	vadd.f32 v41, v31;
	v54 =	vmul.f32 v27, v27;
	v36 =	vadd.f32 v52, v51  }
0x20a: {  	v38 =	vadd.f32 $9.999999960e-13, v53  }
0x20b: {  	v31 =	vadd.f32 v27, v31;
	v36 =	vadd.f32 v54, v36  }
0x20c: {  	s15 =	simm.s32 $0x100;
	v55 =	vshra.s32 v38, $0x1;
	v38 =	vmul.f32 $-5.000000000e-01, v38  }
0x20d: {  	v62 =	vld [tilespmem:s15+$0xE810];
	v56 =	vperm.xlane v31, v0;
	v57 =	vperm.xlane v36, v0;
	v37 =	vsub.s32 $0x5F3759DF, v55  }
0x20e: {  	v58 =	vld [tilespmem:s15+$0xE800];
	v38 =	vmul.f32 v37, v38  }
0x20f: {  	v59 =	vld [tilespmem:s15+$0x14C00];
	v31 =	vadd.f32 v31, v56;
	v36 =	vadd.f32 v36, v57  }
0x210: {  	v48 =	vsub.f32 v28, v61;
	v28 =	vld [tilespmem:s15+$0x14C10];
	v38 =	vmul.f32 v37, v38  }
0x211: {  	v46 =	vsub.f32 v23, v61;
	v47 =	vsub.f32 v24, v61;
	v23 =	vsel vm0, v31, v36  }
0x212: {  	v35 =	vsub.f32 v35, v61;
	v24 =	vperm.xlane v23, v1;
	v31 =	vadd.f32 $1.500000000e+00, v38  }
0x213: {  	v49 =	vsub.f32 v22, v61;
	v50 =	vsub.f32 v25, v61;
	v25 =	vld [tilespmem:s15+$0xE820]  }
0x214: {  	v51 =	vsub.f32 v26, v61;
	v26 =	vld [tilespmem:s15+$0x14C20];
	v24 =	vadd.f32 v23, v24;
	v31 =	vmul.f32 v37, v31  }
0x215: {  	v45 =	vld [tilespmem:s15+$0xE830];
	v22 =	vadd.f32 v59, v58;
	v23 =	vadd.f32 v28, v62  }
0x216: {  	v63 =	vld [tilespmem:s15+$0x14C30];
	v53 =	vsub.f32 v29, v61;
	v60 =	vperm.xlane v24, v2;
	v29 =	vmul.f32 v31, v21  }
0x217: {  	v61 =	vld [tilespmem:s15+$0xE840];
	v43 =	vmul.f32 v22, v22;
	v38 =	vadd.f32 v23, v22;
	v37 =	vmul.f32 v31, v19  }
0x218: {  	v28 =	vld [tilespmem:s15+$0x14C40];
	v52 =	vmul.f32 v31, v18;
	v62 =	vadd.f32 v24, v60;
	v29 =	vmul.f32 v29, v35  }
0x219: {  	v42 =	vld [tilespmem:s15+$0xE850];
	v39 =	vmul.f32 v31, v17;
	v36 =	vmul.f32 v31, v16;
	v24 =	vadd.f32 v26, v25  }
0x21a: {  	v55 =	vld [tilespmem:s15+$0x14C50];
	v26 =	vmul.f32 v23, v23;
	v56 =	vadd.f32 v29, v20;
	v29 =	vperm.xlane v62, v3  }
0x21b: {  	v59 =	vld [tilespmem:s15+$0x14C60];
	v58 =	vmul.f32 v31, v14;
	v54 =	vmul.f32 v31, v12;
	v25 =	vadd.f32 v63, v45  }
0x21c: {  	v45 =	vld [tilespmem:s15+$0xE860];
	v43 =	vadd.f32 v26, v43;
	v57 =	vmul.f32 v24, v24;
	v35 =	vadd.f32 v62, v29  }
0x21d: {  	v60 =	vld [tilespmem:s15+$0xE870];
	v46 =	vmul.f32 v37, v46;
	v26 =	vadd.f32 v28, v61;
	v28 =	vadd.f32 v24, v38  }
0x21e: {  	v63 =	vadd.f32 v57, v43;
	v43 =	vld [tilespmem:s15+$0x14C70];
	v57 =	vmul.f32 v25, v25;
	v35 =	vmul.f32 $7.812500000e-03, v35  }
0x21f: {  	v29 =	vadd.f32 v55, v42;
	v55 =	vmul.f32 v31, v9;
	v31 =	vadd.f32 v25, v28  }
0x220: {  	v61 =	vmul.f32 v26, v26;
	v37 =	vadd.f32 v57, v63;
	v38 =	vperm.xlane v35, v4  }
0x221: {  	v28 =	vadd.f32 v59, v45;
	v62 =	vadd.f32 v26, v31;
	v63 =	vmul.f32 v29, v29  }
0x222: {  	v37 =	vadd.f32 v61, v37;
	v35 =	vperm.xlane v35, v5;
	v59 =	vmul.f32 v38, v38  }
0x223: {  	v54 =	vmul.f32 v54, v51;
	v31 =	vadd.f32 v43, v60;
	v60 =	vadd.f32 v29, v62  }
0x224: {  	v62 =	vmul.f32 v28, v28;
	v61 =	vadd.f32 v63, v37;
	v35 =	vsub.f32 v35, v59  }
0x225: {  	v45 =	vmul.f32 v52, v47;
	v57 =	vmul.f32 v39, v48;
	v63 =	vadd.f32 v28, v60  }
0x226: {  	v52 =	vmul.f32 v31, v31;
	v48 =	vadd.f32 v62, v61;
	v35 =	vadd.f32 $9.999999960e-13, v35  }
0x227: {  	v51 =	vadd.f32 v46, v15;
	v39 =	vmul.f32 v36, v49;
	v42 =	vadd.f32 v31, v63  }
0x228: {  	v47 =	vadd.f32 v52, v48;
	v59 =	vshra.s32 v35, $0x1;
	v35 =	vmul.f32 $-5.000000000e-01, v35  }
0x229: {  	v37 =	vsub.f32 v34, v38;
	v60 =	vperm.xlane v42, v0;
	v49 =	vsub.s32 $0x5F3759DF, v59  }
0x22a: {  	v36 =	vsub.f32 v30, v38;
	v30 =	vperm.xlane v47, v0;
	v61 =	vmul.f32 v49, v35  }
0x22b: {  	s19 =	simm.s32 $0x180;
	v34 =	vsub.f32 v33, v38;
	v33 =	vsub.f32 v40, v38;
	v52 =	vmul.f32 v58, v50  }
0x22c: {  	s31 =	sadd.s32 s8, s13;
	v43 =	vld [tilespmem:s19+$0xE830];
	v42 =	vadd.f32 v42, v60;
	v62 =	vadd.f32 v47, v30;
	v63 =	vmul.f32 v49, v61  }
0x22d: {  	s5 =	smul.u32 $0xC80, s31;
	v40 =	vld [tilespmem:s19+$0xE800];
	v48 =	vmul.f32 v55, v53;
	v30 =	vsub.f32 v41, v38;
	v35 =	vsub.f32 v32, v38  }
0x22e: {  	v41 =	vld [tilespmem:s19+$0x14C00];
	v32 =	vsub.f32 v44, v38;
	v44 =	vsel vm0, v42, v62;
	v55 =	vadd.f32 $1.500000000e+00, v63  }
0x22f: {  	s13 =	sadd.s32 s6, s5;
	s5 =	simm.s32 $0x800;
	[tilespmem:s4+$0xE870] =	vst v56;
	v53 =	vadd.f32 v45, v13;
	v50 =	vadd.f32 v57, v11;
	v42 =	vld [tilespmem:s19+$0xE810];
	v56 =	vperm.xlane v44, v1  }
.LBB2_7:
0x230: {  	p0 =	sne.s32 s5, $0x18E00;
	v45 =	vld [tilespmem:s19+$0x14C10];
	v46 =	vmul.f32 v49, v55;
	[tilespmem:s4+$0xE800] =	vst v51;
	v39 =	vadd.f32 v39, v10;
	v47 =	vadd.f32 v52, v8  }
0x231: {  	v51 =	vadd.f32 v54, v7;
	v49 =	vld [tilespmem:s19+$0xE820];
	v44 =	vadd.f32 v44, v56;
	[tilespmem:s4+$0xE810] =	vst v53  }
0x232: {  	v27 =	vsub.f32 v27, v38;
	v52 =	vld [tilespmem:s19+$0x14C20];
	v38 =	vmul.f32 v46, v19;
	v53 =	vmul.f32 v46, v21;
	[tilespmem:s4+$0xE820] =	vst v50  }
0x233: {  	v55 =	vmul.f32 v46, v18;
	v50 =	vld [tilespmem:s19+$0x14C30];
	v54 =	vperm.xlane v44, v2;
	[tilespmem:s4+$0xE830] =	vst v39;
	v39 =	vadd.f32 v48, v6  }
0x234: {  	v40 =	vadd.f32 v41, v40;
	v48 =	vmul.f32 v46, v17;
	v41 =	vld [tilespmem:s19+$0xE840];
	v58 =	vmul.f32 v53, v27;
	[tilespmem:s4+$0xE840] =	vst v47  }
0x235: {  	v47 =	vmul.f32 v46, v16;
	v42 =	vadd.f32 v45, v42;
	v45 =	vld [tilespmem:s19+$0x14C40];
	v44 =	vadd.f32 v44, v54;
	[tilespmem:s4+$0xE850] =	vst v51  }
0x236: {  	v53 =	vmul.f32 v40, v40;
	v54 =	vmul.f32 v46, v14;
	v51 =	vld [tilespmem:s19+$0xE850];
	v56 =	vadd.f32 v58, v20;
	[tilespmem:s4+$0xE860] =	vst v39;
	s4 =	smov.u32 s14;
	s14 =	smov.u32 s15;
	s15 =	smov.u32 s19  }
0x237: {  	v27 =	vmovc v31;
	v52 =	vadd.f32 v52, v49;
	v39 =	vld [tilespmem:s15+$0x14C50];
	v49 =	vmul.f32 v42, v42;
	v57 =	vperm.xlane v44, v3  }
0x238: {  	v58 =	vmul.f32 v46, v12;
	v43 =	vadd.f32 v50, v43;
	v31 =	vld [tilespmem:s15+$0xE860];
	v50 =	vadd.f32 v42, v40;
	[tilespmem:s4+$0xE870] =	vst v56  }
0x239: {  	v56 =	vld [tilespmem:s15+$0x14C60];
	v49 =	vadd.f32 v49, v53;
	v53 =	vmul.f32 v52, v52;
	v44 =	vadd.f32 v44, v57  }
0x23a: {  	v46 =	vmul.f32 v46, v9;
	v41 =	vadd.f32 v45, v41;
	v45 =	vld [tilespmem:s15+$0xE870];
	v50 =	vadd.f32 v52, v50  }
0x23b: {  	v57 =	vld [tilespmem:s15+$0x14C70];
	v49 =	vadd.f32 v53, v49;
	v53 =	vmul.f32 v43, v43;
	v44 =	vmul.f32 $7.812500000e-03, v44  }
0x23c: {  	v51 =	vadd.f32 v39, v51;
	v39 =	vadd.f32 v43, v50;
	v50 =	vmul.f32 v38, v37  }
0x23d: {  	v37 =	vadd.f32 v53, v49;
	v49 =	vmul.f32 v41, v41;
	v38 =	vperm.xlane v44, v4  }
0x23e: {  	v53 =	vadd.f32 v56, v31;
	v39 =	vadd.f32 v41, v39;
	v56 =	vmul.f32 v51, v51  }
0x23f: {  	v44 =	vperm.xlane v44, v5;
	v37 =	vadd.f32 v49, v37;
	v49 =	vmul.f32 v38, v38  }
0x240: {  	v31 =	vadd.f32 v57, v45;
	v39 =	vadd.f32 v51, v39;
	v45 =	vmul.f32 v55, v34  }
0x241: {  	v55 =	vmul.f32 v53, v53;
	v34 =	vadd.f32 v56, v37;
	v44 =	vsub.f32 v44, v49  }
0x242: {  	v57 =	vmul.f32 v48, v36;
	v37 =	vsub.f32 v22, v38;
	v22 =	vmovc v40;
	v39 =	vadd.f32 v53, v39  }
0x243: {  	v40 =	vmul.f32 v31, v31;
	v36 =	vadd.f32 v55, v34;
	v44 =	vadd.f32 $9.999999960e-13, v44  }
0x244: {  	v34 =	vsub.f32 v23, v38;
	v23 =	vmovc v42;
	v48 =	vadd.f32 v31, v39;
	v39 =	vmul.f32 v47, v35  }
0x245: {  	v40 =	vadd.f32 v40, v36;
	v35 =	vshra.s32 v44, $0x1;
	v42 =	vmul.f32 $-5.000000000e-01, v44  }
0x246: {  	v36 =	vsub.f32 v24, v38;
	v24 =	vmovc v52;
	v44 =	vperm.xlane v48, v0;
	v49 =	vsub.s32 $0x5F3759DF, v35  }
0x247: {  	v35 =	vsub.f32 v25, v38;
	v25 =	vmovc v43;
	v47 =	vperm.xlane v40, v0;
	v42 =	vmul.f32 v49, v42  }
.Ltmp2:
0x248: {  	s19 =	sshra.s32 s5, $0x2;
	v56 =	vsub.f32 v29, v38;
	v52 =	vmul.f32 v54, v33;
	v33 =	vsub.f32 v26, v38;
	v26 =	vmovc v41;
	(pc) =	sbr.rel @p0 .LBB2_7-.Ltmp2, $4  }
0x249: {  	v29 =	vmovc v51;
	v44 =	vadd.f32 v48, v44;
	v43 =	vld [tilespmem:s19+$0xE830];
	v47 =	vadd.f32 v40, v47;
	v42 =	vmul.f32 v49, v42  }
0x24a: {  	v54 =	vmul.f32 v58, v32;
	v48 =	vmul.f32 v46, v30;
	v30 =	vsub.f32 v28, v38;
	v28 =	vmovc v53;
	v40 =	vld [tilespmem:s19+$0xE800]  }
0x24b: {  	v51 =	vadd.f32 v50, v15;
	v32 =	vmovc v56;
	v41 =	vld [tilespmem:s19+$0x14C00];
	v44 =	vsel vm0, v44, v47;
	v55 =	vadd.f32 $1.500000000e+00, v42  }
0x24c: {  	s5 =	sadd.s32 $0x200, s5;
	v50 =	vadd.f32 v57, v11;
	v53 =	vadd.f32 v45, v13;
	v42 =	vld [tilespmem:s19+$0xE810];
	v56 =	vperm.xlane v44, v1  }
0x24d: {  	_ = 	snop  }
0x24e: {  	v45 =	vld [tilespmem:s19+$0x14C10]  }
0x24f: {  	v46 =	vld [tilespmem:s19+$0xE820]  }
0x250: {  	v47 =	vld [tilespmem:s19+$0x14C20];
	v40 =	vadd.f32 v41, v40  }
0x251: {  	v57 =	vld [tilespmem:s19+$0x14C30]  }
0x252: {  	v58 =	vld [tilespmem:s19+$0xE840];
	[tilespmem:$0x1FFD0] =	vst v40  }
0x253: {  	v41 =	vadd.f32 v45, v42;
	v45 =	vld [tilespmem:s19+$0x14C40]  }
0x254: {  	v59 =	vld [tilespmem:s19+$0xE850]  }
0x255: {  	v60 =	vmul.f32 v40, v40;
	v42 =	vadd.f32 v47, v46;
	v46 =	vld [tilespmem:s19+$0x14C50];
	v47 =	vmul.f32 v41, v41  }
0x256: {  	v61 =	vadd.f32 v41, v40  }
0x257: {  	v43 =	vadd.f32 v57, v43;
	v57 =	vld [tilespmem:s19+$0xE860];
	v40 =	vmul.f32 v42, v42;
	v47 =	vadd.f32 v47, v60  }
0x258: {  	v62 =	vld [tilespmem:s19+$0x14C60];
	v61 =	vadd.f32 v42, v61  }
0x259: {  	v63 =	vld [tilespmem:s19+$0x14C70];
	v45 =	vadd.f32 v45, v58;
	v60 =	vadd.f32 v40, v47;
	v40 =	vmul.f32 v43, v43  }
0x25a: {  	v58 =	vld [tilespmem:s19+$0xE870];
	v47 =	vadd.f32 v46, v59;
	v59 =	vadd.f32 v43, v61  }
0x25b: {  	v40 =	vadd.f32 v40, v60;
	v60 =	vmul.f32 v45, v45  }
0x25c: {  	v61 =	vadd.f32 v45, v59  }
0x25d: {  	v46 =	vadd.f32 v62, v57;
	v62 =	vmul.f32 v47, v47;
	v40 =	vadd.f32 v60, v40  }
0x25e: {  	v56 =	vadd.f32 v44, v56;
	v57 =	vadd.f32 v47, v61  }
0x25f: {  	v60 =	vmul.f32 v46, v46;
	v44 =	vadd.f32 v63, v58;
	v40 =	vadd.f32 v62, v40;
	_ =	sdelay $0x1  }
0x260: {  	v57 =	vadd.f32 v46, v57;
	v62 =	vmul.f32 v44, v44;
	v40 =	vadd.f32 v60, v40  }
0x261: {  	v61 =	vperm.xlane v56, v2  }
0x262: {  	v57 =	vadd.f32 v44, v57;
	v40 =	vadd.f32 v62, v40  }
0x263: {  	v56 =	vadd.f32 v56, v61  }
0x264: {  	v59 =	vperm.xlane v57, v0;
	v60 =	vperm.xlane v40, v0  }
0x265: {  	v58 =	vperm.xlane v56, v3  }
0x266: {  	v57 =	vadd.f32 v57, v59;
	v40 =	vadd.f32 v40, v60  }
0x267: {  	v56 =	vadd.f32 v56, v58  }
0x268: {  	v49 =	vmul.f32 v49, v55;
	v40 =	vsel vm0, v57, v40  }
0x269: {  	v39 =	vadd.f32 v39, v10;
	v56 =	vmul.f32 $7.812500000e-03, v56;
	v63 =	vperm.xlane v40, v1  }
0x26a: {  	v27 =	vsub.f32 v27, v38;
	v52 =	vadd.f32 v52, v8  }
0x26b: {  	v38 =	vperm.xlane v56, v4;
	v60 =	vmul.f32 v49, v21;
	v40 =	vadd.f32 v40, v63  }
0x26c: {  	v54 =	vadd.f32 v54, v7;
	v61 =	vperm.xlane v56, v5;
	v57 =	vmul.f32 v49, v19  }
0x26d: {  	v48 =	vadd.f32 v48, v6;
	v62 =	vmul.f32 v38, v38;
	v63 =	vperm.xlane v40, v2  }
0x26e: {  	v27 =	vmul.f32 v60, v27;
	v22 =	vsub.f32 v22, v38;
	v23 =	vsub.f32 v23, v38  }
0x26f: {  	v60 =	vmul.f32 v49, v18;
	v55 =	vsub.f32 v61, v62;
	v40 =	vadd.f32 v40, v63  }
0x270: {  	v24 =	vsub.f32 v24, v38;
	v25 =	vsub.f32 v25, v38;
	v61 =	vmul.f32 v49, v17  }
0x271: {  	[tilespmem:s4+$0xE800] =	vst v51;
	v34 =	vmul.f32 v60, v34;
	v55 =	vadd.f32 $9.999999960e-13, v55;
	v60 =	vperm.xlane v40, v3  }
0x272: {  	[tilespmem:s4+$0xE810] =	vst v53;
	v26 =	vsub.f32 v26, v38;
	v62 =	vmul.f32 v49, v16;
	v36 =	vmul.f32 v61, v36  }
0x273: {  	[tilespmem:s4+$0xE820] =	vst v50;
	v61 =	vshra.s32 v55, $0x1;
	v55 =	vmul.f32 $-5.000000000e-01, v55;
	v40 =	vadd.f32 v40, v60  }
0x274: {  	[tilespmem:s4+$0xE830] =	vst v39;
	v37 =	vmul.f32 v57, v37;
	v35 =	vmul.f32 v62, v35;
	v58 =	vsub.s32 $0x5F3759DF, v61  }
0x275: {  	[tilespmem:s4+$0xE840] =	vst v52;
	v29 =	vsub.f32 v29, v38;
	v55 =	vmul.f32 v58, v55;
	v40 =	vmul.f32 $7.812500000e-03, v40  }
0x276: {  	[tilespmem:s4+$0xE850] =	vst v54;
	v27 =	vadd.f32 v27, v20;
	v62 =	vmul.f32 v49, v12;
	v63 =	vmul.f32 v49, v14  }
0x277: {  	[tilespmem:s4+$0xE860] =	vst v48;
	v37 =	vadd.f32 v37, v15;
	v55 =	vmul.f32 v58, v55;
	v57 =	vperm.xlane v40, v4  }
0x278: {  	v34 =	vadd.f32 v34, v13;
	[tilespmem:s14+$0xE870] =	vst v27;
	v36 =	vadd.f32 v36, v11;
	v33 =	vmul.f32 v63, v33  }
0x279: {  	[tilespmem:s14+$0xE800] =	vst v37;
	v63 =	vadd.f32 $1.500000000e+00, v55;
	v40 =	vperm.xlane v40, v5;
	v59 =	vmul.f32 v57, v57  }
0x27a: {  	v32 =	vmul.f32 v62, v32;
	v35 =	vadd.f32 v35, v10;
	[tilespmem:s14+$0xE810] =	vst v34;
	v49 =	vmul.f32 v49, v9  }
0x27b: {  	v28 =	vsub.f32 v28, v38;
	[tilespmem:s14+$0xE820] =	vst v36;
	v60 =	vmul.f32 v58, v63;
	v40 =	vsub.f32 v40, v59  }
0x27c: {  	v31 =	vsub.f32 v31, v38;
	v32 =	vadd.f32 v32, v7;
	[tilespmem:s14+$0xE830] =	vst v35;
	v30 =	vmul.f32 v49, v30  }
0x27d: {  	v35 =	vld [tilespmem:$0x1FFD0];
	v61 =	vmul.f32 v60, v19;
	v62 =	vmul.f32 v60, v21;
	v40 =	vadd.f32 $9.999999960e-13, v40  }
0x27e: {  	v33 =	vadd.f32 v33, v8;
	v63 =	vmul.f32 v60, v18;
	v52 =	vmul.f32 v60, v17  }
0x27f: {  	v55 =	vmul.f32 v60, v16;
	v54 =	vshra.s32 v40, $0x1;
	v40 =	vmul.f32 $-5.000000000e-01, v40  }
0x280: {  	v56 =	vmul.f32 v60, v14;
	v53 =	vmul.f32 v62, v31;
	v31 =	vsub.s32 $0x5F3759DF, v54  }
0x281: {  	v30 =	vadd.f32 v30, v6;
	v58 =	vmul.f32 v60, v12;
	v40 =	vmul.f32 v31, v40  }
0x282: {  	v35 =	vsub.f32 v35, v57;
	v48 =	vsub.f32 v46, v57;
	v22 =	vmul.f32 v61, v22  }
0x283: {  	v23 =	vmul.f32 v63, v23;
	v62 =	vsub.f32 v42, v57;
	v61 =	vmul.f32 v31, v40  }
0x284: {  	[tilespmem:s14+$0xE850] =	vst v32;
	v63 =	vsub.f32 v43, v57;
	v24 =	vmul.f32 v52, v24;
	v43 =	vsub.f32 v45, v57  }
0x285: {  	[tilespmem:s14+$0xE840] =	vst v33;
	v25 =	vmul.f32 v55, v25;
	v27 =	vadd.f32 v53, v20;
	v39 =	vadd.f32 $1.500000000e+00, v61  }
0x286: {  	[tilespmem:s14+$0xE860] =	vst v30;
	v45 =	vsub.f32 v47, v57;
	v26 =	vmul.f32 v56, v26;
	v22 =	vadd.f32 v22, v15  }
0x287: {  	v29 =	vmul.f32 v58, v29;
	v23 =	vadd.f32 v23, v13;
	[tilespmem:s15+$0xE870] =	vst v27;
	v47 =	vmul.f32 v31, v39  }
0x288: {  	v59 =	vmul.f32 v60, v9;
	v60 =	vsub.f32 v41, v57;
	v24 =	vadd.f32 v24, v11;
	[tilespmem:s15+$0xE800] =	vst v22  }
0x289: {  	v22 =	vadd.f32 v25, v10;
	[tilespmem:s15+$0xE810] =	vst v23;
	v23 =	vsub.f32 v44, v57;
	v49 =	vmul.f32 v47, v21  }
0x28a: {  	v26 =	vadd.f32 v26, v8;
	v28 =	vmul.f32 v59, v28;
	[tilespmem:s15+$0xE820] =	vst v24;
	v50 =	vmul.f32 v47, v19  }
0x28b: {  	v51 =	vadd.f32 v29, v7;
	[tilespmem:s15+$0xE830] =	vst v22;
	v52 =	vmul.f32 v47, v18;
	v22 =	vmul.f32 v49, v23  }
0x28c: {  	[tilespmem:s15+$0xE840] =	vst v26;
	v53 =	vmul.f32 v47, v17;
	v23 =	vadd.f32 v28, v6;
	v54 =	vmul.f32 v50, v35  }
0x28d: {  	[tilespmem:s15+$0xE850] =	vst v51;
	v57 =	vmul.f32 v47, v14;
	v56 =	vmul.f32 v52, v60;
	v22 =	vadd.f32 v22, v20  }
0x28e: {  	v55 =	vmul.f32 v47, v16;
	[tilespmem:s15+$0xE860] =	vst v23;
	v23 =	vmul.f32 v53, v62;
	v58 =	vadd.f32 v54, v15  }
0x28f: {  	v59 =	vmul.f32 v47, v12;
	v60 =	vmul.f32 v57, v43;
	v24 =	vadd.f32 v56, v13;
	[tilespmem:s19+$0xE870] =	vst v22  }
0x290: {  	v27 =	vmul.f32 v47, v9;
	v22 =	vmul.f32 v55, v63;
	v23 =	vadd.f32 v23, v11;
	[tilespmem:s19+$0xE800] =	vst v58  }
0x291: {  	s3 =	sadd.s32 $0x1, s3;
	v61 =	vmul.f32 v59, v45;
	[tilespmem:s19+$0xE810] =	vst v24;
	v63 =	vadd.f32 v60, v8  }
0x292: {  	p0 =	sne.s32 s3, $0xA;
	v62 =	vmul.f32 v27, v48;
	v22 =	vadd.f32 v22, v10;
	[tilespmem:s19+$0xE820] =	vst v23  }
.Ltmp3:
0x293: {  	v23 =	vadd.f32 v61, v7;
	[tilespmem:s19+$0xE840] =	vst v63;
	(pc) =	sbr.rel @p0 .LBB2_2-.Ltmp3, $4  }
0x294: {  	[tilespmem:s19+$0xE830] =	vst v22;
	v22 =	vadd.f32 v62, v6  }
0x295: {  	[tilespmem:s19+$0xE850] =	vst v23  }
0x296: {  	[tilespmem:s19+$0xE860] =	vst v22  }
0x297: {  	[hbm4b:s13+s7] =	stream.linear.scatter [tilespmem:s25], [sflag:$0x6], $0x6400, $0x38;
	[tilespmem:$0x1B100] =	vst v63  }
0x298: {  	_ =	swait.ge [sflag:s21], $0x3200  }
0x299: {  	[sflag:s21] =	ssyncset.done $0x0  }
0x29a: {  	[sflag:s21] =	ssyncadd.s32 $0xFFFFCE00  }
0x29b: {  	_ =	swait.ge [sflag:s21], $0x3200  }
0x29c: {  	[sflag:s21] =	ssyncset.done $0x0  }
0x29d: {  	[sflag:s21] =	ssyncadd.s32 $0xFFFFCE00  }
0x29e: {  	_ =	swait.ge [sflag:s30], $0x6400  }
0x29f: {  	[sflag:s30] =	ssyncset.done $0x0  }
0x2a0: {  	s3 =	simm.s32 $0x1F00;
	[sflag:s30] =	ssyncadd.s32 $0xFFFF9C00  }
0x2a1: {  	[tilespmem:s22], [sflag:$0x2] =	stream.indirect.gather [hbm4b:s0+s17], $0x80, s3, s17, $0xb8;
	[tilespmem:$0x1B100] =	vst v63  }
0x2a2: {  	s31 =	simm.s32 $0x1F80;
	s3 =	simm.s32 $0x0  }
0x2a3: {  	[tilespmem:s23], [sflag:$0x2] =	stream.indirect.gather [hbm4b:s0+s17], $0x80, s31, s17, $0xb8;
	[tilespmem:$0x1B100] =	vst v63  }
0x2a4: {  	v22 =	vld [tilespmem:s3+$0x2030]  }
0x2a5: {  	v23 =	vld [tilespmem:s3+$0x2000]  }
0x2a6: {  	v24 =	vld [tilespmem:s3+$0x14C00]  }
0x2a7: {  	v25 =	vld [tilespmem:s3+$0x2010]  }
0x2a8: {  	v26 =	vld [tilespmem:s3+$0x14C10]  }
0x2a9: {  	v27 =	vld [tilespmem:s3+$0x2020]  }
0x2aa: {  	v28 =	vld [tilespmem:s3+$0x14C20]  }
0x2ab: {  	v29 =	vld [tilespmem:s3+$0x14C30]  }
0x2ac: {  	v30 =	vld [tilespmem:s3+$0x2040]  }
0x2ad: {  	v23 =	vadd.f32 v24, v23;
	v24 =	vadd.f32 v26, v25;
	v25 =	vld [tilespmem:s3+$0x14C40]  }
0x2ae: {  	v26 =	vld [tilespmem:s3+$0x2050]  }
0x2af: {  	v28 =	vadd.f32 v28, v27;
	v27 =	vld [tilespmem:s3+$0x14C50];
	v31 =	vmul.f32 v23, v23;
	v32 =	vmul.f32 v24, v24  }
0x2b0: {  	v34 =	vld [tilespmem:s3+$0x14C60];
	v33 =	vadd.f32 v24, v23  }
0x2b1: {  	v22 =	vadd.f32 v29, v22;
	v29 =	vld [tilespmem:s3+$0x2060];
	v50 =	vmul.f32 v28, v28;
	v31 =	vadd.f32 v32, v31  }
0x2b2: {  	v35 =	vld [tilespmem:s3+$0x14C70];
	v33 =	vadd.f32 v28, v33  }
0x2b3: {  	v51 =	vmul.f32 v22, v22;
	v25 =	vadd.f32 v25, v30;
	v30 =	vld [tilespmem:s3+$0x2070];
	v31 =	vadd.f32 v50, v31  }
0x2b4: {  	v26 =	vadd.f32 v27, v26  }
0x2b5: {  	v27 =	vadd.f32 v22, v33;
	v52 =	vmul.f32 v25, v25;
	v31 =	vadd.f32 v51, v31  }
0x2b6: {  	v29 =	vadd.f32 v34, v29  }
0x2b7: {  	v53 =	vmul.f32 v26, v26;
	v27 =	vadd.f32 v25, v27;
	v31 =	vadd.f32 v52, v31  }
0x2b8: {  	v35 =	vadd.f32 v35, v30  }
0x2b9: {  	v27 =	vadd.f32 v26, v27;
	v30 =	vadd.f32 v53, v31;
	v31 =	vmul.f32 v29, v29;
	_ =	sdelay $0x1  }
0x2ba: {  	v27 =	vadd.f32 v29, v27;
	v30 =	vadd.f32 v31, v30;
	v31 =	vmul.f32 v35, v35;
	_ =	sdelay $0x1  }
0x2bb: {  	v27 =	vadd.f32 v35, v27;
	v30 =	vadd.f32 v31, v30  }
0x2bc: {  	s4 =	simm.s32 $0x80  }
0x2bd: {  	v36 =	vld [tilespmem:s4+$0x2030];
	v31 =	vperm.xlane v27, v0;
	v54 =	vperm.xlane v30, v0  }
0x2be: {  	v55 =	vld [tilespmem:s4+$0x14C00]  }
0x2bf: {  	v37 =	vld [tilespmem:s4+$0x14C10];
	v27 =	vadd.f32 v27, v31;
	v30 =	vadd.f32 v30, v54  }
0x2c0: {  	v31 =	vld [tilespmem:s4+$0x2000]  }
0x2c1: {  	v27 =	vsel vm0, v27, v30;
	v30 =	vld [tilespmem:s4+$0x2010]  }
0x2c2: {  	v38 =	vld [tilespmem:s4+$0x2020];
	v56 =	vperm.xlane v27, v1  }
0x2c3: {  	v39 =	vld [tilespmem:s4+$0x14C20]  }
0x2c4: {  	v40 =	vld [tilespmem:s4+$0x14C30];
	v27 =	vadd.f32 v27, v56  }
0x2c5: {  	v57 =	vld [tilespmem:s4+$0x14C40];
	v34 =	vadd.f32 v55, v31  }
0x2c6: {  	v31 =	vld [tilespmem:s4+$0x2040];
	v41 =	vperm.xlane v27, v2;
	v33 =	vadd.f32 v37, v30  }
0x2c7: {  	v58 =	vld [tilespmem:s4+$0x2050];
	v42 =	vmul.f32 v34, v34  }
0x2c8: {  	v59 =	vld [tilespmem:s4+$0x14C50];
	v30 =	vadd.f32 v39, v38;
	v27 =	vadd.f32 v27, v41;
	v60 =	vmul.f32 v33, v33  }
0x2c9: {  	v61 =	vld [tilespmem:s4+$0x2060];
	v32 =	vadd.f32 v40, v36;
	v44 =	vadd.f32 v33, v34  }
0x2ca: {  	v45 =	vld [tilespmem:s4+$0x14C60];
	v62 =	vmul.f32 v30, v30;
	v43 =	vperm.xlane v27, v3;
	v39 =	vadd.f32 v60, v42  }
0x2cb: {  	v48 =	vld [tilespmem:s4+$0x14C70];
	v40 =	vadd.f32 v57, v31;
	v63 =	vadd.f32 v30, v44  }
0x2cc: {  	v49 =	vmul.f32 v32, v32;
	v31 =	vld [tilespmem:s4+$0x2070];
	v27 =	vadd.f32 v27, v43;
	v39 =	vadd.f32 v62, v39  }
0x2cd: {  	v51 =	vmul.f32 v40, v40;
	v37 =	vadd.f32 v32, v63  }
0x2ce: {  	v44 =	vadd.f32 v59, v58;
	v27 =	vmul.f32 $7.812500000e-03, v27;
	v50 =	vadd.f32 v49, v39  }
0x2cf: {  	v41 =	vadd.f32 v45, v61;
	v52 =	vadd.f32 v40, v37  }
0x2d0: {  	v53 =	vmul.f32 v44, v44;
	v42 =	vperm.xlane v27, v4;
	v38 =	vadd.f32 v51, v50  }
0x2d1: {  	v54 =	vperm.xlane v27, v5;
	v27 =	vadd.f32 v48, v31;
	v31 =	vadd.f32 v44, v52  }
0x2d2: {  	v57 =	vmul.f32 v41, v41;
	v55 =	vmul.f32 v42, v42;
	v56 =	vadd.f32 v53, v38  }
0x2d3: {  	v31 =	vadd.f32 v41, v31  }
0x2d4: {  	v59 =	vmul.f32 v27, v27;
	v58 =	vsub.f32 v54, v55;
	v36 =	vadd.f32 v57, v56  }
0x2d5: {  	v31 =	vadd.f32 v27, v31  }
0x2d6: {  	v38 =	vadd.f32 $9.999999960e-13, v58;
	v36 =	vadd.f32 v59, v36  }
0x2d7: {  	v61 =	vperm.xlane v31, v0  }
0x2d8: {  	s13 =	simm.s32 $0x100;
	v60 =	vshra.s32 v38, $0x1;
	v38 =	vmul.f32 $-5.000000000e-01, v38;
	v62 =	vperm.xlane v36, v0  }
0x2d9: {  	v57 =	vld [tilespmem:s13+$0x2000];
	v37 =	vsub.s32 $0x5F3759DF, v60  }
0x2da: {  	v58 =	vld [tilespmem:s13+$0x14C00];
	v31 =	vadd.f32 v31, v61;
	v38 =	vmul.f32 v37, v38;
	v36 =	vadd.f32 v36, v62  }
0x2db: {  	v46 =	vsub.f32 v23, v42;
	v48 =	vsub.f32 v28, v42;
	v28 =	vld [tilespmem:s13+$0x14C10]  }
0x2dc: {  	v47 =	vsub.f32 v24, v42;
	v59 =	vld [tilespmem:s13+$0x2010];
	v38 =	vmul.f32 v37, v38;
	v23 =	vsel vm0, v31, v36  }
0x2dd: {  	v63 =	vld [tilespmem:s13+$0x2030];
	v49 =	vsub.f32 v22, v42;
	v51 =	vsub.f32 v25, v42;
	v24 =	vperm.xlane v23, v1  }
0x2de: {  	v25 =	vld [tilespmem:s13+$0x2020];
	v52 =	vsub.f32 v26, v42;
	v31 =	vadd.f32 $1.500000000e+00, v38  }
0x2df: {  	v26 =	vld [tilespmem:s13+$0x14C20];
	v22 =	vadd.f32 v58, v57;
	v24 =	vadd.f32 v23, v24  }
0x2e0: {  	v35 =	vsub.f32 v35, v42;
	v53 =	vld [tilespmem:s13+$0x2040];
	v31 =	vmul.f32 v37, v31  }
0x2e1: {  	v60 =	vld [tilespmem:s13+$0x14C30];
	v43 =	vmul.f32 v22, v22;
	v23 =	vadd.f32 v28, v59;
	v61 =	vperm.xlane v24, v2  }
0x2e2: {  	v55 =	vsub.f32 v29, v42;
	v28 =	vld [tilespmem:s13+$0x14C40];
	v37 =	vmul.f32 v31, v19;
	v29 =	vmul.f32 v31, v21  }
0x2e3: {  	v42 =	vld [tilespmem:s13+$0x2050];
	v38 =	vadd.f32 v23, v22;
	v50 =	vmul.f32 v31, v18;
	v39 =	vmul.f32 v31, v17  }
0x2e4: {  	v54 =	vld [tilespmem:s13+$0x14C50];
	v36 =	vmul.f32 v31, v16;
	v62 =	vadd.f32 v24, v61;
	v29 =	vmul.f32 v29, v35  }
0x2e5: {  	v58 =	vmul.f32 v31, v14;
	v24 =	vadd.f32 v26, v25;
	v26 =	vmul.f32 v23, v23  }
0x2e6: {  	v25 =	vadd.f32 v60, v63;
	v56 =	vadd.f32 v29, v20;
	v29 =	vperm.xlane v62, v3  }
0x2e7: {  	v45 =	vld [tilespmem:s13+$0x2060];
	v43 =	vadd.f32 v26, v43;
	v57 =	vmul.f32 v24, v24;
	v26 =	vadd.f32 v28, v53  }
0x2e8: {  	v59 =	vld [tilespmem:s13+$0x14C60];
	v60 =	vmul.f32 v31, v12;
	v28 =	vadd.f32 v24, v38;
	v35 =	vadd.f32 v62, v29  }
0x2e9: {  	v53 =	vld [tilespmem:s13+$0x2070];
	v63 =	vadd.f32 v57, v43;
	v29 =	vadd.f32 v54, v42;
	v54 =	vmul.f32 v25, v25  }
0x2ea: {  	v43 =	vld [tilespmem:s13+$0x14C70];
	v57 =	vmul.f32 v31, v9;
	v31 =	vadd.f32 v25, v28;
	v35 =	vmul.f32 $7.812500000e-03, v35  }
0x2eb: {  	v62 =	vmul.f32 v26, v26;
	v61 =	vadd.f32 v54, v63  }
0x2ec: {  	v46 =	vmul.f32 v37, v46;
	v63 =	vadd.f32 v26, v31;
	v38 =	vperm.xlane v35, v4  }
0x2ed: {  	v28 =	vadd.f32 v59, v45;
	v54 =	vmul.f32 v29, v29;
	v37 =	vadd.f32 v62, v61  }
0x2ee: {  	v35 =	vperm.xlane v35, v5;
	v61 =	vadd.f32 v29, v63;
	v59 =	vmul.f32 v38, v38  }
0x2ef: {  	v31 =	vadd.f32 v43, v53;
	v62 =	vadd.f32 v54, v37  }
0x2f0: {  	v63 =	vmul.f32 v28, v28;
	v53 =	vadd.f32 v28, v61;
	v35 =	vsub.f32 v35, v59  }
0x2f1: {  	v45 =	vmul.f32 v50, v47;
	v37 =	vsub.f32 v34, v38;
	v34 =	vsub.f32 v33, v38  }
0x2f2: {  	v61 =	vmul.f32 v31, v31;
	v54 =	vadd.f32 v63, v62;
	v35 =	vadd.f32 $9.999999960e-13, v35  }
0x2f3: {  	v33 =	vsub.f32 v40, v38;
	v59 =	vmul.f32 v39, v48;
	v42 =	vadd.f32 v31, v53  }
0x2f4: {  	v47 =	vadd.f32 v61, v54;
	v62 =	vshra.s32 v35, $0x1;
	v35 =	vmul.f32 $-5.000000000e-01, v35  }
0x2f5: {  	v39 =	vmul.f32 v36, v49;
	v63 =	vperm.xlane v42, v0;
	v50 =	vsub.s32 $0x5F3759DF, v62  }
0x2f6: {  	v36 =	vsub.f32 v30, v38;
	v30 =	vperm.xlane v47, v0;
	v61 =	vmul.f32 v50, v35  }
0x2f7: {  	s14 =	simm.s32 $0x180;
	v53 =	vmul.f32 v58, v51;
	v48 =	vmul.f32 v57, v55;
	v51 =	vadd.f32 v46, v15  }
0x2f8: {  	v43 =	vld [tilespmem:s14+$0x2030];
	v42 =	vadd.f32 v42, v63;
	v62 =	vadd.f32 v47, v30;
	v63 =	vmul.f32 v50, v61  }
0x2f9: {  	v40 =	vld [tilespmem:s14+$0x2000];
	v54 =	vmul.f32 v60, v52;
	v35 =	vsub.f32 v32, v38;
	v32 =	vsub.f32 v44, v38  }
0x2fa: {  	v30 =	vsub.f32 v41, v38;
	v41 =	vld [tilespmem:s14+$0x14C00];
	v44 =	vsel vm0, v42, v62;
	v55 =	vadd.f32 $1.500000000e+00, v63  }
0x2fb: {  	s5 =	simm.s32 $0x800;
	[tilespmem:s3+$0x2070] =	vst v56;
	v52 =	vadd.f32 v45, v13;
	v49 =	vadd.f32 v59, v11;
	v42 =	vld [tilespmem:s14+$0x2010];
	v56 =	vperm.xlane v44, v1  }
.LBB2_10:
0x2fc: {  	p0 =	sne.s32 s5, $0x18E00;
	v45 =	vld [tilespmem:s14+$0x14C10];
	v46 =	vmul.f32 v50, v55;
	[tilespmem:s3+$0x2000] =	vst v51;
	v39 =	vadd.f32 v39, v10;
	v47 =	vadd.f32 v53, v8  }
0x2fd: {  	v51 =	vadd.f32 v54, v7;
	v50 =	vld [tilespmem:s14+$0x2020];
	v44 =	vadd.f32 v44, v56;
	[tilespmem:s3+$0x2010] =	vst v52  }
0x2fe: {  	v27 =	vsub.f32 v27, v38;
	v52 =	vld [tilespmem:s14+$0x14C20];
	v38 =	vmul.f32 v46, v19;
	v53 =	vmul.f32 v46, v21;
	[tilespmem:s3+$0x2020] =	vst v49  }
0x2ff: {  	v55 =	vmul.f32 v46, v18;
	v49 =	vld [tilespmem:s14+$0x14C30];
	v54 =	vperm.xlane v44, v2;
	[tilespmem:s3+$0x2030] =	vst v39;
	v39 =	vadd.f32 v48, v6  }
0x300: {  	v40 =	vadd.f32 v41, v40;
	v48 =	vmul.f32 v46, v17;
	v41 =	vld [tilespmem:s14+$0x2040];
	v58 =	vmul.f32 v53, v27;
	[tilespmem:s3+$0x2040] =	vst v47  }
0x301: {  	v47 =	vmul.f32 v46, v16;
	v42 =	vadd.f32 v45, v42;
	v45 =	vld [tilespmem:s14+$0x14C40];
	v44 =	vadd.f32 v44, v54;
	[tilespmem:s3+$0x2050] =	vst v51  }
0x302: {  	v53 =	vmul.f32 v40, v40;
	v54 =	vmul.f32 v46, v14;
	v51 =	vld [tilespmem:s14+$0x2050];
	v56 =	vadd.f32 v58, v20;
	[tilespmem:s3+$0x2060] =	vst v39;
	s3 =	smov.u32 s4;
	s4 =	smov.u32 s13;
	s13 =	smov.u32 s14  }
0x303: {  	v27 =	vmovc v31;
	v52 =	vadd.f32 v52, v50;
	v39 =	vld [tilespmem:s13+$0x14C50];
	v50 =	vmul.f32 v42, v42;
	v57 =	vperm.xlane v44, v3  }
0x304: {  	v58 =	vmul.f32 v46, v12;
	v43 =	vadd.f32 v49, v43;
	v31 =	vld [tilespmem:s13+$0x2060];
	v49 =	vadd.f32 v42, v40;
	[tilespmem:s3+$0x2070] =	vst v56  }
0x305: {  	v56 =	vld [tilespmem:s13+$0x14C60];
	v50 =	vadd.f32 v50, v53;
	v53 =	vmul.f32 v52, v52;
	v44 =	vadd.f32 v44, v57  }
0x306: {  	v46 =	vmul.f32 v46, v9;
	v41 =	vadd.f32 v45, v41;
	v45 =	vld [tilespmem:s13+$0x2070];
	v49 =	vadd.f32 v52, v49  }
0x307: {  	v57 =	vld [tilespmem:s13+$0x14C70];
	v50 =	vadd.f32 v53, v50;
	v53 =	vmul.f32 v43, v43;
	v44 =	vmul.f32 $7.812500000e-03, v44  }
0x308: {  	v51 =	vadd.f32 v39, v51;
	v39 =	vadd.f32 v43, v49;
	v49 =	vmul.f32 v38, v37  }
0x309: {  	v37 =	vadd.f32 v53, v50;
	v50 =	vmul.f32 v41, v41;
	v38 =	vperm.xlane v44, v4  }
0x30a: {  	v56 =	vadd.f32 v56, v31;
	v39 =	vadd.f32 v41, v39;
	v53 =	vmul.f32 v51, v51  }
0x30b: {  	v44 =	vperm.xlane v44, v5;
	v37 =	vadd.f32 v50, v37;
	v50 =	vmul.f32 v38, v38  }
0x30c: {  	v31 =	vadd.f32 v57, v45;
	v39 =	vadd.f32 v51, v39;
	v45 =	vmul.f32 v55, v34  }
0x30d: {  	v34 =	vadd.f32 v53, v37;
	v53 =	vmul.f32 v56, v56;
	v44 =	vsub.f32 v44, v50  }
0x30e: {  	v57 =	vmul.f32 v48, v36;
	v37 =	vsub.f32 v22, v38;
	v22 =	vmovc v40;
	v39 =	vadd.f32 v56, v39  }
0x30f: {  	v40 =	vmul.f32 v31, v31;
	v36 =	vadd.f32 v53, v34;
	v44 =	vadd.f32 $9.999999960e-13, v44  }
0x310: {  	v34 =	vsub.f32 v23, v38;
	v23 =	vmovc v42;
	v48 =	vadd.f32 v31, v39;
	v39 =	vmul.f32 v47, v35  }
0x311: {  	v40 =	vadd.f32 v40, v36;
	v35 =	vshra.s32 v44, $0x1;
	v42 =	vmul.f32 $-5.000000000e-01, v44  }
0x312: {  	v36 =	vsub.f32 v24, v38;
	v24 =	vmovc v52;
	v44 =	vperm.xlane v48, v0;
	v50 =	vsub.s32 $0x5F3759DF, v35  }
0x313: {  	v35 =	vsub.f32 v25, v38;
	v25 =	vmovc v43;
	v47 =	vperm.xlane v40, v0;
	v42 =	vmul.f32 v50, v42  }
.Ltmp4:
0x314: {  	s14 =	sshra.s32 s5, $0x2;
	v53 =	vmul.f32 v54, v33;
	v33 =	vsub.f32 v26, v38;
	v26 =	vmovc v41;
	v52 =	vsub.f32 v29, v38;
	(pc) =	sbr.rel @p0 .LBB2_10-.Ltmp4, $4  }
0x315: {  	v29 =	vmovc v51;
	v44 =	vadd.f32 v48, v44;
	v43 =	vld [tilespmem:s14+$0x2030];
	v47 =	vadd.f32 v40, v47;
	v42 =	vmul.f32 v50, v42  }
0x316: {  	v54 =	vmul.f32 v58, v32;
	v48 =	vmul.f32 v46, v30;
	v30 =	vsub.f32 v28, v38;
	v28 =	vmovc v56;
	v40 =	vld [tilespmem:s14+$0x2000]  }
0x317: {  	v51 =	vadd.f32 v49, v15;
	v32 =	vmovc v52;
	v41 =	vld [tilespmem:s14+$0x14C00];
	v44 =	vsel vm0, v44, v47;
	v55 =	vadd.f32 $1.500000000e+00, v42  }
0x318: {  	s5 =	sadd.s32 $0x200, s5;
	v49 =	vadd.f32 v57, v11;
	v52 =	vadd.f32 v45, v13;
	v42 =	vld [tilespmem:s14+$0x2010];
	v56 =	vperm.xlane v44, v1  }
0x319: {  	_ = 	snop  }
0x31a: {  	v45 =	vld [tilespmem:s14+$0x14C10]  }
0x31b: {  	v46 =	vld [tilespmem:s14+$0x2020]  }
0x31c: {  	v47 =	vld [tilespmem:s14+$0x14C20];
	v40 =	vadd.f32 v41, v40  }
0x31d: {  	v57 =	vld [tilespmem:s14+$0x14C30]  }
0x31e: {  	v58 =	vld [tilespmem:s14+$0x2040];
	[tilespmem:$0x1FFC0] =	vst v40  }
0x31f: {  	v41 =	vadd.f32 v45, v42;
	v45 =	vld [tilespmem:s14+$0x14C40]  }
0x320: {  	v59 =	vld [tilespmem:s14+$0x2050]  }
0x321: {  	v60 =	vmul.f32 v40, v40;
	v42 =	vadd.f32 v47, v46;
	v46 =	vld [tilespmem:s14+$0x14C50];
	v47 =	vmul.f32 v41, v41  }
0x322: {  	v43 =	vadd.f32 v57, v43;
	v57 =	vld [tilespmem:s14+$0x2060];
	v61 =	vadd.f32 v41, v40  }
0x323: {  	v62 =	vld [tilespmem:s14+$0x14C60];
	v40 =	vmul.f32 v42, v42;
	v47 =	vadd.f32 v47, v60  }
0x324: {  	v61 =	vadd.f32 v42, v61  }
0x325: {  	v63 =	vld [tilespmem:s14+$0x14C70];
	v45 =	vadd.f32 v45, v58;
	v60 =	vadd.f32 v40, v47;
	v40 =	vmul.f32 v43, v43  }
0x326: {  	v58 =	vld [tilespmem:s14+$0x2070];
	v47 =	vadd.f32 v46, v59;
	v59 =	vadd.f32 v43, v61  }
0x327: {  	v40 =	vadd.f32 v40, v60;
	v60 =	vmul.f32 v45, v45  }
0x328: {  	v46 =	vadd.f32 v62, v57;
	v62 =	vadd.f32 v45, v59  }
0x329: {  	v40 =	vadd.f32 v60, v40;
	v60 =	vmul.f32 v47, v47  }
0x32a: {  	v56 =	vadd.f32 v44, v56;
	v57 =	vadd.f32 v47, v62  }
0x32b: {  	v61 =	vmul.f32 v46, v46;
	v44 =	vadd.f32 v63, v58;
	v40 =	vadd.f32 v60, v40;
	_ =	sdelay $0x1  }
0x32c: {  	v57 =	vadd.f32 v46, v57;
	v63 =	vmul.f32 v44, v44;
	v40 =	vadd.f32 v61, v40  }
0x32d: {  	v62 =	vperm.xlane v56, v2  }
0x32e: {  	v57 =	vadd.f32 v44, v57;
	v40 =	vadd.f32 v63, v40  }
0x32f: {  	v56 =	vadd.f32 v56, v62  }
0x330: {  	v59 =	vperm.xlane v57, v0;
	v60 =	vperm.xlane v40, v0  }
0x331: {  	v58 =	vperm.xlane v56, v3  }
0x332: {  	v50 =	vmul.f32 v50, v55;
	v57 =	vadd.f32 v57, v59;
	v40 =	vadd.f32 v40, v60  }
0x333: {  	v56 =	vadd.f32 v56, v58  }
0x334: {  	v27 =	vsub.f32 v27, v38;
	v61 =	vmul.f32 v50, v21;
	v40 =	vsel vm0, v57, v40  }
0x335: {  	v56 =	vmul.f32 $7.812500000e-03, v56;
	v60 =	vperm.xlane v40, v1  }
0x336: {  	v39 =	vadd.f32 v39, v10;
	v27 =	vmul.f32 v61, v27;
	v61 =	vmul.f32 v50, v18  }
0x337: {  	v53 =	vadd.f32 v53, v8;
	v38 =	vperm.xlane v56, v4;
	v40 =	vadd.f32 v40, v60  }
0x338: {  	v54 =	vadd.f32 v54, v7;
	v34 =	vmul.f32 v61, v34;
	v62 =	vperm.xlane v56, v5  }
0x339: {  	v48 =	vadd.f32 v48, v6;
	v63 =	vmul.f32 v38, v38;
	v60 =	vperm.xlane v40, v2  }
0x33a: {  	v27 =	vadd.f32 v27, v20;
	v34 =	vadd.f32 v34, v13  }
0x33b: {  	v55 =	vsub.f32 v62, v63;
	v40 =	vadd.f32 v40, v60  }
0x33c: {  	v57 =	vmul.f32 v50, v19;
	v22 =	vsub.f32 v22, v38;
	v62 =	vmul.f32 v50, v17  }
0x33d: {  	[tilespmem:s3+$0x2000] =	vst v51;
	v23 =	vsub.f32 v23, v38;
	v55 =	vadd.f32 $9.999999960e-13, v55;
	v61 =	vperm.xlane v40, v3  }
0x33e: {  	[tilespmem:s3+$0x2010] =	vst v52;
	v24 =	vsub.f32 v24, v38;
	v63 =	vmul.f32 v50, v16;
	v36 =	vmul.f32 v62, v36  }
0x33f: {  	[tilespmem:s3+$0x2020] =	vst v49;
	v62 =	vshra.s32 v55, $0x1;
	v55 =	vmul.f32 $-5.000000000e-01, v55;
	v40 =	vadd.f32 v40, v61  }
0x340: {  	[tilespmem:s3+$0x2030] =	vst v39;
	v37 =	vmul.f32 v57, v37;
	v35 =	vmul.f32 v63, v35;
	v58 =	vsub.s32 $0x5F3759DF, v62  }
0x341: {  	[tilespmem:s3+$0x2040] =	vst v53;
	v25 =	vsub.f32 v25, v38;
	v55 =	vmul.f32 v58, v55;
	v40 =	vmul.f32 $7.812500000e-03, v40  }
0x342: {  	[tilespmem:s3+$0x2050] =	vst v54;
	v26 =	vsub.f32 v26, v38;
	v63 =	vmul.f32 v50, v12;
	v60 =	vmul.f32 v50, v14  }
0x343: {  	[tilespmem:s3+$0x2060] =	vst v48;
	v29 =	vsub.f32 v29, v38;
	v55 =	vmul.f32 v58, v55;
	v57 =	vperm.xlane v40, v4  }
0x344: {  	[tilespmem:s4+$0x2070] =	vst v27;
	v37 =	vadd.f32 v37, v15;
	v36 =	vadd.f32 v36, v11;
	v33 =	vmul.f32 v60, v33  }
0x345: {  	[tilespmem:s4+$0x2010] =	vst v34;
	v60 =	vadd.f32 $1.500000000e+00, v55;
	v40 =	vperm.xlane v40, v5;
	v61 =	vmul.f32 v57, v57  }
0x346: {  	v32 =	vmul.f32 v63, v32;
	v35 =	vadd.f32 v35, v10;
	[tilespmem:s4+$0x2000] =	vst v37;
	v50 =	vmul.f32 v50, v9  }
0x347: {  	v28 =	vsub.f32 v28, v38;
	[tilespmem:s4+$0x2020] =	vst v36;
	v62 =	vmul.f32 v58, v60;
	v40 =	vsub.f32 v40, v61  }
0x348: {  	v31 =	vsub.f32 v31, v38;
	v32 =	vadd.f32 v32, v7;
	[tilespmem:s4+$0x2030] =	vst v35;
	v30 =	vmul.f32 v50, v30  }
0x349: {  	v35 =	vld [tilespmem:$0x1FFC0];
	v63 =	vmul.f32 v62, v19;
	v52 =	vmul.f32 v62, v21;
	v40 =	vadd.f32 $9.999999960e-13, v40  }
0x34a: {  	v33 =	vadd.f32 v33, v8;
	v53 =	vmul.f32 v62, v18;
	v54 =	vmul.f32 v62, v17  }
0x34b: {  	v27 =	vmul.f32 v52, v31;
	v31 =	vshra.s32 v40, $0x1;
	v40 =	vmul.f32 $-5.000000000e-01, v40  }
0x34c: {  	v55 =	vmul.f32 v62, v16;
	v56 =	vmul.f32 v62, v14;
	v31 =	vsub.s32 $0x5F3759DF, v31  }
0x34d: {  	v30 =	vadd.f32 v30, v6;
	v58 =	vmul.f32 v62, v12;
	v40 =	vmul.f32 v31, v40  }
0x34e: {  	v59 =	vmul.f32 v62, v9;
	v35 =	vsub.f32 v35, v57;
	v60 =	vsub.f32 v41, v57  }
0x34f: {  	[tilespmem:s4+$0x2060] =	vst v30;
	v62 =	vsub.f32 v42, v57;
	v30 =	vsub.f32 v47, v57;
	v61 =	vmul.f32 v31, v40  }
0x350: {  	v22 =	vmul.f32 v63, v22;
	v23 =	vmul.f32 v53, v23;
	v63 =	vsub.f32 v43, v57  }
0x351: {  	[tilespmem:s4+$0x2050] =	vst v32;
	v24 =	vmul.f32 v54, v24;
	v27 =	vadd.f32 v27, v20;
	v39 =	vadd.f32 $1.500000000e+00, v61  }
0x352: {  	[tilespmem:s4+$0x2040] =	vst v33;
	v43 =	vsub.f32 v45, v57;
	v25 =	vmul.f32 v55, v25;
	v22 =	vadd.f32 v22, v15  }
0x353: {  	v26 =	vmul.f32 v56, v26;
	v23 =	vadd.f32 v23, v13;
	[tilespmem:s13+$0x2070] =	vst v27;
	v27 =	vmul.f32 v31, v39  }
0x354: {  	v29 =	vmul.f32 v58, v29;
	v28 =	vmul.f32 v59, v28;
	v24 =	vadd.f32 v24, v11;
	[tilespmem:s13+$0x2000] =	vst v22  }
0x355: {  	v22 =	vadd.f32 v25, v10;
	[tilespmem:s13+$0x2010] =	vst v23;
	v23 =	vsub.f32 v44, v57;
	v25 =	vmul.f32 v27, v21  }
0x356: {  	v26 =	vadd.f32 v26, v8;
	[tilespmem:s13+$0x2020] =	vst v24;
	v24 =	vadd.f32 v29, v7;
	v44 =	vmul.f32 v27, v19  }
0x357: {  	[tilespmem:s13+$0x2030] =	vst v22;
	v31 =	vsub.f32 v46, v57;
	v29 =	vmul.f32 v27, v18;
	v22 =	vmul.f32 v25, v23  }
0x358: {  	[tilespmem:s13+$0x2040] =	vst v26;
	v23 =	vadd.f32 v28, v6;
	v25 =	vmul.f32 v27, v17;
	v26 =	vmul.f32 v44, v35  }
0x359: {  	[tilespmem:s13+$0x2050] =	vst v24;
	v28 =	vmul.f32 v27, v16;
	v24 =	vmul.f32 v29, v60;
	v22 =	vadd.f32 v22, v20  }
0x35a: {  	v29 =	vmul.f32 v27, v14;
	[tilespmem:s13+$0x2060] =	vst v23;
	v23 =	vmul.f32 v25, v62;
	v25 =	vadd.f32 v26, v15  }
0x35b: {  	v26 =	vmul.f32 v27, v12;
	v24 =	vadd.f32 v24, v13;
	[tilespmem:s14+$0x2070] =	vst v22;
	v22 =	vmul.f32 v28, v63  }
0x35c: {  	v27 =	vmul.f32 v27, v9;
	v28 =	vmul.f32 v29, v43;
	v23 =	vadd.f32 v23, v11;
	[tilespmem:s14+$0x2000] =	vst v25  }
0x35d: {  	v25 =	vmul.f32 v26, v30;
	[tilespmem:s14+$0x2010] =	vst v24;
	v22 =	vadd.f32 v22, v10  }
0x35e: {  	v24 =	vmul.f32 v27, v31;
	v26 =	vadd.f32 v28, v8;
	[tilespmem:s14+$0x2020] =	vst v23  }
0x35f: {  	v23 =	vadd.f32 v25, v7;
	[tilespmem:s14+$0x2030] =	vst v22  }
0x360: {  	v22 =	vadd.f32 v24, v6;
	[tilespmem:s14+$0x2040] =	vst v26  }
0x361: {  	[tilespmem:s14+$0x2050] =	vst v23  }
0x362: {  	s31 =	simm.s32 $0x0;
	[tilespmem:s14+$0x2060] =	vst v22  }
0x363: {  	[hbm4b:s10+s31] =	stream.linear.scatter [tilespmem:s18], [sflag:$0x4], $0x6400, $0x38;
	[tilespmem:$0x1B100] =	vst v63  }
0x364: {  	_ =	swait.ge [sflag:s24], $0x3200  }
0x365: {  	[sflag:s24] =	ssyncset.done $0x0  }
0x366: {  	[sflag:s24] =	ssyncadd.s32 $0xFFFFCE00  }
0x367: {  	_ =	swait.ge [sflag:s24], $0x3200  }
0x368: {  	[sflag:s24] =	ssyncset.done $0x0  }
0x369: {  	[sflag:s24] =	ssyncadd.s32 $0xFFFFCE00  }
0x36a: {  	_ =	swait.ge [sflag:s1], $0x6400  }
0x36b: {  	[sflag:s1] =	ssyncset.done $0x0  }
0x36c: {  	s3 =	simm.s32 $0x0;
	[sflag:s1] =	ssyncadd.s32 $0xFFFF9C00  }
0x36d: {  	v22 =	vld [tilespmem:s3+$0x8430]  }
0x36e: {  	v23 =	vld [tilespmem:s3+$0x8400]  }
0x36f: {  	v24 =	vld [tilespmem:s3+$0x14C00]  }
0x370: {  	v25 =	vld [tilespmem:s3+$0x8410]  }
0x371: {  	v26 =	vld [tilespmem:s3+$0x14C10]  }
0x372: {  	v27 =	vld [tilespmem:s3+$0x8420]  }
0x373: {  	v28 =	vld [tilespmem:s3+$0x14C20]  }
0x374: {  	v29 =	vld [tilespmem:s3+$0x14C30]  }
0x375: {  	v30 =	vld [tilespmem:s3+$0x8440]  }
0x376: {  	v23 =	vadd.f32 v24, v23;
	v24 =	vadd.f32 v26, v25;
	v25 =	vld [tilespmem:s3+$0x14C40]  }
0x377: {  	v26 =	vld [tilespmem:s3+$0x8450]  }
0x378: {  	v28 =	vadd.f32 v28, v27;
	v27 =	vld [tilespmem:s3+$0x14C50];
	v31 =	vmul.f32 v23, v23;
	v45 =	vmul.f32 v24, v24  }
0x379: {  	v47 =	vld [tilespmem:s3+$0x14C60];
	v46 =	vadd.f32 v24, v23  }
0x37a: {  	v22 =	vadd.f32 v29, v22;
	v29 =	vld [tilespmem:s3+$0x8460];
	v48 =	vmul.f32 v28, v28;
	v31 =	vadd.f32 v45, v31  }
0x37b: {  	v49 =	vld [tilespmem:s3+$0x14C70];
	v33 =	vadd.f32 v28, v46  }
0x37c: {  	v50 =	vmul.f32 v22, v22;
	v25 =	vadd.f32 v25, v30;
	v30 =	vld [tilespmem:s3+$0x8470];
	v31 =	vadd.f32 v48, v31  }
0x37d: {  	v26 =	vadd.f32 v27, v26  }
0x37e: {  	v27 =	vadd.f32 v22, v33;
	v51 =	vmul.f32 v25, v25;
	v31 =	vadd.f32 v50, v31  }
0x37f: {  	v29 =	vadd.f32 v47, v29  }
0x380: {  	v52 =	vmul.f32 v26, v26;
	v27 =	vadd.f32 v25, v27;
	v31 =	vadd.f32 v51, v31  }
0x381: {  	v35 =	vadd.f32 v49, v30  }
0x382: {  	v27 =	vadd.f32 v26, v27;
	v30 =	vadd.f32 v52, v31;
	v31 =	vmul.f32 v29, v29;
	_ =	sdelay $0x1  }
0x383: {  	v27 =	vadd.f32 v29, v27;
	v30 =	vadd.f32 v31, v30;
	v31 =	vmul.f32 v35, v35;
	_ =	sdelay $0x1  }
0x384: {  	v27 =	vadd.f32 v35, v27;
	v30 =	vadd.f32 v31, v30  }
0x385: {  	s4 =	simm.s32 $0x80  }
0x386: {  	v54 =	vld [tilespmem:s4+$0x8430];
	v31 =	vperm.xlane v27, v0;
	v53 =	vperm.xlane v30, v0  }
0x387: {  	v55 =	vld [tilespmem:s4+$0x14C00]  }
0x388: {  	v57 =	vld [tilespmem:s4+$0x14C10];
	v27 =	vadd.f32 v27, v31;
	v30 =	vadd.f32 v30, v53  }
0x389: {  	v31 =	vld [tilespmem:s4+$0x8400]  }
0x38a: {  	v27 =	vsel vm0, v27, v30;
	v30 =	vld [tilespmem:s4+$0x8410]  }
0x38b: {  	v58 =	vld [tilespmem:s4+$0x8420];
	v56 =	vperm.xlane v27, v1  }
0x38c: {  	v59 =	vld [tilespmem:s4+$0x14C20]  }
0x38d: {  	v60 =	vld [tilespmem:s4+$0x14C30];
	v27 =	vadd.f32 v27, v56  }
0x38e: {  	v62 =	vld [tilespmem:s4+$0x14C40];
	v34 =	vadd.f32 v55, v31  }
0x38f: {  	v31 =	vld [tilespmem:s4+$0x8440];
	v61 =	vperm.xlane v27, v2;
	v33 =	vadd.f32 v57, v30  }
0x390: {  	v63 =	vld [tilespmem:s4+$0x8450];
	v48 =	vmul.f32 v34, v34  }
0x391: {  	v49 =	vld [tilespmem:s4+$0x14C50];
	v30 =	vadd.f32 v59, v58;
	v27 =	vadd.f32 v27, v61;
	v50 =	vmul.f32 v33, v33  }
0x392: {  	v32 =	vadd.f32 v60, v54;
	v54 =	vld [tilespmem:s4+$0x14C60];
	v53 =	vadd.f32 v33, v34  }
0x393: {  	v52 =	vld [tilespmem:s4+$0x8460];
	v55 =	vmul.f32 v30, v30;
	v51 =	vperm.xlane v27, v3;
	v39 =	vadd.f32 v50, v48  }
0x394: {  	v57 =	vld [tilespmem:s4+$0x14C70];
	v40 =	vadd.f32 v62, v31;
	v56 =	vadd.f32 v30, v53  }
0x395: {  	v58 =	vmul.f32 v32, v32;
	v31 =	vld [tilespmem:s4+$0x8470];
	v27 =	vadd.f32 v27, v51;
	v39 =	vadd.f32 v55, v39  }
0x396: {  	v44 =	vadd.f32 v49, v63;
	v37 =	vadd.f32 v32, v56  }
0x397: {  	v60 =	vmul.f32 v40, v40;
	v27 =	vmul.f32 $7.812500000e-03, v27;
	v59 =	vadd.f32 v58, v39  }
0x398: {  	v41 =	vadd.f32 v54, v52;
	v63 =	vadd.f32 v40, v37  }
0x399: {  	v48 =	vmul.f32 v44, v44;
	v61 =	vperm.xlane v27, v4;
	v38 =	vadd.f32 v60, v59  }
0x39a: {  	v49 =	vperm.xlane v27, v5;
	v27 =	vadd.f32 v57, v31;
	v31 =	vadd.f32 v44, v63  }
0x39b: {  	v52 =	vmul.f32 v41, v41;
	v50 =	vmul.f32 v61, v61;
	v51 =	vadd.f32 v48, v38  }
0x39c: {  	v31 =	vadd.f32 v41, v31  }
0x39d: {  	v54 =	vmul.f32 v27, v27;
	v53 =	vsub.f32 v49, v50;
	v36 =	vadd.f32 v52, v51  }
0x39e: {  	v31 =	vadd.f32 v27, v31  }
0x39f: {  	v38 =	vadd.f32 $9.999999960e-13, v53;
	v36 =	vadd.f32 v54, v36  }
0x3a0: {  	s13 =	simm.s32 $0x100;
	v56 =	vperm.xlane v31, v0  }
0x3a1: {  	v58 =	vld [tilespmem:s13+$0x8400];
	v55 =	vshra.s32 v38, $0x1;
	v38 =	vmul.f32 $-5.000000000e-01, v38;
	v57 =	vperm.xlane v36, v0  }
0x3a2: {  	v59 =	vld [tilespmem:s13+$0x14C00];
	v37 =	vsub.s32 $0x5F3759DF, v55  }
0x3a3: {  	v31 =	vadd.f32 v31, v56;
	v38 =	vmul.f32 v37, v38;
	v36 =	vadd.f32 v36, v57  }
0x3a4: {  	v62 =	vld [tilespmem:s13+$0x8410];
	v46 =	vsub.f32 v23, v61;
	v47 =	vsub.f32 v24, v61  }
0x3a5: {  	v48 =	vsub.f32 v28, v61;
	v28 =	vld [tilespmem:s13+$0x14C10];
	v38 =	vmul.f32 v37, v38;
	v23 =	vsel vm0, v31, v36  }
0x3a6: {  	v45 =	vld [tilespmem:s13+$0x8430];
	v35 =	vsub.f32 v35, v61;
	v49 =	vsub.f32 v22, v61;
	v24 =	vperm.xlane v23, v1  }
0x3a7: {  	v63 =	vld [tilespmem:s13+$0x14C30];
	v22 =	vadd.f32 v59, v58;
	v31 =	vadd.f32 $1.500000000e+00, v38  }
0x3a8: {  	v51 =	vsub.f32 v25, v61;
	v25 =	vld [tilespmem:s13+$0x8420];
	v24 =	vadd.f32 v23, v24  }
0x3a9: {  	v52 =	vsub.f32 v26, v61;
	v26 =	vld [tilespmem:s13+$0x14C20];
	v43 =	vmul.f32 v22, v22;
	v31 =	vmul.f32 v37, v31  }
0x3aa: {  	v55 =	vsub.f32 v29, v61;
	v61 =	vld [tilespmem:s13+$0x8440];
	v23 =	vadd.f32 v28, v62;
	v60 =	vperm.xlane v24, v2  }
0x3ab: {  	v28 =	vld [tilespmem:s13+$0x14C40];
	v37 =	vmul.f32 v31, v19;
	v29 =	vmul.f32 v31, v21  }
0x3ac: {  	v42 =	vld [tilespmem:s13+$0x8450];
	v38 =	vadd.f32 v23, v22;
	v50 =	vmul.f32 v31, v18;
	v39 =	vmul.f32 v31, v17  }
0x3ad: {  	v54 =	vld [tilespmem:s13+$0x14C50];
	v36 =	vmul.f32 v31, v16;
	v62 =	vadd.f32 v24, v60;
	v29 =	vmul.f32 v29, v35  }
0x3ae: {  	v58 =	vmul.f32 v31, v14;
	v24 =	vadd.f32 v26, v25;
	v26 =	vmul.f32 v23, v23  }
0x3af: {  	v25 =	vadd.f32 v63, v45;
	v56 =	vadd.f32 v29, v20;
	v29 =	vperm.xlane v62, v3  }
0x3b0: {  	v59 =	vld [tilespmem:s13+$0x14C60];
	v43 =	vadd.f32 v26, v43;
	v57 =	vmul.f32 v24, v24;
	v26 =	vadd.f32 v28, v61  }
0x3b1: {  	v45 =	vld [tilespmem:s13+$0x8460];
	v60 =	vmul.f32 v31, v12;
	v28 =	vadd.f32 v24, v38;
	v35 =	vadd.f32 v62, v29  }
0x3b2: {  	v53 =	vld [tilespmem:s13+$0x8470];
	v63 =	vadd.f32 v57, v43;
	v29 =	vadd.f32 v54, v42;
	v54 =	vmul.f32 v25, v25  }
0x3b3: {  	v43 =	vld [tilespmem:s13+$0x14C70];
	v57 =	vmul.f32 v31, v9;
	v31 =	vadd.f32 v25, v28;
	v35 =	vmul.f32 $7.812500000e-03, v35  }
0x3b4: {  	v62 =	vmul.f32 v26, v26;
	v61 =	vadd.f32 v54, v63  }
0x3b5: {  	v46 =	vmul.f32 v37, v46;
	v63 =	vadd.f32 v26, v31;
	v38 =	vperm.xlane v35, v4  }
0x3b6: {  	v28 =	vadd.f32 v59, v45;
	v54 =	vmul.f32 v29, v29;
	v37 =	vadd.f32 v62, v61  }
0x3b7: {  	v35 =	vperm.xlane v35, v5;
	v61 =	vadd.f32 v29, v63;
	v59 =	vmul.f32 v38, v38  }
0x3b8: {  	v31 =	vadd.f32 v43, v53;
	v62 =	vadd.f32 v54, v37  }
0x3b9: {  	v63 =	vmul.f32 v28, v28;
	v53 =	vadd.f32 v28, v61;
	v35 =	vsub.f32 v35, v59  }
0x3ba: {  	v45 =	vmul.f32 v50, v47;
	v37 =	vsub.f32 v34, v38;
	v34 =	vsub.f32 v33, v38  }
0x3bb: {  	v61 =	vmul.f32 v31, v31;
	v54 =	vadd.f32 v63, v62;
	v35 =	vadd.f32 $9.999999960e-13, v35  }
0x3bc: {  	v33 =	vsub.f32 v40, v38;
	v59 =	vmul.f32 v39, v48;
	v42 =	vadd.f32 v31, v53  }
0x3bd: {  	v47 =	vadd.f32 v61, v54;
	v62 =	vshra.s32 v35, $0x1;
	v35 =	vmul.f32 $-5.000000000e-01, v35  }
0x3be: {  	v39 =	vmul.f32 v36, v49;
	v63 =	vperm.xlane v42, v0;
	v50 =	vsub.s32 $0x5F3759DF, v62  }
0x3bf: {  	v36 =	vsub.f32 v30, v38;
	v30 =	vperm.xlane v47, v0;
	v61 =	vmul.f32 v50, v35  }
0x3c0: {  	s14 =	simm.s32 $0x180;
	v53 =	vmul.f32 v58, v51;
	v48 =	vmul.f32 v57, v55;
	v51 =	vadd.f32 v46, v15  }
0x3c1: {  	v43 =	vld [tilespmem:s14+$0x8430];
	v42 =	vadd.f32 v42, v63;
	v62 =	vadd.f32 v47, v30;
	v63 =	vmul.f32 v50, v61  }
0x3c2: {  	v40 =	vld [tilespmem:s14+$0x8400];
	v54 =	vmul.f32 v60, v52;
	v35 =	vsub.f32 v32, v38;
	v32 =	vsub.f32 v44, v38  }
0x3c3: {  	v30 =	vsub.f32 v41, v38;
	v41 =	vld [tilespmem:s14+$0x14C00];
	v44 =	vsel vm0, v42, v62;
	v55 =	vadd.f32 $1.500000000e+00, v63  }
0x3c4: {  	s5 =	simm.s32 $0x800;
	[tilespmem:s3+$0x8470] =	vst v56;
	v52 =	vadd.f32 v45, v13;
	v49 =	vadd.f32 v59, v11;
	v42 =	vld [tilespmem:s14+$0x8410];
	v56 =	vperm.xlane v44, v1  }
.LBB2_12:
0x3c5: {  	p0 =	sne.s32 s5, $0x18E00;
	v45 =	vld [tilespmem:s14+$0x14C10];
	v46 =	vmul.f32 v50, v55;
	[tilespmem:s3+$0x8400] =	vst v51;
	v39 =	vadd.f32 v39, v10;
	v47 =	vadd.f32 v53, v8  }
0x3c6: {  	v51 =	vadd.f32 v54, v7;
	v50 =	vld [tilespmem:s14+$0x8420];
	v44 =	vadd.f32 v44, v56;
	[tilespmem:s3+$0x8410] =	vst v52  }
0x3c7: {  	v27 =	vsub.f32 v27, v38;
	v52 =	vld [tilespmem:s14+$0x14C20];
	v38 =	vmul.f32 v46, v19;
	v53 =	vmul.f32 v46, v21;
	[tilespmem:s3+$0x8420] =	vst v49  }
0x3c8: {  	v55 =	vmul.f32 v46, v18;
	v49 =	vld [tilespmem:s14+$0x14C30];
	v54 =	vperm.xlane v44, v2;
	[tilespmem:s3+$0x8430] =	vst v39;
	v39 =	vadd.f32 v48, v6  }
0x3c9: {  	v40 =	vadd.f32 v41, v40;
	v48 =	vmul.f32 v46, v17;
	v41 =	vld [tilespmem:s14+$0x8440];
	v58 =	vmul.f32 v53, v27;
	[tilespmem:s3+$0x8440] =	vst v47  }
0x3ca: {  	v47 =	vmul.f32 v46, v16;
	v42 =	vadd.f32 v45, v42;
	v45 =	vld [tilespmem:s14+$0x14C40];
	v44 =	vadd.f32 v44, v54;
	[tilespmem:s3+$0x8450] =	vst v51  }
0x3cb: {  	v53 =	vmul.f32 v40, v40;
	v54 =	vmul.f32 v46, v14;
	v51 =	vld [tilespmem:s14+$0x8450];
	v56 =	vadd.f32 v58, v20;
	[tilespmem:s3+$0x8460] =	vst v39;
	s3 =	smov.u32 s4;
	s4 =	smov.u32 s13;
	s13 =	smov.u32 s14  }
0x3cc: {  	v27 =	vmovc v31;
	v52 =	vadd.f32 v52, v50;
	v39 =	vld [tilespmem:s13+$0x14C50];
	v50 =	vmul.f32 v42, v42;
	v57 =	vperm.xlane v44, v3  }
0x3cd: {  	v58 =	vmul.f32 v46, v12;
	v43 =	vadd.f32 v49, v43;
	v31 =	vld [tilespmem:s13+$0x8460];
	v49 =	vadd.f32 v42, v40;
	[tilespmem:s3+$0x8470] =	vst v56  }
0x3ce: {  	v56 =	vld [tilespmem:s13+$0x14C60];
	v50 =	vadd.f32 v50, v53;
	v53 =	vmul.f32 v52, v52;
	v44 =	vadd.f32 v44, v57  }
0x3cf: {  	v46 =	vmul.f32 v46, v9;
	v41 =	vadd.f32 v45, v41;
	v45 =	vld [tilespmem:s13+$0x8470];
	v49 =	vadd.f32 v52, v49  }
0x3d0: {  	v57 =	vld [tilespmem:s13+$0x14C70];
	v50 =	vadd.f32 v53, v50;
	v53 =	vmul.f32 v43, v43;
	v44 =	vmul.f32 $7.812500000e-03, v44  }
0x3d1: {  	v51 =	vadd.f32 v39, v51;
	v39 =	vadd.f32 v43, v49;
	v49 =	vmul.f32 v38, v37  }
0x3d2: {  	v37 =	vadd.f32 v53, v50;
	v50 =	vmul.f32 v41, v41;
	v38 =	vperm.xlane v44, v4  }
0x3d3: {  	v56 =	vadd.f32 v56, v31;
	v39 =	vadd.f32 v41, v39;
	v53 =	vmul.f32 v51, v51  }
0x3d4: {  	v44 =	vperm.xlane v44, v5;
	v37 =	vadd.f32 v50, v37;
	v50 =	vmul.f32 v38, v38  }
0x3d5: {  	v31 =	vadd.f32 v57, v45;
	v39 =	vadd.f32 v51, v39;
	v45 =	vmul.f32 v55, v34  }
0x3d6: {  	v34 =	vadd.f32 v53, v37;
	v53 =	vmul.f32 v56, v56;
	v44 =	vsub.f32 v44, v50  }
0x3d7: {  	v57 =	vmul.f32 v48, v36;
	v37 =	vsub.f32 v22, v38;
	v22 =	vmovc v40;
	v39 =	vadd.f32 v56, v39  }
0x3d8: {  	v40 =	vmul.f32 v31, v31;
	v36 =	vadd.f32 v53, v34;
	v44 =	vadd.f32 $9.999999960e-13, v44  }
0x3d9: {  	v34 =	vsub.f32 v23, v38;
	v23 =	vmovc v42;
	v48 =	vadd.f32 v31, v39;
	v39 =	vmul.f32 v47, v35  }
0x3da: {  	v40 =	vadd.f32 v40, v36;
	v35 =	vshra.s32 v44, $0x1;
	v42 =	vmul.f32 $-5.000000000e-01, v44  }
0x3db: {  	v36 =	vsub.f32 v24, v38;
	v24 =	vmovc v52;
	v44 =	vperm.xlane v48, v0;
	v50 =	vsub.s32 $0x5F3759DF, v35  }
0x3dc: {  	v35 =	vsub.f32 v25, v38;
	v25 =	vmovc v43;
	v47 =	vperm.xlane v40, v0;
	v42 =	vmul.f32 v50, v42  }
.Ltmp5:
0x3dd: {  	s14 =	sshra.s32 s5, $0x2;
	v53 =	vmul.f32 v54, v33;
	v33 =	vsub.f32 v26, v38;
	v26 =	vmovc v41;
	v52 =	vsub.f32 v29, v38;
	(pc) =	sbr.rel @p0 .LBB2_12-.Ltmp5, $4  }
0x3de: {  	v29 =	vmovc v51;
	v44 =	vadd.f32 v48, v44;
	v43 =	vld [tilespmem:s14+$0x8430];
	v47 =	vadd.f32 v40, v47;
	v42 =	vmul.f32 v50, v42  }
0x3df: {  	v54 =	vmul.f32 v58, v32;
	v48 =	vmul.f32 v46, v30;
	v30 =	vsub.f32 v28, v38;
	v28 =	vmovc v56;
	v40 =	vld [tilespmem:s14+$0x8400]  }
0x3e0: {  	v51 =	vadd.f32 v49, v15;
	v32 =	vmovc v52;
	v41 =	vld [tilespmem:s14+$0x14C00];
	v44 =	vsel vm0, v44, v47;
	v55 =	vadd.f32 $1.500000000e+00, v42  }
0x3e1: {  	s5 =	sadd.s32 $0x200, s5;
	v49 =	vadd.f32 v57, v11;
	v52 =	vadd.f32 v45, v13;
	v42 =	vld [tilespmem:s14+$0x8410];
	v56 =	vperm.xlane v44, v1  }
0x3e2: {  	_ = 	snop  }
0x3e3: {  	v45 =	vld [tilespmem:s14+$0x14C10]  }
0x3e4: {  	v46 =	vld [tilespmem:s14+$0x8420]  }
0x3e5: {  	v47 =	vld [tilespmem:s14+$0x14C20];
	v40 =	vadd.f32 v41, v40  }
0x3e6: {  	v57 =	vld [tilespmem:s14+$0x14C30]  }
0x3e7: {  	v58 =	vld [tilespmem:s14+$0x8440];
	[tilespmem:$0x1FFB0] =	vst v40  }
0x3e8: {  	v41 =	vadd.f32 v45, v42;
	v45 =	vld [tilespmem:s14+$0x14C40]  }
0x3e9: {  	v59 =	vld [tilespmem:s14+$0x8450]  }
0x3ea: {  	v60 =	vmul.f32 v40, v40;
	v42 =	vadd.f32 v47, v46;
	v46 =	vld [tilespmem:s14+$0x14C50];
	v47 =	vmul.f32 v41, v41  }
0x3eb: {  	v61 =	vadd.f32 v41, v40  }
0x3ec: {  	v43 =	vadd.f32 v57, v43;
	v57 =	vld [tilespmem:s14+$0x8460];
	v40 =	vmul.f32 v42, v42;
	v47 =	vadd.f32 v47, v60  }
0x3ed: {  	v62 =	vld [tilespmem:s14+$0x14C60];
	v61 =	vadd.f32 v42, v61  }
0x3ee: {  	v63 =	vld [tilespmem:s14+$0x14C70];
	v45 =	vadd.f32 v45, v58;
	v60 =	vadd.f32 v40, v47;
	v40 =	vmul.f32 v43, v43  }
0x3ef: {  	v58 =	vld [tilespmem:s14+$0x8470];
	v47 =	vadd.f32 v46, v59;
	v59 =	vadd.f32 v43, v61  }
0x3f0: {  	v40 =	vadd.f32 v40, v60;
	v60 =	vmul.f32 v45, v45  }
0x3f1: {  	v61 =	vadd.f32 v45, v59  }
0x3f2: {  	v46 =	vadd.f32 v62, v57;
	v62 =	vmul.f32 v47, v47;
	v40 =	vadd.f32 v60, v40  }
0x3f3: {  	v56 =	vadd.f32 v44, v56;
	v57 =	vadd.f32 v47, v61  }
0x3f4: {  	v44 =	vadd.f32 v63, v58;
	v63 =	vmul.f32 v46, v46;
	v40 =	vadd.f32 v62, v40;
	_ =	sdelay $0x1  }
0x3f5: {  	v57 =	vadd.f32 v46, v57;
	v61 =	vmul.f32 v44, v44;
	v40 =	vadd.f32 v63, v40  }
0x3f6: {  	v60 =	vperm.xlane v56, v2  }
0x3f7: {  	v57 =	vadd.f32 v44, v57;
	v40 =	vadd.f32 v61, v40  }
0x3f8: {  	v56 =	vadd.f32 v56, v60  }
0x3f9: {  	v59 =	vperm.xlane v57, v0;
	v60 =	vperm.xlane v40, v0  }
0x3fa: {  	v58 =	vperm.xlane v56, v3  }
0x3fb: {  	v50 =	vmul.f32 v50, v55;
	v57 =	vadd.f32 v57, v59;
	v40 =	vadd.f32 v40, v60  }
0x3fc: {  	v56 =	vadd.f32 v56, v58  }
0x3fd: {  	v27 =	vsub.f32 v27, v38;
	v63 =	vmul.f32 v50, v21;
	v40 =	vsel vm0, v57, v40  }
0x3fe: {  	v56 =	vmul.f32 $7.812500000e-03, v56;
	v62 =	vperm.xlane v40, v1  }
0x3ff: {  	v39 =	vadd.f32 v39, v10;
	v27 =	vmul.f32 v63, v27;
	v63 =	vmul.f32 v50, v18  }
0x400: {  	v53 =	vadd.f32 v53, v8;
	v38 =	vperm.xlane v56, v4;
	v40 =	vadd.f32 v40, v62  }
0x401: {  	v54 =	vadd.f32 v54, v7;
	v34 =	vmul.f32 v63, v34;
	v60 =	vperm.xlane v56, v5  }
0x402: {  	v48 =	vadd.f32 v48, v6;
	v61 =	vmul.f32 v38, v38;
	v62 =	vperm.xlane v40, v2  }
0x403: {  	v27 =	vadd.f32 v27, v20;
	v34 =	vadd.f32 v34, v13  }
0x404: {  	v55 =	vsub.f32 v60, v61;
	v40 =	vadd.f32 v40, v62  }
0x405: {  	v57 =	vmul.f32 v50, v19;
	v22 =	vsub.f32 v22, v38;
	v60 =	vmul.f32 v50, v17  }
0x406: {  	[tilespmem:s3+$0x8400] =	vst v51;
	v23 =	vsub.f32 v23, v38;
	v55 =	vadd.f32 $9.999999960e-13, v55;
	v63 =	vperm.xlane v40, v3  }
0x407: {  	[tilespmem:s3+$0x8410] =	vst v52;
	v24 =	vsub.f32 v24, v38;
	v61 =	vmul.f32 v50, v16;
	v36 =	vmul.f32 v60, v36  }
0x408: {  	[tilespmem:s3+$0x8420] =	vst v49;
	v60 =	vshra.s32 v55, $0x1;
	v55 =	vmul.f32 $-5.000000000e-01, v55;
	v40 =	vadd.f32 v40, v63  }
0x409: {  	[tilespmem:s3+$0x8430] =	vst v39;
	v37 =	vmul.f32 v57, v37;
	v35 =	vmul.f32 v61, v35;
	v58 =	vsub.s32 $0x5F3759DF, v60  }
0x40a: {  	[tilespmem:s3+$0x8440] =	vst v53;
	v25 =	vsub.f32 v25, v38;
	v55 =	vmul.f32 v58, v55;
	v40 =	vmul.f32 $7.812500000e-03, v40  }
0x40b: {  	[tilespmem:s3+$0x8450] =	vst v54;
	v26 =	vsub.f32 v26, v38;
	v61 =	vmul.f32 v50, v12;
	v62 =	vmul.f32 v50, v14  }
0x40c: {  	[tilespmem:s3+$0x8460] =	vst v48;
	v29 =	vsub.f32 v29, v38;
	v55 =	vmul.f32 v58, v55;
	v57 =	vperm.xlane v40, v4  }
0x40d: {  	[tilespmem:s4+$0x8470] =	vst v27;
	v37 =	vadd.f32 v37, v15;
	v36 =	vadd.f32 v36, v11;
	v33 =	vmul.f32 v62, v33  }
0x40e: {  	[tilespmem:s4+$0x8410] =	vst v34;
	v62 =	vadd.f32 $1.500000000e+00, v55;
	v40 =	vperm.xlane v40, v5;
	v63 =	vmul.f32 v57, v57  }
0x40f: {  	v32 =	vmul.f32 v61, v32;
	v35 =	vadd.f32 v35, v10;
	[tilespmem:s4+$0x8400] =	vst v37;
	v50 =	vmul.f32 v50, v9  }
0x410: {  	v28 =	vsub.f32 v28, v38;
	[tilespmem:s4+$0x8420] =	vst v36;
	v59 =	vmul.f32 v58, v62;
	v40 =	vsub.f32 v40, v63  }
0x411: {  	v31 =	vsub.f32 v31, v38;
	v32 =	vadd.f32 v32, v7;
	[tilespmem:s4+$0x8430] =	vst v35;
	v30 =	vmul.f32 v50, v30  }
0x412: {  	v35 =	vld [tilespmem:$0x1FFB0];
	v60 =	vmul.f32 v59, v19;
	v61 =	vmul.f32 v59, v21;
	v40 =	vadd.f32 $9.999999960e-13, v40  }
0x413: {  	v33 =	vadd.f32 v33, v8;
	v62 =	vmul.f32 v59, v18;
	v54 =	vmul.f32 v59, v16  }
0x414: {  	v55 =	vmul.f32 v59, v14;
	v53 =	vshra.s32 v40, $0x1;
	v40 =	vmul.f32 $-5.000000000e-01, v40  }
0x415: {  	v56 =	vmul.f32 v59, v12;
	v52 =	vmul.f32 v61, v31;
	v31 =	vsub.s32 $0x5F3759DF, v53  }
0x416: {  	v30 =	vadd.f32 v30, v6;
	v58 =	vmul.f32 v59, v9;
	v40 =	vmul.f32 v31, v40  }
0x417: {  	v35 =	vsub.f32 v35, v57;
	v22 =	vmul.f32 v60, v22;
	v23 =	vmul.f32 v62, v23  }
0x418: {  	v61 =	vsub.f32 v42, v57;
	v62 =	vsub.f32 v43, v57;
	v60 =	vmul.f32 v31, v40  }
0x419: {  	[tilespmem:s4+$0x8450] =	vst v32;
	v26 =	vmul.f32 v55, v26;
	v43 =	vsub.f32 v46, v57;
	v46 =	vsub.f32 v44, v57  }
0x41a: {  	[tilespmem:s4+$0x8440] =	vst v33;
	v29 =	vmul.f32 v56, v29;
	v27 =	vadd.f32 v52, v20;
	v39 =	vadd.f32 $1.500000000e+00, v60  }
0x41b: {  	[tilespmem:s4+$0x8460] =	vst v30;
	v48 =	vmul.f32 v58, v28;
	v63 =	vmul.f32 v59, v17;
	v22 =	vadd.f32 v22, v15  }
0x41c: {  	v59 =	vsub.f32 v41, v57;
	v23 =	vadd.f32 v23, v13;
	[tilespmem:s13+$0x8470] =	vst v27;
	v42 =	vmul.f32 v31, v39  }
0x41d: {  	v25 =	vmul.f32 v54, v25;
	v41 =	vsub.f32 v47, v57;
	v26 =	vadd.f32 v26, v8;
	[tilespmem:s13+$0x8400] =	vst v22  }
0x41e: {  	v50 =	vadd.f32 v29, v7;
	v52 =	vadd.f32 v48, v6;
	[tilespmem:s13+$0x8410] =	vst v23;
	v47 =	vmul.f32 v42, v21  }
0x41f: {  	v24 =	vmul.f32 v63, v24;
	v63 =	vsub.f32 v45, v57;
	[tilespmem:s13+$0x8440] =	vst v26;
	v49 =	vmul.f32 v42, v19  }
0x420: {  	v45 =	vadd.f32 v25, v10;
	[tilespmem:s13+$0x8450] =	vst v50;
	v51 =	vmul.f32 v42, v18;
	v21 =	vmul.f32 v47, v46  }
0x421: {  	[tilespmem:s13+$0x8460] =	vst v52;
	v24 =	vadd.f32 v24, v11;
	v53 =	vmul.f32 v42, v17;
	v19 =	vmul.f32 v49, v35  }
0x422: {  	[tilespmem:s13+$0x8430] =	vst v45;
	v54 =	vmul.f32 v42, v16;
	v18 =	vmul.f32 v51, v59;
	v55 =	vadd.f32 v21, v20  }
0x423: {  	[tilespmem:s13+$0x8420] =	vst v24;
	v56 =	vmul.f32 v42, v14;
	v17 =	vmul.f32 v53, v61;
	v57 =	vadd.f32 v19, v15  }
0x424: {  	v58 =	vmul.f32 v42, v12;
	v16 =	vmul.f32 v54, v62;
	v59 =	vadd.f32 v18, v13;
	[tilespmem:s14+$0x8470] =	vst v55  }
0x425: {  	v60 =	vmul.f32 v42, v9;
	v14 =	vmul.f32 v56, v63;
	v61 =	vadd.f32 v17, v11;
	[tilespmem:s14+$0x8400] =	vst v57  }
0x426: {  	v12 =	vmul.f32 v58, v41;
	v62 =	vadd.f32 v16, v10;
	[tilespmem:s14+$0x8410] =	vst v59  }
0x427: {  	v9 =	vmul.f32 v60, v43;
	v63 =	vadd.f32 v14, v8;
	[tilespmem:s14+$0x8420] =	vst v61  }
0x428: {  	v7 =	vadd.f32 v12, v7;
	[tilespmem:s14+$0x8430] =	vst v62  }
0x429: {  	v6 =	vadd.f32 v9, v6;
	[tilespmem:s14+$0x8440] =	vst v63  }
0x42a: {  	[tilespmem:s14+$0x8450] =	vst v7  }
0x42b: {  	s2 =	sadd.s32 $0x1, s2;
	[tilespmem:s14+$0x8460] =	vst v6  }
0x42c: {  	[hbm4b:s11+s7] =	stream.linear.scatter [tilespmem:s22], [sflag:$0x5], $0x6400, $0x38;
	[tilespmem:$0x1B100] =	vst v63  }
0x42d: {  	p0 =	sne.s32 s2, s12;
	_ =	swait.ge [sflag:s29], $0x6400  }
.Ltmp6:
0x42e: {  	[sflag:s29] =	ssyncset.done $0x0;
	(pc) =	sbr.rel @p0 .LBB2_1-.Ltmp6, $4  }
0x42f: {  	[sflag:s29] =	ssyncadd.s32 $0xFFFF9C00  }
0x430: {  	_ =	swait.ge [sflag:s30], $0x6400  }
0x431: {  	[sflag:s30] =	ssyncset.done $0x0  }
0x432: {  	[sflag:s30] =	ssyncadd.s32 $0xFFFF9C00  }
0x433: {  	_ =	sfence.sel $0x180000  }
0x434: {  	[bflag:$0x0] =	sbarrier.arrive $0xFFFF  }
0x435: {  	_ =	strace $0x90000047  }
0x436: {  	s0 =	stileid.u32;
	[bflag:$0x2] =	sbarrier.arrive $0xFFFF  }
0x437: {  	p0 =	sne.s32 s0, $0x0;
	s0 =	rddreg [dreg:$0x6]  }
0x438: {  	s0 =	sadd.s32 @!p0 $0x100000, s0  }
0x439: {  	[sflag:s0] =	ssyncadd.tile.s32 @!p0 $0x1;
	_ =	shalt  }
.Lfunc_end2:
_tile_overlayer_lowered:
.L_overlay_start_2:
0x43a: {  	(tag) =	ssettag $0x2  }
0x43b: {  	s0 =	rddreg [dreg:$0x0];
	s2 =	stileid.u32  }
0x43c: {  	s1 =	rddreg [dreg:$0x1];
	p0 =	sne.s32 s2, $0x0  }
0x43d: {  	s3 =	rddreg [dreg:$0x2];
	[bflag:$0x3] =	sbarrier.arrive $0xFFFF;
	s2 =	simm.s32 @!p0 $0x1C07  }
0x43e: {  	[timem:s3], [sflag:s2] =	dma.local @!p0 [hbm:s0], s1  }
0x43f: {  	s0 =	simm.s32 @!p0 $0x7  }
0x440: {  	_ =	swait.ge @!p0 [sflag:s0], s1  }
0x441: {  	s1 =	ssub.s32 @!p0 $0x0, s1;
	[sflag:s0] =	ssyncset.done @!p0 $0x0  }
0x442: {  	[sflag:s0] =	ssyncadd.s32 @!p0 s1  }
0x443: {  	[bflag:$0x3] =	sbarrier.arrive $0xFFFF  }
0x444: {  	_ =	shalt  }

</sc_bundles>
